<compile_context>
chip_gen: v7x
topology: tpu7x:2x2x1
jax: 0.10.2.dev20260603
libtpu: 0.0.44.dev20260713+nightly
codegen_flags: <defaults>
</compile_context>

<pallas_src>
import functools

import jax
import jax.numpy as jnp
from jax import lax
from jax.experimental import pallas as pl
from jax.experimental.pallas import tpu as pltpu
from jax.experimental.pallas import tpu_sc as plsc

N = 10000
E = 160000
D = 256
H = 128
NS = 16
NW = 32
RPT = 624
CN = 128
EPT = E // NS
NFULL = EPT // CN
TAIL = EPT - NFULL * CN
CPT = 80
EP = NS * CPT * CN
CPD = EP // (NW * CN)
NTRASH = 16
DEGW = 10240
BN = 1000
GB = N // BN

_mesh = functools.partial(
    plsc.VectorSubcoreMesh, core_axis_name="c", subcore_axis_name="s")


def _deg_body(dst3d_hbm, deg_hbm, dst_all, ones_v, zdeg, deg_sh, sem):
    c = lax.axis_index("c")
    s = lax.axis_index("s")
    wid = s * 2 + c

    one16 = jnp.ones((16,), jnp.float32)
    zero16 = jnp.zeros((16,), jnp.float32)
    for t in range(CN // 16):
        ones_v[pl.ds(t * 16, 16)] = one16
    for t in range(40):
        zdeg[pl.ds(t * 16, 16)] = zero16
    pltpu.sync_copy(dst3d_hbm.at[wid], dst_all)
    pltpu.sync_copy(zdeg, deg_sh.at[pl.ds(s * 640, 640)])
    plsc.subcore_barrier()

    def fire(j, carry):
        pltpu.async_copy(ones_v, deg_sh.at[dst_all.at[j]], sem, add=True)
        return carry

    lax.fori_loop(0, CPD, fire, 0)

    def drain(j, carry):
        pltpu.make_async_copy(ones_v, deg_sh.at[dst_all.at[0]], sem).wait()
        return carry

    lax.fori_loop(0, CPD, drain, 0)
    plsc.subcore_barrier()
    pltpu.sync_copy(deg_sh.at[pl.ds(s * 640, 640)],
                    deg_hbm.at[pl.ds(c * DEGW + s * 640, 640)])


_deg_call = pl.kernel(
    _deg_body,
    out_type=jax.ShapeDtypeStruct((2 * DEGW,), jnp.float32),
    mesh=_mesh(),
    scratch_types=[
        pltpu.VMEM((CPD, CN), jnp.int32),
        pltpu.VMEM((CN,), jnp.float32),
        pltpu.VMEM((640,), jnp.float32),
        pltpu.VMEM_SHARED((DEGW,), jnp.float32),
        pltpu.SemaphoreType.DMA,
    ],
)


def _scatter_body(hsA_hbm, hsB_hbm, src_hbm, dst_hbm, accA_hbm, accB_hbm,
                  srcv0, srcv1, dstv0, dstv1, rows0, rows1,
                  srct, dstt, rowst,
                  zbuf, acc_sh, gsem0, gsem1, ssem0, ssem1, isem0, isem1,
                  zsem):
    c = lax.axis_index("c")
    s = lax.axis_index("s")
    base0 = s * EPT

    def run(hs_hbm, acc_hbm):
        pltpu.sync_copy(src_hbm.at[pl.ds(base0, CN)], srcv0)
        pltpu.sync_copy(dst_hbm.at[pl.ds(base0, CN)], dstv0)
        pltpu.async_copy(hs_hbm.at[srcv0], rows0, gsem0)
        pltpu.sync_copy(src_hbm.at[pl.ds(base0 + CN, CN)], srcv1)
        pltpu.sync_copy(dst_hbm.at[pl.ds(base0 + CN, CN)], dstv1)
        pltpu.async_copy(hs_hbm.at[srcv1], rows1, gsem1)

        zero16 = jnp.zeros((16,), jnp.float32)

        def zrow(i, carry):
            for t in range(H // 16):
                zbuf[i, pl.ds(t * 16, 16)] = zero16
            return carry

        lax.fori_loop(0, 16, zrow, 0)
        nz = jnp.where(s == NS - 1, 40, 39)

        def zfire(j, carry):
            pltpu.async_copy(zbuf, acc_sh.at[pl.ds(s * RPT + j * 16, 16)],
                             zsem)
            return carry

        lax.fori_loop(0, nz, zfire, 0)

        def zdrain(j, carry):
            pltpu.make_async_copy(zbuf, acc_sh.at[pl.ds(0, 16)], zsem).wait()
            return carry

        lax.fori_loop(0, nz, zdrain, 0)
        plsc.subcore_barrier()

        def pair(j, carry):
            pltpu.make_async_copy(hs_hbm.at[srcv0], rows0, gsem0).wait()

            @pl.when(j + 2 < NFULL)
            def _():
                pltpu.async_copy(src_hbm.at[pl.ds(base0 + (j + 2) * CN, CN)],
                                 srcv0, isem0)

            pltpu.async_copy(rows0, acc_sh.at[dstv0], ssem0, add=True)
            pltpu.make_async_copy(hs_hbm.at[srcv1], rows1, gsem1).wait()

            @pl.when(j + 3 < NFULL)
            def _():
                pltpu.async_copy(src_hbm.at[pl.ds(base0 + (j + 3) * CN, CN)],
                                 srcv1, isem1)

            pltpu.async_copy(rows1, acc_sh.at[dstv1], ssem1, add=True)

            @pl.when(j + 2 < NFULL)
            def _():
                pltpu.make_async_copy(rows0, acc_sh.at[dstv0], ssem0).wait()
                pltpu.sync_copy(dst_hbm.at[pl.ds(base0 + (j + 2) * CN, CN)],
                                dstv0)
                pltpu.make_async_copy(src_hbm.at[pl.ds(0, CN)],
                                      srcv0, isem0).wait()
                pltpu.async_copy(hs_hbm.at[srcv0], rows0, gsem0)

            @pl.when(j + 3 < NFULL)
            def _():
                pltpu.make_async_copy(rows1, acc_sh.at[dstv1], ssem1).wait()
                pltpu.sync_copy(dst_hbm.at[pl.ds(base0 + (j + 3) * CN, CN)],
                                dstv1)
                pltpu.make_async_copy(src_hbm.at[pl.ds(0, CN)],
                                      srcv1, isem1).wait()
                pltpu.async_copy(hs_hbm.at[srcv1], rows1, gsem1)

            return carry

        lax.fori_loop(0, NFULL // 2, lambda j, cc: pair(j * 2, cc), 0)
        pltpu.make_async_copy(rows0, acc_sh.at[dstv0], ssem0).wait()
        pltpu.make_async_copy(rows1, acc_sh.at[dstv1], ssem1).wait()

        baset = base0 + NFULL * CN
        pltpu.sync_copy(src_hbm.at[pl.ds(baset, TAIL)], srct)
        pltpu.sync_copy(dst_hbm.at[pl.ds(baset, TAIL)], dstt)
        pltpu.async_copy(hs_hbm.at[srct], rowst, gsem0).wait()
        pltpu.sync_copy(rowst, acc_sh.at[dstt], add=True)

        plsc.subcore_barrier()
        pltpu.sync_copy(acc_sh.at[pl.ds(s * RPT, RPT)],
                        acc_hbm.at[pl.ds(s * RPT, RPT)])

        @pl.when(s == NS - 1)
        def _():
            pltpu.sync_copy(acc_sh.at[pl.ds(NS * RPT, N - NS * RPT)],
                            acc_hbm.at[pl.ds(NS * RPT, N - NS * RPT)])

    @pl.when(c == 0)
    def _():
        run(hsA_hbm, accA_hbm)

    @pl.when(c == 1)
    def _():
        run(hsB_hbm, accB_hbm)


_scatter_call = pl.kernel(
    _scatter_body,
    out_type=(jax.ShapeDtypeStruct((N, H), jnp.float32),
              jax.ShapeDtypeStruct((N, H), jnp.float32)),
    mesh=_mesh(),
    scratch_types=[
        pltpu.VMEM((CN,), jnp.int32),
        pltpu.VMEM((CN,), jnp.int32),
        pltpu.VMEM((CN,), jnp.int32),
        pltpu.VMEM((CN,), jnp.int32),
        pltpu.VMEM((CN, H), jnp.float32),
        pltpu.VMEM((CN, H), jnp.float32),
        pltpu.VMEM((TAIL,), jnp.int32),
        pltpu.VMEM((TAIL,), jnp.int32),
        pltpu.VMEM((TAIL, H), jnp.float32),
        pltpu.VMEM((16, H), jnp.float32),
        pltpu.VMEM_SHARED((N + NTRASH, H), jnp.float32),
        pltpu.SemaphoreType.DMA,
        pltpu.SemaphoreType.DMA,
        pltpu.SemaphoreType.DMA,
        pltpu.SemaphoreType.DMA,
        pltpu.SemaphoreType.DMA,
        pltpu.SemaphoreType.DMA,
        pltpu.SemaphoreType.DMA,
    ],
)


def _mm1_body(x_ref, w_ref, dv_ref, outA_ref, outB_ref):
    h = jnp.dot(x_ref[...], w_ref[...], preferred_element_type=jnp.float32)
    dv = dv_ref[...]
    outA_ref[...] = h[:, 0:H] * dv
    outB_ref[...] = h[:, H:D] * dv


def _mm1(x, W1, dinv_bc):
    return pl.pallas_call(
        _mm1_body,
        grid=(GB,),
        in_specs=[
            pl.BlockSpec((BN, D), lambda i: (i, 0)),
            pl.BlockSpec((D, D), lambda i: (0, 0)),
            pl.BlockSpec((BN, H), lambda i: (i, 0)),
        ],
        out_specs=(pl.BlockSpec((BN, H), lambda i: (i, 0)),
                   pl.BlockSpec((BN, H), lambda i: (i, 0))),
        out_shape=(jax.ShapeDtypeStruct((N, H), jnp.float32),
                   jax.ShapeDtypeStruct((N, H), jnp.float32)),
    )(x, W1, dinv_bc)


def _layer2_body(accA, accB, hsA, hsB, dv_ref, b_ref, w_ref,
                 outA_ref, outB_ref):
    dv = dv_ref[...]
    bA = b_ref[0:1, 0:H]
    bB = b_ref[0:1, H:D]
    zA = jnp.maximum(dv * (accA[...] + hsA[...]) + bA, 0.0)
    zB = jnp.maximum(dv * (accB[...] + hsB[...]) + bB, 0.0)
    w = w_ref[...]
    h2 = (jnp.dot(zA, w[0:H, :], preferred_element_type=jnp.float32)
          + jnp.dot(zB, w[H:D, :], preferred_element_type=jnp.float32))
    outA_ref[...] = h2[:, 0:H] * dv
    outB_ref[...] = h2[:, H:D] * dv


def _layer2(accA, accB, hsA, hsB, dinv_bc, b1b, W2):
    return pl.pallas_call(
        _layer2_body,
        grid=(GB,),
        in_specs=[
            pl.BlockSpec((BN, H), lambda i: (i, 0)),
            pl.BlockSpec((BN, H), lambda i: (i, 0)),
            pl.BlockSpec((BN, H), lambda i: (i, 0)),
            pl.BlockSpec((BN, H), lambda i: (i, 0)),
            pl.BlockSpec((BN, H), lambda i: (i, 0)),
            pl.BlockSpec((8, D), lambda i: (0, 0)),
            pl.BlockSpec((D, D), lambda i: (0, 0)),
        ],
        out_specs=(pl.BlockSpec((BN, H), lambda i: (i, 0)),
                   pl.BlockSpec((BN, H), lambda i: (i, 0))),
        out_shape=(jax.ShapeDtypeStruct((N, H), jnp.float32),
                   jax.ShapeDtypeStruct((N, H), jnp.float32)),
    )(accA, accB, hsA, hsB, dinv_bc, b1b, W2)


def _final_body(accA, accB, hsA, hsB, dv_ref, b_ref, out_ref):
    dv = dv_ref[...]
    bA = b_ref[0:1, 0:H]
    bB = b_ref[0:1, H:D]
    zA = jnp.maximum(dv * (accA[...] + hsA[...]) + bA, 0.0)
    zB = jnp.maximum(dv * (accB[...] + hsB[...]) + bB, 0.0)
    m = jnp.maximum(jnp.max(zA, axis=1, keepdims=True),
                    jnp.max(zB, axis=1, keepdims=True))
    se = (jnp.sum(jnp.exp(zA - m), axis=1, keepdims=True)
          + jnp.sum(jnp.exp(zB - m), axis=1, keepdims=True))
    lse = m + jnp.log(se)
    out_ref[:, 0:H] = zA - lse
    out_ref[:, H:D] = zB - lse


def _final(accA, accB, hsA, hsB, dinv_bc, b2b):
    return pl.pallas_call(
        _final_body,
        grid=(GB,),
        in_specs=[
            pl.BlockSpec((BN, H), lambda i: (i, 0)),
            pl.BlockSpec((BN, H), lambda i: (i, 0)),
            pl.BlockSpec((BN, H), lambda i: (i, 0)),
            pl.BlockSpec((BN, H), lambda i: (i, 0)),
            pl.BlockSpec((BN, H), lambda i: (i, 0)),
            pl.BlockSpec((8, D), lambda i: (0, 0)),
        ],
        out_specs=pl.BlockSpec((BN, D), lambda i: (i, 0)),
        out_shape=jax.ShapeDtypeStruct((N, D), jnp.float32),
    )(accA, accB, hsA, hsB, dinv_bc, b2b)


def kernel(x, edge_index, W1, b1, W2, b2):
    src = edge_index[0].astype(jnp.int32)
    dst = edge_index[1].astype(jnp.int32)
    dst_p = jnp.concatenate([dst, jnp.full((EP - E,), N, jnp.int32)])
    dst3d = dst_p.reshape(NW, CPD, CN)

    degh = _deg_call(dst3d)
    deg = degh[:N] + degh[DEGW:DEGW + N]
    dinv = lax.rsqrt(deg + 1.0)
    dinv_bc = jnp.broadcast_to(dinv[:, None], (N, H))
    b1b = jnp.broadcast_to(b1[None, :], (8, D))
    b2b = jnp.broadcast_to(b2[None, :], (8, D))

    hsA, hsB = _mm1(x, W1, dinv_bc)
    accA, accB = _scatter_call(hsA, hsB, src, dst)
    hs2A, hs2B = _layer2(accA, accB, hsA, hsB, dinv_bc, b1b, W2)
    acc2A, acc2B = _scatter_call(hs2A, hs2B, src, dst)
    return _final(acc2A, acc2B, hs2A, hs2B, dinv_bc, b2b)

# --- scband reference (transcript-rebuilt; emitter-appended) ---
"""Pipeline reference for scband-gcn-37194416783906 (READ-ONLY COPY).

The authoritative reference and input builder live on the scoring server;
editing this copy changes nothing except your own understanding.
"""

import jax, jax.numpy as jnp
import numpy as np

N = 10000
E = 160000
D_IN = 256
D_H = 256
D_OUT = 256


def setup_inputs(seed: int = 0) -> dict:
    key = jax.random.key(seed)
    k1, k2, k3, k4 = jax.random.split(key, 4)
    x = jax.random.normal(k1, (N, D_IN), dtype=jnp.float32)
    edge_index = jax.random.randint(k2, (2, E), 0, N)
    # GCNConv learned params (glorot-style init for weights, zero bias)
    W1 = jax.random.normal(k3, (D_IN, D_H), dtype=jnp.float32) * (1.0 / np.sqrt(D_IN))
    b1 = jnp.zeros((D_H,), dtype=jnp.float32)
    W2 = jax.random.normal(k4, (D_H, D_OUT), dtype=jnp.float32) * (1.0 / np.sqrt(D_H))
    b2 = jnp.zeros((D_OUT,), dtype=jnp.float32)
    return {"x": x, "edge_index": edge_index, "W1": W1, "b1": b1, "W2": W2, "b2": b2}


def _gcn_conv(x, edge_index, W, b):
    # Faithful PyG GCNConv: add self-loops, symmetric normalization, linear, scatter-add, bias.
    n = x.shape[0]
    loop = jnp.arange(n)
    src = jnp.concatenate([edge_index[0], loop])
    dst = jnp.concatenate([edge_index[1], loop])
    # degree computed over destination (col) with unit edge weights
    deg = jnp.zeros((n,), dtype=x.dtype).at[dst].add(1.0)
    deg_inv_sqrt = jax.lax.rsqrt(jnp.maximum(deg, 1e-12))
    deg_inv_sqrt = jnp.where(deg > 0, deg_inv_sqrt, 0.0)
    norm = deg_inv_sqrt[src] * deg_inv_sqrt[dst]
    h = x @ W
    msg = h[src] * norm[:, None]
    out = jnp.zeros((n, W.shape[1]), dtype=x.dtype).at[dst].add(msg)
    return out + b


def reference(x, edge_index, W1, b1, W2, b2):
    # layer 1: conv -> relu -> dropout(p=0, no-op)
    h = _gcn_conv(x, edge_index, W1, b1)
    h = jax.nn.relu(h)
    # layer 2: conv -> relu -> dropout(p=0, no-op)
    h = _gcn_conv(h, edge_index, W2, b2)
    h = jax.nn.relu(h)
    # skip_connections=False -> no concat/lin
    return jax.nn.log_softmax(h, axis=1)

if __name__ == "__main__":
    import jax
    _d = setup_inputs()
    print(jax.jit(kernel)(*tuple(_d.values())))

</pallas_src>

<mosaic_0001>
#map = affine_map<(d0, d1) -> (0, 0)>
#map1 = affine_map<(d0, d1) -> (0)>
module attributes {stable_mosaic.version = 14 : i64} {
  func.func @_scatter_body(%arg0: i32, %arg1: i32, %arg2: memref<10000x128xf32, #tpu.memory_space<hbm>>, %arg3: memref<10000x128xf32, #tpu.memory_space<hbm>>, %arg4: memref<160000xi32, #tpu.memory_space<hbm>>, %arg5: memref<160000xi32, #tpu.memory_space<hbm>>, %arg6: memref<10000x128xf32, #tpu.memory_space<hbm>>, %arg7: memref<10000x128xf32, #tpu.memory_space<hbm>>, %arg8: memref<128xi32, #tpu.memory_space<vmem>>, %arg9: memref<128xi32, #tpu.memory_space<vmem>>, %arg10: memref<128xi32, #tpu.memory_space<vmem>>, %arg11: memref<128xi32, #tpu.memory_space<vmem>>, %arg12: memref<128x128xf32, #tpu.memory_space<vmem>>, %arg13: memref<128x128xf32, #tpu.memory_space<vmem>>, %arg14: memref<16xi32, #tpu.memory_space<vmem>>, %arg15: memref<16xi32, #tpu.memory_space<vmem>>, %arg16: memref<16x128xf32, #tpu.memory_space<vmem>>, %arg17: memref<16x128xf32, #tpu.memory_space<vmem>>, %arg18: memref<10016x128xf32, #tpu.memory_space<vmem_shared>>, %arg19: memref<!tpu.dma_semaphore, #tpu.memory_space<semaphore_mem>>, %arg20: memref<!tpu.dma_semaphore, #tpu.memory_space<semaphore_mem>>, %arg21: memref<!tpu.dma_semaphore, #tpu.memory_space<semaphore_mem>>, %arg22: memref<!tpu.dma_semaphore, #tpu.memory_space<semaphore_mem>>, %arg23: memref<!tpu.dma_semaphore, #tpu.memory_space<semaphore_mem>>, %arg24: memref<!tpu.dma_semaphore, #tpu.memory_space<semaphore_mem>>, %arg25: memref<!tpu.dma_semaphore, #tpu.memory_space<semaphore_mem>>) attributes {dimension_semantics = [#tpu.dimension_semantics<core_parallel>, #tpu.dimension_semantics<subcore_parallel>], iteration_bounds = array<i64: 2, 16>, scalar_prefetch = 0 : i64, scratch_operands = 18 : i64, tpu.core_type = #tpu.core_type<sc_vector_subcore>, window_params = [{transform_indices = #map}, {transform_indices = #map}, {transform_indices = #map1}, {transform_indices = #map1}, {transform_indices = #map}, {transform_indices = #map}]} {
    %mul3A = arith.constant 10000 : i32
    %mul3A_0 = arith.muli %arg1, %mul3A : i32
    %eq3A = arith.constant 0 : i32
    %eq3A_1 = arith.cmpi eq, %arg0, %eq3A : i32
    %convert_element_type3A = arith.extui %eq3A_1 : i1 to i32
    %cond3A = arith.constant 0 : i32
    %cond3A_2 = arith.cmpi ne, %convert_element_type3A, %cond3A : i32
    scf.if %cond3A_2 {
      "tpu.region"() ({
        %run_scoped3A = tpu.sem_alloc : memref<!tpu.dma_semaphore, #tpu.memory_space<semaphore_mem>>
        %dma_start3A_73 = tpu.memref_slice %arg4[%mul3A_0] : memref<160000xi32, #tpu.memory_space<hbm>> -> memref<128xi32, #tpu.memory_space<hbm>>
        %dma_start3A_74 = tpu.memref_slice %arg4[%mul3A_0] : memref<160000xi32, #tpu.memory_space<hbm>> -> memref<128xi32, #tpu.memory_space<hbm>>
        tpu.enqueue_dma source(%dma_start3A_74 : memref<128xi32, #tpu.memory_space<hbm>>) target(%arg8 : memref<128xi32, #tpu.memory_space<vmem>>) target_semaphore(%run_scoped3A : memref<!tpu.dma_semaphore, #tpu.memory_space<semaphore_mem>>)
        %dma_wait3A_75 = tpu.memref_slice %arg4[%mul3A_0] : memref<160000xi32, #tpu.memory_space<hbm>> -> memref<128xi32, #tpu.memory_space<hbm>>
        %dma_wait3A_76 = tpu.memref_slice %arg4[%mul3A_0] : memref<160000xi32, #tpu.memory_space<hbm>> -> memref<128xi32, #tpu.memory_space<hbm>>
        tpu.wait_dma2 semaphore(%run_scoped3A : memref<!tpu.dma_semaphore, #tpu.memory_space<semaphore_mem>>) src(%dma_wait3A_76 : memref<128xi32, #tpu.memory_space<hbm>>) dst(%arg8 : memref<128xi32, #tpu.memory_space<vmem>>)
        tpu.yield
      }) : () -> ()
      "tpu.region"() ({
        %run_scoped3A = tpu.sem_alloc : memref<!tpu.dma_semaphore, #tpu.memory_space<semaphore_mem>>
        %dma_start3A_73 = tpu.memref_slice %arg5[%mul3A_0] : memref<160000xi32, #tpu.memory_space<hbm>> -> memref<128xi32, #tpu.memory_space<hbm>>
        %dma_start3A_74 = tpu.memref_slice %arg5[%mul3A_0] : memref<160000xi32, #tpu.memory_space<hbm>> -> memref<128xi32, #tpu.memory_space<hbm>>
        tpu.enqueue_dma source(%dma_start3A_74 : memref<128xi32, #tpu.memory_space<hbm>>) target(%arg10 : memref<128xi32, #tpu.memory_space<vmem>>) target_semaphore(%run_scoped3A : memref<!tpu.dma_semaphore, #tpu.memory_space<semaphore_mem>>)
        %dma_wait3A_75 = tpu.memref_slice %arg5[%mul3A_0] : memref<160000xi32, #tpu.memory_space<hbm>> -> memref<128xi32, #tpu.memory_space<hbm>>
        %dma_wait3A_76 = tpu.memref_slice %arg5[%mul3A_0] : memref<160000xi32, #tpu.memory_space<hbm>> -> memref<128xi32, #tpu.memory_space<hbm>>
        tpu.wait_dma2 semaphore(%run_scoped3A : memref<!tpu.dma_semaphore, #tpu.memory_space<semaphore_mem>>) src(%dma_wait3A_76 : memref<128xi32, #tpu.memory_space<hbm>>) dst(%arg10 : memref<128xi32, #tpu.memory_space<vmem>>)
        tpu.yield
      }) : () -> ()
      %dma_start3A = arith.constant 0 : i32
      %dma_start3A_8 = arith.constant 0 : i32
      %dma_start3A_9 = tpu.memref_slice %arg2[%dma_start3A, %dma_start3A_8] : memref<10000x128xf32, #tpu.memory_space<hbm>> -> memref<10000x128xf32, #tpu.memory_space<hbm>>
      tpu.enqueue_indirect_dma source(%dma_start3A_9 : memref<10000x128xf32, #tpu.memory_space<hbm>>) target(%arg12 : memref<128x128xf32, #tpu.memory_space<vmem>>) offsets(%arg8 : memref<128xi32, #tpu.memory_space<vmem>>) semaphore(%arg19 : memref<!tpu.dma_semaphore, #tpu.memory_space<semaphore_mem>>)
      %add3A = arith.constant 128 : i32
      %add3A_10 = arith.addi %mul3A_0, %add3A : i32
      "tpu.region"() ({
        %run_scoped3A = tpu.sem_alloc : memref<!tpu.dma_semaphore, #tpu.memory_space<semaphore_mem>>
        %dma_start3A_73 = tpu.memref_slice %arg4[%add3A_10] : memref<160000xi32, #tpu.memory_space<hbm>> -> memref<128xi32, #tpu.memory_space<hbm>>
        %dma_start3A_74 = tpu.memref_slice %arg4[%add3A_10] : memref<160000xi32, #tpu.memory_space<hbm>> -> memref<128xi32, #tpu.memory_space<hbm>>
        tpu.enqueue_dma source(%dma_start3A_74 : memref<128xi32, #tpu.memory_space<hbm>>) target(%arg9 : memref<128xi32, #tpu.memory_space<vmem>>) target_semaphore(%run_scoped3A : memref<!tpu.dma_semaphore, #tpu.memory_space<semaphore_mem>>)
        %dma_wait3A_75 = tpu.memref_slice %arg4[%add3A_10] : memref<160000xi32, #tpu.memory_space<hbm>> -> memref<128xi32, #tpu.memory_space<hbm>>
        %dma_wait3A_76 = tpu.memref_slice %arg4[%add3A_10] : memref<160000xi32, #tpu.memory_space<hbm>> -> memref<128xi32, #tpu.memory_space<hbm>>
        tpu.wait_dma2 semaphore(%run_scoped3A : memref<!tpu.dma_semaphore, #tpu.memory_space<semaphore_mem>>) src(%dma_wait3A_76 : memref<128xi32, #tpu.memory_space<hbm>>) dst(%arg9 : memref<128xi32, #tpu.memory_space<vmem>>)
        tpu.yield
      }) : () -> ()
      %add3A_11 = arith.constant 128 : i32
      %add3A_12 = arith.addi %mul3A_0, %add3A_11 : i32
      "tpu.region"() ({
        %run_scoped3A = tpu.sem_alloc : memref<!tpu.dma_semaphore, #tpu.memory_space<semaphore_mem>>
        %dma_start3A_73 = tpu.memref_slice %arg5[%add3A_12] : memref<160000xi32, #tpu.memory_space<hbm>> -> memref<128xi32, #tpu.memory_space<hbm>>
        %dma_start3A_74 = tpu.memref_slice %arg5[%add3A_12] : memref<160000xi32, #tpu.memory_space<hbm>> -> memref<128xi32, #tpu.memory_space<hbm>>
        tpu.enqueue_dma source(%dma_start3A_74 : memref<128xi32, #tpu.memory_space<hbm>>) target(%arg11 : memref<128xi32, #tpu.memory_space<vmem>>) target_semaphore(%run_scoped3A : memref<!tpu.dma_semaphore, #tpu.memory_space<semaphore_mem>>)
        %dma_wait3A_75 = tpu.memref_slice %arg5[%add3A_12] : memref<160000xi32, #tpu.memory_space<hbm>> -> memref<128xi32, #tpu.memory_space<hbm>>
        %dma_wait3A_76 = tpu.memref_slice %arg5[%add3A_12] : memref<160000xi32, #tpu.memory_space<hbm>> -> memref<128xi32, #tpu.memory_space<hbm>>
        tpu.wait_dma2 semaphore(%run_scoped3A : memref<!tpu.dma_semaphore, #tpu.memory_space<semaphore_mem>>) src(%dma_wait3A_76 : memref<128xi32, #tpu.memory_space<hbm>>) dst(%arg11 : memref<128xi32, #tpu.memory_space<vmem>>)
        tpu.yield
      }) : () -> ()
      %dma_start3A_13 = arith.constant 0 : i32
      %dma_start3A_14 = arith.constant 0 : i32
      %dma_start3A_15 = tpu.memref_slice %arg2[%dma_start3A_13, %dma_start3A_14] : memref<10000x128xf32, #tpu.memory_space<hbm>> -> memref<10000x128xf32, #tpu.memory_space<hbm>>
      tpu.enqueue_indirect_dma source(%dma_start3A_15 : memref<10000x128xf32, #tpu.memory_space<hbm>>) target(%arg13 : memref<128x128xf32, #tpu.memory_space<vmem>>) offsets(%arg9 : memref<128xi32, #tpu.memory_space<vmem>>) semaphore(%arg20 : memref<!tpu.dma_semaphore, #tpu.memory_space<semaphore_mem>>)
      %broadcast_in_dim3A = arith.constant 0.000000e+00 : f32
      %broadcast_in_dim3A_16 = vector.broadcast %broadcast_in_dim3A : f32 to vector<16xf32>
      %scan3A = arith.constant 0 : i32
      %scan3A_17 = arith.constant 0 : i32
      %scan3A_18 = arith.constant 16 : i32
      %scan3A_19 = arith.addi %scan3A_17, %scan3A_18 : i32
      %scan3A_20 = arith.constant 1 : i32
      scf.for %scan3A_73 = %scan3A_17 to %scan3A_19 step %scan3A_20  : i32 {
        %swap3A = arith.index_cast %scan3A_73 : i32 to index
        %swap3A_74 = arith.constant 0 : index
        %swap3A_75 = tpu.vector_load %arg17[%swap3A, %swap3A_74] {strides = array<i32>} : memref<16x128xf32, #tpu.memory_space<vmem>>, vector<1x16xf32>,
        %swap3A_76 = vector.shape_cast %swap3A_75 : vector<1x16xf32> to vector<16xf32>
        %swap3A_77 = vector.shape_cast %broadcast_in_dim3A_16 : vector<16xf32> to vector<1x16xf32>
        tpu.vector_store %arg17[%swap3A, %swap3A_74], %swap3A_77 {strides = array<i32>} : memref<16x128xf32, #tpu.memory_space<vmem>>, vector<1x16xf32>,
        %swap3A_78 = arith.index_cast %scan3A_73 : i32 to index
        %swap3A_79 = arith.constant 16 : index
        %swap3A_80 = tpu.vector_load %arg17[%swap3A_78, %swap3A_79] {strides = array<i32>} : memref<16x128xf32, #tpu.memory_space<vmem>>, vector<1x16xf32>,
        %swap3A_81 = vector.shape_cast %swap3A_80 : vector<1x16xf32> to vector<16xf32>
        %swap3A_82 = vector.shape_cast %broadcast_in_dim3A_16 : vector<16xf32> to vector<1x16xf32>
        tpu.vector_store %arg17[%swap3A_78, %swap3A_79], %swap3A_82 {strides = array<i32>} : memref<16x128xf32, #tpu.memory_space<vmem>>, vector<1x16xf32>,
        %swap3A_83 = arith.index_cast %scan3A_73 : i32 to index
        %swap3A_84 = arith.constant 32 : index
        %swap3A_85 = tpu.vector_load %arg17[%swap3A_83, %swap3A_84] {strides = array<i32>} : memref<16x128xf32, #tpu.memory_space<vmem>>, vector<1x16xf32>,
        %swap3A_86 = vector.shape_cast %swap3A_85 : vector<1x16xf32> to vector<16xf32>
        %swap3A_87 = vector.shape_cast %broadcast_in_dim3A_16 : vector<16xf32> to vector<1x16xf32>
        tpu.vector_store %arg17[%swap3A_83, %swap3A_84], %swap3A_87 {strides = array<i32>} : memref<16x128xf32, #tpu.memory_space<vmem>>, vector<1x16xf32>,
        %swap3A_88 = arith.index_cast %scan3A_73 : i32 to index
        %swap3A_89 = arith.constant 48 : index
        %swap3A_90 = tpu.vector_load %arg17[%swap3A_88, %swap3A_89] {strides = array<i32>} : memref<16x128xf32, #tpu.memory_space<vmem>>, vector<1x16xf32>,
        %swap3A_91 = vector.shape_cast %swap3A_90 : vector<1x16xf32> to vector<16xf32>
        %swap3A_92 = vector.shape_cast %broadcast_in_dim3A_16 : vector<16xf32> to vector<1x16xf32>
        tpu.vector_store %arg17[%swap3A_88, %swap3A_89], %swap3A_92 {strides = array<i32>} : memref<16x128xf32, #tpu.memory_space<vmem>>, vector<1x16xf32>,
        %swap3A_93 = arith.index_cast %scan3A_73 : i32 to index
        %swap3A_94 = arith.constant 64 : index
        %swap3A_95 = tpu.vector_load %arg17[%swap3A_93, %swap3A_94] {strides = array<i32>} : memref<16x128xf32, #tpu.memory_space<vmem>>, vector<1x16xf32>,
        %swap3A_96 = vector.shape_cast %swap3A_95 : vector<1x16xf32> to vector<16xf32>
        %swap3A_97 = vector.shape_cast %broadcast_in_dim3A_16 : vector<16xf32> to vector<1x16xf32>
        tpu.vector_store %arg17[%swap3A_93, %swap3A_94], %swap3A_97 {strides = array<i32>} : memref<16x128xf32, #tpu.memory_space<vmem>>, vector<1x16xf32>,
        %swap3A_98 = arith.index_cast %scan3A_73 : i32 to index
        %swap3A_99 = arith.constant 80 : index
        %swap3A_100 = tpu.vector_load %arg17[%swap3A_98, %swap3A_99] {strides = array<i32>} : memref<16x128xf32, #tpu.memory_space<vmem>>, vector<1x16xf32>,
        %swap3A_101 = vector.shape_cast %swap3A_100 : vector<1x16xf32> to vector<16xf32>
        %swap3A_102 = vector.shape_cast %broadcast_in_dim3A_16 : vector<16xf32> to vector<1x16xf32>
        tpu.vector_store %arg17[%swap3A_98, %swap3A_99], %swap3A_102 {strides = array<i32>} : memref<16x128xf32, #tpu.memory_space<vmem>>, vector<1x16xf32>,
        %swap3A_103 = arith.index_cast %scan3A_73 : i32 to index
        %swap3A_104 = arith.constant 96 : index
        %swap3A_105 = tpu.vector_load %arg17[%swap3A_103, %swap3A_104] {strides = array<i32>} : memref<16x128xf32, #tpu.memory_space<vmem>>, vector<1x16xf32>,
        %swap3A_106 = vector.shape_cast %swap3A_105 : vector<1x16xf32> to vector<16xf32>
        %swap3A_107 = vector.shape_cast %broadcast_in_dim3A_16 : vector<16xf32> to vector<1x16xf32>
        tpu.vector_store %arg17[%swap3A_103, %swap3A_104], %swap3A_107 {strides = array<i32>} : memref<16x128xf32, #tpu.memory_space<vmem>>, vector<1x16xf32>,
        %swap3A_108 = arith.index_cast %scan3A_73 : i32 to index
        %swap3A_109 = arith.constant 112 : index
        %swap3A_110 = tpu.vector_load %arg17[%swap3A_108, %swap3A_109] {strides = array<i32>} : memref<16x128xf32, #tpu.memory_space<vmem>>, vector<1x16xf32>,
        %swap3A_111 = vector.shape_cast %swap3A_110 : vector<1x16xf32> to vector<16xf32>
        %swap3A_112 = vector.shape_cast %broadcast_in_dim3A_16 : vector<16xf32> to vector<1x16xf32>
        tpu.vector_store %arg17[%swap3A_108, %swap3A_109], %swap3A_112 {strides = array<i32>} : memref<16x128xf32, #tpu.memory_space<vmem>>, vector<1x16xf32>,
      }
      %scan3A_21 = arith.constant 16 : i32
      %eq3A_22 = arith.constant 15 : i32
      %eq3A_23 = arith.cmpi eq, %arg1, %eq3A_22 : i32
      %jit3A = arith.constant 40 : i32
      %jit3A_24 = arith.constant 39 : i32
      %select_n3A = arith.select %eq3A_23, %jit3A, %jit3A_24 : i32
      %while3A = arith.constant 0 : i32
      %while3A_25 = arith.constant 0 : i32
      %while3A_26 = arith.subi %select_n3A, %while3A_25 : i32
      %while3A_27 = arith.addi %while3A_25, %while3A_26 : i32
      %while3A_28 = arith.constant 1 : i32
      %while3A_29 = arith.divsi %while3A_26, %while3A_28 : i32
      %while3A_30 = arith.muli %while3A_29, %while3A_28 : i32
      %while3A_31 = arith.addi %while3A_25, %while3A_30 : i32
      %while3A_32 = arith.constant 1 : i32
      scf.for %while3A_73 = %while3A_25 to %while3A_31 step %while3A_32  : i32 {
        %mul3A_74 = arith.constant 624 : i32
        %mul3A_75 = arith.muli %arg1, %mul3A_74 : i32
        %mul3A_76 = arith.constant 16 : i32
        %mul3A_77 = arith.muli %while3A_73, %mul3A_76 : i32
        %add3A_78 = arith.addi %mul3A_75, %mul3A_77 : i32
        %dma_start3A_79 = arith.constant 0 : i32
        %dma_start3A_80 = tpu.memref_slice %arg18[%add3A_78, %dma_start3A_79] : memref<10016x128xf32, #tpu.memory_space<vmem_shared>> -> memref<16x128xf32, #tpu.memory_space<vmem_shared>>
        %dma_start3A_81 = arith.constant 0 : i32
        %dma_start3A_82 = tpu.memref_slice %arg18[%add3A_78, %dma_start3A_81] : memref<10016x128xf32, #tpu.memory_space<vmem_shared>> -> memref<16x128xf32, #tpu.memory_space<vmem_shared>>
        tpu.enqueue_dma source(%arg17 : memref<16x128xf32, #tpu.memory_space<vmem>>) target(%dma_start3A_82 : memref<16x128xf32, #tpu.memory_space<vmem_shared>>) target_semaphore(%arg25 : memref<!tpu.dma_semaphore, #tpu.memory_space<semaphore_mem>>)
      }
      %while3A_33 = arith.constant 1 : i32
      scf.for %while3A_73 = %while3A_31 to %while3A_27 step %while3A_33  : i32 {
        %mul3A_74 = arith.constant 624 : i32
        %mul3A_75 = arith.muli %arg1, %mul3A_74 : i32
        %mul3A_76 = arith.constant 16 : i32
        %mul3A_77 = arith.muli %while3A_73, %mul3A_76 : i32
        %add3A_78 = arith.addi %mul3A_75, %mul3A_77 : i32
        %dma_start3A_79 = arith.constant 0 : i32
        %dma_start3A_80 = tpu.memref_slice %arg18[%add3A_78, %dma_start3A_79] : memref<10016x128xf32, #tpu.memory_space<vmem_shared>> -> memref<16x128xf32, #tpu.memory_space<vmem_shared>>
        %dma_start3A_81 = arith.constant 0 : i32
        %dma_start3A_82 = tpu.memref_slice %arg18[%add3A_78, %dma_start3A_81] : memref<10016x128xf32, #tpu.memory_space<vmem_shared>> -> memref<16x128xf32, #tpu.memory_space<vmem_shared>>
        tpu.enqueue_dma source(%arg17 : memref<16x128xf32, #tpu.memory_space<vmem>>) target(%dma_start3A_82 : memref<16x128xf32, #tpu.memory_space<vmem_shared>>) target_semaphore(%arg25 : memref<!tpu.dma_semaphore, #tpu.memory_space<semaphore_mem>>)
      }
      %while3A_34 = arith.constant 0 : i32
      %while3A_35 = arith.constant 0 : i32
      %while3A_36 = arith.subi %select_n3A, %while3A_35 : i32
      %while3A_37 = arith.addi %while3A_35, %while3A_36 : i32
      %while3A_38 = arith.constant 1 : i32
      %while3A_39 = arith.divsi %while3A_36, %while3A_38 : i32
      %while3A_40 = arith.muli %while3A_39, %while3A_38 : i32
      %while3A_41 = arith.addi %while3A_35, %while3A_40 : i32
      %while3A_42 = arith.constant 1 : i32
      scf.for %while3A_73 = %while3A_35 to %while3A_41 step %while3A_42  : i32 {
        %dma_wait3A_74 = arith.constant 0 : i32
        %dma_wait3A_75 = arith.constant 0 : i32
        %dma_wait3A_76 = tpu.memref_slice %arg18[%dma_wait3A_74, %dma_wait3A_75] : memref<10016x128xf32, #tpu.memory_space<vmem_shared>> -> memref<16x128xf32, #tpu.memory_space<vmem_shared>>
        %dma_wait3A_77 = arith.constant 0 : i32
        %dma_wait3A_78 = arith.constant 0 : i32
        %dma_wait3A_79 = tpu.memref_slice %arg18[%dma_wait3A_77, %dma_wait3A_78] : memref<10016x128xf32, #tpu.memory_space<vmem_shared>> -> memref<16x128xf32, #tpu.memory_space<vmem_shared>>
        tpu.wait_dma2 semaphore(%arg25 : memref<!tpu.dma_semaphore, #tpu.memory_space<semaphore_mem>>) src(%arg17 : memref<16x128xf32, #tpu.memory_space<vmem>>) dst(%dma_wait3A_79 : memref<16x128xf32, #tpu.memory_space<vmem_shared>>)
      }
      %while3A_43 = arith.constant 1 : i32
      scf.for %while3A_73 = %while3A_41 to %while3A_37 step %while3A_43  : i32 {
        %dma_wait3A_74 = arith.constant 0 : i32
        %dma_wait3A_75 = arith.constant 0 : i32
        %dma_wait3A_76 = tpu.memref_slice %arg18[%dma_wait3A_74, %dma_wait3A_75] : memref<10016x128xf32, #tpu.memory_space<vmem_shared>> -> memref<16x128xf32, #tpu.memory_space<vmem_shared>>
        %dma_wait3A_77 = arith.constant 0 : i32
        %dma_wait3A_78 = arith.constant 0 : i32
        %dma_wait3A_79 = tpu.memref_slice %arg18[%dma_wait3A_77, %dma_wait3A_78] : memref<10016x128xf32, #tpu.memory_space<vmem_shared>> -> memref<16x128xf32, #tpu.memory_space<vmem_shared>>
        tpu.wait_dma2 semaphore(%arg25 : memref<!tpu.dma_semaphore, #tpu.memory_space<semaphore_mem>>) src(%arg17 : memref<16x128xf32, #tpu.memory_space<vmem>>) dst(%dma_wait3A_79 : memref<16x128xf32, #tpu.memory_space<vmem_shared>>)
      }
      %barrier3A = arith.constant 0 : index
      tpu.barrier barrier_id(%barrier3A)
      %scan3A_44 = arith.constant 0 : i32
      %scan3A_45 = arith.constant 0 : i32
      %scan3A_46 = arith.constant 39 : i32
      %scan3A_47 = arith.addi %scan3A_45, %scan3A_46 : i32
      %scan3A_48 = arith.constant 1 : i32
      scf.for %scan3A_73 = %scan3A_45 to %scan3A_47 step %scan3A_48  : i32 {
        %mul3A_74 = arith.constant 2 : i32
        %mul3A_75 = arith.muli %scan3A_73, %mul3A_74 : i32
        %dma_wait3A_76 = arith.constant 0 : i32
        %dma_wait3A_77 = arith.constant 0 : i32
        %dma_wait3A_78 = tpu.memref_slice %arg2[%dma_wait3A_76, %dma_wait3A_77] : memref<10000x128xf32, #tpu.memory_space<hbm>> -> memref<10000x128xf32, #tpu.memory_space<hbm>>
        tpu.wait_indirect_dma semaphore(%arg19 : memref<!tpu.dma_semaphore, #tpu.memory_space<semaphore_mem>>) src(%dma_wait3A_78 : memref<10000x128xf32, #tpu.memory_space<hbm>>) dst(%arg12 : memref<128x128xf32, #tpu.memory_space<vmem>>)
        %add3A_79 = arith.constant 2 : i32
        %add3A_80 = arith.addi %mul3A_75, %add3A_79 : i32
        %lt3A = arith.constant 78 : i32
        %lt3A_81 = arith.cmpi slt, %add3A_80, %lt3A : i32
        %convert_element_type3A_82 = arith.extui %lt3A_81 : i1 to i32
        %cond3A_83 = arith.constant 0 : i32
        %cond3A_84 = arith.cmpi ne, %convert_element_type3A_82, %cond3A_83 : i32
        scf.if %cond3A_84 {
          %add3A_115 = arith.constant 2 : i32
          %add3A_116 = arith.addi %mul3A_75, %add3A_115 : i32
          %mul3A_117 = arith.constant 128 : i32
          %mul3A_118 = arith.muli %add3A_116, %mul3A_117 : i32
          %add3A_119 = arith.addi %mul3A_0, %mul3A_118 : i32
          %dma_start3A_120 = tpu.memref_slice %arg4[%add3A_119] : memref<160000xi32, #tpu.memory_space<hbm>> -> memref<128xi32, #tpu.memory_space<hbm>>
          %dma_start3A_121 = tpu.memref_slice %arg4[%add3A_119] : memref<160000xi32, #tpu.memory_space<hbm>> -> memref<128xi32, #tpu.memory_space<hbm>>
          tpu.enqueue_dma source(%dma_start3A_121 : memref<128xi32, #tpu.memory_space<hbm>>) target(%arg8 : memref<128xi32, #tpu.memory_space<vmem>>) target_semaphore(%arg23 : memref<!tpu.dma_semaphore, #tpu.memory_space<semaphore_mem>>)
        } else {
        }
        %dma_start3A_85 = arith.constant 0 : i32
        %dma_start3A_86 = arith.constant 0 : i32
        %dma_start3A_87 = tpu.memref_slice %arg18[%dma_start3A_85, %dma_start3A_86] : memref<10016x128xf32, #tpu.memory_space<vmem_shared>> -> memref<10016x128xf32, #tpu.memory_space<vmem_shared>>
        tpu.enqueue_indirect_dma source(%arg12 : memref<128x128xf32, #tpu.memory_space<vmem>>) target(%dma_start3A_87 : memref<10016x128xf32, #tpu.memory_space<vmem_shared>>) offsets(%arg10 : memref<128xi32, #tpu.memory_space<vmem>>) semaphore(%arg21 : memref<!tpu.dma_semaphore, #tpu.memory_space<semaphore_mem>>) {add = true}
        %dma_wait3A_88 = arith.constant 0 : i32
        %dma_wait3A_89 = arith.constant 0 : i32
        %dma_wait3A_90 = tpu.memref_slice %arg2[%dma_wait3A_88, %dma_wait3A_89] : memref<10000x128xf32, #tpu.memory_space<hbm>> -> memref<10000x128xf32, #tpu.memory_space<hbm>>
        tpu.wait_indirect_dma semaphore(%arg20 : memref<!tpu.dma_semaphore, #tpu.memory_space<semaphore_mem>>) src(%dma_wait3A_90 : memref<10000x128xf32, #tpu.memory_space<hbm>>) dst(%arg13 : memref<128x128xf32, #tpu.memory_space<vmem>>)
        %add3A_91 = arith.constant 3 : i32
        %add3A_92 = arith.addi %mul3A_75, %add3A_91 : i32
        %lt3A_93 = arith.constant 78 : i32
        %lt3A_94 = arith.cmpi slt, %add3A_92, %lt3A_93 : i32
        %convert_element_type3A_95 = arith.extui %lt3A_94 : i1 to i32
        %cond3A_96 = arith.constant 0 : i32
        %cond3A_97 = arith.cmpi ne, %convert_element_type3A_95, %cond3A_96 : i32
        scf.if %cond3A_97 {
          %add3A_115 = arith.constant 3 : i32
          %add3A_116 = arith.addi %mul3A_75, %add3A_115 : i32
          %mul3A_117 = arith.constant 128 : i32
          %mul3A_118 = arith.muli %add3A_116, %mul3A_117 : i32
          %add3A_119 = arith.addi %mul3A_0, %mul3A_118 : i32
          %dma_start3A_120 = tpu.memref_slice %arg4[%add3A_119] : memref<160000xi32, #tpu.memory_space<hbm>> -> memref<128xi32, #tpu.memory_space<hbm>>
          %dma_start3A_121 = tpu.memref_slice %arg4[%add3A_119] : memref<160000xi32, #tpu.memory_space<hbm>> -> memref<128xi32, #tpu.memory_space<hbm>>
          tpu.enqueue_dma source(%dma_start3A_121 : memref<128xi32, #tpu.memory_space<hbm>>) target(%arg9 : memref<128xi32, #tpu.memory_space<vmem>>) target_semaphore(%arg24 : memref<!tpu.dma_semaphore, #tpu.memory_space<semaphore_mem>>)
        } else {
        }
        %dma_start3A_98 = arith.constant 0 : i32
        %dma_start3A_99 = arith.constant 0 : i32
        %dma_start3A_100 = tpu.memref_slice %arg18[%dma_start3A_98, %dma_start3A_99] : memref<10016x128xf32, #tpu.memory_space<vmem_shared>> -> memref<10016x128xf32, #tpu.memory_space<vmem_shared>>
        tpu.enqueue_indirect_dma source(%arg13 : memref<128x128xf32, #tpu.memory_space<vmem>>) target(%dma_start3A_100 : memref<10016x128xf32, #tpu.memory_space<vmem_shared>>) offsets(%arg11 : memref<128xi32, #tpu.memory_space<vmem>>) semaphore(%arg22 : memref<!tpu.dma_semaphore, #tpu.memory_space<semaphore_mem>>) {add = true}
        %add3A_101 = arith.constant 2 : i32
        %add3A_102 = arith.addi %mul3A_75, %add3A_101 : i32
        %lt3A_103 = arith.constant 78 : i32
        %lt3A_104 = arith.cmpi slt, %add3A_102, %lt3A_103 : i32
        %convert_element_type3A_105 = arith.extui %lt3A_104 : i1 to i32
        %cond3A_106 = arith.constant 0 : i32
        %cond3A_107 = arith.cmpi ne, %convert_element_type3A_105, %cond3A_106 : i32
        scf.if %cond3A_107 {
          %dma_wait3A_115 = arith.constant 0 : i32
          %dma_wait3A_116 = arith.constant 0 : i32
          %dma_wait3A_117 = tpu.memref_slice %arg18[%dma_wait3A_115, %dma_wait3A_116] : memref<10016x128xf32, #tpu.memory_space<vmem_shared>> -> memref<10016x128xf32, #tpu.memory_space<vmem_shared>>
          tpu.wait_indirect_dma semaphore(%arg21 : memref<!tpu.dma_semaphore, #tpu.memory_space<semaphore_mem>>) src(%arg12 : memref<128x128xf32, #tpu.memory_space<vmem>>) dst(%dma_wait3A_117 : memref<10016x128xf32, #tpu.memory_space<vmem_shared>>)
          %add3A_118 = arith.constant 2 : i32
          %add3A_119 = arith.addi %mul3A_75, %add3A_118 : i32
          %mul3A_120 = arith.constant 128 : i32
          %mul3A_121 = arith.muli %add3A_119, %mul3A_120 : i32
          %add3A_122 = arith.addi %mul3A_0, %mul3A_121 : i32
          "tpu.region"() ({
            %run_scoped3A = tpu.sem_alloc : memref<!tpu.dma_semaphore, #tpu.memory_space<semaphore_mem>>
            %dma_start3A_130 = tpu.memref_slice %arg5[%add3A_122] : memref<160000xi32, #tpu.memory_space<hbm>> -> memref<128xi32, #tpu.memory_space<hbm>>
            %dma_start3A_131 = tpu.memref_slice %arg5[%add3A_122] : memref<160000xi32, #tpu.memory_space<hbm>> -> memref<128xi32, #tpu.memory_space<hbm>>
            tpu.enqueue_dma source(%dma_start3A_131 : memref<128xi32, #tpu.memory_space<hbm>>) target(%arg10 : memref<128xi32, #tpu.memory_space<vmem>>) target_semaphore(%run_scoped3A : memref<!tpu.dma_semaphore, #tpu.memory_space<semaphore_mem>>)
            %dma_wait3A_132 = tpu.memref_slice %arg5[%add3A_122] : memref<160000xi32, #tpu.memory_space<hbm>> -> memref<128xi32, #tpu.memory_space<hbm>>
            %dma_wait3A_133 = tpu.memref_slice %arg5[%add3A_122] : memref<160000xi32, #tpu.memory_space<hbm>> -> memref<128xi32, #tpu.memory_space<hbm>>
            tpu.wait_dma2 semaphore(%run_scoped3A : memref<!tpu.dma_semaphore, #tpu.memory_space<semaphore_mem>>) src(%dma_wait3A_133 : memref<128xi32, #tpu.memory_space<hbm>>) dst(%arg10 : memref<128xi32, #tpu.memory_space<vmem>>)
            tpu.yield
          }) : () -> ()
          %dma_wait3A_123 = arith.constant 0 : i32
          %dma_wait3A_124 = tpu.memref_slice %arg4[%dma_wait3A_123] : memref<160000xi32, #tpu.memory_space<hbm>> -> memref<128xi32, #tpu.memory_space<hbm>>
          %dma_wait3A_125 = arith.constant 0 : i32
          %dma_wait3A_126 = tpu.memref_slice %arg4[%dma_wait3A_125] : memref<160000xi32, #tpu.memory_space<hbm>> -> memref<128xi32, #tpu.memory_space<hbm>>
          tpu.wait_dma2 semaphore(%arg23 : memref<!tpu.dma_semaphore, #tpu.memory_space<semaphore_mem>>) src(%dma_wait3A_126 : memref<128xi32, #tpu.memory_space<hbm>>) dst(%arg8 : memref<128xi32, #tpu.memory_space<vmem>>)
          %dma_start3A_127 = arith.constant 0 : i32
          %dma_start3A_128 = arith.constant 0 : i32
          %dma_start3A_129 = tpu.memref_slice %arg2[%dma_start3A_127, %dma_start3A_128] : memref<10000x128xf32, #tpu.memory_space<hbm>> -> memref<10000x128xf32, #tpu.memory_space<hbm>>
          tpu.enqueue_indirect_dma source(%dma_start3A_129 : memref<10000x128xf32, #tpu.memory_space<hbm>>) target(%arg12 : memref<128x128xf32, #tpu.memory_space<vmem>>) offsets(%arg8 : memref<128xi32, #tpu.memory_space<vmem>>) semaphore(%arg19 : memref<!tpu.dma_semaphore, #tpu.memory_space<semaphore_mem>>)
        } else {
        }
        %add3A_108 = arith.constant 3 : i32
        %add3A_109 = arith.addi %mul3A_75, %add3A_108 : i32
        %lt3A_110 = arith.constant 78 : i32
        %lt3A_111 = arith.cmpi slt, %add3A_109, %lt3A_110 : i32
        %convert_element_type3A_112 = arith.extui %lt3A_111 : i1 to i32
        %cond3A_113 = arith.constant 0 : i32
        %cond3A_114 = arith.cmpi ne, %convert_element_type3A_112, %cond3A_113 : i32
        scf.if %cond3A_114 {
          %dma_wait3A_115 = arith.constant 0 : i32
          %dma_wait3A_116 = arith.constant 0 : i32
          %dma_wait3A_117 = tpu.memref_slice %arg18[%dma_wait3A_115, %dma_wait3A_116] : memref<10016x128xf32, #tpu.memory_space<vmem_shared>> -> memref<10016x128xf32, #tpu.memory_space<vmem_shared>>
          tpu.wait_indirect_dma semaphore(%arg22 : memref<!tpu.dma_semaphore, #tpu.memory_space<semaphore_mem>>) src(%arg13 : memref<128x128xf32, #tpu.memory_space<vmem>>) dst(%dma_wait3A_117 : memref<10016x128xf32, #tpu.memory_space<vmem_shared>>)
          %add3A_118 = arith.constant 3 : i32
          %add3A_119 = arith.addi %mul3A_75, %add3A_118 : i32
          %mul3A_120 = arith.constant 128 : i32
          %mul3A_121 = arith.muli %add3A_119, %mul3A_120 : i32
          %add3A_122 = arith.addi %mul3A_0, %mul3A_121 : i32
          "tpu.region"() ({
            %run_scoped3A = tpu.sem_alloc : memref<!tpu.dma_semaphore, #tpu.memory_space<semaphore_mem>>
            %dma_start3A_130 = tpu.memref_slice %arg5[%add3A_122] : memref<160000xi32, #tpu.memory_space<hbm>> -> memref<128xi32, #tpu.memory_space<hbm>>
            %dma_start3A_131 = tpu.memref_slice %arg5[%add3A_122] : memref<160000xi32, #tpu.memory_space<hbm>> -> memref<128xi32, #tpu.memory_space<hbm>>
            tpu.enqueue_dma source(%dma_start3A_131 : memref<128xi32, #tpu.memory_space<hbm>>) target(%arg11 : memref<128xi32, #tpu.memory_space<vmem>>) target_semaphore(%run_scoped3A : memref<!tpu.dma_semaphore, #tpu.memory_space<semaphore_mem>>)
            %dma_wait3A_132 = tpu.memref_slice %arg5[%add3A_122] : memref<160000xi32, #tpu.memory_space<hbm>> -> memref<128xi32, #tpu.memory_space<hbm>>
            %dma_wait3A_133 = tpu.memref_slice %arg5[%add3A_122] : memref<160000xi32, #tpu.memory_space<hbm>> -> memref<128xi32, #tpu.memory_space<hbm>>
            tpu.wait_dma2 semaphore(%run_scoped3A : memref<!tpu.dma_semaphore, #tpu.memory_space<semaphore_mem>>) src(%dma_wait3A_133 : memref<128xi32, #tpu.memory_space<hbm>>) dst(%arg11 : memref<128xi32, #tpu.memory_space<vmem>>)
            tpu.yield
          }) : () -> ()
          %dma_wait3A_123 = arith.constant 0 : i32
          %dma_wait3A_124 = tpu.memref_slice %arg4[%dma_wait3A_123] : memref<160000xi32, #tpu.memory_space<hbm>> -> memref<128xi32, #tpu.memory_space<hbm>>
          %dma_wait3A_125 = arith.constant 0 : i32
          %dma_wait3A_126 = tpu.memref_slice %arg4[%dma_wait3A_125] : memref<160000xi32, #tpu.memory_space<hbm>> -> memref<128xi32, #tpu.memory_space<hbm>>
          tpu.wait_dma2 semaphore(%arg24 : memref<!tpu.dma_semaphore, #tpu.memory_space<semaphore_mem>>) src(%dma_wait3A_126 : memref<128xi32, #tpu.memory_space<hbm>>) dst(%arg9 : memref<128xi32, #tpu.memory_space<vmem>>)
          %dma_start3A_127 = arith.constant 0 : i32
          %dma_start3A_128 = arith.constant 0 : i32
          %dma_start3A_129 = tpu.memref_slice %arg2[%dma_start3A_127, %dma_start3A_128] : memref<10000x128xf32, #tpu.memory_space<hbm>> -> memref<10000x128xf32, #tpu.memory_space<hbm>>
          tpu.enqueue_indirect_dma source(%dma_start3A_129 : memref<10000x128xf32, #tpu.memory_space<hbm>>) target(%arg13 : memref<128x128xf32, #tpu.memory_space<vmem>>) offsets(%arg9 : memref<128xi32, #tpu.memory_space<vmem>>) semaphore(%arg20 : memref<!tpu.dma_semaphore, #tpu.memory_space<semaphore_mem>>)
        } else {
        }
      }
      %scan3A_49 = arith.constant 39 : i32
      %dma_wait3A = arith.constant 0 : i32
      %dma_wait3A_50 = arith.constant 0 : i32
      %dma_wait3A_51 = tpu.memref_slice %arg18[%dma_wait3A, %dma_wait3A_50] : memref<10016x128xf32, #tpu.memory_space<vmem_shared>> -> memref<10016x128xf32, #tpu.memory_space<vmem_shared>>
      tpu.wait_indirect_dma semaphore(%arg21 : memref<!tpu.dma_semaphore, #tpu.memory_space<semaphore_mem>>) src(%arg12 : memref<128x128xf32, #tpu.memory_space<vmem>>) dst(%dma_wait3A_51 : memref<10016x128xf32, #tpu.memory_space<vmem_shared>>)
      %dma_wait3A_52 = arith.constant 0 : i32
      %dma_wait3A_53 = arith.constant 0 : i32
      %dma_wait3A_54 = tpu.memref_slice %arg18[%dma_wait3A_52, %dma_wait3A_53] : memref<10016x128xf32, #tpu.memory_space<vmem_shared>> -> memref<10016x128xf32, #tpu.memory_space<vmem_shared>>
      tpu.wait_indirect_dma semaphore(%arg22 : memref<!tpu.dma_semaphore, #tpu.memory_space<semaphore_mem>>) src(%arg13 : memref<128x128xf32, #tpu.memory_space<vmem>>) dst(%dma_wait3A_54 : memref<10016x128xf32, #tpu.memory_space<vmem_shared>>)
      %add3A_55 = arith.constant 9984 : i32
      %add3A_56 = arith.addi %mul3A_0, %add3A_55 : i32
      "tpu.region"() ({
        %run_scoped3A = tpu.sem_alloc : memref<!tpu.dma_semaphore, #tpu.memory_space<semaphore_mem>>
        %dma_start3A_73 = tpu.memref_slice %arg4[%add3A_56] : memref<160000xi32, #tpu.memory_space<hbm>> -> memref<16xi32, #tpu.memory_space<hbm>>
        %dma_start3A_74 = tpu.memref_slice %arg4[%add3A_56] : memref<160000xi32, #tpu.memory_space<hbm>> -> memref<16xi32, #tpu.memory_space<hbm>>
        tpu.enqueue_dma source(%dma_start3A_74 : memref<16xi32, #tpu.memory_space<hbm>>) target(%arg14 : memref<16xi32, #tpu.memory_space<vmem>>) target_semaphore(%run_scoped3A : memref<!tpu.dma_semaphore, #tpu.memory_space<semaphore_mem>>)
        %dma_wait3A_75 = tpu.memref_slice %arg4[%add3A_56] : memref<160000xi32, #tpu.memory_space<hbm>> -> memref<16xi32, #tpu.memory_space<hbm>>
        %dma_wait3A_76 = tpu.memref_slice %arg4[%add3A_56] : memref<160000xi32, #tpu.memory_space<hbm>> -> memref<16xi32, #tpu.memory_space<hbm>>
        tpu.wait_dma2 semaphore(%run_scoped3A : memref<!tpu.dma_semaphore, #tpu.memory_space<semaphore_mem>>) src(%dma_wait3A_76 : memref<16xi32, #tpu.memory_space<hbm>>) dst(%arg14 : memref<16xi32, #tpu.memory_space<vmem>>)
        tpu.yield
      }) : () -> ()
      "tpu.region"() ({
        %run_scoped3A = tpu.sem_alloc : memref<!tpu.dma_semaphore, #tpu.memory_space<semaphore_mem>>
        %dma_start3A_73 = tpu.memref_slice %arg5[%add3A_56] : memref<160000xi32, #tpu.memory_space<hbm>> -> memref<16xi32, #tpu.memory_space<hbm>>
        %dma_start3A_74 = tpu.memref_slice %arg5[%add3A_56] : memref<160000xi32, #tpu.memory_space<hbm>> -> memref<16xi32, #tpu.memory_space<hbm>>
        tpu.enqueue_dma source(%dma_start3A_74 : memref<16xi32, #tpu.memory_space<hbm>>) target(%arg15 : memref<16xi32, #tpu.memory_space<vmem>>) target_semaphore(%run_scoped3A : memref<!tpu.dma_semaphore, #tpu.memory_space<semaphore_mem>>)
        %dma_wait3A_75 = tpu.memref_slice %arg5[%add3A_56] : memref<160000xi32, #tpu.memory_space<hbm>> -> memref<16xi32, #tpu.memory_space<hbm>>
        %dma_wait3A_76 = tpu.memref_slice %arg5[%add3A_56] : memref<160000xi32, #tpu.memory_space<hbm>> -> memref<16xi32, #tpu.memory_space<hbm>>
        tpu.wait_dma2 semaphore(%run_scoped3A : memref<!tpu.dma_semaphore, #tpu.memory_space<semaphore_mem>>) src(%dma_wait3A_76 : memref<16xi32, #tpu.memory_space<hbm>>) dst(%arg15 : memref<16xi32, #tpu.memory_space<vmem>>)
        tpu.yield
      }) : () -> ()
      %dma_start3A_57 = arith.constant 0 : i32
      %dma_start3A_58 = arith.constant 0 : i32
      %dma_start3A_59 = tpu.memref_slice %arg2[%dma_start3A_57, %dma_start3A_58] : memref<10000x128xf32, #tpu.memory_space<hbm>> -> memref<10000x128xf32, #tpu.memory_space<hbm>>
      tpu.enqueue_indirect_dma source(%dma_start3A_59 : memref<10000x128xf32, #tpu.memory_space<hbm>>) target(%arg16 : memref<16x128xf32, #tpu.memory_space<vmem>>) offsets(%arg14 : memref<16xi32, #tpu.memory_space<vmem>>) semaphore(%arg19 : memref<!tpu.dma_semaphore, #tpu.memory_space<semaphore_mem>>)
      %dma_wait3A_60 = arith.constant 0 : i32
      %dma_wait3A_61 = arith.constant 0 : i32
      %dma_wait3A_62 = tpu.memref_slice %arg2[%dma_wait3A_60, %dma_wait3A_61] : memref<10000x128xf32, #tpu.memory_space<hbm>> -> memref<10000x128xf32, #tpu.memory_space<hbm>>
      tpu.wait_indirect_dma semaphore(%arg19 : memref<!tpu.dma_semaphore, #tpu.memory_space<semaphore_mem>>) src(%dma_wait3A_62 : memref<10000x128xf32, #tpu.memory_space<hbm>>) dst(%arg16 : memref<16x128xf32, #tpu.memory_space<vmem>>)
      "tpu.region"() ({
        %run_scoped3A = tpu.sem_alloc : memref<!tpu.dma_semaphore, #tpu.memory_space<semaphore_mem>>
        %dma_start3A_73 = arith.constant 0 : i32
        %dma_start3A_74 = arith.constant 0 : i32
        %dma_start3A_75 = tpu.memref_slice %arg18[%dma_start3A_73, %dma_start3A_74] : memref<10016x128xf32, #tpu.memory_space<vmem_shared>> -> memref<10016x128xf32, #tpu.memory_space<vmem_shared>>
        tpu.enqueue_indirect_dma source(%arg16 : memref<16x128xf32, #tpu.memory_space<vmem>>) target(%dma_start3A_75 : memref<10016x128xf32, #tpu.memory_space<vmem_shared>>) offsets(%arg15 : memref<16xi32, #tpu.memory_space<vmem>>) semaphore(%run_scoped3A : memref<!tpu.dma_semaphore, #tpu.memory_space<semaphore_mem>>) {add = true}
        %dma_wait3A_76 = arith.constant 0 : i32
        %dma_wait3A_77 = arith.constant 0 : i32
        %dma_wait3A_78 = tpu.memref_slice %arg18[%dma_wait3A_76, %dma_wait3A_77] : memref<10016x128xf32, #tpu.memory_space<vmem_shared>> -> memref<10016x128xf32, #tpu.memory_space<vmem_shared>>
        tpu.wait_indirect_dma semaphore(%run_scoped3A : memref<!tpu.dma_semaphore, #tpu.memory_space<semaphore_mem>>) src(%arg16 : memref<16x128xf32, #tpu.memory_space<vmem>>) dst(%dma_wait3A_78 : memref<10016x128xf32, #tpu.memory_space<vmem_shared>>)
        tpu.yield
      }) : () -> ()
      %barrier3A_63 = arith.constant 0 : index
      tpu.barrier barrier_id(%barrier3A_63)
      %mul3A_64 = arith.constant 624 : i32
      %mul3A_65 = arith.muli %arg1, %mul3A_64 : i32
      %mul3A_66 = arith.constant 624 : i32
      %mul3A_67 = arith.muli %arg1, %mul3A_66 : i32
      "tpu.region"() ({
        %run_scoped3A = tpu.sem_alloc : memref<!tpu.dma_semaphore, #tpu.memory_space<semaphore_mem>>
        %dma_start3A_73 = arith.constant 0 : i32
        %dma_start3A_74 = tpu.memref_slice %arg6[%mul3A_67, %dma_start3A_73] : memref<10000x128xf32, #tpu.memory_space<hbm>> -> memref<624x128xf32, #tpu.memory_space<hbm>>
        %dma_start3A_75 = arith.constant 0 : i32
        %dma_start3A_76 = tpu.memref_slice %arg18[%mul3A_65, %dma_start3A_75] : memref<10016x128xf32, #tpu.memory_space<vmem_shared>> -> memref<624x128xf32, #tpu.memory_space<vmem_shared>>
        tpu.enqueue_dma source(%dma_start3A_76 : memref<624x128xf32, #tpu.memory_space<vmem_shared>>) target(%dma_start3A_74 : memref<624x128xf32, #tpu.memory_space<hbm>>) target_semaphore(%run_scoped3A : memref<!tpu.dma_semaphore, #tpu.memory_space<semaphore_mem>>)
        %dma_wait3A_77 = arith.constant 0 : i32
        %dma_wait3A_78 = tpu.memref_slice %arg6[%mul3A_67, %dma_wait3A_77] : memref<10000x128xf32, #tpu.memory_space<hbm>> -> memref<624x128xf32, #tpu.memory_space<hbm>>
        %dma_wait3A_79 = arith.constant 0 : i32
        %dma_wait3A_80 = tpu.memref_slice %arg18[%mul3A_65, %dma_wait3A_79] : memref<10016x128xf32, #tpu.memory_space<vmem_shared>> -> memref<624x128xf32, #tpu.memory_space<vmem_shared>>
        tpu.wait_dma2 semaphore(%run_scoped3A : memref<!tpu.dma_semaphore, #tpu.memory_space<semaphore_mem>>) src(%dma_wait3A_80 : memref<624x128xf32, #tpu.memory_space<vmem_shared>>) dst(%dma_wait3A_78 : memref<624x128xf32, #tpu.memory_space<hbm>>)
        tpu.yield
      }) : () -> ()
      %eq3A_68 = arith.constant 15 : i32
      %eq3A_69 = arith.cmpi eq, %arg1, %eq3A_68 : i32
      %convert_element_type3A_70 = arith.extui %eq3A_69 : i1 to i32
      %cond3A_71 = arith.constant 0 : i32
      %cond3A_72 = arith.cmpi ne, %convert_element_type3A_70, %cond3A_71 : i32
      scf.if %cond3A_72 {
        "tpu.region"() ({
          %run_scoped3A = tpu.sem_alloc : memref<!tpu.dma_semaphore, #tpu.memory_space<semaphore_mem>>
          %dma_start3A_73 = arith.constant 9984 : i32
          %dma_start3A_74 = arith.constant 0 : i32
          %dma_start3A_75 = tpu.memref_slice %arg6[%dma_start3A_73, %dma_start3A_74] : memref<10000x128xf32, #tpu.memory_space<hbm>> -> memref<16x128xf32, #tpu.memory_space<hbm>>
          %dma_start3A_76 = arith.constant 9984 : i32
          %dma_start3A_77 = arith.constant 0 : i32
          %dma_start3A_78 = tpu.memref_slice %arg18[%dma_start3A_76, %dma_start3A_77] : memref<10016x128xf32, #tpu.memory_space<vmem_shared>> -> memref<16x128xf32, #tpu.memory_space<vmem_shared>>
          tpu.enqueue_dma source(%dma_start3A_78 : memref<16x128xf32, #tpu.memory_space<vmem_shared>>) target(%dma_start3A_75 : memref<16x128xf32, #tpu.memory_space<hbm>>) target_semaphore(%run_scoped3A : memref<!tpu.dma_semaphore, #tpu.memory_space<semaphore_mem>>)
          %dma_wait3A_79 = arith.constant 9984 : i32
          %dma_wait3A_80 = arith.constant 0 : i32
          %dma_wait3A_81 = tpu.memref_slice %arg6[%dma_wait3A_79, %dma_wait3A_80] : memref<10000x128xf32, #tpu.memory_space<hbm>> -> memref<16x128xf32, #tpu.memory_space<hbm>>
          %dma_wait3A_82 = arith.constant 9984 : i32
          %dma_wait3A_83 = arith.constant 0 : i32
          %dma_wait3A_84 = tpu.memref_slice %arg18[%dma_wait3A_82, %dma_wait3A_83] : memref<10016x128xf32, #tpu.memory_space<vmem_shared>> -> memref<16x128xf32, #tpu.memory_space<vmem_shared>>
          tpu.wait_dma2 semaphore(%run_scoped3A : memref<!tpu.dma_semaphore, #tpu.memory_space<semaphore_mem>>) src(%dma_wait3A_84 : memref<16x128xf32, #tpu.memory_space<vmem_shared>>) dst(%dma_wait3A_81 : memref<16x128xf32, #tpu.memory_space<hbm>>)
          tpu.yield
        }) : () -> ()
      } else {
      }
    } else {
    }
    %eq3A_3 = arith.constant 1 : i32
    %eq3A_4 = arith.cmpi eq, %arg0, %eq3A_3 : i32
    %convert_element_type3A_5 = arith.extui %eq3A_4 : i1 to i32
    %cond3A_6 = arith.constant 0 : i32
    %cond3A_7 = arith.cmpi ne, %convert_element_type3A_5, %cond3A_6 : i32
    scf.if %cond3A_7 {
      "tpu.region"() ({
        %run_scoped3A = tpu.sem_alloc : memref<!tpu.dma_semaphore, #tpu.memory_space<semaphore_mem>>
        %dma_start3A_73 = tpu.memref_slice %arg4[%mul3A_0] : memref<160000xi32, #tpu.memory_space<hbm>> -> memref<128xi32, #tpu.memory_space<hbm>>
        %dma_start3A_74 = tpu.memref_slice %arg4[%mul3A_0] : memref<160000xi32, #tpu.memory_space<hbm>> -> memref<128xi32, #tpu.memory_space<hbm>>
        tpu.enqueue_dma source(%dma_start3A_74 : memref<128xi32, #tpu.memory_space<hbm>>) target(%arg8 : memref<128xi32, #tpu.memory_space<vmem>>) target_semaphore(%run_scoped3A : memref<!tpu.dma_semaphore, #tpu.memory_space<semaphore_mem>>)
        %dma_wait3A_75 = tpu.memref_slice %arg4[%mul3A_0] : memref<160000xi32, #tpu.memory_space<hbm>> -> memref<128xi32, #tpu.memory_space<hbm>>
        %dma_wait3A_76 = tpu.memref_slice %arg4[%mul3A_0] : memref<160000xi32, #tpu.memory_space<hbm>> -> memref<128xi32, #tpu.memory_space<hbm>>
        tpu.wait_dma2 semaphore(%run_scoped3A : memref<!tpu.dma_semaphore, #tpu.memory_space<semaphore_mem>>) src(%dma_wait3A_76 : memref<128xi32, #tpu.memory_space<hbm>>) dst(%arg8 : memref<128xi32, #tpu.memory_space<vmem>>)
        tpu.yield
      }) : () -> ()
      "tpu.region"() ({
        %run_scoped3A = tpu.sem_alloc : memref<!tpu.dma_semaphore, #tpu.memory_space<semaphore_mem>>
        %dma_start3A_73 = tpu.memref_slice %arg5[%mul3A_0] : memref<160000xi32, #tpu.memory_space<hbm>> -> memref<128xi32, #tpu.memory_space<hbm>>
        %dma_start3A_74 = tpu.memref_slice %arg5[%mul3A_0] : memref<160000xi32, #tpu.memory_space<hbm>> -> memref<128xi32, #tpu.memory_space<hbm>>
        tpu.enqueue_dma source(%dma_start3A_74 : memref<128xi32, #tpu.memory_space<hbm>>) target(%arg10 : memref<128xi32, #tpu.memory_space<vmem>>) target_semaphore(%run_scoped3A : memref<!tpu.dma_semaphore, #tpu.memory_space<semaphore_mem>>)
        %dma_wait3A_75 = tpu.memref_slice %arg5[%mul3A_0] : memref<160000xi32, #tpu.memory_space<hbm>> -> memref<128xi32, #tpu.memory_space<hbm>>
        %dma_wait3A_76 = tpu.memref_slice %arg5[%mul3A_0] : memref<160000xi32, #tpu.memory_space<hbm>> -> memref<128xi32, #tpu.memory_space<hbm>>
        tpu.wait_dma2 semaphore(%run_scoped3A : memref<!tpu.dma_semaphore, #tpu.memory_space<semaphore_mem>>) src(%dma_wait3A_76 : memref<128xi32, #tpu.memory_space<hbm>>) dst(%arg10 : memref<128xi32, #tpu.memory_space<vmem>>)
        tpu.yield
      }) : () -> ()
      %dma_start3A = arith.constant 0 : i32
      %dma_start3A_8 = arith.constant 0 : i32
      %dma_start3A_9 = tpu.memref_slice %arg3[%dma_start3A, %dma_start3A_8] : memref<10000x128xf32, #tpu.memory_space<hbm>> -> memref<10000x128xf32, #tpu.memory_space<hbm>>
      tpu.enqueue_indirect_dma source(%dma_start3A_9 : memref<10000x128xf32, #tpu.memory_space<hbm>>) target(%arg12 : memref<128x128xf32, #tpu.memory_space<vmem>>) offsets(%arg8 : memref<128xi32, #tpu.memory_space<vmem>>) semaphore(%arg19 : memref<!tpu.dma_semaphore, #tpu.memory_space<semaphore_mem>>)
      %add3A = arith.constant 128 : i32
      %add3A_10 = arith.addi %mul3A_0, %add3A : i32
      "tpu.region"() ({
        %run_scoped3A = tpu.sem_alloc : memref<!tpu.dma_semaphore, #tpu.memory_space<semaphore_mem>>
        %dma_start3A_73 = tpu.memref_slice %arg4[%add3A_10] : memref<160000xi32, #tpu.memory_space<hbm>> -> memref<128xi32, #tpu.memory_space<hbm>>
        %dma_start3A_74 = tpu.memref_slice %arg4[%add3A_10] : memref<160000xi32, #tpu.memory_space<hbm>> -> memref<128xi32, #tpu.memory_space<hbm>>
        tpu.enqueue_dma source(%dma_start3A_74 : memref<128xi32, #tpu.memory_space<hbm>>) target(%arg9 : memref<128xi32, #tpu.memory_space<vmem>>) target_semaphore(%run_scoped3A : memref<!tpu.dma_semaphore, #tpu.memory_space<semaphore_mem>>)
        %dma_wait3A_75 = tpu.memref_slice %arg4[%add3A_10] : memref<160000xi32, #tpu.memory_space<hbm>> -> memref<128xi32, #tpu.memory_space<hbm>>
        %dma_wait3A_76 = tpu.memref_slice %arg4[%add3A_10] : memref<160000xi32, #tpu.memory_space<hbm>> -> memref<128xi32, #tpu.memory_space<hbm>>
        tpu.wait_dma2 semaphore(%run_scoped3A : memref<!tpu.dma_semaphore, #tpu.memory_space<semaphore_mem>>) src(%dma_wait3A_76 : memref<128xi32, #tpu.memory_space<hbm>>) dst(%arg9 : memref<128xi32, #tpu.memory_space<vmem>>)
        tpu.yield
      }) : () -> ()
      %add3A_11 = arith.constant 128 : i32
      %add3A_12 = arith.addi %mul3A_0, %add3A_11 : i32
      "tpu.region"() ({
        %run_scoped3A = tpu.sem_alloc : memref<!tpu.dma_semaphore, #tpu.memory_space<semaphore_mem>>
        %dma_start3A_73 = tpu.memref_slice %arg5[%add3A_12] : memref<160000xi32, #tpu.memory_space<hbm>> -> memref<128xi32, #tpu.memory_space<hbm>>
        %dma_start3A_74 = tpu.memref_slice %arg5[%add3A_12] : memref<160000xi32, #tpu.memory_space<hbm>> -> memref<128xi32, #tpu.memory_space<hbm>>
        tpu.enqueue_dma source(%dma_start3A_74 : memref<128xi32, #tpu.memory_space<hbm>>) target(%arg11 : memref<128xi32, #tpu.memory_space<vmem>>) target_semaphore(%run_scoped3A : memref<!tpu.dma_semaphore, #tpu.memory_space<semaphore_mem>>)
        %dma_wait3A_75 = tpu.memref_slice %arg5[%add3A_12] : memref<160000xi32, #tpu.memory_space<hbm>> -> memref<128xi32, #tpu.memory_space<hbm>>
        %dma_wait3A_76 = tpu.memref_slice %arg5[%add3A_12] : memref<160000xi32, #tpu.memory_space<hbm>> -> memref<128xi32, #tpu.memory_space<hbm>>
        tpu.wait_dma2 semaphore(%run_scoped3A : memref<!tpu.dma_semaphore, #tpu.memory_space<semaphore_mem>>) src(%dma_wait3A_76 : memref<128xi32, #tpu.memory_space<hbm>>) dst(%arg11 : memref<128xi32, #tpu.memory_space<vmem>>)
        tpu.yield
      }) : () -> ()
      %dma_start3A_13 = arith.constant 0 : i32
      %dma_start3A_14 = arith.constant 0 : i32
      %dma_start3A_15 = tpu.memref_slice %arg3[%dma_start3A_13, %dma_start3A_14] : memref<10000x128xf32, #tpu.memory_space<hbm>> -> memref<10000x128xf32, #tpu.memory_space<hbm>>
      tpu.enqueue_indirect_dma source(%dma_start3A_15 : memref<10000x128xf32, #tpu.memory_space<hbm>>) target(%arg13 : memref<128x128xf32, #tpu.memory_space<vmem>>) offsets(%arg9 : memref<128xi32, #tpu.memory_space<vmem>>) semaphore(%arg20 : memref<!tpu.dma_semaphore, #tpu.memory_space<semaphore_mem>>)
      %broadcast_in_dim3A = arith.constant 0.000000e+00 : f32
      %broadcast_in_dim3A_16 = vector.broadcast %broadcast_in_dim3A : f32 to vector<16xf32>
      %scan3A = arith.constant 0 : i32
      %scan3A_17 = arith.constant 0 : i32
      %scan3A_18 = arith.constant 16 : i32
      %scan3A_19 = arith.addi %scan3A_17, %scan3A_18 : i32
      %scan3A_20 = arith.constant 1 : i32
      scf.for %scan3A_73 = %scan3A_17 to %scan3A_19 step %scan3A_20  : i32 {
        %swap3A = arith.index_cast %scan3A_73 : i32 to index
        %swap3A_74 = arith.constant 0 : index
        %swap3A_75 = tpu.vector_load %arg17[%swap3A, %swap3A_74] {strides = array<i32>} : memref<16x128xf32, #tpu.memory_space<vmem>>, vector<1x16xf32>,
        %swap3A_76 = vector.shape_cast %swap3A_75 : vector<1x16xf32> to vector<16xf32>
        %swap3A_77 = vector.shape_cast %broadcast_in_dim3A_16 : vector<16xf32> to vector<1x16xf32>
        tpu.vector_store %arg17[%swap3A, %swap3A_74], %swap3A_77 {strides = array<i32>} : memref<16x128xf32, #tpu.memory_space<vmem>>, vector<1x16xf32>,
        %swap3A_78 = arith.index_cast %scan3A_73 : i32 to index
        %swap3A_79 = arith.constant 16 : index
        %swap3A_80 = tpu.vector_load %arg17[%swap3A_78, %swap3A_79] {strides = array<i32>} : memref<16x128xf32, #tpu.memory_space<vmem>>, vector<1x16xf32>,
        %swap3A_81 = vector.shape_cast %swap3A_80 : vector<1x16xf32> to vector<16xf32>
        %swap3A_82 = vector.shape_cast %broadcast_in_dim3A_16 : vector<16xf32> to vector<1x16xf32>
        tpu.vector_store %arg17[%swap3A_78, %swap3A_79], %swap3A_82 {strides = array<i32>} : memref<16x128xf32, #tpu.memory_space<vmem>>, vector<1x16xf32>,
        %swap3A_83 = arith.index_cast %scan3A_73 : i32 to index
        %swap3A_84 = arith.constant 32 : index
        %swap3A_85 = tpu.vector_load %arg17[%swap3A_83, %swap3A_84] {strides = array<i32>} : memref<16x128xf32, #tpu.memory_space<vmem>>, vector<1x16xf32>,
        %swap3A_86 = vector.shape_cast %swap3A_85 : vector<1x16xf32> to vector<16xf32>
        %swap3A_87 = vector.shape_cast %broadcast_in_dim3A_16 : vector<16xf32> to vector<1x16xf32>
        tpu.vector_store %arg17[%swap3A_83, %swap3A_84], %swap3A_87 {strides = array<i32>} : memref<16x128xf32, #tpu.memory_space<vmem>>, vector<1x16xf32>,
        %swap3A_88 = arith.index_cast %scan3A_73 : i32 to index
        %swap3A_89 = arith.constant 48 : index
        %swap3A_90 = tpu.vector_load %arg17[%swap3A_88, %swap3A_89] {strides = array<i32>} : memref<16x128xf32, #tpu.memory_space<vmem>>, vector<1x16xf32>,
        %swap3A_91 = vector.shape_cast %swap3A_90 : vector<1x16xf32> to vector<16xf32>
        %swap3A_92 = vector.shape_cast %broadcast_in_dim3A_16 : vector<16xf32> to vector<1x16xf32>
        tpu.vector_store %arg17[%swap3A_88, %swap3A_89], %swap3A_92 {strides = array<i32>} : memref<16x128xf32, #tpu.memory_space<vmem>>, vector<1x16xf32>,
        %swap3A_93 = arith.index_cast %scan3A_73 : i32 to index
        %swap3A_94 = arith.constant 64 : index
        %swap3A_95 = tpu.vector_load %arg17[%swap3A_93, %swap3A_94] {strides = array<i32>} : memref<16x128xf32, #tpu.memory_space<vmem>>, vector<1x16xf32>,
        %swap3A_96 = vector.shape_cast %swap3A_95 : vector<1x16xf32> to vector<16xf32>
        %swap3A_97 = vector.shape_cast %broadcast_in_dim3A_16 : vector<16xf32> to vector<1x16xf32>
        tpu.vector_store %arg17[%swap3A_93, %swap3A_94], %swap3A_97 {strides = array<i32>} : memref<16x128xf32, #tpu.memory_space<vmem>>, vector<1x16xf32>,
        %swap3A_98 = arith.index_cast %scan3A_73 : i32 to index
        %swap3A_99 = arith.constant 80 : index
        %swap3A_100 = tpu.vector_load %arg17[%swap3A_98, %swap3A_99] {strides = array<i32>} : memref<16x128xf32, #tpu.memory_space<vmem>>, vector<1x16xf32>,
        %swap3A_101 = vector.shape_cast %swap3A_100 : vector<1x16xf32> to vector<16xf32>
        %swap3A_102 = vector.shape_cast %broadcast_in_dim3A_16 : vector<16xf32> to vector<1x16xf32>
        tpu.vector_store %arg17[%swap3A_98, %swap3A_99], %swap3A_102 {strides = array<i32>} : memref<16x128xf32, #tpu.memory_space<vmem>>, vector<1x16xf32>,
        %swap3A_103 = arith.index_cast %scan3A_73 : i32 to index
        %swap3A_104 = arith.constant 96 : index
        %swap3A_105 = tpu.vector_load %arg17[%swap3A_103, %swap3A_104] {strides = array<i32>} : memref<16x128xf32, #tpu.memory_space<vmem>>, vector<1x16xf32>,
        %swap3A_106 = vector.shape_cast %swap3A_105 : vector<1x16xf32> to vector<16xf32>
        %swap3A_107 = vector.shape_cast %broadcast_in_dim3A_16 : vector<16xf32> to vector<1x16xf32>
        tpu.vector_store %arg17[%swap3A_103, %swap3A_104], %swap3A_107 {strides = array<i32>} : memref<16x128xf32, #tpu.memory_space<vmem>>, vector<1x16xf32>,
        %swap3A_108 = arith.index_cast %scan3A_73 : i32 to index
        %swap3A_109 = arith.constant 112 : index
        %swap3A_110 = tpu.vector_load %arg17[%swap3A_108, %swap3A_109] {strides = array<i32>} : memref<16x128xf32, #tpu.memory_space<vmem>>, vector<1x16xf32>,
        %swap3A_111 = vector.shape_cast %swap3A_110 : vector<1x16xf32> to vector<16xf32>
        %swap3A_112 = vector.shape_cast %broadcast_in_dim3A_16 : vector<16xf32> to vector<1x16xf32>
        tpu.vector_store %arg17[%swap3A_108, %swap3A_109], %swap3A_112 {strides = array<i32>} : memref<16x128xf32, #tpu.memory_space<vmem>>, vector<1x16xf32>,
      }
      %scan3A_21 = arith.constant 16 : i32
      %eq3A_22 = arith.constant 15 : i32
      %eq3A_23 = arith.cmpi eq, %arg1, %eq3A_22 : i32
      %jit3A = arith.constant 40 : i32
      %jit3A_24 = arith.constant 39 : i32
      %select_n3A = arith.select %eq3A_23, %jit3A, %jit3A_24 : i32
      %while3A = arith.constant 0 : i32
      %while3A_25 = arith.constant 0 : i32
      %while3A_26 = arith.subi %select_n3A, %while3A_25 : i32
      %while3A_27 = arith.addi %while3A_25, %while3A_26 : i32
      %while3A_28 = arith.constant 1 : i32
      %while3A_29 = arith.divsi %while3A_26, %while3A_28 : i32
      %while3A_30 = arith.muli %while3A_29, %while3A_28 : i32
      %while3A_31 = arith.addi %while3A_25, %while3A_30 : i32
      %while3A_32 = arith.constant 1 : i32
      scf.for %while3A_73 = %while3A_25 to %while3A_31 step %while3A_32  : i32 {
        %mul3A_74 = arith.constant 624 : i32
        %mul3A_75 = arith.muli %arg1, %mul3A_74 : i32
        %mul3A_76 = arith.constant 16 : i32
        %mul3A_77 = arith.muli %while3A_73, %mul3A_76 : i32
        %add3A_78 = arith.addi %mul3A_75, %mul3A_77 : i32
        %dma_start3A_79 = arith.constant 0 : i32
        %dma_start3A_80 = tpu.memref_slice %arg18[%add3A_78, %dma_start3A_79] : memref<10016x128xf32, #tpu.memory_space<vmem_shared>> -> memref<16x128xf32, #tpu.memory_space<vmem_shared>>
        %dma_start3A_81 = arith.constant 0 : i32
        %dma_start3A_82 = tpu.memref_slice %arg18[%add3A_78, %dma_start3A_81] : memref<10016x128xf32, #tpu.memory_space<vmem_shared>> -> memref<16x128xf32, #tpu.memory_space<vmem_shared>>
        tpu.enqueue_dma source(%arg17 : memref<16x128xf32, #tpu.memory_space<vmem>>) target(%dma_start3A_82 : memref<16x128xf32, #tpu.memory_space<vmem_shared>>) target_semaphore(%arg25 : memref<!tpu.dma_semaphore, #tpu.memory_space<semaphore_mem>>)
      }
      %while3A_33 = arith.constant 1 : i32
      scf.for %while3A_73 = %while3A_31 to %while3A_27 step %while3A_33  : i32 {
        %mul3A_74 = arith.constant 624 : i32
        %mul3A_75 = arith.muli %arg1, %mul3A_74 : i32
        %mul3A_76 = arith.constant 16 : i32
        %mul3A_77 = arith.muli %while3A_73, %mul3A_76 : i32
        %add3A_78 = arith.addi %mul3A_75, %mul3A_77 : i32
        %dma_start3A_79 = arith.constant 0 : i32
        %dma_start3A_80 = tpu.memref_slice %arg18[%add3A_78, %dma_start3A_79] : memref<10016x128xf32, #tpu.memory_space<vmem_shared>> -> memref<16x128xf32, #tpu.memory_space<vmem_shared>>
        %dma_start3A_81 = arith.constant 0 : i32
        %dma_start3A_82 = tpu.memref_slice %arg18[%add3A_78, %dma_start3A_81] : memref<10016x128xf32, #tpu.memory_space<vmem_shared>> -> memref<16x128xf32, #tpu.memory_space<vmem_shared>>
        tpu.enqueue_dma source(%arg17 : memref<16x128xf32, #tpu.memory_space<vmem>>) target(%dma_start3A_82 : memref<16x128xf32, #tpu.memory_space<vmem_shared>>) target_semaphore(%arg25 : memref<!tpu.dma_semaphore, #tpu.memory_space<semaphore_mem>>)
      }
      %while3A_34 = arith.constant 0 : i32
      %while3A_35 = arith.constant 0 : i32
      %while3A_36 = arith.subi %select_n3A, %while3A_35 : i32
      %while3A_37 = arith.addi %while3A_35, %while3A_36 : i32
      %while3A_38 = arith.constant 1 : i32
      %while3A_39 = arith.divsi %while3A_36, %while3A_38 : i32
      %while3A_40 = arith.muli %while3A_39, %while3A_38 : i32
      %while3A_41 = arith.addi %while3A_35, %while3A_40 : i32
      %while3A_42 = arith.constant 1 : i32
      scf.for %while3A_73 = %while3A_35 to %while3A_41 step %while3A_42  : i32 {
        %dma_wait3A_74 = arith.constant 0 : i32
        %dma_wait3A_75 = arith.constant 0 : i32
        %dma_wait3A_76 = tpu.memref_slice %arg18[%dma_wait3A_74, %dma_wait3A_75] : memref<10016x128xf32, #tpu.memory_space<vmem_shared>> -> memref<16x128xf32, #tpu.memory_space<vmem_shared>>
        %dma_wait3A_77 = arith.constant 0 : i32
        %dma_wait3A_78 = arith.constant 0 : i32
        %dma_wait3A_79 = tpu.memref_slice %arg18[%dma_wait3A_77, %dma_wait3A_78] : memref<10016x128xf32, #tpu.memory_space<vmem_shared>> -> memref<16x128xf32, #tpu.memory_space<vmem_shared>>
        tpu.wait_dma2 semaphore(%arg25 : memref<!tpu.dma_semaphore, #tpu.memory_space<semaphore_mem>>) src(%arg17 : memref<16x128xf32, #tpu.memory_space<vmem>>) dst(%dma_wait3A_79 : memref<16x128xf32, #tpu.memory_space<vmem_shared>>)
      }
      %while3A_43 = arith.constant 1 : i32
      scf.for %while3A_73 = %while3A_41 to %while3A_37 step %while3A_43  : i32 {
        %dma_wait3A_74 = arith.constant 0 : i32
        %dma_wait3A_75 = arith.constant 0 : i32
        %dma_wait3A_76 = tpu.memref_slice %arg18[%dma_wait3A_74, %dma_wait3A_75] : memref<10016x128xf32, #tpu.memory_space<vmem_shared>> -> memref<16x128xf32, #tpu.memory_space<vmem_shared>>
        %dma_wait3A_77 = arith.constant 0 : i32
        %dma_wait3A_78 = arith.constant 0 : i32
        %dma_wait3A_79 = tpu.memref_slice %arg18[%dma_wait3A_77, %dma_wait3A_78] : memref<10016x128xf32, #tpu.memory_space<vmem_shared>> -> memref<16x128xf32, #tpu.memory_space<vmem_shared>>
        tpu.wait_dma2 semaphore(%arg25 : memref<!tpu.dma_semaphore, #tpu.memory_space<semaphore_mem>>) src(%arg17 : memref<16x128xf32, #tpu.memory_space<vmem>>) dst(%dma_wait3A_79 : memref<16x128xf32, #tpu.memory_space<vmem_shared>>)
      }
      %barrier3A = arith.constant 0 : index
      tpu.barrier barrier_id(%barrier3A)
      %scan3A_44 = arith.constant 0 : i32
      %scan3A_45 = arith.constant 0 : i32
      %scan3A_46 = arith.constant 39 : i32
      %scan3A_47 = arith.addi %scan3A_45, %scan3A_46 : i32
      %scan3A_48 = arith.constant 1 : i32
      scf.for %scan3A_73 = %scan3A_45 to %scan3A_47 step %scan3A_48  : i32 {
        %mul3A_74 = arith.constant 2 : i32
        %mul3A_75 = arith.muli %scan3A_73, %mul3A_74 : i32
        %dma_wait3A_76 = arith.constant 0 : i32
        %dma_wait3A_77 = arith.constant 0 : i32
        %dma_wait3A_78 = tpu.memref_slice %arg3[%dma_wait3A_76, %dma_wait3A_77] : memref<10000x128xf32, #tpu.memory_space<hbm>> -> memref<10000x128xf32, #tpu.memory_space<hbm>>
        tpu.wait_indirect_dma semaphore(%arg19 : memref<!tpu.dma_semaphore, #tpu.memory_space<semaphore_mem>>) src(%dma_wait3A_78 : memref<10000x128xf32, #tpu.memory_space<hbm>>) dst(%arg12 : memref<128x128xf32, #tpu.memory_space<vmem>>)
        %add3A_79 = arith.constant 2 : i32
        %add3A_80 = arith.addi %mul3A_75, %add3A_79 : i32
        %lt3A = arith.constant 78 : i32
        %lt3A_81 = arith.cmpi slt, %add3A_80, %lt3A : i32
        %convert_element_type3A_82 = arith.extui %lt3A_81 : i1 to i32
        %cond3A_83 = arith.constant 0 : i32
        %cond3A_84 = arith.cmpi ne, %convert_element_type3A_82, %cond3A_83 : i32
        scf.if %cond3A_84 {
          %add3A_115 = arith.constant 2 : i32
          %add3A_116 = arith.addi %mul3A_75, %add3A_115 : i32
          %mul3A_117 = arith.constant 128 : i32
          %mul3A_118 = arith.muli %add3A_116, %mul3A_117 : i32
          %add3A_119 = arith.addi %mul3A_0, %mul3A_118 : i32
          %dma_start3A_120 = tpu.memref_slice %arg4[%add3A_119] : memref<160000xi32, #tpu.memory_space<hbm>> -> memref<128xi32, #tpu.memory_space<hbm>>
          %dma_start3A_121 = tpu.memref_slice %arg4[%add3A_119] : memref<160000xi32, #tpu.memory_space<hbm>> -> memref<128xi32, #tpu.memory_space<hbm>>
          tpu.enqueue_dma source(%dma_start3A_121 : memref<128xi32, #tpu.memory_space<hbm>>) target(%arg8 : memref<128xi32, #tpu.memory_space<vmem>>) target_semaphore(%arg23 : memref<!tpu.dma_semaphore, #tpu.memory_space<semaphore_mem>>)
        } else {
        }
        %dma_start3A_85 = arith.constant 0 : i32
        %dma_start3A_86 = arith.constant 0 : i32
        %dma_start3A_87 = tpu.memref_slice %arg18[%dma_start3A_85, %dma_start3A_86] : memref<10016x128xf32, #tpu.memory_space<vmem_shared>> -> memref<10016x128xf32, #tpu.memory_space<vmem_shared>>
        tpu.enqueue_indirect_dma source(%arg12 : memref<128x128xf32, #tpu.memory_space<vmem>>) target(%dma_start3A_87 : memref<10016x128xf32, #tpu.memory_space<vmem_shared>>) offsets(%arg10 : memref<128xi32, #tpu.memory_space<vmem>>) semaphore(%arg21 : memref<!tpu.dma_semaphore, #tpu.memory_space<semaphore_mem>>) {add = true}
        %dma_wait3A_88 = arith.constant 0 : i32
        %dma_wait3A_89 = arith.constant 0 : i32
        %dma_wait3A_90 = tpu.memref_slice %arg3[%dma_wait3A_88, %dma_wait3A_89] : memref<10000x128xf32, #tpu.memory_space<hbm>> -> memref<10000x128xf32, #tpu.memory_space<hbm>>
        tpu.wait_indirect_dma semaphore(%arg20 : memref<!tpu.dma_semaphore, #tpu.memory_space<semaphore_mem>>) src(%dma_wait3A_90 : memref<10000x128xf32, #tpu.memory_space<hbm>>) dst(%arg13 : memref<128x128xf32, #tpu.memory_space<vmem>>)
        %add3A_91 = arith.constant 3 : i32
        %add3A_92 = arith.addi %mul3A_75, %add3A_91 : i32
        %lt3A_93 = arith.constant 78 : i32
        %lt3A_94 = arith.cmpi slt, %add3A_92, %lt3A_93 : i32
        %convert_element_type3A_95 = arith.extui %lt3A_94 : i1 to i32
        %cond3A_96 = arith.constant 0 : i32
        %cond3A_97 = arith.cmpi ne, %convert_element_type3A_95, %cond3A_96 : i32
        scf.if %cond3A_97 {
          %add3A_115 = arith.constant 3 : i32
          %add3A_116 = arith.addi %mul3A_75, %add3A_115 : i32
          %mul3A_117 = arith.constant 128 : i32
          %mul3A_118 = arith.muli %add3A_116, %mul3A_117 : i32
          %add3A_119 = arith.addi %mul3A_0, %mul3A_118 : i32
          %dma_start3A_120 = tpu.memref_slice %arg4[%add3A_119] : memref<160000xi32, #tpu.memory_space<hbm>> -> memref<128xi32, #tpu.memory_space<hbm>>
          %dma_start3A_121 = tpu.memref_slice %arg4[%add3A_119] : memref<160000xi32, #tpu.memory_space<hbm>> -> memref<128xi32, #tpu.memory_space<hbm>>
          tpu.enqueue_dma source(%dma_start3A_121 : memref<128xi32, #tpu.memory_space<hbm>>) target(%arg9 : memref<128xi32, #tpu.memory_space<vmem>>) target_semaphore(%arg24 : memref<!tpu.dma_semaphore, #tpu.memory_space<semaphore_mem>>)
        } else {
        }
        %dma_start3A_98 = arith.constant 0 : i32
        %dma_start3A_99 = arith.constant 0 : i32
        %dma_start3A_100 = tpu.memref_slice %arg18[%dma_start3A_98, %dma_start3A_99] : memref<10016x128xf32, #tpu.memory_space<vmem_shared>> -> memref<10016x128xf32, #tpu.memory_space<vmem_shared>>
        tpu.enqueue_indirect_dma source(%arg13 : memref<128x128xf32, #tpu.memory_space<vmem>>) target(%dma_start3A_100 : memref<10016x128xf32, #tpu.memory_space<vmem_shared>>) offsets(%arg11 : memref<128xi32, #tpu.memory_space<vmem>>) semaphore(%arg22 : memref<!tpu.dma_semaphore, #tpu.memory_space<semaphore_mem>>) {add = true}
        %add3A_101 = arith.constant 2 : i32
        %add3A_102 = arith.addi %mul3A_75, %add3A_101 : i32
        %lt3A_103 = arith.constant 78 : i32
        %lt3A_104 = arith.cmpi slt, %add3A_102, %lt3A_103 : i32
        %convert_element_type3A_105 = arith.extui %lt3A_104 : i1 to i32
        %cond3A_106 = arith.constant 0 : i32
        %cond3A_107 = arith.cmpi ne, %convert_element_type3A_105, %cond3A_106 : i32
        scf.if %cond3A_107 {
          %dma_wait3A_115 = arith.constant 0 : i32
          %dma_wait3A_116 = arith.constant 0 : i32
          %dma_wait3A_117 = tpu.memref_slice %arg18[%dma_wait3A_115, %dma_wait3A_116] : memref<10016x128xf32, #tpu.memory_space<vmem_shared>> -> memref<10016x128xf32, #tpu.memory_space<vmem_shared>>
          tpu.wait_indirect_dma semaphore(%arg21 : memref<!tpu.dma_semaphore, #tpu.memory_space<semaphore_mem>>) src(%arg12 : memref<128x128xf32, #tpu.memory_space<vmem>>) dst(%dma_wait3A_117 : memref<10016x128xf32, #tpu.memory_space<vmem_shared>>)
          %add3A_118 = arith.constant 2 : i32
          %add3A_119 = arith.addi %mul3A_75, %add3A_118 : i32
          %mul3A_120 = arith.constant 128 : i32
          %mul3A_121 = arith.muli %add3A_119, %mul3A_120 : i32
          %add3A_122 = arith.addi %mul3A_0, %mul3A_121 : i32
          "tpu.region"() ({
            %run_scoped3A = tpu.sem_alloc : memref<!tpu.dma_semaphore, #tpu.memory_space<semaphore_mem>>
            %dma_start3A_130 = tpu.memref_slice %arg5[%add3A_122] : memref<160000xi32, #tpu.memory_space<hbm>> -> memref<128xi32, #tpu.memory_space<hbm>>
            %dma_start3A_131 = tpu.memref_slice %arg5[%add3A_122] : memref<160000xi32, #tpu.memory_space<hbm>> -> memref<128xi32, #tpu.memory_space<hbm>>
            tpu.enqueue_dma source(%dma_start3A_131 : memref<128xi32, #tpu.memory_space<hbm>>) target(%arg10 : memref<128xi32, #tpu.memory_space<vmem>>) target_semaphore(%run_scoped3A : memref<!tpu.dma_semaphore, #tpu.memory_space<semaphore_mem>>)
            %dma_wait3A_132 = tpu.memref_slice %arg5[%add3A_122] : memref<160000xi32, #tpu.memory_space<hbm>> -> memref<128xi32, #tpu.memory_space<hbm>>
            %dma_wait3A_133 = tpu.memref_slice %arg5[%add3A_122] : memref<160000xi32, #tpu.memory_space<hbm>> -> memref<128xi32, #tpu.memory_space<hbm>>
            tpu.wait_dma2 semaphore(%run_scoped3A : memref<!tpu.dma_semaphore, #tpu.memory_space<semaphore_mem>>) src(%dma_wait3A_133 : memref<128xi32, #tpu.memory_space<hbm>>) dst(%arg10 : memref<128xi32, #tpu.memory_space<vmem>>)
            tpu.yield
          }) : () -> ()
          %dma_wait3A_123 = arith.constant 0 : i32
          %dma_wait3A_124 = tpu.memref_slice %arg4[%dma_wait3A_123] : memref<160000xi32, #tpu.memory_space<hbm>> -> memref<128xi32, #tpu.memory_space<hbm>>
          %dma_wait3A_125 = arith.constant 0 : i32
          %dma_wait3A_126 = tpu.memref_slice %arg4[%dma_wait3A_125] : memref<160000xi32, #tpu.memory_space<hbm>> -> memref<128xi32, #tpu.memory_space<hbm>>
          tpu.wait_dma2 semaphore(%arg23 : memref<!tpu.dma_semaphore, #tpu.memory_space<semaphore_mem>>) src(%dma_wait3A_126 : memref<128xi32, #tpu.memory_space<hbm>>) dst(%arg8 : memref<128xi32, #tpu.memory_space<vmem>>)
          %dma_start3A_127 = arith.constant 0 : i32
          %dma_start3A_128 = arith.constant 0 : i32
          %dma_start3A_129 = tpu.memref_slice %arg3[%dma_start3A_127, %dma_start3A_128] : memref<10000x128xf32, #tpu.memory_space<hbm>> -> memref<10000x128xf32, #tpu.memory_space<hbm>>
          tpu.enqueue_indirect_dma source(%dma_start3A_129 : memref<10000x128xf32, #tpu.memory_space<hbm>>) target(%arg12 : memref<128x128xf32, #tpu.memory_space<vmem>>) offsets(%arg8 : memref<128xi32, #tpu.memory_space<vmem>>) semaphore(%arg19 : memref<!tpu.dma_semaphore, #tpu.memory_space<semaphore_mem>>)
        } else {
        }
        %add3A_108 = arith.constant 3 : i32
        %add3A_109 = arith.addi %mul3A_75, %add3A_108 : i32
        %lt3A_110 = arith.constant 78 : i32
        %lt3A_111 = arith.cmpi slt, %add3A_109, %lt3A_110 : i32
        %convert_element_type3A_112 = arith.extui %lt3A_111 : i1 to i32
        %cond3A_113 = arith.constant 0 : i32
        %cond3A_114 = arith.cmpi ne, %convert_element_type3A_112, %cond3A_113 : i32
        scf.if %cond3A_114 {
          %dma_wait3A_115 = arith.constant 0 : i32
          %dma_wait3A_116 = arith.constant 0 : i32
          %dma_wait3A_117 = tpu.memref_slice %arg18[%dma_wait3A_115, %dma_wait3A_116] : memref<10016x128xf32, #tpu.memory_space<vmem_shared>> -> memref<10016x128xf32, #tpu.memory_space<vmem_shared>>
          tpu.wait_indirect_dma semaphore(%arg22 : memref<!tpu.dma_semaphore, #tpu.memory_space<semaphore_mem>>) src(%arg13 : memref<128x128xf32, #tpu.memory_space<vmem>>) dst(%dma_wait3A_117 : memref<10016x128xf32, #tpu.memory_space<vmem_shared>>)
          %add3A_118 = arith.constant 3 : i32
          %add3A_119 = arith.addi %mul3A_75, %add3A_118 : i32
          %mul3A_120 = arith.constant 128 : i32
          %mul3A_121 = arith.muli %add3A_119, %mul3A_120 : i32
          %add3A_122 = arith.addi %mul3A_0, %mul3A_121 : i32
          "tpu.region"() ({
            %run_scoped3A = tpu.sem_alloc : memref<!tpu.dma_semaphore, #tpu.memory_space<semaphore_mem>>
            %dma_start3A_130 = tpu.memref_slice %arg5[%add3A_122] : memref<160000xi32, #tpu.memory_space<hbm>> -> memref<128xi32, #tpu.memory_space<hbm>>
            %dma_start3A_131 = tpu.memref_slice %arg5[%add3A_122] : memref<160000xi32, #tpu.memory_space<hbm>> -> memref<128xi32, #tpu.memory_space<hbm>>
            tpu.enqueue_dma source(%dma_start3A_131 : memref<128xi32, #tpu.memory_space<hbm>>) target(%arg11 : memref<128xi32, #tpu.memory_space<vmem>>) target_semaphore(%run_scoped3A : memref<!tpu.dma_semaphore, #tpu.memory_space<semaphore_mem>>)
            %dma_wait3A_132 = tpu.memref_slice %arg5[%add3A_122] : memref<160000xi32, #tpu.memory_space<hbm>> -> memref<128xi32, #tpu.memory_space<hbm>>
            %dma_wait3A_133 = tpu.memref_slice %arg5[%add3A_122] : memref<160000xi32, #tpu.memory_space<hbm>> -> memref<128xi32, #tpu.memory_space<hbm>>
            tpu.wait_dma2 semaphore(%run_scoped3A : memref<!tpu.dma_semaphore, #tpu.memory_space<semaphore_mem>>) src(%dma_wait3A_133 : memref<128xi32, #tpu.memory_space<hbm>>) dst(%arg11 : memref<128xi32, #tpu.memory_space<vmem>>)
            tpu.yield
          }) : () -> ()
          %dma_wait3A_123 = arith.constant 0 : i32
          %dma_wait3A_124 = tpu.memref_slice %arg4[%dma_wait3A_123] : memref<160000xi32, #tpu.memory_space<hbm>> -> memref<128xi32, #tpu.memory_space<hbm>>
          %dma_wait3A_125 = arith.constant 0 : i32
          %dma_wait3A_126 = tpu.memref_slice %arg4[%dma_wait3A_125] : memref<160000xi32, #tpu.memory_space<hbm>> -> memref<128xi32, #tpu.memory_space<hbm>>
          tpu.wait_dma2 semaphore(%arg24 : memref<!tpu.dma_semaphore, #tpu.memory_space<semaphore_mem>>) src(%dma_wait3A_126 : memref<128xi32, #tpu.memory_space<hbm>>) dst(%arg9 : memref<128xi32, #tpu.memory_space<vmem>>)
          %dma_start3A_127 = arith.constant 0 : i32
          %dma_start3A_128 = arith.constant 0 : i32
          %dma_start3A_129 = tpu.memref_slice %arg3[%dma_start3A_127, %dma_start3A_128] : memref<10000x128xf32, #tpu.memory_space<hbm>> -> memref<10000x128xf32, #tpu.memory_space<hbm>>
          tpu.enqueue_indirect_dma source(%dma_start3A_129 : memref<10000x128xf32, #tpu.memory_space<hbm>>) target(%arg13 : memref<128x128xf32, #tpu.memory_space<vmem>>) offsets(%arg9 : memref<128xi32, #tpu.memory_space<vmem>>) semaphore(%arg20 : memref<!tpu.dma_semaphore, #tpu.memory_space<semaphore_mem>>)
        } else {
        }
      }
      %scan3A_49 = arith.constant 39 : i32
      %dma_wait3A = arith.constant 0 : i32
      %dma_wait3A_50 = arith.constant 0 : i32
      %dma_wait3A_51 = tpu.memref_slice %arg18[%dma_wait3A, %dma_wait3A_50] : memref<10016x128xf32, #tpu.memory_space<vmem_shared>> -> memref<10016x128xf32, #tpu.memory_space<vmem_shared>>
      tpu.wait_indirect_dma semaphore(%arg21 : memref<!tpu.dma_semaphore, #tpu.memory_space<semaphore_mem>>) src(%arg12 : memref<128x128xf32, #tpu.memory_space<vmem>>) dst(%dma_wait3A_51 : memref<10016x128xf32, #tpu.memory_space<vmem_shared>>)
      %dma_wait3A_52 = arith.constant 0 : i32
      %dma_wait3A_53 = arith.constant 0 : i32
      %dma_wait3A_54 = tpu.memref_slice %arg18[%dma_wait3A_52, %dma_wait3A_53] : memref<10016x128xf32, #tpu.memory_space<vmem_shared>> -> memref<10016x128xf32, #tpu.memory_space<vmem_shared>>
      tpu.wait_indirect_dma semaphore(%arg22 : memref<!tpu.dma_semaphore, #tpu.memory_space<semaphore_mem>>) src(%arg13 : memref<128x128xf32, #tpu.memory_space<vmem>>) dst(%dma_wait3A_54 : memref<10016x128xf32, #tpu.memory_space<vmem_shared>>)
      %add3A_55 = arith.constant 9984 : i32
      %add3A_56 = arith.addi %mul3A_0, %add3A_55 : i32
      "tpu.region"() ({
        %run_scoped3A = tpu.sem_alloc : memref<!tpu.dma_semaphore, #tpu.memory_space<semaphore_mem>>
        %dma_start3A_73 = tpu.memref_slice %arg4[%add3A_56] : memref<160000xi32, #tpu.memory_space<hbm>> -> memref<16xi32, #tpu.memory_space<hbm>>
        %dma_start3A_74 = tpu.memref_slice %arg4[%add3A_56] : memref<160000xi32, #tpu.memory_space<hbm>> -> memref<16xi32, #tpu.memory_space<hbm>>
        tpu.enqueue_dma source(%dma_start3A_74 : memref<16xi32, #tpu.memory_space<hbm>>) target(%arg14 : memref<16xi32, #tpu.memory_space<vmem>>) target_semaphore(%run_scoped3A : memref<!tpu.dma_semaphore, #tpu.memory_space<semaphore_mem>>)
        %dma_wait3A_75 = tpu.memref_slice %arg4[%add3A_56] : memref<160000xi32, #tpu.memory_space<hbm>> -> memref<16xi32, #tpu.memory_space<hbm>>
        %dma_wait3A_76 = tpu.memref_slice %arg4[%add3A_56] : memref<160000xi32, #tpu.memory_space<hbm>> -> memref<16xi32, #tpu.memory_space<hbm>>
        tpu.wait_dma2 semaphore(%run_scoped3A : memref<!tpu.dma_semaphore, #tpu.memory_space<semaphore_mem>>) src(%dma_wait3A_76 : memref<16xi32, #tpu.memory_space<hbm>>) dst(%arg14 : memref<16xi32, #tpu.memory_space<vmem>>)
        tpu.yield
      }) : () -> ()
      "tpu.region"() ({
        %run_scoped3A = tpu.sem_alloc : memref<!tpu.dma_semaphore, #tpu.memory_space<semaphore_mem>>
        %dma_start3A_73 = tpu.memref_slice %arg5[%add3A_56] : memref<160000xi32, #tpu.memory_space<hbm>> -> memref<16xi32, #tpu.memory_space<hbm>>
        %dma_start3A_74 = tpu.memref_slice %arg5[%add3A_56] : memref<160000xi32, #tpu.memory_space<hbm>> -> memref<16xi32, #tpu.memory_space<hbm>>
        tpu.enqueue_dma source(%dma_start3A_74 : memref<16xi32, #tpu.memory_space<hbm>>) target(%arg15 : memref<16xi32, #tpu.memory_space<vmem>>) target_semaphore(%run_scoped3A : memref<!tpu.dma_semaphore, #tpu.memory_space<semaphore_mem>>)
        %dma_wait3A_75 = tpu.memref_slice %arg5[%add3A_56] : memref<160000xi32, #tpu.memory_space<hbm>> -> memref<16xi32, #tpu.memory_space<hbm>>
        %dma_wait3A_76 = tpu.memref_slice %arg5[%add3A_56] : memref<160000xi32, #tpu.memory_space<hbm>> -> memref<16xi32, #tpu.memory_space<hbm>>
        tpu.wait_dma2 semaphore(%run_scoped3A : memref<!tpu.dma_semaphore, #tpu.memory_space<semaphore_mem>>) src(%dma_wait3A_76 : memref<16xi32, #tpu.memory_space<hbm>>) dst(%arg15 : memref<16xi32, #tpu.memory_space<vmem>>)
        tpu.yield
      }) : () -> ()
      %dma_start3A_57 = arith.constant 0 : i32
      %dma_start3A_58 = arith.constant 0 : i32
      %dma_start3A_59 = tpu.memref_slice %arg3[%dma_start3A_57, %dma_start3A_58] : memref<10000x128xf32, #tpu.memory_space<hbm>> -> memref<10000x128xf32, #tpu.memory_space<hbm>>
      tpu.enqueue_indirect_dma source(%dma_start3A_59 : memref<10000x128xf32, #tpu.memory_space<hbm>>) target(%arg16 : memref<16x128xf32, #tpu.memory_space<vmem>>) offsets(%arg14 : memref<16xi32, #tpu.memory_space<vmem>>) semaphore(%arg19 : memref<!tpu.dma_semaphore, #tpu.memory_space<semaphore_mem>>)
      %dma_wait3A_60 = arith.constant 0 : i32
      %dma_wait3A_61 = arith.constant 0 : i32
      %dma_wait3A_62 = tpu.memref_slice %arg3[%dma_wait3A_60, %dma_wait3A_61] : memref<10000x128xf32, #tpu.memory_space<hbm>> -> memref<10000x128xf32, #tpu.memory_space<hbm>>
      tpu.wait_indirect_dma semaphore(%arg19 : memref<!tpu.dma_semaphore, #tpu.memory_space<semaphore_mem>>) src(%dma_wait3A_62 : memref<10000x128xf32, #tpu.memory_space<hbm>>) dst(%arg16 : memref<16x128xf32, #tpu.memory_space<vmem>>)
      "tpu.region"() ({
        %run_scoped3A = tpu.sem_alloc : memref<!tpu.dma_semaphore, #tpu.memory_space<semaphore_mem>>
        %dma_start3A_73 = arith.constant 0 : i32
        %dma_start3A_74 = arith.constant 0 : i32
        %dma_start3A_75 = tpu.memref_slice %arg18[%dma_start3A_73, %dma_start3A_74] : memref<10016x128xf32, #tpu.memory_space<vmem_shared>> -> memref<10016x128xf32, #tpu.memory_space<vmem_shared>>
        tpu.enqueue_indirect_dma source(%arg16 : memref<16x128xf32, #tpu.memory_space<vmem>>) target(%dma_start3A_75 : memref<10016x128xf32, #tpu.memory_space<vmem_shared>>) offsets(%arg15 : memref<16xi32, #tpu.memory_space<vmem>>) semaphore(%run_scoped3A : memref<!tpu.dma_semaphore, #tpu.memory_space<semaphore_mem>>) {add = true}
        %dma_wait3A_76 = arith.constant 0 : i32
        %dma_wait3A_77 = arith.constant 0 : i32
        %dma_wait3A_78 = tpu.memref_slice %arg18[%dma_wait3A_76, %dma_wait3A_77] : memref<10016x128xf32, #tpu.memory_space<vmem_shared>> -> memref<10016x128xf32, #tpu.memory_space<vmem_shared>>
        tpu.wait_indirect_dma semaphore(%run_scoped3A : memref<!tpu.dma_semaphore, #tpu.memory_space<semaphore_mem>>) src(%arg16 : memref<16x128xf32, #tpu.memory_space<vmem>>) dst(%dma_wait3A_78 : memref<10016x128xf32, #tpu.memory_space<vmem_shared>>)
        tpu.yield
      }) : () -> ()
      %barrier3A_63 = arith.constant 0 : index
      tpu.barrier barrier_id(%barrier3A_63)
      %mul3A_64 = arith.constant 624 : i32
      %mul3A_65 = arith.muli %arg1, %mul3A_64 : i32
      %mul3A_66 = arith.constant 624 : i32
      %mul3A_67 = arith.muli %arg1, %mul3A_66 : i32
      "tpu.region"() ({
        %run_scoped3A = tpu.sem_alloc : memref<!tpu.dma_semaphore, #tpu.memory_space<semaphore_mem>>
        %dma_start3A_73 = arith.constant 0 : i32
        %dma_start3A_74 = tpu.memref_slice %arg7[%mul3A_67, %dma_start3A_73] : memref<10000x128xf32, #tpu.memory_space<hbm>> -> memref<624x128xf32, #tpu.memory_space<hbm>>
        %dma_start3A_75 = arith.constant 0 : i32
        %dma_start3A_76 = tpu.memref_slice %arg18[%mul3A_65, %dma_start3A_75] : memref<10016x128xf32, #tpu.memory_space<vmem_shared>> -> memref<624x128xf32, #tpu.memory_space<vmem_shared>>
        tpu.enqueue_dma source(%dma_start3A_76 : memref<624x128xf32, #tpu.memory_space<vmem_shared>>) target(%dma_start3A_74 : memref<624x128xf32, #tpu.memory_space<hbm>>) target_semaphore(%run_scoped3A : memref<!tpu.dma_semaphore, #tpu.memory_space<semaphore_mem>>)
        %dma_wait3A_77 = arith.constant 0 : i32
        %dma_wait3A_78 = tpu.memref_slice %arg7[%mul3A_67, %dma_wait3A_77] : memref<10000x128xf32, #tpu.memory_space<hbm>> -> memref<624x128xf32, #tpu.memory_space<hbm>>
        %dma_wait3A_79 = arith.constant 0 : i32
        %dma_wait3A_80 = tpu.memref_slice %arg18[%mul3A_65, %dma_wait3A_79] : memref<10016x128xf32, #tpu.memory_space<vmem_shared>> -> memref<624x128xf32, #tpu.memory_space<vmem_shared>>
        tpu.wait_dma2 semaphore(%run_scoped3A : memref<!tpu.dma_semaphore, #tpu.memory_space<semaphore_mem>>) src(%dma_wait3A_80 : memref<624x128xf32, #tpu.memory_space<vmem_shared>>) dst(%dma_wait3A_78 : memref<624x128xf32, #tpu.memory_space<hbm>>)
        tpu.yield
      }) : () -> ()
      %eq3A_68 = arith.constant 15 : i32
      %eq3A_69 = arith.cmpi eq, %arg1, %eq3A_68 : i32
      %convert_element_type3A_70 = arith.extui %eq3A_69 : i1 to i32
      %cond3A_71 = arith.constant 0 : i32
      %cond3A_72 = arith.cmpi ne, %convert_element_type3A_70, %cond3A_71 : i32
      scf.if %cond3A_72 {
        "tpu.region"() ({
          %run_scoped3A = tpu.sem_alloc : memref<!tpu.dma_semaphore, #tpu.memory_space<semaphore_mem>>
          %dma_start3A_73 = arith.constant 9984 : i32
          %dma_start3A_74 = arith.constant 0 : i32
          %dma_start3A_75 = tpu.memref_slice %arg7[%dma_start3A_73, %dma_start3A_74] : memref<10000x128xf32, #tpu.memory_space<hbm>> -> memref<16x128xf32, #tpu.memory_space<hbm>>
          %dma_start3A_76 = arith.constant 9984 : i32
          %dma_start3A_77 = arith.constant 0 : i32
          %dma_start3A_78 = tpu.memref_slice %arg18[%dma_start3A_76, %dma_start3A_77] : memref<10016x128xf32, #tpu.memory_space<vmem_shared>> -> memref<16x128xf32, #tpu.memory_space<vmem_shared>>
          tpu.enqueue_dma source(%dma_start3A_78 : memref<16x128xf32, #tpu.memory_space<vmem_shared>>) target(%dma_start3A_75 : memref<16x128xf32, #tpu.memory_space<hbm>>) target_semaphore(%run_scoped3A : memref<!tpu.dma_semaphore, #tpu.memory_space<semaphore_mem>>)
          %dma_wait3A_79 = arith.constant 9984 : i32
          %dma_wait3A_80 = arith.constant 0 : i32
          %dma_wait3A_81 = tpu.memref_slice %arg7[%dma_wait3A_79, %dma_wait3A_80] : memref<10000x128xf32, #tpu.memory_space<hbm>> -> memref<16x128xf32, #tpu.memory_space<hbm>>
          %dma_wait3A_82 = arith.constant 9984 : i32
          %dma_wait3A_83 = arith.constant 0 : i32
          %dma_wait3A_84 = tpu.memref_slice %arg18[%dma_wait3A_82, %dma_wait3A_83] : memref<10016x128xf32, #tpu.memory_space<vmem_shared>> -> memref<16x128xf32, #tpu.memory_space<vmem_shared>>
          tpu.wait_dma2 semaphore(%run_scoped3A : memref<!tpu.dma_semaphore, #tpu.memory_space<semaphore_mem>>) src(%dma_wait3A_84 : memref<16x128xf32, #tpu.memory_space<vmem_shared>>) dst(%dma_wait3A_81 : memref<16x128xf32, #tpu.memory_space<hbm>>)
          tpu.yield
        }) : () -> ()
      } else {
      }
    } else {
    }
    return
  }
}

#map = affine_map<(d0, d1) -> (0, 0, 0)>
#map1 = affine_map<(d0, d1) -> (0)>
module attributes {stable_mosaic.version = 14 : i64} {
  func.func @_deg_body(%arg0: i32, %arg1: i32, %arg2: memref<32x40x128xi32, #tpu.memory_space<hbm>>, %arg3: memref<20480xf32, #tpu.memory_space<hbm>>, %arg4: memref<40x128xi32, #tpu.memory_space<vmem>>, %arg5: memref<128xf32, #tpu.memory_space<vmem>>, %arg6: memref<640xf32, #tpu.memory_space<vmem>>, %arg7: memref<10240xf32, #tpu.memory_space<vmem_shared>>, %arg8: memref<!tpu.dma_semaphore, #tpu.memory_space<semaphore_mem>>) attributes {dimension_semantics = [#tpu.dimension_semantics<core_parallel>, #tpu.dimension_semantics<subcore_parallel>], iteration_bounds = array<i64: 2, 16>, scalar_prefetch = 0 : i64, scratch_operands = 5 : i64, tpu.core_type = #tpu.core_type<sc_vector_subcore>, window_params = [{transform_indices = #map}, {transform_indices = #map1}]} {
    %mul3A = arith.constant 2 : i32
    %mul3A_0 = arith.muli %arg1, %mul3A : i32
    %add3A = arith.addi %mul3A_0, %arg0 : i32
    %broadcast_in_dim3A = arith.constant 1.000000e+00 : f32
    %broadcast_in_dim3A_1 = vector.broadcast %broadcast_in_dim3A : f32 to vector<16xf32>
    %broadcast_in_dim3A_2 = arith.constant 0.000000e+00 : f32
    %broadcast_in_dim3A_3 = vector.broadcast %broadcast_in_dim3A_2 : f32 to vector<16xf32>
    %swap3A = arith.constant 0 : index
    %swap3A_4 = tpu.vector_load %arg5[%swap3A] {strides = array<i32>} : memref<128xf32, #tpu.memory_space<vmem>>, vector<16xf32>,
    %swap3A_5 = vector.shape_cast %swap3A_4 : vector<16xf32> to vector<16xf32>
    %swap3A_6 = vector.shape_cast %broadcast_in_dim3A_1 : vector<16xf32> to vector<16xf32>
    tpu.vector_store %arg5[%swap3A], %swap3A_6 {strides = array<i32>} : memref<128xf32, #tpu.memory_space<vmem>>, vector<16xf32>,
    %swap3A_7 = arith.constant 16 : index
    %swap3A_8 = tpu.vector_load %arg5[%swap3A_7] {strides = array<i32>} : memref<128xf32, #tpu.memory_space<vmem>>, vector<16xf32>,
    %swap3A_9 = vector.shape_cast %swap3A_8 : vector<16xf32> to vector<16xf32>
    %swap3A_10 = vector.shape_cast %broadcast_in_dim3A_1 : vector<16xf32> to vector<16xf32>
    tpu.vector_store %arg5[%swap3A_7], %swap3A_10 {strides = array<i32>} : memref<128xf32, #tpu.memory_space<vmem>>, vector<16xf32>,
    %swap3A_11 = arith.constant 32 : index
    %swap3A_12 = tpu.vector_load %arg5[%swap3A_11] {strides = array<i32>} : memref<128xf32, #tpu.memory_space<vmem>>, vector<16xf32>,
    %swap3A_13 = vector.shape_cast %swap3A_12 : vector<16xf32> to vector<16xf32>
    %swap3A_14 = vector.shape_cast %broadcast_in_dim3A_1 : vector<16xf32> to vector<16xf32>
    tpu.vector_store %arg5[%swap3A_11], %swap3A_14 {strides = array<i32>} : memref<128xf32, #tpu.memory_space<vmem>>, vector<16xf32>,
    %swap3A_15 = arith.constant 48 : index
    %swap3A_16 = tpu.vector_load %arg5[%swap3A_15] {strides = array<i32>} : memref<128xf32, #tpu.memory_space<vmem>>, vector<16xf32>,
    %swap3A_17 = vector.shape_cast %swap3A_16 : vector<16xf32> to vector<16xf32>
    %swap3A_18 = vector.shape_cast %broadcast_in_dim3A_1 : vector<16xf32> to vector<16xf32>
    tpu.vector_store %arg5[%swap3A_15], %swap3A_18 {strides = array<i32>} : memref<128xf32, #tpu.memory_space<vmem>>, vector<16xf32>,
    %swap3A_19 = arith.constant 64 : index
    %swap3A_20 = tpu.vector_load %arg5[%swap3A_19] {strides = array<i32>} : memref<128xf32, #tpu.memory_space<vmem>>, vector<16xf32>,
    %swap3A_21 = vector.shape_cast %swap3A_20 : vector<16xf32> to vector<16xf32>
    %swap3A_22 = vector.shape_cast %broadcast_in_dim3A_1 : vector<16xf32> to vector<16xf32>
    tpu.vector_store %arg5[%swap3A_19], %swap3A_22 {strides = array<i32>} : memref<128xf32, #tpu.memory_space<vmem>>, vector<16xf32>,
    %swap3A_23 = arith.constant 80 : index
    %swap3A_24 = tpu.vector_load %arg5[%swap3A_23] {strides = array<i32>} : memref<128xf32, #tpu.memory_space<vmem>>, vector<16xf32>,
    %swap3A_25 = vector.shape_cast %swap3A_24 : vector<16xf32> to vector<16xf32>
    %swap3A_26 = vector.shape_cast %broadcast_in_dim3A_1 : vector<16xf32> to vector<16xf32>
    tpu.vector_store %arg5[%swap3A_23], %swap3A_26 {strides = array<i32>} : memref<128xf32, #tpu.memory_space<vmem>>, vector<16xf32>,
    %swap3A_27 = arith.constant 96 : index
    %swap3A_28 = tpu.vector_load %arg5[%swap3A_27] {strides = array<i32>} : memref<128xf32, #tpu.memory_space<vmem>>, vector<16xf32>,
    %swap3A_29 = vector.shape_cast %swap3A_28 : vector<16xf32> to vector<16xf32>
    %swap3A_30 = vector.shape_cast %broadcast_in_dim3A_1 : vector<16xf32> to vector<16xf32>
    tpu.vector_store %arg5[%swap3A_27], %swap3A_30 {strides = array<i32>} : memref<128xf32, #tpu.memory_space<vmem>>, vector<16xf32>,
    %swap3A_31 = arith.constant 112 : index
    %swap3A_32 = tpu.vector_load %arg5[%swap3A_31] {strides = array<i32>} : memref<128xf32, #tpu.memory_space<vmem>>, vector<16xf32>,
    %swap3A_33 = vector.shape_cast %swap3A_32 : vector<16xf32> to vector<16xf32>
    %swap3A_34 = vector.shape_cast %broadcast_in_dim3A_1 : vector<16xf32> to vector<16xf32>
    tpu.vector_store %arg5[%swap3A_31], %swap3A_34 {strides = array<i32>} : memref<128xf32, #tpu.memory_space<vmem>>, vector<16xf32>,
    %swap3A_35 = arith.constant 0 : index
    %swap3A_36 = tpu.vector_load %arg6[%swap3A_35] {strides = array<i32>} : memref<640xf32, #tpu.memory_space<vmem>>, vector<16xf32>,
    %swap3A_37 = vector.shape_cast %swap3A_36 : vector<16xf32> to vector<16xf32>
    %swap3A_38 = vector.shape_cast %broadcast_in_dim3A_3 : vector<16xf32> to vector<16xf32>
    tpu.vector_store %arg6[%swap3A_35], %swap3A_38 {strides = array<i32>} : memref<640xf32, #tpu.memory_space<vmem>>, vector<16xf32>,
    %swap3A_39 = arith.constant 16 : index
    %swap3A_40 = tpu.vector_load %arg6[%swap3A_39] {strides = array<i32>} : memref<640xf32, #tpu.memory_space<vmem>>, vector<16xf32>,
    %swap3A_41 = vector.shape_cast %swap3A_40 : vector<16xf32> to vector<16xf32>
    %swap3A_42 = vector.shape_cast %broadcast_in_dim3A_3 : vector<16xf32> to vector<16xf32>
    tpu.vector_store %arg6[%swap3A_39], %swap3A_42 {strides = array<i32>} : memref<640xf32, #tpu.memory_space<vmem>>, vector<16xf32>,
    %swap3A_43 = arith.constant 32 : index
    %swap3A_44 = tpu.vector_load %arg6[%swap3A_43] {strides = array<i32>} : memref<640xf32, #tpu.memory_space<vmem>>, vector<16xf32>,
    %swap3A_45 = vector.shape_cast %swap3A_44 : vector<16xf32> to vector<16xf32>
    %swap3A_46 = vector.shape_cast %broadcast_in_dim3A_3 : vector<16xf32> to vector<16xf32>
    tpu.vector_store %arg6[%swap3A_43], %swap3A_46 {strides = array<i32>} : memref<640xf32, #tpu.memory_space<vmem>>, vector<16xf32>,
    %swap3A_47 = arith.constant 48 : index
    %swap3A_48 = tpu.vector_load %arg6[%swap3A_47] {strides = array<i32>} : memref<640xf32, #tpu.memory_space<vmem>>, vector<16xf32>,
    %swap3A_49 = vector.shape_cast %swap3A_48 : vector<16xf32> to vector<16xf32>
    %swap3A_50 = vector.shape_cast %broadcast_in_dim3A_3 : vector<16xf32> to vector<16xf32>
    tpu.vector_store %arg6[%swap3A_47], %swap3A_50 {strides = array<i32>} : memref<640xf32, #tpu.memory_space<vmem>>, vector<16xf32>,
    %swap3A_51 = arith.constant 64 : index
    %swap3A_52 = tpu.vector_load %arg6[%swap3A_51] {strides = array<i32>} : memref<640xf32, #tpu.memory_space<vmem>>, vector<16xf32>,
    %swap3A_53 = vector.shape_cast %swap3A_52 : vector<16xf32> to vector<16xf32>
    %swap3A_54 = vector.shape_cast %broadcast_in_dim3A_3 : vector<16xf32> to vector<16xf32>
    tpu.vector_store %arg6[%swap3A_51], %swap3A_54 {strides = array<i32>} : memref<640xf32, #tpu.memory_space<vmem>>, vector<16xf32>,
    %swap3A_55 = arith.constant 80 : index
    %swap3A_56 = tpu.vector_load %arg6[%swap3A_55] {strides = array<i32>} : memref<640xf32, #tpu.memory_space<vmem>>, vector<16xf32>,
    %swap3A_57 = vector.shape_cast %swap3A_56 : vector<16xf32> to vector<16xf32>
    %swap3A_58 = vector.shape_cast %broadcast_in_dim3A_3 : vector<16xf32> to vector<16xf32>
    tpu.vector_store %arg6[%swap3A_55], %swap3A_58 {strides = array<i32>} : memref<640xf32, #tpu.memory_space<vmem>>, vector<16xf32>,
    %swap3A_59 = arith.constant 96 : index
    %swap3A_60 = tpu.vector_load %arg6[%swap3A_59] {strides = array<i32>} : memref<640xf32, #tpu.memory_space<vmem>>, vector<16xf32>,
    %swap3A_61 = vector.shape_cast %swap3A_60 : vector<16xf32> to vector<16xf32>
    %swap3A_62 = vector.shape_cast %broadcast_in_dim3A_3 : vector<16xf32> to vector<16xf32>
    tpu.vector_store %arg6[%swap3A_59], %swap3A_62 {strides = array<i32>} : memref<640xf32, #tpu.memory_space<vmem>>, vector<16xf32>,
    %swap3A_63 = arith.constant 112 : index
    %swap3A_64 = tpu.vector_load %arg6[%swap3A_63] {strides = array<i32>} : memref<640xf32, #tpu.memory_space<vmem>>, vector<16xf32>,
    %swap3A_65 = vector.shape_cast %swap3A_64 : vector<16xf32> to vector<16xf32>
    %swap3A_66 = vector.shape_cast %broadcast_in_dim3A_3 : vector<16xf32> to vector<16xf32>
    tpu.vector_store %arg6[%swap3A_63], %swap3A_66 {strides = array<i32>} : memref<640xf32, #tpu.memory_space<vmem>>, vector<16xf32>,
    %swap3A_67 = arith.constant 128 : index
    %swap3A_68 = tpu.vector_load %arg6[%swap3A_67] {strides = array<i32>} : memref<640xf32, #tpu.memory_space<vmem>>, vector<16xf32>,
    %swap3A_69 = vector.shape_cast %swap3A_68 : vector<16xf32> to vector<16xf32>
    %swap3A_70 = vector.shape_cast %broadcast_in_dim3A_3 : vector<16xf32> to vector<16xf32>
    tpu.vector_store %arg6[%swap3A_67], %swap3A_70 {strides = array<i32>} : memref<640xf32, #tpu.memory_space<vmem>>, vector<16xf32>,
    %swap3A_71 = arith.constant 144 : index
    %swap3A_72 = tpu.vector_load %arg6[%swap3A_71] {strides = array<i32>} : memref<640xf32, #tpu.memory_space<vmem>>, vector<16xf32>,
    %swap3A_73 = vector.shape_cast %swap3A_72 : vector<16xf32> to vector<16xf32>
    %swap3A_74 = vector.shape_cast %broadcast_in_dim3A_3 : vector<16xf32> to vector<16xf32>
    tpu.vector_store %arg6[%swap3A_71], %swap3A_74 {strides = array<i32>} : memref<640xf32, #tpu.memory_space<vmem>>, vector<16xf32>,
    %swap3A_75 = arith.constant 160 : index
    %swap3A_76 = tpu.vector_load %arg6[%swap3A_75] {strides = array<i32>} : memref<640xf32, #tpu.memory_space<vmem>>, vector<16xf32>,
    %swap3A_77 = vector.shape_cast %swap3A_76 : vector<16xf32> to vector<16xf32>
    %swap3A_78 = vector.shape_cast %broadcast_in_dim3A_3 : vector<16xf32> to vector<16xf32>
    tpu.vector_store %arg6[%swap3A_75], %swap3A_78 {strides = array<i32>} : memref<640xf32, #tpu.memory_space<vmem>>, vector<16xf32>,
    %swap3A_79 = arith.constant 176 : index
    %swap3A_80 = tpu.vector_load %arg6[%swap3A_79] {strides = array<i32>} : memref<640xf32, #tpu.memory_space<vmem>>, vector<16xf32>,
    %swap3A_81 = vector.shape_cast %swap3A_80 : vector<16xf32> to vector<16xf32>
    %swap3A_82 = vector.shape_cast %broadcast_in_dim3A_3 : vector<16xf32> to vector<16xf32>
    tpu.vector_store %arg6[%swap3A_79], %swap3A_82 {strides = array<i32>} : memref<640xf32, #tpu.memory_space<vmem>>, vector<16xf32>,
    %swap3A_83 = arith.constant 192 : index
    %swap3A_84 = tpu.vector_load %arg6[%swap3A_83] {strides = array<i32>} : memref<640xf32, #tpu.memory_space<vmem>>, vector<16xf32>,
    %swap3A_85 = vector.shape_cast %swap3A_84 : vector<16xf32> to vector<16xf32>
    %swap3A_86 = vector.shape_cast %broadcast_in_dim3A_3 : vector<16xf32> to vector<16xf32>
    tpu.vector_store %arg6[%swap3A_83], %swap3A_86 {strides = array<i32>} : memref<640xf32, #tpu.memory_space<vmem>>, vector<16xf32>,
    %swap3A_87 = arith.constant 208 : index
    %swap3A_88 = tpu.vector_load %arg6[%swap3A_87] {strides = array<i32>} : memref<640xf32, #tpu.memory_space<vmem>>, vector<16xf32>,
    %swap3A_89 = vector.shape_cast %swap3A_88 : vector<16xf32> to vector<16xf32>
    %swap3A_90 = vector.shape_cast %broadcast_in_dim3A_3 : vector<16xf32> to vector<16xf32>
    tpu.vector_store %arg6[%swap3A_87], %swap3A_90 {strides = array<i32>} : memref<640xf32, #tpu.memory_space<vmem>>, vector<16xf32>,
    %swap3A_91 = arith.constant 224 : index
    %swap3A_92 = tpu.vector_load %arg6[%swap3A_91] {strides = array<i32>} : memref<640xf32, #tpu.memory_space<vmem>>, vector<16xf32>,
    %swap3A_93 = vector.shape_cast %swap3A_92 : vector<16xf32> to vector<16xf32>
    %swap3A_94 = vector.shape_cast %broadcast_in_dim3A_3 : vector<16xf32> to vector<16xf32>
    tpu.vector_store %arg6[%swap3A_91], %swap3A_94 {strides = array<i32>} : memref<640xf32, #tpu.memory_space<vmem>>, vector<16xf32>,
    %swap3A_95 = arith.constant 240 : index
    %swap3A_96 = tpu.vector_load %arg6[%swap3A_95] {strides = array<i32>} : memref<640xf32, #tpu.memory_space<vmem>>, vector<16xf32>,
    %swap3A_97 = vector.shape_cast %swap3A_96 : vector<16xf32> to vector<16xf32>
    %swap3A_98 = vector.shape_cast %broadcast_in_dim3A_3 : vector<16xf32> to vector<16xf32>
    tpu.vector_store %arg6[%swap3A_95], %swap3A_98 {strides = array<i32>} : memref<640xf32, #tpu.memory_space<vmem>>, vector<16xf32>,
    %swap3A_99 = arith.constant 256 : index
    %swap3A_100 = tpu.vector_load %arg6[%swap3A_99] {strides = array<i32>} : memref<640xf32, #tpu.memory_space<vmem>>, vector<16xf32>,
    %swap3A_101 = vector.shape_cast %swap3A_100 : vector<16xf32> to vector<16xf32>
    %swap3A_102 = vector.shape_cast %broadcast_in_dim3A_3 : vector<16xf32> to vector<16xf32>
    tpu.vector_store %arg6[%swap3A_99], %swap3A_102 {strides = array<i32>} : memref<640xf32, #tpu.memory_space<vmem>>, vector<16xf32>,
    %swap3A_103 = arith.constant 272 : index
    %swap3A_104 = tpu.vector_load %arg6[%swap3A_103] {strides = array<i32>} : memref<640xf32, #tpu.memory_space<vmem>>, vector<16xf32>,
    %swap3A_105 = vector.shape_cast %swap3A_104 : vector<16xf32> to vector<16xf32>
    %swap3A_106 = vector.shape_cast %broadcast_in_dim3A_3 : vector<16xf32> to vector<16xf32>
    tpu.vector_store %arg6[%swap3A_103], %swap3A_106 {strides = array<i32>} : memref<640xf32, #tpu.memory_space<vmem>>, vector<16xf32>,
    %swap3A_107 = arith.constant 288 : index
    %swap3A_108 = tpu.vector_load %arg6[%swap3A_107] {strides = array<i32>} : memref<640xf32, #tpu.memory_space<vmem>>, vector<16xf32>,
    %swap3A_109 = vector.shape_cast %swap3A_108 : vector<16xf32> to vector<16xf32>
    %swap3A_110 = vector.shape_cast %broadcast_in_dim3A_3 : vector<16xf32> to vector<16xf32>
    tpu.vector_store %arg6[%swap3A_107], %swap3A_110 {strides = array<i32>} : memref<640xf32, #tpu.memory_space<vmem>>, vector<16xf32>,
    %swap3A_111 = arith.constant 304 : index
    %swap3A_112 = tpu.vector_load %arg6[%swap3A_111] {strides = array<i32>} : memref<640xf32, #tpu.memory_space<vmem>>, vector<16xf32>,
    %swap3A_113 = vector.shape_cast %swap3A_112 : vector<16xf32> to vector<16xf32>
    %swap3A_114 = vector.shape_cast %broadcast_in_dim3A_3 : vector<16xf32> to vector<16xf32>
    tpu.vector_store %arg6[%swap3A_111], %swap3A_114 {strides = array<i32>} : memref<640xf32, #tpu.memory_space<vmem>>, vector<16xf32>,
    %swap3A_115 = arith.constant 320 : index
    %swap3A_116 = tpu.vector_load %arg6[%swap3A_115] {strides = array<i32>} : memref<640xf32, #tpu.memory_space<vmem>>, vector<16xf32>,
    %swap3A_117 = vector.shape_cast %swap3A_116 : vector<16xf32> to vector<16xf32>
    %swap3A_118 = vector.shape_cast %broadcast_in_dim3A_3 : vector<16xf32> to vector<16xf32>
    tpu.vector_store %arg6[%swap3A_115], %swap3A_118 {strides = array<i32>} : memref<640xf32, #tpu.memory_space<vmem>>, vector<16xf32>,
    %swap3A_119 = arith.constant 336 : index
    %swap3A_120 = tpu.vector_load %arg6[%swap3A_119] {strides = array<i32>} : memref<640xf32, #tpu.memory_space<vmem>>, vector<16xf32>,
    %swap3A_121 = vector.shape_cast %swap3A_120 : vector<16xf32> to vector<16xf32>
    %swap3A_122 = vector.shape_cast %broadcast_in_dim3A_3 : vector<16xf32> to vector<16xf32>
    tpu.vector_store %arg6[%swap3A_119], %swap3A_122 {strides = array<i32>} : memref<640xf32, #tpu.memory_space<vmem>>, vector<16xf32>,
    %swap3A_123 = arith.constant 352 : index
    %swap3A_124 = tpu.vector_load %arg6[%swap3A_123] {strides = array<i32>} : memref<640xf32, #tpu.memory_space<vmem>>, vector<16xf32>,
    %swap3A_125 = vector.shape_cast %swap3A_124 : vector<16xf32> to vector<16xf32>
    %swap3A_126 = vector.shape_cast %broadcast_in_dim3A_3 : vector<16xf32> to vector<16xf32>
    tpu.vector_store %arg6[%swap3A_123], %swap3A_126 {strides = array<i32>} : memref<640xf32, #tpu.memory_space<vmem>>, vector<16xf32>,
    %swap3A_127 = arith.constant 368 : index
    %swap3A_128 = tpu.vector_load %arg6[%swap3A_127] {strides = array<i32>} : memref<640xf32, #tpu.memory_space<vmem>>, vector<16xf32>,
    %swap3A_129 = vector.shape_cast %swap3A_128 : vector<16xf32> to vector<16xf32>
    %swap3A_130 = vector.shape_cast %broadcast_in_dim3A_3 : vector<16xf32> to vector<16xf32>
    tpu.vector_store %arg6[%swap3A_127], %swap3A_130 {strides = array<i32>} : memref<640xf32, #tpu.memory_space<vmem>>, vector<16xf32>,
    %swap3A_131 = arith.constant 384 : index
    %swap3A_132 = tpu.vector_load %arg6[%swap3A_131] {strides = array<i32>} : memref<640xf32, #tpu.memory_space<vmem>>, vector<16xf32>,
    %swap3A_133 = vector.shape_cast %swap3A_132 : vector<16xf32> to vector<16xf32>
    %swap3A_134 = vector.shape_cast %broadcast_in_dim3A_3 : vector<16xf32> to vector<16xf32>
    tpu.vector_store %arg6[%swap3A_131], %swap3A_134 {strides = array<i32>} : memref<640xf32, #tpu.memory_space<vmem>>, vector<16xf32>,
    %swap3A_135 = arith.constant 400 : index
    %swap3A_136 = tpu.vector_load %arg6[%swap3A_135] {strides = array<i32>} : memref<640xf32, #tpu.memory_space<vmem>>, vector<16xf32>,
    %swap3A_137 = vector.shape_cast %swap3A_136 : vector<16xf32> to vector<16xf32>
    %swap3A_138 = vector.shape_cast %broadcast_in_dim3A_3 : vector<16xf32> to vector<16xf32>
    tpu.vector_store %arg6[%swap3A_135], %swap3A_138 {strides = array<i32>} : memref<640xf32, #tpu.memory_space<vmem>>, vector<16xf32>,
    %swap3A_139 = arith.constant 416 : index
    %swap3A_140 = tpu.vector_load %arg6[%swap3A_139] {strides = array<i32>} : memref<640xf32, #tpu.memory_space<vmem>>, vector<16xf32>,
    %swap3A_141 = vector.shape_cast %swap3A_140 : vector<16xf32> to vector<16xf32>
    %swap3A_142 = vector.shape_cast %broadcast_in_dim3A_3 : vector<16xf32> to vector<16xf32>
    tpu.vector_store %arg6[%swap3A_139], %swap3A_142 {strides = array<i32>} : memref<640xf32, #tpu.memory_space<vmem>>, vector<16xf32>,
    %swap3A_143 = arith.constant 432 : index
    %swap3A_144 = tpu.vector_load %arg6[%swap3A_143] {strides = array<i32>} : memref<640xf32, #tpu.memory_space<vmem>>, vector<16xf32>,
    %swap3A_145 = vector.shape_cast %swap3A_144 : vector<16xf32> to vector<16xf32>
    %swap3A_146 = vector.shape_cast %broadcast_in_dim3A_3 : vector<16xf32> to vector<16xf32>
    tpu.vector_store %arg6[%swap3A_143], %swap3A_146 {strides = array<i32>} : memref<640xf32, #tpu.memory_space<vmem>>, vector<16xf32>,
    %swap3A_147 = arith.constant 448 : index
    %swap3A_148 = tpu.vector_load %arg6[%swap3A_147] {strides = array<i32>} : memref<640xf32, #tpu.memory_space<vmem>>, vector<16xf32>,
    %swap3A_149 = vector.shape_cast %swap3A_148 : vector<16xf32> to vector<16xf32>
    %swap3A_150 = vector.shape_cast %broadcast_in_dim3A_3 : vector<16xf32> to vector<16xf32>
    tpu.vector_store %arg6[%swap3A_147], %swap3A_150 {strides = array<i32>} : memref<640xf32, #tpu.memory_space<vmem>>, vector<16xf32>,
    %swap3A_151 = arith.constant 464 : index
    %swap3A_152 = tpu.vector_load %arg6[%swap3A_151] {strides = array<i32>} : memref<640xf32, #tpu.memory_space<vmem>>, vector<16xf32>,
    %swap3A_153 = vector.shape_cast %swap3A_152 : vector<16xf32> to vector<16xf32>
    %swap3A_154 = vector.shape_cast %broadcast_in_dim3A_3 : vector<16xf32> to vector<16xf32>
    tpu.vector_store %arg6[%swap3A_151], %swap3A_154 {strides = array<i32>} : memref<640xf32, #tpu.memory_space<vmem>>, vector<16xf32>,
    %swap3A_155 = arith.constant 480 : index
    %swap3A_156 = tpu.vector_load %arg6[%swap3A_155] {strides = array<i32>} : memref<640xf32, #tpu.memory_space<vmem>>, vector<16xf32>,
    %swap3A_157 = vector.shape_cast %swap3A_156 : vector<16xf32> to vector<16xf32>
    %swap3A_158 = vector.shape_cast %broadcast_in_dim3A_3 : vector<16xf32> to vector<16xf32>
    tpu.vector_store %arg6[%swap3A_155], %swap3A_158 {strides = array<i32>} : memref<640xf32, #tpu.memory_space<vmem>>, vector<16xf32>,
    %swap3A_159 = arith.constant 496 : index
    %swap3A_160 = tpu.vector_load %arg6[%swap3A_159] {strides = array<i32>} : memref<640xf32, #tpu.memory_space<vmem>>, vector<16xf32>,
    %swap3A_161 = vector.shape_cast %swap3A_160 : vector<16xf32> to vector<16xf32>
    %swap3A_162 = vector.shape_cast %broadcast_in_dim3A_3 : vector<16xf32> to vector<16xf32>
    tpu.vector_store %arg6[%swap3A_159], %swap3A_162 {strides = array<i32>} : memref<640xf32, #tpu.memory_space<vmem>>, vector<16xf32>,
    %swap3A_163 = arith.constant 512 : index
    %swap3A_164 = tpu.vector_load %arg6[%swap3A_163] {strides = array<i32>} : memref<640xf32, #tpu.memory_space<vmem>>, vector<16xf32>,
    %swap3A_165 = vector.shape_cast %swap3A_164 : vector<16xf32> to vector<16xf32>
    %swap3A_166 = vector.shape_cast %broadcast_in_dim3A_3 : vector<16xf32> to vector<16xf32>
    tpu.vector_store %arg6[%swap3A_163], %swap3A_166 {strides = array<i32>} : memref<640xf32, #tpu.memory_space<vmem>>, vector<16xf32>,
    %swap3A_167 = arith.constant 528 : index
    %swap3A_168 = tpu.vector_load %arg6[%swap3A_167] {strides = array<i32>} : memref<640xf32, #tpu.memory_space<vmem>>, vector<16xf32>,
    %swap3A_169 = vector.shape_cast %swap3A_168 : vector<16xf32> to vector<16xf32>
    %swap3A_170 = vector.shape_cast %broadcast_in_dim3A_3 : vector<16xf32> to vector<16xf32>
    tpu.vector_store %arg6[%swap3A_167], %swap3A_170 {strides = array<i32>} : memref<640xf32, #tpu.memory_space<vmem>>, vector<16xf32>,
    %swap3A_171 = arith.constant 544 : index
    %swap3A_172 = tpu.vector_load %arg6[%swap3A_171] {strides = array<i32>} : memref<640xf32, #tpu.memory_space<vmem>>, vector<16xf32>,
    %swap3A_173 = vector.shape_cast %swap3A_172 : vector<16xf32> to vector<16xf32>
    %swap3A_174 = vector.shape_cast %broadcast_in_dim3A_3 : vector<16xf32> to vector<16xf32>
    tpu.vector_store %arg6[%swap3A_171], %swap3A_174 {strides = array<i32>} : memref<640xf32, #tpu.memory_space<vmem>>, vector<16xf32>,
    %swap3A_175 = arith.constant 560 : index
    %swap3A_176 = tpu.vector_load %arg6[%swap3A_175] {strides = array<i32>} : memref<640xf32, #tpu.memory_space<vmem>>, vector<16xf32>,
    %swap3A_177 = vector.shape_cast %swap3A_176 : vector<16xf32> to vector<16xf32>
    %swap3A_178 = vector.shape_cast %broadcast_in_dim3A_3 : vector<16xf32> to vector<16xf32>
    tpu.vector_store %arg6[%swap3A_175], %swap3A_178 {strides = array<i32>} : memref<640xf32, #tpu.memory_space<vmem>>, vector<16xf32>,
    %swap3A_179 = arith.constant 576 : index
    %swap3A_180 = tpu.vector_load %arg6[%swap3A_179] {strides = array<i32>} : memref<640xf32, #tpu.memory_space<vmem>>, vector<16xf32>,
    %swap3A_181 = vector.shape_cast %swap3A_180 : vector<16xf32> to vector<16xf32>
    %swap3A_182 = vector.shape_cast %broadcast_in_dim3A_3 : vector<16xf32> to vector<16xf32>
    tpu.vector_store %arg6[%swap3A_179], %swap3A_182 {strides = array<i32>} : memref<640xf32, #tpu.memory_space<vmem>>, vector<16xf32>,
    %swap3A_183 = arith.constant 592 : index
    %swap3A_184 = tpu.vector_load %arg6[%swap3A_183] {strides = array<i32>} : memref<640xf32, #tpu.memory_space<vmem>>, vector<16xf32>,
    %swap3A_185 = vector.shape_cast %swap3A_184 : vector<16xf32> to vector<16xf32>
    %swap3A_186 = vector.shape_cast %broadcast_in_dim3A_3 : vector<16xf32> to vector<16xf32>
    tpu.vector_store %arg6[%swap3A_183], %swap3A_186 {strides = array<i32>} : memref<640xf32, #tpu.memory_space<vmem>>, vector<16xf32>,
    %swap3A_187 = arith.constant 608 : index
    %swap3A_188 = tpu.vector_load %arg6[%swap3A_187] {strides = array<i32>} : memref<640xf32, #tpu.memory_space<vmem>>, vector<16xf32>,
    %swap3A_189 = vector.shape_cast %swap3A_188 : vector<16xf32> to vector<16xf32>
    %swap3A_190 = vector.shape_cast %broadcast_in_dim3A_3 : vector<16xf32> to vector<16xf32>
    tpu.vector_store %arg6[%swap3A_187], %swap3A_190 {strides = array<i32>} : memref<640xf32, #tpu.memory_space<vmem>>, vector<16xf32>,
    %swap3A_191 = arith.constant 624 : index
    %swap3A_192 = tpu.vector_load %arg6[%swap3A_191] {strides = array<i32>} : memref<640xf32, #tpu.memory_space<vmem>>, vector<16xf32>,
    %swap3A_193 = vector.shape_cast %swap3A_192 : vector<16xf32> to vector<16xf32>
    %swap3A_194 = vector.shape_cast %broadcast_in_dim3A_3 : vector<16xf32> to vector<16xf32>
    tpu.vector_store %arg6[%swap3A_191], %swap3A_194 {strides = array<i32>} : memref<640xf32, #tpu.memory_space<vmem>>, vector<16xf32>,
    "tpu.region"() ({
      %run_scoped3A = tpu.sem_alloc : memref<!tpu.dma_semaphore, #tpu.memory_space<semaphore_mem>>
      %dma_start3A = arith.constant 0 : i32
      %dma_start3A_216 = arith.constant 0 : i32
      %dma_start3A_217 = tpu.memref_slice %arg2[%add3A, %dma_start3A, %dma_start3A_216] : memref<32x40x128xi32, #tpu.memory_space<hbm>> -> memref<1x40x128xi32, #tpu.memory_space<hbm>>
      %dma_start3A_218 = tpu.memref_squeeze %dma_start3A_217 : memref<1x40x128xi32, #tpu.memory_space<hbm>> -> memref<40x128xi32, #tpu.memory_space<hbm>>
      %dma_start3A_219 = arith.constant 0 : i32
      %dma_start3A_220 = arith.constant 0 : i32
      %dma_start3A_221 = tpu.memref_slice %arg2[%add3A, %dma_start3A_219, %dma_start3A_220] : memref<32x40x128xi32, #tpu.memory_space<hbm>> -> memref<1x40x128xi32, #tpu.memory_space<hbm>>
      %dma_start3A_222 = tpu.memref_squeeze %dma_start3A_221 : memref<1x40x128xi32, #tpu.memory_space<hbm>> -> memref<40x128xi32, #tpu.memory_space<hbm>>
      tpu.enqueue_dma source(%dma_start3A_222 : memref<40x128xi32, #tpu.memory_space<hbm>>) target(%arg4 : memref<40x128xi32, #tpu.memory_space<vmem>>) target_semaphore(%run_scoped3A : memref<!tpu.dma_semaphore, #tpu.memory_space<semaphore_mem>>)
      %dma_wait3A = arith.constant 0 : i32
      %dma_wait3A_223 = arith.constant 0 : i32
      %dma_wait3A_224 = tpu.memref_slice %arg2[%add3A, %dma_wait3A, %dma_wait3A_223] : memref<32x40x128xi32, #tpu.memory_space<hbm>> -> memref<1x40x128xi32, #tpu.memory_space<hbm>>
      %dma_wait3A_225 = tpu.memref_squeeze %dma_wait3A_224 : memref<1x40x128xi32, #tpu.memory_space<hbm>> -> memref<40x128xi32, #tpu.memory_space<hbm>>
      %dma_wait3A_226 = arith.constant 0 : i32
      %dma_wait3A_227 = arith.constant 0 : i32
      %dma_wait3A_228 = tpu.memref_slice %arg2[%add3A, %dma_wait3A_226, %dma_wait3A_227] : memref<32x40x128xi32, #tpu.memory_space<hbm>> -> memref<1x40x128xi32, #tpu.memory_space<hbm>>
      %dma_wait3A_229 = tpu.memref_squeeze %dma_wait3A_228 : memref<1x40x128xi32, #tpu.memory_space<hbm>> -> memref<40x128xi32, #tpu.memory_space<hbm>>
      tpu.wait_dma2 semaphore(%run_scoped3A : memref<!tpu.dma_semaphore, #tpu.memory_space<semaphore_mem>>) src(%dma_wait3A_229 : memref<40x128xi32, #tpu.memory_space<hbm>>) dst(%arg4 : memref<40x128xi32, #tpu.memory_space<vmem>>)
      tpu.yield
    }) : () -> ()
    %mul3A_195 = arith.constant 640 : i32
    %mul3A_196 = arith.muli %arg1, %mul3A_195 : i32
    "tpu.region"() ({
      %run_scoped3A = tpu.sem_alloc : memref<!tpu.dma_semaphore, #tpu.memory_space<semaphore_mem>>
      %dma_start3A = tpu.memref_slice %arg7[%mul3A_196] : memref<10240xf32, #tpu.memory_space<vmem_shared>> -> memref<640xf32, #tpu.memory_space<vmem_shared>>
      %dma_start3A_216 = tpu.memref_slice %arg7[%mul3A_196] : memref<10240xf32, #tpu.memory_space<vmem_shared>> -> memref<640xf32, #tpu.memory_space<vmem_shared>>
      tpu.enqueue_dma source(%arg6 : memref<640xf32, #tpu.memory_space<vmem>>) target(%dma_start3A_216 : memref<640xf32, #tpu.memory_space<vmem_shared>>) target_semaphore(%run_scoped3A : memref<!tpu.dma_semaphore, #tpu.memory_space<semaphore_mem>>)
      %dma_wait3A = tpu.memref_slice %arg7[%mul3A_196] : memref<10240xf32, #tpu.memory_space<vmem_shared>> -> memref<640xf32, #tpu.memory_space<vmem_shared>>
      %dma_wait3A_217 = tpu.memref_slice %arg7[%mul3A_196] : memref<10240xf32, #tpu.memory_space<vmem_shared>> -> memref<640xf32, #tpu.memory_space<vmem_shared>>
      tpu.wait_dma2 semaphore(%run_scoped3A : memref<!tpu.dma_semaphore, #tpu.memory_space<semaphore_mem>>) src(%arg6 : memref<640xf32, #tpu.memory_space<vmem>>) dst(%dma_wait3A_217 : memref<640xf32, #tpu.memory_space<vmem_shared>>)
      tpu.yield
    }) : () -> ()
    %barrier3A = arith.constant 0 : index
    tpu.barrier barrier_id(%barrier3A)
    %scan3A = arith.constant 0 : i32
    %scan3A_197 = arith.constant 0 : i32
    %scan3A_198 = arith.constant 40 : i32
    %scan3A_199 = arith.addi %scan3A_197, %scan3A_198 : i32
    %scan3A_200 = arith.constant 1 : i32
    scf.for %scan3A_216 = %scan3A_197 to %scan3A_199 step %scan3A_200  : i32 {
      %dma_start3A = arith.constant 0 : i32
      %dma_start3A_217 = tpu.memref_slice %arg4[%scan3A_216, %dma_start3A] : memref<40x128xi32, #tpu.memory_space<vmem>> -> memref<1x128xi32, #tpu.memory_space<vmem>>
      %dma_start3A_218 = tpu.memref_squeeze %dma_start3A_217 : memref<1x128xi32, #tpu.memory_space<vmem>> -> memref<128xi32, #tpu.memory_space<vmem>>
      %dma_start3A_219 = arith.constant 0 : i32
      %dma_start3A_220 = tpu.memref_slice %arg7[%dma_start3A_219] : memref<10240xf32, #tpu.memory_space<vmem_shared>> -> memref<10240xf32, #tpu.memory_space<vmem_shared>>
      tpu.enqueue_indirect_dma source(%arg5 : memref<128xf32, #tpu.memory_space<vmem>>) target(%dma_start3A_220 : memref<10240xf32, #tpu.memory_space<vmem_shared>>) offsets(%dma_start3A_218 : memref<128xi32, #tpu.memory_space<vmem>>) semaphore(%arg8 : memref<!tpu.dma_semaphore, #tpu.memory_space<semaphore_mem>>) {add = true}
    }
    %scan3A_201 = arith.constant 40 : i32
    %scan3A_202 = arith.constant 0 : i32
    %scan3A_203 = arith.constant 0 : i32
    %scan3A_204 = arith.constant 40 : i32
    %scan3A_205 = arith.addi %scan3A_203, %scan3A_204 : i32
    %scan3A_206 = arith.constant 1 : i32
    scf.for %scan3A_216 = %scan3A_203 to %scan3A_205 step %scan3A_206  : i32 {
      %dma_wait3A = arith.constant 0 : i32
      %dma_wait3A_217 = arith.constant 0 : i32
      %dma_wait3A_218 = tpu.memref_slice %arg4[%dma_wait3A, %dma_wait3A_217] : memref<40x128xi32, #tpu.memory_space<vmem>> -> memref<1x128xi32, #tpu.memory_space<vmem>>
      %dma_wait3A_219 = tpu.memref_squeeze %dma_wait3A_218 : memref<1x128xi32, #tpu.memory_space<vmem>> -> memref<128xi32, #tpu.memory_space<vmem>>
      %dma_wait3A_220 = arith.constant 0 : i32
      %dma_wait3A_221 = tpu.memref_slice %arg7[%dma_wait3A_220] : memref<10240xf32, #tpu.memory_space<vmem_shared>> -> memref<10240xf32, #tpu.memory_space<vmem_shared>>
      tpu.wait_indirect_dma semaphore(%arg8 : memref<!tpu.dma_semaphore, #tpu.memory_space<semaphore_mem>>) src(%arg5 : memref<128xf32, #tpu.memory_space<vmem>>) dst(%dma_wait3A_221 : memref<10240xf32, #tpu.memory_space<vmem_shared>>)
    }
    %scan3A_207 = arith.constant 40 : i32
    %barrier3A_208 = arith.constant 0 : index
    tpu.barrier barrier_id(%barrier3A_208)
    %mul3A_209 = arith.constant 640 : i32
    %mul3A_210 = arith.muli %arg1, %mul3A_209 : i32
    %mul3A_211 = arith.constant 10240 : i32
    %mul3A_212 = arith.muli %arg0, %mul3A_211 : i32
    %mul3A_213 = arith.constant 640 : i32
    %mul3A_214 = arith.muli %arg1, %mul3A_213 : i32
    %add3A_215 = arith.addi %mul3A_212, %mul3A_214 : i32
    "tpu.region"() ({
      %run_scoped3A = tpu.sem_alloc : memref<!tpu.dma_semaphore, #tpu.memory_space<semaphore_mem>>
      %dma_start3A = tpu.memref_slice %arg3[%add3A_215] : memref<20480xf32, #tpu.memory_space<hbm>> -> memref<640xf32, #tpu.memory_space<hbm>>
      %dma_start3A_216 = tpu.memref_slice %arg7[%mul3A_210] : memref<10240xf32, #tpu.memory_space<vmem_shared>> -> memref<640xf32, #tpu.memory_space<vmem_shared>>
      tpu.enqueue_dma source(%dma_start3A_216 : memref<640xf32, #tpu.memory_space<vmem_shared>>) target(%dma_start3A : memref<640xf32, #tpu.memory_space<hbm>>) target_semaphore(%run_scoped3A : memref<!tpu.dma_semaphore, #tpu.memory_space<semaphore_mem>>)
      %dma_wait3A = tpu.memref_slice %arg3[%add3A_215] : memref<20480xf32, #tpu.memory_space<hbm>> -> memref<640xf32, #tpu.memory_space<hbm>>
      %dma_wait3A_217 = tpu.memref_slice %arg7[%mul3A_210] : memref<10240xf32, #tpu.memory_space<vmem_shared>> -> memref<640xf32, #tpu.memory_space<vmem_shared>>
      tpu.wait_dma2 semaphore(%run_scoped3A : memref<!tpu.dma_semaphore, #tpu.memory_space<semaphore_mem>>) src(%dma_wait3A_217 : memref<640xf32, #tpu.memory_space<vmem_shared>>) dst(%dma_wait3A : memref<640xf32, #tpu.memory_space<hbm>>)
      tpu.yield
    }) : () -> ()
    return
  }
}

#map = affine_map<(d0, d1) -> (0, 0)>
#map1 = affine_map<(d0, d1) -> (0)>
module attributes {stable_mosaic.version = 14 : i64} {
  func.func @_scatter_body(%arg0: i32, %arg1: i32, %arg2: memref<10000x128xf32, #tpu.memory_space<hbm>>, %arg3: memref<10000x128xf32, #tpu.memory_space<hbm>>, %arg4: memref<160000xi32, #tpu.memory_space<hbm>>, %arg5: memref<160000xi32, #tpu.memory_space<hbm>>, %arg6: memref<10000x128xf32, #tpu.memory_space<hbm>>, %arg7: memref<10000x128xf32, #tpu.memory_space<hbm>>, %arg8: memref<128xi32, #tpu.memory_space<vmem>>, %arg9: memref<128xi32, #tpu.memory_space<vmem>>, %arg10: memref<128xi32, #tpu.memory_space<vmem>>, %arg11: memref<128xi32, #tpu.memory_space<vmem>>, %arg12: memref<128x128xf32, #tpu.memory_space<vmem>>, %arg13: memref<128x128xf32, #tpu.memory_space<vmem>>, %arg14: memref<16xi32, #tpu.memory_space<vmem>>, %arg15: memref<16xi32, #tpu.memory_space<vmem>>, %arg16: memref<16x128xf32, #tpu.memory_space<vmem>>, %arg17: memref<16x128xf32, #tpu.memory_space<vmem>>, %arg18: memref<10016x128xf32, #tpu.memory_space<vmem_shared>>, %arg19: memref<!tpu.dma_semaphore, #tpu.memory_space<semaphore_mem>>, %arg20: memref<!tpu.dma_semaphore, #tpu.memory_space<semaphore_mem>>, %arg21: memref<!tpu.dma_semaphore, #tpu.memory_space<semaphore_mem>>, %arg22: memref<!tpu.dma_semaphore, #tpu.memory_space<semaphore_mem>>, %arg23: memref<!tpu.dma_semaphore, #tpu.memory_space<semaphore_mem>>, %arg24: memref<!tpu.dma_semaphore, #tpu.memory_space<semaphore_mem>>, %arg25: memref<!tpu.dma_semaphore, #tpu.memory_space<semaphore_mem>>) attributes {dimension_semantics = [#tpu.dimension_semantics<core_parallel>, #tpu.dimension_semantics<subcore_parallel>], iteration_bounds = array<i64: 2, 16>, scalar_prefetch = 0 : i64, scratch_operands = 18 : i64, tpu.core_type = #tpu.core_type<sc_vector_subcore>, window_params = [{transform_indices = #map}, {transform_indices = #map}, {transform_indices = #map1}, {transform_indices = #map1}, {transform_indices = #map}, {transform_indices = #map}]} {
    %mul3A = arith.constant 10000 : i32
    %mul3A_0 = arith.muli %arg1, %mul3A : i32
    %eq3A = arith.constant 0 : i32
    %eq3A_1 = arith.cmpi eq, %arg0, %eq3A : i32
    %convert_element_type3A = arith.extui %eq3A_1 : i1 to i32
    %cond3A = arith.constant 0 : i32
    %cond3A_2 = arith.cmpi ne, %convert_element_type3A, %cond3A : i32
    scf.if %cond3A_2 {
      "tpu.region"() ({
        %run_scoped3A = tpu.sem_alloc : memref<!tpu.dma_semaphore, #tpu.memory_space<semaphore_mem>>
        %dma_start3A_73 = tpu.memref_slice %arg4[%mul3A_0] : memref<160000xi32, #tpu.memory_space<hbm>> -> memref<128xi32, #tpu.memory_space<hbm>>
        %dma_start3A_74 = tpu.memref_slice %arg4[%mul3A_0] : memref<160000xi32, #tpu.memory_space<hbm>> -> memref<128xi32, #tpu.memory_space<hbm>>
        tpu.enqueue_dma source(%dma_start3A_74 : memref<128xi32, #tpu.memory_space<hbm>>) target(%arg8 : memref<128xi32, #tpu.memory_space<vmem>>) target_semaphore(%run_scoped3A : memref<!tpu.dma_semaphore, #tpu.memory_space<semaphore_mem>>)
        %dma_wait3A_75 = tpu.memref_slice %arg4[%mul3A_0] : memref<160000xi32, #tpu.memory_space<hbm>> -> memref<128xi32, #tpu.memory_space<hbm>>
        %dma_wait3A_76 = tpu.memref_slice %arg4[%mul3A_0] : memref<160000xi32, #tpu.memory_space<hbm>> -> memref<128xi32, #tpu.memory_space<hbm>>
        tpu.wait_dma2 semaphore(%run_scoped3A : memref<!tpu.dma_semaphore, #tpu.memory_space<semaphore_mem>>) src(%dma_wait3A_76 : memref<128xi32, #tpu.memory_space<hbm>>) dst(%arg8 : memref<128xi32, #tpu.memory_space<vmem>>)
        tpu.yield
      }) : () -> ()
      "tpu.region"() ({
        %run_scoped3A = tpu.sem_alloc : memref<!tpu.dma_semaphore, #tpu.memory_space<semaphore_mem>>
        %dma_start3A_73 = tpu.memref_slice %arg5[%mul3A_0] : memref<160000xi32, #tpu.memory_space<hbm>> -> memref<128xi32, #tpu.memory_space<hbm>>
        %dma_start3A_74 = tpu.memref_slice %arg5[%mul3A_0] : memref<160000xi32, #tpu.memory_space<hbm>> -> memref<128xi32, #tpu.memory_space<hbm>>
        tpu.enqueue_dma source(%dma_start3A_74 : memref<128xi32, #tpu.memory_space<hbm>>) target(%arg10 : memref<128xi32, #tpu.memory_space<vmem>>) target_semaphore(%run_scoped3A : memref<!tpu.dma_semaphore, #tpu.memory_space<semaphore_mem>>)
        %dma_wait3A_75 = tpu.memref_slice %arg5[%mul3A_0] : memref<160000xi32, #tpu.memory_space<hbm>> -> memref<128xi32, #tpu.memory_space<hbm>>
        %dma_wait3A_76 = tpu.memref_slice %arg5[%mul3A_0] : memref<160000xi32, #tpu.memory_space<hbm>> -> memref<128xi32, #tpu.memory_space<hbm>>
        tpu.wait_dma2 semaphore(%run_scoped3A : memref<!tpu.dma_semaphore, #tpu.memory_space<semaphore_mem>>) src(%dma_wait3A_76 : memref<128xi32, #tpu.memory_space<hbm>>) dst(%arg10 : memref<128xi32, #tpu.memory_space<vmem>>)
        tpu.yield
      }) : () -> ()
      %dma_start3A = arith.constant 0 : i32
      %dma_start3A_8 = arith.constant 0 : i32
      %dma_start3A_9 = tpu.memref_slice %arg2[%dma_start3A, %dma_start3A_8] : memref<10000x128xf32, #tpu.memory_space<hbm>> -> memref<10000x128xf32, #tpu.memory_space<hbm>>
      tpu.enqueue_indirect_dma source(%dma_start3A_9 : memref<10000x128xf32, #tpu.memory_space<hbm>>) target(%arg12 : memref<128x128xf32, #tpu.memory_space<vmem>>) offsets(%arg8 : memref<128xi32, #tpu.memory_space<vmem>>) semaphore(%arg19 : memref<!tpu.dma_semaphore, #tpu.memory_space<semaphore_mem>>)
      %add3A = arith.constant 128 : i32
      %add3A_10 = arith.addi %mul3A_0, %add3A : i32
      "tpu.region"() ({
        %run_scoped3A = tpu.sem_alloc : memref<!tpu.dma_semaphore, #tpu.memory_space<semaphore_mem>>
        %dma_start3A_73 = tpu.memref_slice %arg4[%add3A_10] : memref<160000xi32, #tpu.memory_space<hbm>> -> memref<128xi32, #tpu.memory_space<hbm>>
        %dma_start3A_74 = tpu.memref_slice %arg4[%add3A_10] : memref<160000xi32, #tpu.memory_space<hbm>> -> memref<128xi32, #tpu.memory_space<hbm>>
        tpu.enqueue_dma source(%dma_start3A_74 : memref<128xi32, #tpu.memory_space<hbm>>) target(%arg9 : memref<128xi32, #tpu.memory_space<vmem>>) target_semaphore(%run_scoped3A : memref<!tpu.dma_semaphore, #tpu.memory_space<semaphore_mem>>)
        %dma_wait3A_75 = tpu.memref_slice %arg4[%add3A_10] : memref<160000xi32, #tpu.memory_space<hbm>> -> memref<128xi32, #tpu.memory_space<hbm>>
        %dma_wait3A_76 = tpu.memref_slice %arg4[%add3A_10] : memref<160000xi32, #tpu.memory_space<hbm>> -> memref<128xi32, #tpu.memory_space<hbm>>
        tpu.wait_dma2 semaphore(%run_scoped3A : memref<!tpu.dma_semaphore, #tpu.memory_space<semaphore_mem>>) src(%dma_wait3A_76 : memref<128xi32, #tpu.memory_space<hbm>>) dst(%arg9 : memref<128xi32, #tpu.memory_space<vmem>>)
        tpu.yield
      }) : () -> ()
      %add3A_11 = arith.constant 128 : i32
      %add3A_12 = arith.addi %mul3A_0, %add3A_11 : i32
      "tpu.region"() ({
        %run_scoped3A = tpu.sem_alloc : memref<!tpu.dma_semaphore, #tpu.memory_space<semaphore_mem>>
        %dma_start3A_73 = tpu.memref_slice %arg5[%add3A_12] : memref<160000xi32, #tpu.memory_space<hbm>> -> memref<128xi32, #tpu.memory_space<hbm>>
        %dma_start3A_74 = tpu.memref_slice %arg5[%add3A_12] : memref<160000xi32, #tpu.memory_space<hbm>> -> memref<128xi32, #tpu.memory_space<hbm>>
        tpu.enqueue_dma source(%dma_start3A_74 : memref<128xi32, #tpu.memory_space<hbm>>) target(%arg11 : memref<128xi32, #tpu.memory_space<vmem>>) target_semaphore(%run_scoped3A : memref<!tpu.dma_semaphore, #tpu.memory_space<semaphore_mem>>)
        %dma_wait3A_75 = tpu.memref_slice %arg5[%add3A_12] : memref<160000xi32, #tpu.memory_space<hbm>> -> memref<128xi32, #tpu.memory_space<hbm>>
        %dma_wait3A_76 = tpu.memref_slice %arg5[%add3A_12] : memref<160000xi32, #tpu.memory_space<hbm>> -> memref<128xi32, #tpu.memory_space<hbm>>
        tpu.wait_dma2 semaphore(%run_scoped3A : memref<!tpu.dma_semaphore, #tpu.memory_space<semaphore_mem>>) src(%dma_wait3A_76 : memref<128xi32, #tpu.memory_space<hbm>>) dst(%arg11 : memref<128xi32, #tpu.memory_space<vmem>>)
        tpu.yield
      }) : () -> ()
      %dma_start3A_13 = arith.constant 0 : i32
      %dma_start3A_14 = arith.constant 0 : i32
      %dma_start3A_15 = tpu.memref_slice %arg2[%dma_start3A_13, %dma_start3A_14] : memref<10000x128xf32, #tpu.memory_space<hbm>> -> memref<10000x128xf32, #tpu.memory_space<hbm>>
      tpu.enqueue_indirect_dma source(%dma_start3A_15 : memref<10000x128xf32, #tpu.memory_space<hbm>>) target(%arg13 : memref<128x128xf32, #tpu.memory_space<vmem>>) offsets(%arg9 : memref<128xi32, #tpu.memory_space<vmem>>) semaphore(%arg20 : memref<!tpu.dma_semaphore, #tpu.memory_space<semaphore_mem>>)
      %broadcast_in_dim3A = arith.constant 0.000000e+00 : f32
      %broadcast_in_dim3A_16 = vector.broadcast %broadcast_in_dim3A : f32 to vector<16xf32>
      %scan3A = arith.constant 0 : i32
      %scan3A_17 = arith.constant 0 : i32
      %scan3A_18 = arith.constant 16 : i32
      %scan3A_19 = arith.addi %scan3A_17, %scan3A_18 : i32
      %scan3A_20 = arith.constant 1 : i32
      scf.for %scan3A_73 = %scan3A_17 to %scan3A_19 step %scan3A_20  : i32 {
        %swap3A = arith.index_cast %scan3A_73 : i32 to index
        %swap3A_74 = arith.constant 0 : index
        %swap3A_75 = tpu.vector_load %arg17[%swap3A, %swap3A_74] {strides = array<i32>} : memref<16x128xf32, #tpu.memory_space<vmem>>, vector<1x16xf32>,
        %swap3A_76 = vector.shape_cast %swap3A_75 : vector<1x16xf32> to vector<16xf32>
        %swap3A_77 = vector.shape_cast %broadcast_in_dim3A_16 : vector<16xf32> to vector<1x16xf32>
        tpu.vector_store %arg17[%swap3A, %swap3A_74], %swap3A_77 {strides = array<i32>} : memref<16x128xf32, #tpu.memory_space<vmem>>, vector<1x16xf32>,
        %swap3A_78 = arith.index_cast %scan3A_73 : i32 to index
        %swap3A_79 = arith.constant 16 : index
        %swap3A_80 = tpu.vector_load %arg17[%swap3A_78, %swap3A_79] {strides = array<i32>} : memref<16x128xf32, #tpu.memory_space<vmem>>, vector<1x16xf32>,
        %swap3A_81 = vector.shape_cast %swap3A_80 : vector<1x16xf32> to vector<16xf32>
        %swap3A_82 = vector.shape_cast %broadcast_in_dim3A_16 : vector<16xf32> to vector<1x16xf32>
        tpu.vector_store %arg17[%swap3A_78, %swap3A_79], %swap3A_82 {strides = array<i32>} : memref<16x128xf32, #tpu.memory_space<vmem>>, vector<1x16xf32>,
        %swap3A_83 = arith.index_cast %scan3A_73 : i32 to index
        %swap3A_84 = arith.constant 32 : index
        %swap3A_85 = tpu.vector_load %arg17[%swap3A_83, %swap3A_84] {strides = array<i32>} : memref<16x128xf32, #tpu.memory_space<vmem>>, vector<1x16xf32>,
        %swap3A_86 = vector.shape_cast %swap3A_85 : vector<1x16xf32> to vector<16xf32>
        %swap3A_87 = vector.shape_cast %broadcast_in_dim3A_16 : vector<16xf32> to vector<1x16xf32>
        tpu.vector_store %arg17[%swap3A_83, %swap3A_84], %swap3A_87 {strides = array<i32>} : memref<16x128xf32, #tpu.memory_space<vmem>>, vector<1x16xf32>,
        %swap3A_88 = arith.index_cast %scan3A_73 : i32 to index
        %swap3A_89 = arith.constant 48 : index
        %swap3A_90 = tpu.vector_load %arg17[%swap3A_88, %swap3A_89] {strides = array<i32>} : memref<16x128xf32, #tpu.memory_space<vmem>>, vector<1x16xf32>,
        %swap3A_91 = vector.shape_cast %swap3A_90 : vector<1x16xf32> to vector<16xf32>
        %swap3A_92 = vector.shape_cast %broadcast_in_dim3A_16 : vector<16xf32> to vector<1x16xf32>
        tpu.vector_store %arg17[%swap3A_88, %swap3A_89], %swap3A_92 {strides = array<i32>} : memref<16x128xf32, #tpu.memory_space<vmem>>, vector<1x16xf32>,
        %swap3A_93 = arith.index_cast %scan3A_73 : i32 to index
        %swap3A_94 = arith.constant 64 : index
        %swap3A_95 = tpu.vector_load %arg17[%swap3A_93, %swap3A_94] {strides = array<i32>} : memref<16x128xf32, #tpu.memory_space<vmem>>, vector<1x16xf32>,
        %swap3A_96 = vector.shape_cast %swap3A_95 : vector<1x16xf32> to vector<16xf32>
        %swap3A_97 = vector.shape_cast %broadcast_in_dim3A_16 : vector<16xf32> to vector<1x16xf32>
        tpu.vector_store %arg17[%swap3A_93, %swap3A_94], %swap3A_97 {strides = array<i32>} : memref<16x128xf32, #tpu.memory_space<vmem>>, vector<1x16xf32>,
        %swap3A_98 = arith.index_cast %scan3A_73 : i32 to index
        %swap3A_99 = arith.constant 80 : index
        %swap3A_100 = tpu.vector_load %arg17[%swap3A_98, %swap3A_99] {strides = array<i32>} : memref<16x128xf32, #tpu.memory_space<vmem>>, vector<1x16xf32>,
        %swap3A_101 = vector.shape_cast %swap3A_100 : vector<1x16xf32> to vector<16xf32>
        %swap3A_102 = vector.shape_cast %broadcast_in_dim3A_16 : vector<16xf32> to vector<1x16xf32>
        tpu.vector_store %arg17[%swap3A_98, %swap3A_99], %swap3A_102 {strides = array<i32>} : memref<16x128xf32, #tpu.memory_space<vmem>>, vector<1x16xf32>,
        %swap3A_103 = arith.index_cast %scan3A_73 : i32 to index
        %swap3A_104 = arith.constant 96 : index
        %swap3A_105 = tpu.vector_load %arg17[%swap3A_103, %swap3A_104] {strides = array<i32>} : memref<16x128xf32, #tpu.memory_space<vmem>>, vector<1x16xf32>,
        %swap3A_106 = vector.shape_cast %swap3A_105 : vector<1x16xf32> to vector<16xf32>
        %swap3A_107 = vector.shape_cast %broadcast_in_dim3A_16 : vector<16xf32> to vector<1x16xf32>
        tpu.vector_store %arg17[%swap3A_103, %swap3A_104], %swap3A_107 {strides = array<i32>} : memref<16x128xf32, #tpu.memory_space<vmem>>, vector<1x16xf32>,
        %swap3A_108 = arith.index_cast %scan3A_73 : i32 to index
        %swap3A_109 = arith.constant 112 : index
        %swap3A_110 = tpu.vector_load %arg17[%swap3A_108, %swap3A_109] {strides = array<i32>} : memref<16x128xf32, #tpu.memory_space<vmem>>, vector<1x16xf32>,
        %swap3A_111 = vector.shape_cast %swap3A_110 : vector<1x16xf32> to vector<16xf32>
        %swap3A_112 = vector.shape_cast %broadcast_in_dim3A_16 : vector<16xf32> to vector<1x16xf32>
        tpu.vector_store %arg17[%swap3A_108, %swap3A_109], %swap3A_112 {strides = array<i32>} : memref<16x128xf32, #tpu.memory_space<vmem>>, vector<1x16xf32>,
      }
      %scan3A_21 = arith.constant 16 : i32
      %eq3A_22 = arith.constant 15 : i32
      %eq3A_23 = arith.cmpi eq, %arg1, %eq3A_22 : i32
      %jit3A = arith.constant 40 : i32
      %jit3A_24 = arith.constant 39 : i32
      %select_n3A = arith.select %eq3A_23, %jit3A, %jit3A_24 : i32
      %while3A = arith.constant 0 : i32
      %while3A_25 = arith.constant 0 : i32
      %while3A_26 = arith.subi %select_n3A, %while3A_25 : i32
      %while3A_27 = arith.addi %while3A_25, %while3A_26 : i32
      %while3A_28 = arith.constant 1 : i32
      %while3A_29 = arith.divsi %while3A_26, %while3A_28 : i32
      %while3A_30 = arith.muli %while3A_29, %while3A_28 : i32
      %while3A_31 = arith.addi %while3A_25, %while3A_30 : i32
      %while3A_32 = arith.constant 1 : i32
      scf.for %while3A_73 = %while3A_25 to %while3A_31 step %while3A_32  : i32 {
        %mul3A_74 = arith.constant 624 : i32
        %mul3A_75 = arith.muli %arg1, %mul3A_74 : i32
        %mul3A_76 = arith.constant 16 : i32
        %mul3A_77 = arith.muli %while3A_73, %mul3A_76 : i32
        %add3A_78 = arith.addi %mul3A_75, %mul3A_77 : i32
        %dma_start3A_79 = arith.constant 0 : i32
        %dma_start3A_80 = tpu.memref_slice %arg18[%add3A_78, %dma_start3A_79] : memref<10016x128xf32, #tpu.memory_space<vmem_shared>> -> memref<16x128xf32, #tpu.memory_space<vmem_shared>>
        %dma_start3A_81 = arith.constant 0 : i32
        %dma_start3A_82 = tpu.memref_slice %arg18[%add3A_78, %dma_start3A_81] : memref<10016x128xf32, #tpu.memory_space<vmem_shared>> -> memref<16x128xf32, #tpu.memory_space<vmem_shared>>
        tpu.enqueue_dma source(%arg17 : memref<16x128xf32, #tpu.memory_space<vmem>>) target(%dma_start3A_82 : memref<16x128xf32, #tpu.memory_space<vmem_shared>>) target_semaphore(%arg25 : memref<!tpu.dma_semaphore, #tpu.memory_space<semaphore_mem>>)
      }
      %while3A_33 = arith.constant 1 : i32
      scf.for %while3A_73 = %while3A_31 to %while3A_27 step %while3A_33  : i32 {
        %mul3A_74 = arith.constant 624 : i32
        %mul3A_75 = arith.muli %arg1, %mul3A_74 : i32
        %mul3A_76 = arith.constant 16 : i32
        %mul3A_77 = arith.muli %while3A_73, %mul3A_76 : i32
        %add3A_78 = arith.addi %mul3A_75, %mul3A_77 : i32
        %dma_start3A_79 = arith.constant 0 : i32
        %dma_start3A_80 = tpu.memref_slice %arg18[%add3A_78, %dma_start3A_79] : memref<10016x128xf32, #tpu.memory_space<vmem_shared>> -> memref<16x128xf32, #tpu.memory_space<vmem_shared>>
        %dma_start3A_81 = arith.constant 0 : i32
        %dma_start3A_82 = tpu.memref_slice %arg18[%add3A_78, %dma_start3A_81] : memref<10016x128xf32, #tpu.memory_space<vmem_shared>> -> memref<16x128xf32, #tpu.memory_space<vmem_shared>>
        tpu.enqueue_dma source(%arg17 : memref<16x128xf32, #tpu.memory_space<vmem>>) target(%dma_start3A_82 : memref<16x128xf32, #tpu.memory_space<vmem_shared>>) target_semaphore(%arg25 : memref<!tpu.dma_semaphore, #tpu.memory_space<semaphore_mem>>)
      }
      %while3A_34 = arith.constant 0 : i32
      %while3A_35 = arith.constant 0 : i32
      %while3A_36 = arith.subi %select_n3A, %while3A_35 : i32
      %while3A_37 = arith.addi %while3A_35, %while3A_36 : i32
      %while3A_38 = arith.constant 1 : i32
      %while3A_39 = arith.divsi %while3A_36, %while3A_38 : i32
      %while3A_40 = arith.muli %while3A_39, %while3A_38 : i32
      %while3A_41 = arith.addi %while3A_35, %while3A_40 : i32
      %while3A_42 = arith.constant 1 : i32
      scf.for %while3A_73 = %while3A_35 to %while3A_41 step %while3A_42  : i32 {
        %dma_wait3A_74 = arith.constant 0 : i32
        %dma_wait3A_75 = arith.constant 0 : i32
        %dma_wait3A_76 = tpu.memref_slice %arg18[%dma_wait3A_74, %dma_wait3A_75] : memref<10016x128xf32, #tpu.memory_space<vmem_shared>> -> memref<16x128xf32, #tpu.memory_space<vmem_shared>>
        %dma_wait3A_77 = arith.constant 0 : i32
        %dma_wait3A_78 = arith.constant 0 : i32
        %dma_wait3A_79 = tpu.memref_slice %arg18[%dma_wait3A_77, %dma_wait3A_78] : memref<10016x128xf32, #tpu.memory_space<vmem_shared>> -> memref<16x128xf32, #tpu.memory_space<vmem_shared>>
        tpu.wait_dma2 semaphore(%arg25 : memref<!tpu.dma_semaphore, #tpu.memory_space<semaphore_mem>>) src(%arg17 : memref<16x128xf32, #tpu.memory_space<vmem>>) dst(%dma_wait3A_79 : memref<16x128xf32, #tpu.memory_space<vmem_shared>>)
      }
      %while3A_43 = arith.constant 1 : i32
      scf.for %while3A_73 = %while3A_41 to %while3A_37 step %while3A_43  : i32 {
        %dma_wait3A_74 = arith.constant 0 : i32
        %dma_wait3A_75 = arith.constant 0 : i32
        %dma_wait3A_76 = tpu.memref_slice %arg18[%dma_wait3A_74, %dma_wait3A_75] : memref<10016x128xf32, #tpu.memory_space<vmem_shared>> -> memref<16x128xf32, #tpu.memory_space<vmem_shared>>
        %dma_wait3A_77 = arith.constant 0 : i32
        %dma_wait3A_78 = arith.constant 0 : i32
        %dma_wait3A_79 = tpu.memref_slice %arg18[%dma_wait3A_77, %dma_wait3A_78] : memref<10016x128xf32, #tpu.memory_space<vmem_shared>> -> memref<16x128xf32, #tpu.memory_space<vmem_shared>>
        tpu.wait_dma2 semaphore(%arg25 : memref<!tpu.dma_semaphore, #tpu.memory_space<semaphore_mem>>) src(%arg17 : memref<16x128xf32, #tpu.memory_space<vmem>>) dst(%dma_wait3A_79 : memref<16x128xf32, #tpu.memory_space<vmem_shared>>)
      }
      %barrier3A = arith.constant 0 : index
      tpu.barrier barrier_id(%barrier3A)
      %scan3A_44 = arith.constant 0 : i32
      %scan3A_45 = arith.constant 0 : i32
      %scan3A_46 = arith.constant 39 : i32
      %scan3A_47 = arith.addi %scan3A_45, %scan3A_46 : i32
      %scan3A_48 = arith.constant 1 : i32
      scf.for %scan3A_73 = %scan3A_45 to %scan3A_47 step %scan3A_48  : i32 {
        %mul3A_74 = arith.constant 2 : i32
        %mul3A_75 = arith.muli %scan3A_73, %mul3A_74 : i32
        %dma_wait3A_76 = arith.constant 0 : i32
        %dma_wait3A_77 = arith.constant 0 : i32
        %dma_wait3A_78 = tpu.memref_slice %arg2[%dma_wait3A_76, %dma_wait3A_77] : memref<10000x128xf32, #tpu.memory_space<hbm>> -> memref<10000x128xf32, #tpu.memory_space<hbm>>
        tpu.wait_indirect_dma semaphore(%arg19 : memref<!tpu.dma_semaphore, #tpu.memory_space<semaphore_mem>>) src(%dma_wait3A_78 : memref<10000x128xf32, #tpu.memory_space<hbm>>) dst(%arg12 : memref<128x128xf32, #tpu.memory_space<vmem>>)
        %add3A_79 = arith.constant 2 : i32
        %add3A_80 = arith.addi %mul3A_75, %add3A_79 : i32
        %lt3A = arith.constant 78 : i32
        %lt3A_81 = arith.cmpi slt, %add3A_80, %lt3A : i32
        %convert_element_type3A_82 = arith.extui %lt3A_81 : i1 to i32
        %cond3A_83 = arith.constant 0 : i32
        %cond3A_84 = arith.cmpi ne, %convert_element_type3A_82, %cond3A_83 : i32
        scf.if %cond3A_84 {
          %add3A_115 = arith.constant 2 : i32
          %add3A_116 = arith.addi %mul3A_75, %add3A_115 : i32
          %mul3A_117 = arith.constant 128 : i32
          %mul3A_118 = arith.muli %add3A_116, %mul3A_117 : i32
          %add3A_119 = arith.addi %mul3A_0, %mul3A_118 : i32
          %dma_start3A_120 = tpu.memref_slice %arg4[%add3A_119] : memref<160000xi32, #tpu.memory_space<hbm>> -> memref<128xi32, #tpu.memory_space<hbm>>
          %dma_start3A_121 = tpu.memref_slice %arg4[%add3A_119] : memref<160000xi32, #tpu.memory_space<hbm>> -> memref<128xi32, #tpu.memory_space<hbm>>
          tpu.enqueue_dma source(%dma_start3A_121 : memref<128xi32, #tpu.memory_space<hbm>>) target(%arg8 : memref<128xi32, #tpu.memory_space<vmem>>) target_semaphore(%arg23 : memref<!tpu.dma_semaphore, #tpu.memory_space<semaphore_mem>>)
        } else {
        }
        %dma_start3A_85 = arith.constant 0 : i32
        %dma_start3A_86 = arith.constant 0 : i32
        %dma_start3A_87 = tpu.memref_slice %arg18[%dma_start3A_85, %dma_start3A_86] : memref<10016x128xf32, #tpu.memory_space<vmem_shared>> -> memref<10016x128xf32, #tpu.memory_space<vmem_shared>>
        tpu.enqueue_indirect_dma source(%arg12 : memref<128x128xf32, #tpu.memory_space<vmem>>) target(%dma_start3A_87 : memref<10016x128xf32, #tpu.memory_space<vmem_shared>>) offsets(%arg10 : memref<128xi32, #tpu.memory_space<vmem>>) semaphore(%arg21 : memref<!tpu.dma_semaphore, #tpu.memory_space<semaphore_mem>>) {add = true}
        %dma_wait3A_88 = arith.constant 0 : i32
        %dma_wait3A_89 = arith.constant 0 : i32
        %dma_wait3A_90 = tpu.memref_slice %arg2[%dma_wait3A_88, %dma_wait3A_89] : memref<10000x128xf32, #tpu.memory_space<hbm>> -> memref<10000x128xf32, #tpu.memory_space<hbm>>
        tpu.wait_indirect_dma semaphore(%arg20 : memref<!tpu.dma_semaphore, #tpu.memory_space<semaphore_mem>>) src(%dma_wait3A_90 : memref<10000x128xf32, #tpu.memory_space<hbm>>) dst(%arg13 : memref<128x128xf32, #tpu.memory_space<vmem>>)
        %add3A_91 = arith.constant 3 : i32
        %add3A_92 = arith.addi %mul3A_75, %add3A_91 : i32
        %lt3A_93 = arith.constant 78 : i32
        %lt3A_94 = arith.cmpi slt, %add3A_92, %lt3A_93 : i32
        %convert_element_type3A_95 = arith.extui %lt3A_94 : i1 to i32
        %cond3A_96 = arith.constant 0 : i32
        %cond3A_97 = arith.cmpi ne, %convert_element_type3A_95, %cond3A_96 : i32
        scf.if %cond3A_97 {
          %add3A_115 = arith.constant 3 : i32
          %add3A_116 = arith.addi %mul3A_75, %add3A_115 : i32
          %mul3A_117 = arith.constant 128 : i32
          %mul3A_118 = arith.muli %add3A_116, %mul3A_117 : i32
          %add3A_119 = arith.addi %mul3A_0, %mul3A_118 : i32
          %dma_start3A_120 = tpu.memref_slice %arg4[%add3A_119] : memref<160000xi32, #tpu.memory_space<hbm>> -> memref<128xi32, #tpu.memory_space<hbm>>
          %dma_start3A_121 = tpu.memref_slice %arg4[%add3A_119] : memref<160000xi32, #tpu.memory_space<hbm>> -> memref<128xi32, #tpu.memory_space<hbm>>
          tpu.enqueue_dma source(%dma_start3A_121 : memref<128xi32, #tpu.memory_space<hbm>>) target(%arg9 : memref<128xi32, #tpu.memory_space<vmem>>) target_semaphore(%arg24 : memref<!tpu.dma_semaphore, #tpu.memory_space<semaphore_mem>>)
        } else {
        }
        %dma_start3A_98 = arith.constant 0 : i32
        %dma_start3A_99 = arith.constant 0 : i32
        %dma_start3A_100 = tpu.memref_slice %arg18[%dma_start3A_98, %dma_start3A_99] : memref<10016x128xf32, #tpu.memory_space<vmem_shared>> -> memref<10016x128xf32, #tpu.memory_space<vmem_shared>>
        tpu.enqueue_indirect_dma source(%arg13 : memref<128x128xf32, #tpu.memory_space<vmem>>) target(%dma_start3A_100 : memref<10016x128xf32, #tpu.memory_space<vmem_shared>>) offsets(%arg11 : memref<128xi32, #tpu.memory_space<vmem>>) semaphore(%arg22 : memref<!tpu.dma_semaphore, #tpu.memory_space<semaphore_mem>>) {add = true}
        %add3A_101 = arith.constant 2 : i32
        %add3A_102 = arith.addi %mul3A_75, %add3A_101 : i32
        %lt3A_103 = arith.constant 78 : i32
        %lt3A_104 = arith.cmpi slt, %add3A_102, %lt3A_103 : i32
        %convert_element_type3A_105 = arith.extui %lt3A_104 : i1 to i32
        %cond3A_106 = arith.constant 0 : i32
        %cond3A_107 = arith.cmpi ne, %convert_element_type3A_105, %cond3A_106 : i32
        scf.if %cond3A_107 {
          %dma_wait3A_115 = arith.constant 0 : i32
          %dma_wait3A_116 = arith.constant 0 : i32
          %dma_wait3A_117 = tpu.memref_slice %arg18[%dma_wait3A_115, %dma_wait3A_116] : memref<10016x128xf32, #tpu.memory_space<vmem_shared>> -> memref<10016x128xf32, #tpu.memory_space<vmem_shared>>
          tpu.wait_indirect_dma semaphore(%arg21 : memref<!tpu.dma_semaphore, #tpu.memory_space<semaphore_mem>>) src(%arg12 : memref<128x128xf32, #tpu.memory_space<vmem>>) dst(%dma_wait3A_117 : memref<10016x128xf32, #tpu.memory_space<vmem_shared>>)
          %add3A_118 = arith.constant 2 : i32
          %add3A_119 = arith.addi %mul3A_75, %add3A_118 : i32
          %mul3A_120 = arith.constant 128 : i32
          %mul3A_121 = arith.muli %add3A_119, %mul3A_120 : i32
          %add3A_122 = arith.addi %mul3A_0, %mul3A_121 : i32
          "tpu.region"() ({
            %run_scoped3A = tpu.sem_alloc : memref<!tpu.dma_semaphore, #tpu.memory_space<semaphore_mem>>
            %dma_start3A_130 = tpu.memref_slice %arg5[%add3A_122] : memref<160000xi32, #tpu.memory_space<hbm>> -> memref<128xi32, #tpu.memory_space<hbm>>
            %dma_start3A_131 = tpu.memref_slice %arg5[%add3A_122] : memref<160000xi32, #tpu.memory_space<hbm>> -> memref<128xi32, #tpu.memory_space<hbm>>
            tpu.enqueue_dma source(%dma_start3A_131 : memref<128xi32, #tpu.memory_space<hbm>>) target(%arg10 : memref<128xi32, #tpu.memory_space<vmem>>) target_semaphore(%run_scoped3A : memref<!tpu.dma_semaphore, #tpu.memory_space<semaphore_mem>>)
            %dma_wait3A_132 = tpu.memref_slice %arg5[%add3A_122] : memref<160000xi32, #tpu.memory_space<hbm>> -> memref<128xi32, #tpu.memory_space<hbm>>
            %dma_wait3A_133 = tpu.memref_slice %arg5[%add3A_122] : memref<160000xi32, #tpu.memory_space<hbm>> -> memref<128xi32, #tpu.memory_space<hbm>>
            tpu.wait_dma2 semaphore(%run_scoped3A : memref<!tpu.dma_semaphore, #tpu.memory_space<semaphore_mem>>) src(%dma_wait3A_133 : memref<128xi32, #tpu.memory_space<hbm>>) dst(%arg10 : memref<128xi32, #tpu.memory_space<vmem>>)
            tpu.yield
          }) : () -> ()
          %dma_wait3A_123 = arith.constant 0 : i32
          %dma_wait3A_124 = tpu.memref_slice %arg4[%dma_wait3A_123] : memref<160000xi32, #tpu.memory_space<hbm>> -> memref<128xi32, #tpu.memory_space<hbm>>
          %dma_wait3A_125 = arith.constant 0 : i32
          %dma_wait3A_126 = tpu.memref_slice %arg4[%dma_wait3A_125] : memref<160000xi32, #tpu.memory_space<hbm>> -> memref<128xi32, #tpu.memory_space<hbm>>
          tpu.wait_dma2 semaphore(%arg23 : memref<!tpu.dma_semaphore, #tpu.memory_space<semaphore_mem>>) src(%dma_wait3A_126 : memref<128xi32, #tpu.memory_space<hbm>>) dst(%arg8 : memref<128xi32, #tpu.memory_space<vmem>>)
          %dma_start3A_127 = arith.constant 0 : i32
          %dma_start3A_128 = arith.constant 0 : i32
          %dma_start3A_129 = tpu.memref_slice %arg2[%dma_start3A_127, %dma_start3A_128] : memref<10000x128xf32, #tpu.memory_space<hbm>> -> memref<10000x128xf32, #tpu.memory_space<hbm>>
          tpu.enqueue_indirect_dma source(%dma_start3A_129 : memref<10000x128xf32, #tpu.memory_space<hbm>>) target(%arg12 : memref<128x128xf32, #tpu.memory_space<vmem>>) offsets(%arg8 : memref<128xi32, #tpu.memory_space<vmem>>) semaphore(%arg19 : memref<!tpu.dma_semaphore, #tpu.memory_space<semaphore_mem>>)
        } else {
        }
        %add3A_108 = arith.constant 3 : i32
        %add3A_109 = arith.addi %mul3A_75, %add3A_108 : i32
        %lt3A_110 = arith.constant 78 : i32
        %lt3A_111 = arith.cmpi slt, %add3A_109, %lt3A_110 : i32
        %convert_element_type3A_112 = arith.extui %lt3A_111 : i1 to i32
        %cond3A_113 = arith.constant 0 : i32
        %cond3A_114 = arith.cmpi ne, %convert_element_type3A_112, %cond3A_113 : i32
        scf.if %cond3A_114 {
          %dma_wait3A_115 = arith.constant 0 : i32
          %dma_wait3A_116 = arith.constant 0 : i32
          %dma_wait3A_117 = tpu.memref_slice %arg18[%dma_wait3A_115, %dma_wait3A_116] : memref<10016x128xf32, #tpu.memory_space<vmem_shared>> -> memref<10016x128xf32, #tpu.memory_space<vmem_shared>>
          tpu.wait_indirect_dma semaphore(%arg22 : memref<!tpu.dma_semaphore, #tpu.memory_space<semaphore_mem>>) src(%arg13 : memref<128x128xf32, #tpu.memory_space<vmem>>) dst(%dma_wait3A_117 : memref<10016x128xf32, #tpu.memory_space<vmem_shared>>)
          %add3A_118 = arith.constant 3 : i32
          %add3A_119 = arith.addi %mul3A_75, %add3A_118 : i32
          %mul3A_120 = arith.constant 128 : i32
          %mul3A_121 = arith.muli %add3A_119, %mul3A_120 : i32
          %add3A_122 = arith.addi %mul3A_0, %mul3A_121 : i32
          "tpu.region"() ({
            %run_scoped3A = tpu.sem_alloc : memref<!tpu.dma_semaphore, #tpu.memory_space<semaphore_mem>>
            %dma_start3A_130 = tpu.memref_slice %arg5[%add3A_122] : memref<160000xi32, #tpu.memory_space<hbm>> -> memref<128xi32, #tpu.memory_space<hbm>>
            %dma_start3A_131 = tpu.memref_slice %arg5[%add3A_122] : memref<160000xi32, #tpu.memory_space<hbm>> -> memref<128xi32, #tpu.memory_space<hbm>>
            tpu.enqueue_dma source(%dma_start3A_131 : memref<128xi32, #tpu.memory_space<hbm>>) target(%arg11 : memref<128xi32, #tpu.memory_space<vmem>>) target_semaphore(%run_scoped3A : memref<!tpu.dma_semaphore, #tpu.memory_space<semaphore_mem>>)
            %dma_wait3A_132 = tpu.memref_slice %arg5[%add3A_122] : memref<160000xi32, #tpu.memory_space<hbm>> -> memref<128xi32, #tpu.memory_space<hbm>>
            %dma_wait3A_133 = tpu.memref_slice %arg5[%add3A_122] : memref<160000xi32, #tpu.memory_space<hbm>> -> memref<128xi32, #tpu.memory_space<hbm>>
            tpu.wait_dma2 semaphore(%run_scoped3A : memref<!tpu.dma_semaphore, #tpu.memory_space<semaphore_mem>>) src(%dma_wait3A_133 : memref<128xi32, #tpu.memory_space<hbm>>) dst(%arg11 : memref<128xi32, #tpu.memory_space<vmem>>)
            tpu.yield
          }) : () -> ()
          %dma_wait3A_123 = arith.constant 0 : i32
          %dma_wait3A_124 = tpu.memref_slice %arg4[%dma_wait3A_123] : memref<160000xi32, #tpu.memory_space<hbm>> -> memref<128xi32, #tpu.memory_space<hbm>>
          %dma_wait3A_125 = arith.constant 0 : i32
          %dma_wait3A_126 = tpu.memref_slice %arg4[%dma_wait3A_125] : memref<160000xi32, #tpu.memory_space<hbm>> -> memref<128xi32, #tpu.memory_space<hbm>>
          tpu.wait_dma2 semaphore(%arg24 : memref<!tpu.dma_semaphore, #tpu.memory_space<semaphore_mem>>) src(%dma_wait3A_126 : memref<128xi32, #tpu.memory_space<hbm>>) dst(%arg9 : memref<128xi32, #tpu.memory_space<vmem>>)
          %dma_start3A_127 = arith.constant 0 : i32
          %dma_start3A_128 = arith.constant 0 : i32
          %dma_start3A_129 = tpu.memref_slice %arg2[%dma_start3A_127, %dma_start3A_128] : memref<10000x128xf32, #tpu.memory_space<hbm>> -> memref<10000x128xf32, #tpu.memory_space<hbm>>
          tpu.enqueue_indirect_dma source(%dma_start3A_129 : memref<10000x128xf32, #tpu.memory_space<hbm>>) target(%arg13 : memref<128x128xf32, #tpu.memory_space<vmem>>) offsets(%arg9 : memref<128xi32, #tpu.memory_space<vmem>>) semaphore(%arg20 : memref<!tpu.dma_semaphore, #tpu.memory_space<semaphore_mem>>)
        } else {
        }
      }
      %scan3A_49 = arith.constant 39 : i32
      %dma_wait3A = arith.constant 0 : i32
      %dma_wait3A_50 = arith.constant 0 : i32
      %dma_wait3A_51 = tpu.memref_slice %arg18[%dma_wait3A, %dma_wait3A_50] : memref<10016x128xf32, #tpu.memory_space<vmem_shared>> -> memref<10016x128xf32, #tpu.memory_space<vmem_shared>>
      tpu.wait_indirect_dma semaphore(%arg21 : memref<!tpu.dma_semaphore, #tpu.memory_space<semaphore_mem>>) src(%arg12 : memref<128x128xf32, #tpu.memory_space<vmem>>) dst(%dma_wait3A_51 : memref<10016x128xf32, #tpu.memory_space<vmem_shared>>)
      %dma_wait3A_52 = arith.constant 0 : i32
      %dma_wait3A_53 = arith.constant 0 : i32
      %dma_wait3A_54 = tpu.memref_slice %arg18[%dma_wait3A_52, %dma_wait3A_53] : memref<10016x128xf32, #tpu.memory_space<vmem_shared>> -> memref<10016x128xf32, #tpu.memory_space<vmem_shared>>
      tpu.wait_indirect_dma semaphore(%arg22 : memref<!tpu.dma_semaphore, #tpu.memory_space<semaphore_mem>>) src(%arg13 : memref<128x128xf32, #tpu.memory_space<vmem>>) dst(%dma_wait3A_54 : memref<10016x128xf32, #tpu.memory_space<vmem_shared>>)
      %add3A_55 = arith.constant 9984 : i32
      %add3A_56 = arith.addi %mul3A_0, %add3A_55 : i32
      "tpu.region"() ({
        %run_scoped3A = tpu.sem_alloc : memref<!tpu.dma_semaphore, #tpu.memory_space<semaphore_mem>>
        %dma_start3A_73 = tpu.memref_slice %arg4[%add3A_56] : memref<160000xi32, #tpu.memory_space<hbm>> -> memref<16xi32, #tpu.memory_space<hbm>>
        %dma_start3A_74 = tpu.memref_slice %arg4[%add3A_56] : memref<160000xi32, #tpu.memory_space<hbm>> -> memref<16xi32, #tpu.memory_space<hbm>>
        tpu.enqueue_dma source(%dma_start3A_74 : memref<16xi32, #tpu.memory_space<hbm>>) target(%arg14 : memref<16xi32, #tpu.memory_space<vmem>>) target_semaphore(%run_scoped3A : memref<!tpu.dma_semaphore, #tpu.memory_space<semaphore_mem>>)
        %dma_wait3A_75 = tpu.memref_slice %arg4[%add3A_56] : memref<160000xi32, #tpu.memory_space<hbm>> -> memref<16xi32, #tpu.memory_space<hbm>>
        %dma_wait3A_76 = tpu.memref_slice %arg4[%add3A_56] : memref<160000xi32, #tpu.memory_space<hbm>> -> memref<16xi32, #tpu.memory_space<hbm>>
        tpu.wait_dma2 semaphore(%run_scoped3A : memref<!tpu.dma_semaphore, #tpu.memory_space<semaphore_mem>>) src(%dma_wait3A_76 : memref<16xi32, #tpu.memory_space<hbm>>) dst(%arg14 : memref<16xi32, #tpu.memory_space<vmem>>)
        tpu.yield
      }) : () -> ()
      "tpu.region"() ({
        %run_scoped3A = tpu.sem_alloc : memref<!tpu.dma_semaphore, #tpu.memory_space<semaphore_mem>>
        %dma_start3A_73 = tpu.memref_slice %arg5[%add3A_56] : memref<160000xi32, #tpu.memory_space<hbm>> -> memref<16xi32, #tpu.memory_space<hbm>>
        %dma_start3A_74 = tpu.memref_slice %arg5[%add3A_56] : memref<160000xi32, #tpu.memory_space<hbm>> -> memref<16xi32, #tpu.memory_space<hbm>>
        tpu.enqueue_dma source(%dma_start3A_74 : memref<16xi32, #tpu.memory_space<hbm>>) target(%arg15 : memref<16xi32, #tpu.memory_space<vmem>>) target_semaphore(%run_scoped3A : memref<!tpu.dma_semaphore, #tpu.memory_space<semaphore_mem>>)
        %dma_wait3A_75 = tpu.memref_slice %arg5[%add3A_56] : memref<160000xi32, #tpu.memory_space<hbm>> -> memref<16xi32, #tpu.memory_space<hbm>>
        %dma_wait3A_76 = tpu.memref_slice %arg5[%add3A_56] : memref<160000xi32, #tpu.memory_space<hbm>> -> memref<16xi32, #tpu.memory_space<hbm>>
        tpu.wait_dma2 semaphore(%run_scoped3A : memref<!tpu.dma_semaphore, #tpu.memory_space<semaphore_mem>>) src(%dma_wait3A_76 : memref<16xi32, #tpu.memory_space<hbm>>) dst(%arg15 : memref<16xi32, #tpu.memory_space<vmem>>)
        tpu.yield
      }) : () -> ()
      %dma_start3A_57 = arith.constant 0 : i32
      %dma_start3A_58 = arith.constant 0 : i32
      %dma_start3A_59 = tpu.memref_slice %arg2[%dma_start3A_57, %dma_start3A_58] : memref<10000x128xf32, #tpu.memory_space<hbm>> -> memref<10000x128xf32, #tpu.memory_space<hbm>>
      tpu.enqueue_indirect_dma source(%dma_start3A_59 : memref<10000x128xf32, #tpu.memory_space<hbm>>) target(%arg16 : memref<16x128xf32, #tpu.memory_space<vmem>>) offsets(%arg14 : memref<16xi32, #tpu.memory_space<vmem>>) semaphore(%arg19 : memref<!tpu.dma_semaphore, #tpu.memory_space<semaphore_mem>>)
      %dma_wait3A_60 = arith.constant 0 : i32
      %dma_wait3A_61 = arith.constant 0 : i32
      %dma_wait3A_62 = tpu.memref_slice %arg2[%dma_wait3A_60, %dma_wait3A_61] : memref<10000x128xf32, #tpu.memory_space<hbm>> -> memref<10000x128xf32, #tpu.memory_space<hbm>>
      tpu.wait_indirect_dma semaphore(%arg19 : memref<!tpu.dma_semaphore, #tpu.memory_space<semaphore_mem>>) src(%dma_wait3A_62 : memref<10000x128xf32, #tpu.memory_space<hbm>>) dst(%arg16 : memref<16x128xf32, #tpu.memory_space<vmem>>)
      "tpu.region"() ({
        %run_scoped3A = tpu.sem_alloc : memref<!tpu.dma_semaphore, #tpu.memory_space<semaphore_mem>>
        %dma_start3A_73 = arith.constant 0 : i32
        %dma_start3A_74 = arith.constant 0 : i32
        %dma_start3A_75 = tpu.memref_slice %arg18[%dma_start3A_73, %dma_start3A_74] : memref<10016x128xf32, #tpu.memory_space<vmem_shared>> -> memref<10016x128xf32, #tpu.memory_space<vmem_shared>>
        tpu.enqueue_indirect_dma source(%arg16 : memref<16x128xf32, #tpu.memory_space<vmem>>) target(%dma_start3A_75 : memref<10016x128xf32, #tpu.memory_space<vmem_shared>>) offsets(%arg15 : memref<16xi32, #tpu.memory_space<vmem>>) semaphore(%run_scoped3A : memref<!tpu.dma_semaphore, #tpu.memory_space<semaphore_mem>>) {add = true}
        %dma_wait3A_76 = arith.constant 0 : i32
        %dma_wait3A_77 = arith.constant 0 : i32
        %dma_wait3A_78 = tpu.memref_slice %arg18[%dma_wait3A_76, %dma_wait3A_77] : memref<10016x128xf32, #tpu.memory_space<vmem_shared>> -> memref<10016x128xf32, #tpu.memory_space<vmem_shared>>
        tpu.wait_indirect_dma semaphore(%run_scoped3A : memref<!tpu.dma_semaphore, #tpu.memory_space<semaphore_mem>>) src(%arg16 : memref<16x128xf32, #tpu.memory_space<vmem>>) dst(%dma_wait3A_78 : memref<10016x128xf32, #tpu.memory_space<vmem_shared>>)
        tpu.yield
      }) : () -> ()
      %barrier3A_63 = arith.constant 0 : index
      tpu.barrier barrier_id(%barrier3A_63)
      %mul3A_64 = arith.constant 624 : i32
      %mul3A_65 = arith.muli %arg1, %mul3A_64 : i32
      %mul3A_66 = arith.constant 624 : i32
      %mul3A_67 = arith.muli %arg1, %mul3A_66 : i32
      "tpu.region"() ({
        %run_scoped3A = tpu.sem_alloc : memref<!tpu.dma_semaphore, #tpu.memory_space<semaphore_mem>>
        %dma_start3A_73 = arith.constant 0 : i32
        %dma_start3A_74 = tpu.memref_slice %arg6[%mul3A_67, %dma_start3A_73] : memref<10000x128xf32, #tpu.memory_space<hbm>> -> memref<624x128xf32, #tpu.memory_space<hbm>>
        %dma_start3A_75 = arith.constant 0 : i32
        %dma_start3A_76 = tpu.memref_slice %arg18[%mul3A_65, %dma_start3A_75] : memref<10016x128xf32, #tpu.memory_space<vmem_shared>> -> memref<624x128xf32, #tpu.memory_space<vmem_shared>>
        tpu.enqueue_dma source(%dma_start3A_76 : memref<624x128xf32, #tpu.memory_space<vmem_shared>>) target(%dma_start3A_74 : memref<624x128xf32, #tpu.memory_space<hbm>>) target_semaphore(%run_scoped3A : memref<!tpu.dma_semaphore, #tpu.memory_space<semaphore_mem>>)
        %dma_wait3A_77 = arith.constant 0 : i32
        %dma_wait3A_78 = tpu.memref_slice %arg6[%mul3A_67, %dma_wait3A_77] : memref<10000x128xf32, #tpu.memory_space<hbm>> -> memref<624x128xf32, #tpu.memory_space<hbm>>
        %dma_wait3A_79 = arith.constant 0 : i32
        %dma_wait3A_80 = tpu.memref_slice %arg18[%mul3A_65, %dma_wait3A_79] : memref<10016x128xf32, #tpu.memory_space<vmem_shared>> -> memref<624x128xf32, #tpu.memory_space<vmem_shared>>
        tpu.wait_dma2 semaphore(%run_scoped3A : memref<!tpu.dma_semaphore, #tpu.memory_space<semaphore_mem>>) src(%dma_wait3A_80 : memref<624x128xf32, #tpu.memory_space<vmem_shared>>) dst(%dma_wait3A_78 : memref<624x128xf32, #tpu.memory_space<hbm>>)
        tpu.yield
      }) : () -> ()
      %eq3A_68 = arith.constant 15 : i32
      %eq3A_69 = arith.cmpi eq, %arg1, %eq3A_68 : i32
      %convert_element_type3A_70 = arith.extui %eq3A_69 : i1 to i32
      %cond3A_71 = arith.constant 0 : i32
      %cond3A_72 = arith.cmpi ne, %convert_element_type3A_70, %cond3A_71 : i32
      scf.if %cond3A_72 {
        "tpu.region"() ({
          %run_scoped3A = tpu.sem_alloc : memref<!tpu.dma_semaphore, #tpu.memory_space<semaphore_mem>>
          %dma_start3A_73 = arith.constant 9984 : i32
          %dma_start3A_74 = arith.constant 0 : i32
          %dma_start3A_75 = tpu.memref_slice %arg6[%dma_start3A_73, %dma_start3A_74] : memref<10000x128xf32, #tpu.memory_space<hbm>> -> memref<16x128xf32, #tpu.memory_space<hbm>>
          %dma_start3A_76 = arith.constant 9984 : i32
          %dma_start3A_77 = arith.constant 0 : i32
          %dma_start3A_78 = tpu.memref_slice %arg18[%dma_start3A_76, %dma_start3A_77] : memref<10016x128xf32, #tpu.memory_space<vmem_shared>> -> memref<16x128xf32, #tpu.memory_space<vmem_shared>>
          tpu.enqueue_dma source(%dma_start3A_78 : memref<16x128xf32, #tpu.memory_space<vmem_shared>>) target(%dma_start3A_75 : memref<16x128xf32, #tpu.memory_space<hbm>>) target_semaphore(%run_scoped3A : memref<!tpu.dma_semaphore, #tpu.memory_space<semaphore_mem>>)
          %dma_wait3A_79 = arith.constant 9984 : i32
          %dma_wait3A_80 = arith.constant 0 : i32
          %dma_wait3A_81 = tpu.memref_slice %arg6[%dma_wait3A_79, %dma_wait3A_80] : memref<10000x128xf32, #tpu.memory_space<hbm>> -> memref<16x128xf32, #tpu.memory_space<hbm>>
          %dma_wait3A_82 = arith.constant 9984 : i32
          %dma_wait3A_83 = arith.constant 0 : i32
          %dma_wait3A_84 = tpu.memref_slice %arg18[%dma_wait3A_82, %dma_wait3A_83] : memref<10016x128xf32, #tpu.memory_space<vmem_shared>> -> memref<16x128xf32, #tpu.memory_space<vmem_shared>>
          tpu.wait_dma2 semaphore(%run_scoped3A : memref<!tpu.dma_semaphore, #tpu.memory_space<semaphore_mem>>) src(%dma_wait3A_84 : memref<16x128xf32, #tpu.memory_space<vmem_shared>>) dst(%dma_wait3A_81 : memref<16x128xf32, #tpu.memory_space<hbm>>)
          tpu.yield
        }) : () -> ()
      } else {
      }
    } else {
    }
    %eq3A_3 = arith.constant 1 : i32
    %eq3A_4 = arith.cmpi eq, %arg0, %eq3A_3 : i32
    %convert_element_type3A_5 = arith.extui %eq3A_4 : i1 to i32
    %cond3A_6 = arith.constant 0 : i32
    %cond3A_7 = arith.cmpi ne, %convert_element_type3A_5, %cond3A_6 : i32
    scf.if %cond3A_7 {
      "tpu.region"() ({
        %run_scoped3A = tpu.sem_alloc : memref<!tpu.dma_semaphore, #tpu.memory_space<semaphore_mem>>
        %dma_start3A_73 = tpu.memref_slice %arg4[%mul3A_0] : memref<160000xi32, #tpu.memory_space<hbm>> -> memref<128xi32, #tpu.memory_space<hbm>>
        %dma_start3A_74 = tpu.memref_slice %arg4[%mul3A_0] : memref<160000xi32, #tpu.memory_space<hbm>> -> memref<128xi32, #tpu.memory_space<hbm>>
        tpu.enqueue_dma source(%dma_start3A_74 : memref<128xi32, #tpu.memory_space<hbm>>) target(%arg8 : memref<128xi32, #tpu.memory_space<vmem>>) target_semaphore(%run_scoped3A : memref<!tpu.dma_semaphore, #tpu.memory_space<semaphore_mem>>)
        %dma_wait3A_75 = tpu.memref_slice %arg4[%mul3A_0] : memref<160000xi32, #tpu.memory_space<hbm>> -> memref<128xi32, #tpu.memory_space<hbm>>
        %dma_wait3A_76 = tpu.memref_slice %arg4[%mul3A_0] : memref<160000xi32, #tpu.memory_space<hbm>> -> memref<128xi32, #tpu.memory_space<hbm>>
        tpu.wait_dma2 semaphore(%run_scoped3A : memref<!tpu.dma_semaphore, #tpu.memory_space<semaphore_mem>>) src(%dma_wait3A_76 : memref<128xi32, #tpu.memory_space<hbm>>) dst(%arg8 : memref<128xi32, #tpu.memory_space<vmem>>)
        tpu.yield
      }) : () -> ()
      "tpu.region"() ({
        %run_scoped3A = tpu.sem_alloc : memref<!tpu.dma_semaphore, #tpu.memory_space<semaphore_mem>>
        %dma_start3A_73 = tpu.memref_slice %arg5[%mul3A_0] : memref<160000xi32, #tpu.memory_space<hbm>> -> memref<128xi32, #tpu.memory_space<hbm>>
        %dma_start3A_74 = tpu.memref_slice %arg5[%mul3A_0] : memref<160000xi32, #tpu.memory_space<hbm>> -> memref<128xi32, #tpu.memory_space<hbm>>
        tpu.enqueue_dma source(%dma_start3A_74 : memref<128xi32, #tpu.memory_space<hbm>>) target(%arg10 : memref<128xi32, #tpu.memory_space<vmem>>) target_semaphore(%run_scoped3A : memref<!tpu.dma_semaphore, #tpu.memory_space<semaphore_mem>>)
        %dma_wait3A_75 = tpu.memref_slice %arg5[%mul3A_0] : memref<160000xi32, #tpu.memory_space<hbm>> -> memref<128xi32, #tpu.memory_space<hbm>>
        %dma_wait3A_76 = tpu.memref_slice %arg5[%mul3A_0] : memref<160000xi32, #tpu.memory_space<hbm>> -> memref<128xi32, #tpu.memory_space<hbm>>
        tpu.wait_dma2 semaphore(%run_scoped3A : memref<!tpu.dma_semaphore, #tpu.memory_space<semaphore_mem>>) src(%dma_wait3A_76 : memref<128xi32, #tpu.memory_space<hbm>>) dst(%arg10 : memref<128xi32, #tpu.memory_space<vmem>>)
        tpu.yield
      }) : () -> ()
      %dma_start3A = arith.constant 0 : i32
      %dma_start3A_8 = arith.constant 0 : i32
      %dma_start3A_9 = tpu.memref_slice %arg3[%dma_start3A, %dma_start3A_8] : memref<10000x128xf32, #tpu.memory_space<hbm>> -> memref<10000x128xf32, #tpu.memory_space<hbm>>
      tpu.enqueue_indirect_dma source(%dma_start3A_9 : memref<10000x128xf32, #tpu.memory_space<hbm>>) target(%arg12 : memref<128x128xf32, #tpu.memory_space<vmem>>) offsets(%arg8 : memref<128xi32, #tpu.memory_space<vmem>>) semaphore(%arg19 : memref<!tpu.dma_semaphore, #tpu.memory_space<semaphore_mem>>)
      %add3A = arith.constant 128 : i32
      %add3A_10 = arith.addi %mul3A_0, %add3A : i32
      "tpu.region"() ({
        %run_scoped3A = tpu.sem_alloc : memref<!tpu.dma_semaphore, #tpu.memory_space<semaphore_mem>>
        %dma_start3A_73 = tpu.memref_slice %arg4[%add3A_10] : memref<160000xi32, #tpu.memory_space<hbm>> -> memref<128xi32, #tpu.memory_space<hbm>>
        %dma_start3A_74 = tpu.memref_slice %arg4[%add3A_10] : memref<160000xi32, #tpu.memory_space<hbm>> -> memref<128xi32, #tpu.memory_space<hbm>>
        tpu.enqueue_dma source(%dma_start3A_74 : memref<128xi32, #tpu.memory_space<hbm>>) target(%arg9 : memref<128xi32, #tpu.memory_space<vmem>>) target_semaphore(%run_scoped3A : memref<!tpu.dma_semaphore, #tpu.memory_space<semaphore_mem>>)
        %dma_wait3A_75 = tpu.memref_slice %arg4[%add3A_10] : memref<160000xi32, #tpu.memory_space<hbm>> -> memref<128xi32, #tpu.memory_space<hbm>>
        %dma_wait3A_76 = tpu.memref_slice %arg4[%add3A_10] : memref<160000xi32, #tpu.memory_space<hbm>> -> memref<128xi32, #tpu.memory_space<hbm>>
        tpu.wait_dma2 semaphore(%run_scoped3A : memref<!tpu.dma_semaphore, #tpu.memory_space<semaphore_mem>>) src(%dma_wait3A_76 : memref<128xi32, #tpu.memory_space<hbm>>) dst(%arg9 : memref<128xi32, #tpu.memory_space<vmem>>)
        tpu.yield
      }) : () -> ()
      %add3A_11 = arith.constant 128 : i32
      %add3A_12 = arith.addi %mul3A_0, %add3A_11 : i32
      "tpu.region"() ({
        %run_scoped3A = tpu.sem_alloc : memref<!tpu.dma_semaphore, #tpu.memory_space<semaphore_mem>>
        %dma_start3A_73 = tpu.memref_slice %arg5[%add3A_12] : memref<160000xi32, #tpu.memory_space<hbm>> -> memref<128xi32, #tpu.memory_space<hbm>>
        %dma_start3A_74 = tpu.memref_slice %arg5[%add3A_12] : memref<160000xi32, #tpu.memory_space<hbm>> -> memref<128xi32, #tpu.memory_space<hbm>>
        tpu.enqueue_dma source(%dma_start3A_74 : memref<128xi32, #tpu.memory_space<hbm>>) target(%arg11 : memref<128xi32, #tpu.memory_space<vmem>>) target_semaphore(%run_scoped3A : memref<!tpu.dma_semaphore, #tpu.memory_space<semaphore_mem>>)
        %dma_wait3A_75 = tpu.memref_slice %arg5[%add3A_12] : memref<160000xi32, #tpu.memory_space<hbm>> -> memref<128xi32, #tpu.memory_space<hbm>>
        %dma_wait3A_76 = tpu.memref_slice %arg5[%add3A_12] : memref<160000xi32, #tpu.memory_space<hbm>> -> memref<128xi32, #tpu.memory_space<hbm>>
        tpu.wait_dma2 semaphore(%run_scoped3A : memref<!tpu.dma_semaphore, #tpu.memory_space<semaphore_mem>>) src(%dma_wait3A_76 : memref<128xi32, #tpu.memory_space<hbm>>) dst(%arg11 : memref<128xi32, #tpu.memory_space<vmem>>)
        tpu.yield
      }) : () -> ()
      %dma_start3A_13 = arith.constant 0 : i32
      %dma_start3A_14 = arith.constant 0 : i32
      %dma_start3A_15 = tpu.memref_slice %arg3[%dma_start3A_13, %dma_start3A_14] : memref<10000x128xf32, #tpu.memory_space<hbm>> -> memref<10000x128xf32, #tpu.memory_space<hbm>>
      tpu.enqueue_indirect_dma source(%dma_start3A_15 : memref<10000x128xf32, #tpu.memory_space<hbm>>) target(%arg13 : memref<128x128xf32, #tpu.memory_space<vmem>>) offsets(%arg9 : memref<128xi32, #tpu.memory_space<vmem>>) semaphore(%arg20 : memref<!tpu.dma_semaphore, #tpu.memory_space<semaphore_mem>>)
      %broadcast_in_dim3A = arith.constant 0.000000e+00 : f32
      %broadcast_in_dim3A_16 = vector.broadcast %broadcast_in_dim3A : f32 to vector<16xf32>
      %scan3A = arith.constant 0 : i32
      %scan3A_17 = arith.constant 0 : i32
      %scan3A_18 = arith.constant 16 : i32
      %scan3A_19 = arith.addi %scan3A_17, %scan3A_18 : i32
      %scan3A_20 = arith.constant 1 : i32
      scf.for %scan3A_73 = %scan3A_17 to %scan3A_19 step %scan3A_20  : i32 {
        %swap3A = arith.index_cast %scan3A_73 : i32 to index
        %swap3A_74 = arith.constant 0 : index
        %swap3A_75 = tpu.vector_load %arg17[%swap3A, %swap3A_74] {strides = array<i32>} : memref<16x128xf32, #tpu.memory_space<vmem>>, vector<1x16xf32>,
        %swap3A_76 = vector.shape_cast %swap3A_75 : vector<1x16xf32> to vector<16xf32>
        %swap3A_77 = vector.shape_cast %broadcast_in_dim3A_16 : vector<16xf32> to vector<1x16xf32>
        tpu.vector_store %arg17[%swap3A, %swap3A_74], %swap3A_77 {strides = array<i32>} : memref<16x128xf32, #tpu.memory_space<vmem>>, vector<1x16xf32>,
        %swap3A_78 = arith.index_cast %scan3A_73 : i32 to index
        %swap3A_79 = arith.constant 16 : index
        %swap3A_80 = tpu.vector_load %arg17[%swap3A_78, %swap3A_79] {strides = array<i32>} : memref<16x128xf32, #tpu.memory_space<vmem>>, vector<1x16xf32>,
        %swap3A_81 = vector.shape_cast %swap3A_80 : vector<1x16xf32> to vector<16xf32>
        %swap3A_82 = vector.shape_cast %broadcast_in_dim3A_16 : vector<16xf32> to vector<1x16xf32>
        tpu.vector_store %arg17[%swap3A_78, %swap3A_79], %swap3A_82 {strides = array<i32>} : memref<16x128xf32, #tpu.memory_space<vmem>>, vector<1x16xf32>,
        %swap3A_83 = arith.index_cast %scan3A_73 : i32 to index
        %swap3A_84 = arith.constant 32 : index
        %swap3A_85 = tpu.vector_load %arg17[%swap3A_83, %swap3A_84] {strides = array<i32>} : memref<16x128xf32, #tpu.memory_space<vmem>>, vector<1x16xf32>,
        %swap3A_86 = vector.shape_cast %swap3A_85 : vector<1x16xf32> to vector<16xf32>
        %swap3A_87 = vector.shape_cast %broadcast_in_dim3A_16 : vector<16xf32> to vector<1x16xf32>
        tpu.vector_store %arg17[%swap3A_83, %swap3A_84], %swap3A_87 {strides = array<i32>} : memref<16x128xf32, #tpu.memory_space<vmem>>, vector<1x16xf32>,
        %swap3A_88 = arith.index_cast %scan3A_73 : i32 to index
        %swap3A_89 = arith.constant 48 : index
        %swap3A_90 = tpu.vector_load %arg17[%swap3A_88, %swap3A_89] {strides = array<i32>} : memref<16x128xf32, #tpu.memory_space<vmem>>, vector<1x16xf32>,
        %swap3A_91 = vector.shape_cast %swap3A_90 : vector<1x16xf32> to vector<16xf32>
        %swap3A_92 = vector.shape_cast %broadcast_in_dim3A_16 : vector<16xf32> to vector<1x16xf32>
        tpu.vector_store %arg17[%swap3A_88, %swap3A_89], %swap3A_92 {strides = array<i32>} : memref<16x128xf32, #tpu.memory_space<vmem>>, vector<1x16xf32>,
        %swap3A_93 = arith.index_cast %scan3A_73 : i32 to index
        %swap3A_94 = arith.constant 64 : index
        %swap3A_95 = tpu.vector_load %arg17[%swap3A_93, %swap3A_94] {strides = array<i32>} : memref<16x128xf32, #tpu.memory_space<vmem>>, vector<1x16xf32>,
        %swap3A_96 = vector.shape_cast %swap3A_95 : vector<1x16xf32> to vector<16xf32>
        %swap3A_97 = vector.shape_cast %broadcast_in_dim3A_16 : vector<16xf32> to vector<1x16xf32>
        tpu.vector_store %arg17[%swap3A_93, %swap3A_94], %swap3A_97 {strides = array<i32>} : memref<16x128xf32, #tpu.memory_space<vmem>>, vector<1x16xf32>,
        %swap3A_98 = arith.index_cast %scan3A_73 : i32 to index
        %swap3A_99 = arith.constant 80 : index
        %swap3A_100 = tpu.vector_load %arg17[%swap3A_98, %swap3A_99] {strides = array<i32>} : memref<16x128xf32, #tpu.memory_space<vmem>>, vector<1x16xf32>,
        %swap3A_101 = vector.shape_cast %swap3A_100 : vector<1x16xf32> to vector<16xf32>
        %swap3A_102 = vector.shape_cast %broadcast_in_dim3A_16 : vector<16xf32> to vector<1x16xf32>
        tpu.vector_store %arg17[%swap3A_98, %swap3A_99], %swap3A_102 {strides = array<i32>} : memref<16x128xf32, #tpu.memory_space<vmem>>, vector<1x16xf32>,
        %swap3A_103 = arith.index_cast %scan3A_73 : i32 to index
        %swap3A_104 = arith.constant 96 : index
        %swap3A_105 = tpu.vector_load %arg17[%swap3A_103, %swap3A_104] {strides = array<i32>} : memref<16x128xf32, #tpu.memory_space<vmem>>, vector<1x16xf32>,
        %swap3A_106 = vector.shape_cast %swap3A_105 : vector<1x16xf32> to vector<16xf32>
        %swap3A_107 = vector.shape_cast %broadcast_in_dim3A_16 : vector<16xf32> to vector<1x16xf32>
        tpu.vector_store %arg17[%swap3A_103, %swap3A_104], %swap3A_107 {strides = array<i32>} : memref<16x128xf32, #tpu.memory_space<vmem>>, vector<1x16xf32>,
        %swap3A_108 = arith.index_cast %scan3A_73 : i32 to index
        %swap3A_109 = arith.constant 112 : index
        %swap3A_110 = tpu.vector_load %arg17[%swap3A_108, %swap3A_109] {strides = array<i32>} : memref<16x128xf32, #tpu.memory_space<vmem>>, vector<1x16xf32>,
        %swap3A_111 = vector.shape_cast %swap3A_110 : vector<1x16xf32> to vector<16xf32>
        %swap3A_112 = vector.shape_cast %broadcast_in_dim3A_16 : vector<16xf32> to vector<1x16xf32>
        tpu.vector_store %arg17[%swap3A_108, %swap3A_109], %swap3A_112 {strides = array<i32>} : memref<16x128xf32, #tpu.memory_space<vmem>>, vector<1x16xf32>,
      }
      %scan3A_21 = arith.constant 16 : i32
      %eq3A_22 = arith.constant 15 : i32
      %eq3A_23 = arith.cmpi eq, %arg1, %eq3A_22 : i32
      %jit3A = arith.constant 40 : i32
      %jit3A_24 = arith.constant 39 : i32
      %select_n3A = arith.select %eq3A_23, %jit3A, %jit3A_24 : i32
      %while3A = arith.constant 0 : i32
      %while3A_25 = arith.constant 0 : i32
      %while3A_26 = arith.subi %select_n3A, %while3A_25 : i32
      %while3A_27 = arith.addi %while3A_25, %while3A_26 : i32
      %while3A_28 = arith.constant 1 : i32
      %while3A_29 = arith.divsi %while3A_26, %while3A_28 : i32
      %while3A_30 = arith.muli %while3A_29, %while3A_28 : i32
      %while3A_31 = arith.addi %while3A_25, %while3A_30 : i32
      %while3A_32 = arith.constant 1 : i32
      scf.for %while3A_73 = %while3A_25 to %while3A_31 step %while3A_32  : i32 {
        %mul3A_74 = arith.constant 624 : i32
        %mul3A_75 = arith.muli %arg1, %mul3A_74 : i32
        %mul3A_76 = arith.constant 16 : i32
        %mul3A_77 = arith.muli %while3A_73, %mul3A_76 : i32
        %add3A_78 = arith.addi %mul3A_75, %mul3A_77 : i32
        %dma_start3A_79 = arith.constant 0 : i32
        %dma_start3A_80 = tpu.memref_slice %arg18[%add3A_78, %dma_start3A_79] : memref<10016x128xf32, #tpu.memory_space<vmem_shared>> -> memref<16x128xf32, #tpu.memory_space<vmem_shared>>
        %dma_start3A_81 = arith.constant 0 : i32
        %dma_start3A_82 = tpu.memref_slice %arg18[%add3A_78, %dma_start3A_81] : memref<10016x128xf32, #tpu.memory_space<vmem_shared>> -> memref<16x128xf32, #tpu.memory_space<vmem_shared>>
        tpu.enqueue_dma source(%arg17 : memref<16x128xf32, #tpu.memory_space<vmem>>) target(%dma_start3A_82 : memref<16x128xf32, #tpu.memory_space<vmem_shared>>) target_semaphore(%arg25 : memref<!tpu.dma_semaphore, #tpu.memory_space<semaphore_mem>>)
      }
      %while3A_33 = arith.constant 1 : i32
      scf.for %while3A_73 = %while3A_31 to %while3A_27 step %while3A_33  : i32 {
        %mul3A_74 = arith.constant 624 : i32
        %mul3A_75 = arith.muli %arg1, %mul3A_74 : i32
        %mul3A_76 = arith.constant 16 : i32
        %mul3A_77 = arith.muli %while3A_73, %mul3A_76 : i32
        %add3A_78 = arith.addi %mul3A_75, %mul3A_77 : i32
        %dma_start3A_79 = arith.constant 0 : i32
        %dma_start3A_80 = tpu.memref_slice %arg18[%add3A_78, %dma_start3A_79] : memref<10016x128xf32, #tpu.memory_space<vmem_shared>> -> memref<16x128xf32, #tpu.memory_space<vmem_shared>>
        %dma_start3A_81 = arith.constant 0 : i32
        %dma_start3A_82 = tpu.memref_slice %arg18[%add3A_78, %dma_start3A_81] : memref<10016x128xf32, #tpu.memory_space<vmem_shared>> -> memref<16x128xf32, #tpu.memory_space<vmem_shared>>
        tpu.enqueue_dma source(%arg17 : memref<16x128xf32, #tpu.memory_space<vmem>>) target(%dma_start3A_82 : memref<16x128xf32, #tpu.memory_space<vmem_shared>>) target_semaphore(%arg25 : memref<!tpu.dma_semaphore, #tpu.memory_space<semaphore_mem>>)
      }
      %while3A_34 = arith.constant 0 : i32
      %while3A_35 = arith.constant 0 : i32
      %while3A_36 = arith.subi %select_n3A, %while3A_35 : i32
      %while3A_37 = arith.addi %while3A_35, %while3A_36 : i32
      %while3A_38 = arith.constant 1 : i32
      %while3A_39 = arith.divsi %while3A_36, %while3A_38 : i32
      %while3A_40 = arith.muli %while3A_39, %while3A_38 : i32
      %while3A_41 = arith.addi %while3A_35, %while3A_40 : i32
      %while3A_42 = arith.constant 1 : i32
      scf.for %while3A_73 = %while3A_35 to %while3A_41 step %while3A_42  : i32 {
        %dma_wait3A_74 = arith.constant 0 : i32
        %dma_wait3A_75 = arith.constant 0 : i32
        %dma_wait3A_76 = tpu.memref_slice %arg18[%dma_wait3A_74, %dma_wait3A_75] : memref<10016x128xf32, #tpu.memory_space<vmem_shared>> -> memref<16x128xf32, #tpu.memory_space<vmem_shared>>
        %dma_wait3A_77 = arith.constant 0 : i32
        %dma_wait3A_78 = arith.constant 0 : i32
        %dma_wait3A_79 = tpu.memref_slice %arg18[%dma_wait3A_77, %dma_wait3A_78] : memref<10016x128xf32, #tpu.memory_space<vmem_shared>> -> memref<16x128xf32, #tpu.memory_space<vmem_shared>>
        tpu.wait_dma2 semaphore(%arg25 : memref<!tpu.dma_semaphore, #tpu.memory_space<semaphore_mem>>) src(%arg17 : memref<16x128xf32, #tpu.memory_space<vmem>>) dst(%dma_wait3A_79 : memref<16x128xf32, #tpu.memory_space<vmem_shared>>)
      }
      %while3A_43 = arith.constant 1 : i32
      scf.for %while3A_73 = %while3A_41 to %while3A_37 step %while3A_43  : i32 {
        %dma_wait3A_74 = arith.constant 0 : i32
        %dma_wait3A_75 = arith.constant 0 : i32
        %dma_wait3A_76 = tpu.memref_slice %arg18[%dma_wait3A_74, %dma_wait3A_75] : memref<10016x128xf32, #tpu.memory_space<vmem_shared>> -> memref<16x128xf32, #tpu.memory_space<vmem_shared>>
        %dma_wait3A_77 = arith.constant 0 : i32
        %dma_wait3A_78 = arith.constant 0 : i32
        %dma_wait3A_79 = tpu.memref_slice %arg18[%dma_wait3A_77, %dma_wait3A_78] : memref<10016x128xf32, #tpu.memory_space<vmem_shared>> -> memref<16x128xf32, #tpu.memory_space<vmem_shared>>
        tpu.wait_dma2 semaphore(%arg25 : memref<!tpu.dma_semaphore, #tpu.memory_space<semaphore_mem>>) src(%arg17 : memref<16x128xf32, #tpu.memory_space<vmem>>) dst(%dma_wait3A_79 : memref<16x128xf32, #tpu.memory_space<vmem_shared>>)
      }
      %barrier3A = arith.constant 0 : index
      tpu.barrier barrier_id(%barrier3A)
      %scan3A_44 = arith.constant 0 : i32
      %scan3A_45 = arith.constant 0 : i32
      %scan3A_46 = arith.constant 39 : i32
      %scan3A_47 = arith.addi %scan3A_45, %scan3A_46 : i32
      %scan3A_48 = arith.constant 1 : i32
      scf.for %scan3A_73 = %scan3A_45 to %scan3A_47 step %scan3A_48  : i32 {
        %mul3A_74 = arith.constant 2 : i32
        %mul3A_75 = arith.muli %scan3A_73, %mul3A_74 : i32
        %dma_wait3A_76 = arith.constant 0 : i32
        %dma_wait3A_77 = arith.constant 0 : i32
        %dma_wait3A_78 = tpu.memref_slice %arg3[%dma_wait3A_76, %dma_wait3A_77] : memref<10000x128xf32, #tpu.memory_space<hbm>> -> memref<10000x128xf32, #tpu.memory_space<hbm>>
        tpu.wait_indirect_dma semaphore(%arg19 : memref<!tpu.dma_semaphore, #tpu.memory_space<semaphore_mem>>) src(%dma_wait3A_78 : memref<10000x128xf32, #tpu.memory_space<hbm>>) dst(%arg12 : memref<128x128xf32, #tpu.memory_space<vmem>>)
        %add3A_79 = arith.constant 2 : i32
        %add3A_80 = arith.addi %mul3A_75, %add3A_79 : i32
        %lt3A = arith.constant 78 : i32
        %lt3A_81 = arith.cmpi slt, %add3A_80, %lt3A : i32
        %convert_element_type3A_82 = arith.extui %lt3A_81 : i1 to i32
        %cond3A_83 = arith.constant 0 : i32
        %cond3A_84 = arith.cmpi ne, %convert_element_type3A_82, %cond3A_83 : i32
        scf.if %cond3A_84 {
          %add3A_115 = arith.constant 2 : i32
          %add3A_116 = arith.addi %mul3A_75, %add3A_115 : i32
          %mul3A_117 = arith.constant 128 : i32
          %mul3A_118 = arith.muli %add3A_116, %mul3A_117 : i32
          %add3A_119 = arith.addi %mul3A_0, %mul3A_118 : i32
          %dma_start3A_120 = tpu.memref_slice %arg4[%add3A_119] : memref<160000xi32, #tpu.memory_space<hbm>> -> memref<128xi32, #tpu.memory_space<hbm>>
          %dma_start3A_121 = tpu.memref_slice %arg4[%add3A_119] : memref<160000xi32, #tpu.memory_space<hbm>> -> memref<128xi32, #tpu.memory_space<hbm>>
          tpu.enqueue_dma source(%dma_start3A_121 : memref<128xi32, #tpu.memory_space<hbm>>) target(%arg8 : memref<128xi32, #tpu.memory_space<vmem>>) target_semaphore(%arg23 : memref<!tpu.dma_semaphore, #tpu.memory_space<semaphore_mem>>)
        } else {
        }
        %dma_start3A_85 = arith.constant 0 : i32
        %dma_start3A_86 = arith.constant 0 : i32
        %dma_start3A_87 = tpu.memref_slice %arg18[%dma_start3A_85, %dma_start3A_86] : memref<10016x128xf32, #tpu.memory_space<vmem_shared>> -> memref<10016x128xf32, #tpu.memory_space<vmem_shared>>
        tpu.enqueue_indirect_dma source(%arg12 : memref<128x128xf32, #tpu.memory_space<vmem>>) target(%dma_start3A_87 : memref<10016x128xf32, #tpu.memory_space<vmem_shared>>) offsets(%arg10 : memref<128xi32, #tpu.memory_space<vmem>>) semaphore(%arg21 : memref<!tpu.dma_semaphore, #tpu.memory_space<semaphore_mem>>) {add = true}
        %dma_wait3A_88 = arith.constant 0 : i32
        %dma_wait3A_89 = arith.constant 0 : i32
        %dma_wait3A_90 = tpu.memref_slice %arg3[%dma_wait3A_88, %dma_wait3A_89] : memref<10000x128xf32, #tpu.memory_space<hbm>> -> memref<10000x128xf32, #tpu.memory_space<hbm>>
        tpu.wait_indirect_dma semaphore(%arg20 : memref<!tpu.dma_semaphore, #tpu.memory_space<semaphore_mem>>) src(%dma_wait3A_90 : memref<10000x128xf32, #tpu.memory_space<hbm>>) dst(%arg13 : memref<128x128xf32, #tpu.memory_space<vmem>>)
        %add3A_91 = arith.constant 3 : i32
        %add3A_92 = arith.addi %mul3A_75, %add3A_91 : i32
        %lt3A_93 = arith.constant 78 : i32
        %lt3A_94 = arith.cmpi slt, %add3A_92, %lt3A_93 : i32
        %convert_element_type3A_95 = arith.extui %lt3A_94 : i1 to i32
        %cond3A_96 = arith.constant 0 : i32
        %cond3A_97 = arith.cmpi ne, %convert_element_type3A_95, %cond3A_96 : i32
        scf.if %cond3A_97 {
          %add3A_115 = arith.constant 3 : i32
          %add3A_116 = arith.addi %mul3A_75, %add3A_115 : i32
          %mul3A_117 = arith.constant 128 : i32
          %mul3A_118 = arith.muli %add3A_116, %mul3A_117 : i32
          %add3A_119 = arith.addi %mul3A_0, %mul3A_118 : i32
          %dma_start3A_120 = tpu.memref_slice %arg4[%add3A_119] : memref<160000xi32, #tpu.memory_space<hbm>> -> memref<128xi32, #tpu.memory_space<hbm>>
          %dma_start3A_121 = tpu.memref_slice %arg4[%add3A_119] : memref<160000xi32, #tpu.memory_space<hbm>> -> memref<128xi32, #tpu.memory_space<hbm>>
          tpu.enqueue_dma source(%dma_start3A_121 : memref<128xi32, #tpu.memory_space<hbm>>) target(%arg9 : memref<128xi32, #tpu.memory_space<vmem>>) target_semaphore(%arg24 : memref<!tpu.dma_semaphore, #tpu.memory_space<semaphore_mem>>)
        } else {
        }
        %dma_start3A_98 = arith.constant 0 : i32
        %dma_start3A_99 = arith.constant 0 : i32
        %dma_start3A_100 = tpu.memref_slice %arg18[%dma_start3A_98, %dma_start3A_99] : memref<10016x128xf32, #tpu.memory_space<vmem_shared>> -> memref<10016x128xf32, #tpu.memory_space<vmem_shared>>
        tpu.enqueue_indirect_dma source(%arg13 : memref<128x128xf32, #tpu.memory_space<vmem>>) target(%dma_start3A_100 : memref<10016x128xf32, #tpu.memory_space<vmem_shared>>) offsets(%arg11 : memref<128xi32, #tpu.memory_space<vmem>>) semaphore(%arg22 : memref<!tpu.dma_semaphore, #tpu.memory_space<semaphore_mem>>) {add = true}
        %add3A_101 = arith.constant 2 : i32
        %add3A_102 = arith.addi %mul3A_75, %add3A_101 : i32
        %lt3A_103 = arith.constant 78 : i32
        %lt3A_104 = arith.cmpi slt, %add3A_102, %lt3A_103 : i32
        %convert_element_type3A_105 = arith.extui %lt3A_104 : i1 to i32
        %cond3A_106 = arith.constant 0 : i32
        %cond3A_107 = arith.cmpi ne, %convert_element_type3A_105, %cond3A_106 : i32
        scf.if %cond3A_107 {
          %dma_wait3A_115 = arith.constant 0 : i32
          %dma_wait3A_116 = arith.constant 0 : i32
          %dma_wait3A_117 = tpu.memref_slice %arg18[%dma_wait3A_115, %dma_wait3A_116] : memref<10016x128xf32, #tpu.memory_space<vmem_shared>> -> memref<10016x128xf32, #tpu.memory_space<vmem_shared>>
          tpu.wait_indirect_dma semaphore(%arg21 : memref<!tpu.dma_semaphore, #tpu.memory_space<semaphore_mem>>) src(%arg12 : memref<128x128xf32, #tpu.memory_space<vmem>>) dst(%dma_wait3A_117 : memref<10016x128xf32, #tpu.memory_space<vmem_shared>>)
          %add3A_118 = arith.constant 2 : i32
          %add3A_119 = arith.addi %mul3A_75, %add3A_118 : i32
          %mul3A_120 = arith.constant 128 : i32
          %mul3A_121 = arith.muli %add3A_119, %mul3A_120 : i32
          %add3A_122 = arith.addi %mul3A_0, %mul3A_121 : i32
          "tpu.region"() ({
            %run_scoped3A = tpu.sem_alloc : memref<!tpu.dma_semaphore, #tpu.memory_space<semaphore_mem>>
            %dma_start3A_130 = tpu.memref_slice %arg5[%add3A_122] : memref<160000xi32, #tpu.memory_space<hbm>> -> memref<128xi32, #tpu.memory_space<hbm>>
            %dma_start3A_131 = tpu.memref_slice %arg5[%add3A_122] : memref<160000xi32, #tpu.memory_space<hbm>> -> memref<128xi32, #tpu.memory_space<hbm>>
            tpu.enqueue_dma source(%dma_start3A_131 : memref<128xi32, #tpu.memory_space<hbm>>) target(%arg10 : memref<128xi32, #tpu.memory_space<vmem>>) target_semaphore(%run_scoped3A : memref<!tpu.dma_semaphore, #tpu.memory_space<semaphore_mem>>)
            %dma_wait3A_132 = tpu.memref_slice %arg5[%add3A_122] : memref<160000xi32, #tpu.memory_space<hbm>> -> memref<128xi32, #tpu.memory_space<hbm>>
            %dma_wait3A_133 = tpu.memref_slice %arg5[%add3A_122] : memref<160000xi32, #tpu.memory_space<hbm>> -> memref<128xi32, #tpu.memory_space<hbm>>
            tpu.wait_dma2 semaphore(%run_scoped3A : memref<!tpu.dma_semaphore, #tpu.memory_space<semaphore_mem>>) src(%dma_wait3A_133 : memref<128xi32, #tpu.memory_space<hbm>>) dst(%arg10 : memref<128xi32, #tpu.memory_space<vmem>>)
            tpu.yield
          }) : () -> ()
          %dma_wait3A_123 = arith.constant 0 : i32
          %dma_wait3A_124 = tpu.memref_slice %arg4[%dma_wait3A_123] : memref<160000xi32, #tpu.memory_space<hbm>> -> memref<128xi32, #tpu.memory_space<hbm>>
          %dma_wait3A_125 = arith.constant 0 : i32
          %dma_wait3A_126 = tpu.memref_slice %arg4[%dma_wait3A_125] : memref<160000xi32, #tpu.memory_space<hbm>> -> memref<128xi32, #tpu.memory_space<hbm>>
          tpu.wait_dma2 semaphore(%arg23 : memref<!tpu.dma_semaphore, #tpu.memory_space<semaphore_mem>>) src(%dma_wait3A_126 : memref<128xi32, #tpu.memory_space<hbm>>) dst(%arg8 : memref<128xi32, #tpu.memory_space<vmem>>)
          %dma_start3A_127 = arith.constant 0 : i32
          %dma_start3A_128 = arith.constant 0 : i32
          %dma_start3A_129 = tpu.memref_slice %arg3[%dma_start3A_127, %dma_start3A_128] : memref<10000x128xf32, #tpu.memory_space<hbm>> -> memref<10000x128xf32, #tpu.memory_space<hbm>>
          tpu.enqueue_indirect_dma source(%dma_start3A_129 : memref<10000x128xf32, #tpu.memory_space<hbm>>) target(%arg12 : memref<128x128xf32, #tpu.memory_space<vmem>>) offsets(%arg8 : memref<128xi32, #tpu.memory_space<vmem>>) semaphore(%arg19 : memref<!tpu.dma_semaphore, #tpu.memory_space<semaphore_mem>>)
        } else {
        }
        %add3A_108 = arith.constant 3 : i32
        %add3A_109 = arith.addi %mul3A_75, %add3A_108 : i32
        %lt3A_110 = arith.constant 78 : i32
        %lt3A_111 = arith.cmpi slt, %add3A_109, %lt3A_110 : i32
        %convert_element_type3A_112 = arith.extui %lt3A_111 : i1 to i32
        %cond3A_113 = arith.constant 0 : i32
        %cond3A_114 = arith.cmpi ne, %convert_element_type3A_112, %cond3A_113 : i32
        scf.if %cond3A_114 {
          %dma_wait3A_115 = arith.constant 0 : i32
          %dma_wait3A_116 = arith.constant 0 : i32
          %dma_wait3A_117 = tpu.memref_slice %arg18[%dma_wait3A_115, %dma_wait3A_116] : memref<10016x128xf32, #tpu.memory_space<vmem_shared>> -> memref<10016x128xf32, #tpu.memory_space<vmem_shared>>
          tpu.wait_indirect_dma semaphore(%arg22 : memref<!tpu.dma_semaphore, #tpu.memory_space<semaphore_mem>>) src(%arg13 : memref<128x128xf32, #tpu.memory_space<vmem>>) dst(%dma_wait3A_117 : memref<10016x128xf32, #tpu.memory_space<vmem_shared>>)
          %add3A_118 = arith.constant 3 : i32
          %add3A_119 = arith.addi %mul3A_75, %add3A_118 : i32
          %mul3A_120 = arith.constant 128 : i32
          %mul3A_121 = arith.muli %add3A_119, %mul3A_120 : i32
          %add3A_122 = arith.addi %mul3A_0, %mul3A_121 : i32
          "tpu.region"() ({
            %run_scoped3A = tpu.sem_alloc : memref<!tpu.dma_semaphore, #tpu.memory_space<semaphore_mem>>
            %dma_start3A_130 = tpu.memref_slice %arg5[%add3A_122] : memref<160000xi32, #tpu.memory_space<hbm>> -> memref<128xi32, #tpu.memory_space<hbm>>
            %dma_start3A_131 = tpu.memref_slice %arg5[%add3A_122] : memref<160000xi32, #tpu.memory_space<hbm>> -> memref<128xi32, #tpu.memory_space<hbm>>
            tpu.enqueue_dma source(%dma_start3A_131 : memref<128xi32, #tpu.memory_space<hbm>>) target(%arg11 : memref<128xi32, #tpu.memory_space<vmem>>) target_semaphore(%run_scoped3A : memref<!tpu.dma_semaphore, #tpu.memory_space<semaphore_mem>>)
            %dma_wait3A_132 = tpu.memref_slice %arg5[%add3A_122] : memref<160000xi32, #tpu.memory_space<hbm>> -> memref<128xi32, #tpu.memory_space<hbm>>
            %dma_wait3A_133 = tpu.memref_slice %arg5[%add3A_122] : memref<160000xi32, #tpu.memory_space<hbm>> -> memref<128xi32, #tpu.memory_space<hbm>>
            tpu.wait_dma2 semaphore(%run_scoped3A : memref<!tpu.dma_semaphore, #tpu.memory_space<semaphore_mem>>) src(%dma_wait3A_133 : memref<128xi32, #tpu.memory_space<hbm>>) dst(%arg11 : memref<128xi32, #tpu.memory_space<vmem>>)
            tpu.yield
          }) : () -> ()
          %dma_wait3A_123 = arith.constant 0 : i32
          %dma_wait3A_124 = tpu.memref_slice %arg4[%dma_wait3A_123] : memref<160000xi32, #tpu.memory_space<hbm>> -> memref<128xi32, #tpu.memory_space<hbm>>
          %dma_wait3A_125 = arith.constant 0 : i32
          %dma_wait3A_126 = tpu.memref_slice %arg4[%dma_wait3A_125] : memref<160000xi32, #tpu.memory_space<hbm>> -> memref<128xi32, #tpu.memory_space<hbm>>
          tpu.wait_dma2 semaphore(%arg24 : memref<!tpu.dma_semaphore, #tpu.memory_space<semaphore_mem>>) src(%dma_wait3A_126 : memref<128xi32, #tpu.memory_space<hbm>>) dst(%arg9 : memref<128xi32, #tpu.memory_space<vmem>>)
          %dma_start3A_127 = arith.constant 0 : i32
          %dma_start3A_128 = arith.constant 0 : i32
          %dma_start3A_129 = tpu.memref_slice %arg3[%dma_start3A_127, %dma_start3A_128] : memref<10000x128xf32, #tpu.memory_space<hbm>> -> memref<10000x128xf32, #tpu.memory_space<hbm>>
          tpu.enqueue_indirect_dma source(%dma_start3A_129 : memref<10000x128xf32, #tpu.memory_space<hbm>>) target(%arg13 : memref<128x128xf32, #tpu.memory_space<vmem>>) offsets(%arg9 : memref<128xi32, #tpu.memory_space<vmem>>) semaphore(%arg20 : memref<!tpu.dma_semaphore, #tpu.memory_space<semaphore_mem>>)
        } else {
        }
      }
      %scan3A_49 = arith.constant 39 : i32
      %dma_wait3A = arith.constant 0 : i32
      %dma_wait3A_50 = arith.constant 0 : i32
      %dma_wait3A_51 = tpu.memref_slice %arg18[%dma_wait3A, %dma_wait3A_50] : memref<10016x128xf32, #tpu.memory_space<vmem_shared>> -> memref<10016x128xf32, #tpu.memory_space<vmem_shared>>
      tpu.wait_indirect_dma semaphore(%arg21 : memref<!tpu.dma_semaphore, #tpu.memory_space<semaphore_mem>>) src(%arg12 : memref<128x128xf32, #tpu.memory_space<vmem>>) dst(%dma_wait3A_51 : memref<10016x128xf32, #tpu.memory_space<vmem_shared>>)
      %dma_wait3A_52 = arith.constant 0 : i32
      %dma_wait3A_53 = arith.constant 0 : i32
      %dma_wait3A_54 = tpu.memref_slice %arg18[%dma_wait3A_52, %dma_wait3A_53] : memref<10016x128xf32, #tpu.memory_space<vmem_shared>> -> memref<10016x128xf32, #tpu.memory_space<vmem_shared>>
      tpu.wait_indirect_dma semaphore(%arg22 : memref<!tpu.dma_semaphore, #tpu.memory_space<semaphore_mem>>) src(%arg13 : memref<128x128xf32, #tpu.memory_space<vmem>>) dst(%dma_wait3A_54 : memref<10016x128xf32, #tpu.memory_space<vmem_shared>>)
      %add3A_55 = arith.constant 9984 : i32
      %add3A_56 = arith.addi %mul3A_0, %add3A_55 : i32
      "tpu.region"() ({
        %run_scoped3A = tpu.sem_alloc : memref<!tpu.dma_semaphore, #tpu.memory_space<semaphore_mem>>
        %dma_start3A_73 = tpu.memref_slice %arg4[%add3A_56] : memref<160000xi32, #tpu.memory_space<hbm>> -> memref<16xi32, #tpu.memory_space<hbm>>
        %dma_start3A_74 = tpu.memref_slice %arg4[%add3A_56] : memref<160000xi32, #tpu.memory_space<hbm>> -> memref<16xi32, #tpu.memory_space<hbm>>
        tpu.enqueue_dma source(%dma_start3A_74 : memref<16xi32, #tpu.memory_space<hbm>>) target(%arg14 : memref<16xi32, #tpu.memory_space<vmem>>) target_semaphore(%run_scoped3A : memref<!tpu.dma_semaphore, #tpu.memory_space<semaphore_mem>>)
        %dma_wait3A_75 = tpu.memref_slice %arg4[%add3A_56] : memref<160000xi32, #tpu.memory_space<hbm>> -> memref<16xi32, #tpu.memory_space<hbm>>
        %dma_wait3A_76 = tpu.memref_slice %arg4[%add3A_56] : memref<160000xi32, #tpu.memory_space<hbm>> -> memref<16xi32, #tpu.memory_space<hbm>>
        tpu.wait_dma2 semaphore(%run_scoped3A : memref<!tpu.dma_semaphore, #tpu.memory_space<semaphore_mem>>) src(%dma_wait3A_76 : memref<16xi32, #tpu.memory_space<hbm>>) dst(%arg14 : memref<16xi32, #tpu.memory_space<vmem>>)
        tpu.yield
      }) : () -> ()
      "tpu.region"() ({
        %run_scoped3A = tpu.sem_alloc : memref<!tpu.dma_semaphore, #tpu.memory_space<semaphore_mem>>
        %dma_start3A_73 = tpu.memref_slice %arg5[%add3A_56] : memref<160000xi32, #tpu.memory_space<hbm>> -> memref<16xi32, #tpu.memory_space<hbm>>
        %dma_start3A_74 = tpu.memref_slice %arg5[%add3A_56] : memref<160000xi32, #tpu.memory_space<hbm>> -> memref<16xi32, #tpu.memory_space<hbm>>
        tpu.enqueue_dma source(%dma_start3A_74 : memref<16xi32, #tpu.memory_space<hbm>>) target(%arg15 : memref<16xi32, #tpu.memory_space<vmem>>) target_semaphore(%run_scoped3A : memref<!tpu.dma_semaphore, #tpu.memory_space<semaphore_mem>>)
        %dma_wait3A_75 = tpu.memref_slice %arg5[%add3A_56] : memref<160000xi32, #tpu.memory_space<hbm>> -> memref<16xi32, #tpu.memory_space<hbm>>
        %dma_wait3A_76 = tpu.memref_slice %arg5[%add3A_56] : memref<160000xi32, #tpu.memory_space<hbm>> -> memref<16xi32, #tpu.memory_space<hbm>>
        tpu.wait_dma2 semaphore(%run_scoped3A : memref<!tpu.dma_semaphore, #tpu.memory_space<semaphore_mem>>) src(%dma_wait3A_76 : memref<16xi32, #tpu.memory_space<hbm>>) dst(%arg15 : memref<16xi32, #tpu.memory_space<vmem>>)
        tpu.yield
      }) : () -> ()
      %dma_start3A_57 = arith.constant 0 : i32
      %dma_start3A_58 = arith.constant 0 : i32
      %dma_start3A_59 = tpu.memref_slice %arg3[%dma_start3A_57, %dma_start3A_58] : memref<10000x128xf32, #tpu.memory_space<hbm>> -> memref<10000x128xf32, #tpu.memory_space<hbm>>
      tpu.enqueue_indirect_dma source(%dma_start3A_59 : memref<10000x128xf32, #tpu.memory_space<hbm>>) target(%arg16 : memref<16x128xf32, #tpu.memory_space<vmem>>) offsets(%arg14 : memref<16xi32, #tpu.memory_space<vmem>>) semaphore(%arg19 : memref<!tpu.dma_semaphore, #tpu.memory_space<semaphore_mem>>)
      %dma_wait3A_60 = arith.constant 0 : i32
      %dma_wait3A_61 = arith.constant 0 : i32
      %dma_wait3A_62 = tpu.memref_slice %arg3[%dma_wait3A_60, %dma_wait3A_61] : memref<10000x128xf32, #tpu.memory_space<hbm>> -> memref<10000x128xf32, #tpu.memory_space<hbm>>
      tpu.wait_indirect_dma semaphore(%arg19 : memref<!tpu.dma_semaphore, #tpu.memory_space<semaphore_mem>>) src(%dma_wait3A_62 : memref<10000x128xf32, #tpu.memory_space<hbm>>) dst(%arg16 : memref<16x128xf32, #tpu.memory_space<vmem>>)
      "tpu.region"() ({
        %run_scoped3A = tpu.sem_alloc : memref<!tpu.dma_semaphore, #tpu.memory_space<semaphore_mem>>
        %dma_start3A_73 = arith.constant 0 : i32
        %dma_start3A_74 = arith.constant 0 : i32
        %dma_start3A_75 = tpu.memref_slice %arg18[%dma_start3A_73, %dma_start3A_74] : memref<10016x128xf32, #tpu.memory_space<vmem_shared>> -> memref<10016x128xf32, #tpu.memory_space<vmem_shared>>
        tpu.enqueue_indirect_dma source(%arg16 : memref<16x128xf32, #tpu.memory_space<vmem>>) target(%dma_start3A_75 : memref<10016x128xf32, #tpu.memory_space<vmem_shared>>) offsets(%arg15 : memref<16xi32, #tpu.memory_space<vmem>>) semaphore(%run_scoped3A : memref<!tpu.dma_semaphore, #tpu.memory_space<semaphore_mem>>) {add = true}
        %dma_wait3A_76 = arith.constant 0 : i32
        %dma_wait3A_77 = arith.constant 0 : i32
        %dma_wait3A_78 = tpu.memref_slice %arg18[%dma_wait3A_76, %dma_wait3A_77] : memref<10016x128xf32, #tpu.memory_space<vmem_shared>> -> memref<10016x128xf32, #tpu.memory_space<vmem_shared>>
        tpu.wait_indirect_dma semaphore(%run_scoped3A : memref<!tpu.dma_semaphore, #tpu.memory_space<semaphore_mem>>) src(%arg16 : memref<16x128xf32, #tpu.memory_space<vmem>>) dst(%dma_wait3A_78 : memref<10016x128xf32, #tpu.memory_space<vmem_shared>>)
        tpu.yield
      }) : () -> ()
      %barrier3A_63 = arith.constant 0 : index
      tpu.barrier barrier_id(%barrier3A_63)
      %mul3A_64 = arith.constant 624 : i32
      %mul3A_65 = arith.muli %arg1, %mul3A_64 : i32
      %mul3A_66 = arith.constant 624 : i32
      %mul3A_67 = arith.muli %arg1, %mul3A_66 : i32
      "tpu.region"() ({
        %run_scoped3A = tpu.sem_alloc : memref<!tpu.dma_semaphore, #tpu.memory_space<semaphore_mem>>
        %dma_start3A_73 = arith.constant 0 : i32
        %dma_start3A_74 = tpu.memref_slice %arg7[%mul3A_67, %dma_start3A_73] : memref<10000x128xf32, #tpu.memory_space<hbm>> -> memref<624x128xf32, #tpu.memory_space<hbm>>
        %dma_start3A_75 = arith.constant 0 : i32
        %dma_start3A_76 = tpu.memref_slice %arg18[%mul3A_65, %dma_start3A_75] : memref<10016x128xf32, #tpu.memory_space<vmem_shared>> -> memref<624x128xf32, #tpu.memory_space<vmem_shared>>
        tpu.enqueue_dma source(%dma_start3A_76 : memref<624x128xf32, #tpu.memory_space<vmem_shared>>) target(%dma_start3A_74 : memref<624x128xf32, #tpu.memory_space<hbm>>) target_semaphore(%run_scoped3A : memref<!tpu.dma_semaphore, #tpu.memory_space<semaphore_mem>>)
        %dma_wait3A_77 = arith.constant 0 : i32
        %dma_wait3A_78 = tpu.memref_slice %arg7[%mul3A_67, %dma_wait3A_77] : memref<10000x128xf32, #tpu.memory_space<hbm>> -> memref<624x128xf32, #tpu.memory_space<hbm>>
        %dma_wait3A_79 = arith.constant 0 : i32
        %dma_wait3A_80 = tpu.memref_slice %arg18[%mul3A_65, %dma_wait3A_79] : memref<10016x128xf32, #tpu.memory_space<vmem_shared>> -> memref<624x128xf32, #tpu.memory_space<vmem_shared>>
        tpu.wait_dma2 semaphore(%run_scoped3A : memref<!tpu.dma_semaphore, #tpu.memory_space<semaphore_mem>>) src(%dma_wait3A_80 : memref<624x128xf32, #tpu.memory_space<vmem_shared>>) dst(%dma_wait3A_78 : memref<624x128xf32, #tpu.memory_space<hbm>>)
        tpu.yield
      }) : () -> ()
      %eq3A_68 = arith.constant 15 : i32
      %eq3A_69 = arith.cmpi eq, %arg1, %eq3A_68 : i32
      %convert_element_type3A_70 = arith.extui %eq3A_69 : i1 to i32
      %cond3A_71 = arith.constant 0 : i32
      %cond3A_72 = arith.cmpi ne, %convert_element_type3A_70, %cond3A_71 : i32
      scf.if %cond3A_72 {
        "tpu.region"() ({
          %run_scoped3A = tpu.sem_alloc : memref<!tpu.dma_semaphore, #tpu.memory_space<semaphore_mem>>
          %dma_start3A_73 = arith.constant 9984 : i32
          %dma_start3A_74 = arith.constant 0 : i32
          %dma_start3A_75 = tpu.memref_slice %arg7[%dma_start3A_73, %dma_start3A_74] : memref<10000x128xf32, #tpu.memory_space<hbm>> -> memref<16x128xf32, #tpu.memory_space<hbm>>
          %dma_start3A_76 = arith.constant 9984 : i32
          %dma_start3A_77 = arith.constant 0 : i32
          %dma_start3A_78 = tpu.memref_slice %arg18[%dma_start3A_76, %dma_start3A_77] : memref<10016x128xf32, #tpu.memory_space<vmem_shared>> -> memref<16x128xf32, #tpu.memory_space<vmem_shared>>
          tpu.enqueue_dma source(%dma_start3A_78 : memref<16x128xf32, #tpu.memory_space<vmem_shared>>) target(%dma_start3A_75 : memref<16x128xf32, #tpu.memory_space<hbm>>) target_semaphore(%run_scoped3A : memref<!tpu.dma_semaphore, #tpu.memory_space<semaphore_mem>>)
          %dma_wait3A_79 = arith.constant 9984 : i32
          %dma_wait3A_80 = arith.constant 0 : i32
          %dma_wait3A_81 = tpu.memref_slice %arg7[%dma_wait3A_79, %dma_wait3A_80] : memref<10000x128xf32, #tpu.memory_space<hbm>> -> memref<16x128xf32, #tpu.memory_space<hbm>>
          %dma_wait3A_82 = arith.constant 9984 : i32
          %dma_wait3A_83 = arith.constant 0 : i32
          %dma_wait3A_84 = tpu.memref_slice %arg18[%dma_wait3A_82, %dma_wait3A_83] : memref<10016x128xf32, #tpu.memory_space<vmem_shared>> -> memref<16x128xf32, #tpu.memory_space<vmem_shared>>
          tpu.wait_dma2 semaphore(%run_scoped3A : memref<!tpu.dma_semaphore, #tpu.memory_space<semaphore_mem>>) src(%dma_wait3A_84 : memref<16x128xf32, #tpu.memory_space<vmem_shared>>) dst(%dma_wait3A_81 : memref<16x128xf32, #tpu.memory_space<hbm>>)
          tpu.yield
        }) : () -> ()
      } else {
      }
    } else {
    }
    return
  }
}

module attributes {stable_mosaic.version = 14 : i64} {
  func.func @_mm1_body(%arg0: i32, %arg1: memref<1000x256xf32, #tpu.memory_space<vmem>>, %arg2: memref<256x256xf32, #tpu.memory_space<vmem>>, %arg3: memref<1000x128xf32, #tpu.memory_space<vmem>>, %arg4: memref<1000x128xf32, #tpu.memory_space<vmem>>, %arg5: memref<1000x128xf32, #tpu.memory_space<vmem>>) attributes {dimension_semantics = [#tpu.dimension_semantics<arbitrary>], iteration_bounds = array<i64: 10>, scalar_prefetch = 0 : i64, scratch_operands = 0 : i64, tpu.core_type = #tpu.core_type<tc>, window_params = [{transform_indices = @transform_0, window_bounds = array<i64: 1000, 256>}, {pipeline_mode = #tpu.pipeline_mode<synchronous>, transform_indices = @transform_1, window_bounds = array<i64: 256, 256>}, {transform_indices = @transform_2, window_bounds = array<i64: 1000, 128>}, {transform_indices = @transform_3, window_bounds = array<i64: 1000, 128>}, {transform_indices = @transform_4, window_bounds = array<i64: 1000, 128>}]} {
    %get3A = arith.constant 0 : index
    %get3A_0 = arith.constant 0 : index
    %get3A_1 = vector.load %arg1[%get3A, %get3A_0] : memref<1000x256xf32, #tpu.memory_space<vmem>>, vector<1000x256xf32>
    %get3A_2 = arith.constant 0 : index
    %get3A_3 = arith.constant 0 : index
    %get3A_4 = vector.load %arg2[%get3A_2, %get3A_3] : memref<256x256xf32, #tpu.memory_space<vmem>>, vector<256x256xf32>
    %dot_general3A = arith.constant dense<0.000000e+00> : vector<1000x256xf32>
    %dot_general3A_5 = tpu.matmul %get3A_1, %get3A_4, %dot_general3A {dimension_numbers = #tpu.dot_dimension_numbers<[1], [0], [0], [1], [0, 0, 1, 1], [], []>, transpose_lhs_hint = false} : vector<1000x256xf32>, vector<256x256xf32>, vector<1000x256xf32> -> vector<1000x256xf32>
    %get3A_6 = arith.constant 0 : index
    %get3A_7 = arith.constant 0 : index
    %get3A_8 = vector.load %arg3[%get3A_6, %get3A_7] : memref<1000x128xf32, #tpu.memory_space<vmem>>, vector<1000x128xf32>
    %slice3A = vector.extract_strided_slice %dot_general3A_5 {offsets = [0, 0], sizes = [1000, 128], strides = [1, 1]} : vector<1000x256xf32> to vector<1000x128xf32>
    %mul3A = arith.mulf %slice3A, %get3A_8 : vector<1000x128xf32>
    %swap3A = arith.constant 0 : index
    %swap3A_9 = arith.constant 0 : index
    %swap3A_10 = vector.load %arg4[%swap3A, %swap3A_9] : memref<1000x128xf32, #tpu.memory_space<vmem>>, vector<1000x128xf32>
    tpu.vector_store %arg4[%swap3A, %swap3A_9], %mul3A {strides = array<i32>} : memref<1000x128xf32, #tpu.memory_space<vmem>>, vector<1000x128xf32>,
    %slice3A_11 = vector.extract_strided_slice %dot_general3A_5 {offsets = [0, 128], sizes = [1000, 128], strides = [1, 1]} : vector<1000x256xf32> to vector<1000x128xf32>
    %mul3A_12 = arith.mulf %slice3A_11, %get3A_8 : vector<1000x128xf32>
    %swap3A_13 = arith.constant 0 : index
    %swap3A_14 = arith.constant 0 : index
    %swap3A_15 = vector.load %arg5[%swap3A_13, %swap3A_14] : memref<1000x128xf32, #tpu.memory_space<vmem>>, vector<1000x128xf32>
    tpu.vector_store %arg5[%swap3A_13, %swap3A_14], %mul3A_12 {strides = array<i32>} : memref<1000x128xf32, #tpu.memory_space<vmem>>, vector<1000x128xf32>,
    return
  }
  func.func @transform_0(%arg0: i32) -> (i32, i32) {
    %c0_i32 = arith.constant 0 : i32
    %c0_i32_0 = arith.constant 0 : i32
    return %arg0, %c0_i32 : i32, i32
  }
  func.func @transform_1(%arg0: i32) -> (i32, i32) {
    %c0_i32 = arith.constant 0 : i32
    %c0_i32_0 = arith.constant 0 : i32
    %c0_i32_1 = arith.constant 0 : i32
    return %c0_i32, %c0_i32_0 : i32, i32
  }
  func.func @transform_2(%arg0: i32) -> (i32, i32) {
    %c0_i32 = arith.constant 0 : i32
    %c0_i32_0 = arith.constant 0 : i32
    return %arg0, %c0_i32 : i32, i32
  }
  func.func @transform_3(%arg0: i32) -> (i32, i32) {
    %c0_i32 = arith.constant 0 : i32
    %c0_i32_0 = arith.constant 0 : i32
    return %arg0, %c0_i32 : i32, i32
  }
  func.func @transform_4(%arg0: i32) -> (i32, i32) {
    %c0_i32 = arith.constant 0 : i32
    %c0_i32_0 = arith.constant 0 : i32
    return %arg0, %c0_i32 : i32, i32
  }
}

module attributes {stable_mosaic.version = 14 : i64} {
  func.func @_layer2_body(%arg0: i32, %arg1: memref<1000x128xf32, #tpu.memory_space<vmem>>, %arg2: memref<1000x128xf32, #tpu.memory_space<vmem>>, %arg3: memref<1000x128xf32, #tpu.memory_space<vmem>>, %arg4: memref<1000x128xf32, #tpu.memory_space<vmem>>, %arg5: memref<1000x128xf32, #tpu.memory_space<vmem>>, %arg6: memref<8x256xf32, #tpu.memory_space<vmem>>, %arg7: memref<256x256xf32, #tpu.memory_space<vmem>>, %arg8: memref<1000x128xf32, #tpu.memory_space<vmem>>, %arg9: memref<1000x128xf32, #tpu.memory_space<vmem>>) attributes {dimension_semantics = [#tpu.dimension_semantics<arbitrary>], iteration_bounds = array<i64: 10>, scalar_prefetch = 0 : i64, scratch_operands = 0 : i64, tpu.core_type = #tpu.core_type<tc>, window_params = [{transform_indices = @transform_0, window_bounds = array<i64: 1000, 128>}, {transform_indices = @transform_1, window_bounds = array<i64: 1000, 128>}, {transform_indices = @transform_2, window_bounds = array<i64: 1000, 128>}, {transform_indices = @transform_3, window_bounds = array<i64: 1000, 128>}, {transform_indices = @transform_4, window_bounds = array<i64: 1000, 128>}, {pipeline_mode = #tpu.pipeline_mode<synchronous>, transform_indices = @transform_5, window_bounds = array<i64: 8, 256>}, {pipeline_mode = #tpu.pipeline_mode<synchronous>, transform_indices = @transform_6, window_bounds = array<i64: 256, 256>}, {transform_indices = @transform_7, window_bounds = array<i64: 1000, 128>}, {transform_indices = @transform_8, window_bounds = array<i64: 1000, 128>}]} {
    %get3A = arith.constant 0 : index
    %get3A_0 = arith.constant 0 : index
    %get3A_1 = vector.load %arg5[%get3A, %get3A_0] : memref<1000x128xf32, #tpu.memory_space<vmem>>, vector<1000x128xf32>
    %get3A_2 = arith.constant 0 : index
    %get3A_3 = arith.constant 0 : index
    %get3A_4 = vector.load %arg6[%get3A_2, %get3A_3] : memref<8x256xf32, #tpu.memory_space<vmem>>, vector<1x128xf32>
    %get3A_5 = arith.constant 0 : index
    %get3A_6 = arith.constant 128 : index
    %get3A_7 = vector.load %arg6[%get3A_5, %get3A_6] : memref<8x256xf32, #tpu.memory_space<vmem>>, vector<1x128xf32>
    %get3A_8 = arith.constant 0 : index
    %get3A_9 = arith.constant 0 : index
    %get3A_10 = vector.load %arg1[%get3A_8, %get3A_9] : memref<1000x128xf32, #tpu.memory_space<vmem>>, vector<1000x128xf32>
    %get3A_11 = arith.constant 0 : index
    %get3A_12 = arith.constant 0 : index
    %get3A_13 = vector.load %arg3[%get3A_11, %get3A_12] : memref<1000x128xf32, #tpu.memory_space<vmem>>, vector<1000x128xf32>
    %add3A = arith.addf %get3A_10, %get3A_13 : vector<1000x128xf32>
    %mul3A = arith.mulf %get3A_1, %add3A : vector<1000x128xf32>
    %add3A_14 = vector.broadcast %get3A_4 : vector<1x128xf32> to vector<1000x128xf32>
    %add3A_15 = arith.addf %mul3A, %add3A_14 : vector<1000x128xf32>
    %max3A = arith.constant 0.000000e+00 : f32
    %max3A_16 = vector.broadcast %max3A : f32 to vector<1000x128xf32>
    %max3A_17 = arith.maximumf %add3A_15, %max3A_16 : vector<1000x128xf32>
    %get3A_18 = arith.constant 0 : index
    %get3A_19 = arith.constant 0 : index
    %get3A_20 = vector.load %arg2[%get3A_18, %get3A_19] : memref<1000x128xf32, #tpu.memory_space<vmem>>, vector<1000x128xf32>
    %get3A_21 = arith.constant 0 : index
    %get3A_22 = arith.constant 0 : index
    %get3A_23 = vector.load %arg4[%get3A_21, %get3A_22] : memref<1000x128xf32, #tpu.memory_space<vmem>>, vector<1000x128xf32>
    %add3A_24 = arith.addf %get3A_20, %get3A_23 : vector<1000x128xf32>
    %mul3A_25 = arith.mulf %get3A_1, %add3A_24 : vector<1000x128xf32>
    %add3A_26 = vector.broadcast %get3A_7 : vector<1x128xf32> to vector<1000x128xf32>
    %add3A_27 = arith.addf %mul3A_25, %add3A_26 : vector<1000x128xf32>
    %max3A_28 = arith.constant 0.000000e+00 : f32
    %max3A_29 = vector.broadcast %max3A_28 : f32 to vector<1000x128xf32>
    %max3A_30 = arith.maximumf %add3A_27, %max3A_29 : vector<1000x128xf32>
    %get3A_31 = arith.constant 0 : index
    %get3A_32 = arith.constant 0 : index
    %get3A_33 = vector.load %arg7[%get3A_31, %get3A_32] : memref<256x256xf32, #tpu.memory_space<vmem>>, vector<256x256xf32>
    %slice3A = vector.extract_strided_slice %get3A_33 {offsets = [0, 0], sizes = [128, 256], strides = [1, 1]} : vector<256x256xf32> to vector<128x256xf32>
    %dot_general3A = arith.constant dense<0.000000e+00> : vector<1000x256xf32>
    %dot_general3A_34 = tpu.matmul %max3A_17, %slice3A, %dot_general3A {dimension_numbers = #tpu.dot_dimension_numbers<[1], [0], [0], [1], [0, 0, 1, 1], [], []>, transpose_lhs_hint = false} : vector<1000x128xf32>, vector<128x256xf32>, vector<1000x256xf32> -> vector<1000x256xf32>
    %slice3A_35 = vector.extract_strided_slice %get3A_33 {offsets = [128, 0], sizes = [128, 256], strides = [1, 1]} : vector<256x256xf32> to vector<128x256xf32>
    %dot_general3A_36 = arith.constant dense<0.000000e+00> : vector<1000x256xf32>
    %dot_general3A_37 = tpu.matmul %max3A_30, %slice3A_35, %dot_general3A_36 {dimension_numbers = #tpu.dot_dimension_numbers<[1], [0], [0], [1], [0, 0, 1, 1], [], []>, transpose_lhs_hint = false} : vector<1000x128xf32>, vector<128x256xf32>, vector<1000x256xf32> -> vector<1000x256xf32>
    %add3A_38 = arith.addf %dot_general3A_34, %dot_general3A_37 : vector<1000x256xf32>
    %slice3A_39 = vector.extract_strided_slice %add3A_38 {offsets = [0, 0], sizes = [1000, 128], strides = [1, 1]} : vector<1000x256xf32> to vector<1000x128xf32>
    %mul3A_40 = arith.mulf %slice3A_39, %get3A_1 : vector<1000x128xf32>
    %swap3A = arith.constant 0 : index
    %swap3A_41 = arith.constant 0 : index
    %swap3A_42 = vector.load %arg8[%swap3A, %swap3A_41] : memref<1000x128xf32, #tpu.memory_space<vmem>>, vector<1000x128xf32>
    tpu.vector_store %arg8[%swap3A, %swap3A_41], %mul3A_40 {strides = array<i32>} : memref<1000x128xf32, #tpu.memory_space<vmem>>, vector<1000x128xf32>,
    %slice3A_43 = vector.extract_strided_slice %add3A_38 {offsets = [0, 128], sizes = [1000, 128], strides = [1, 1]} : vector<1000x256xf32> to vector<1000x128xf32>
    %mul3A_44 = arith.mulf %slice3A_43, %get3A_1 : vector<1000x128xf32>
    %swap3A_45 = arith.constant 0 : index
    %swap3A_46 = arith.constant 0 : index
    %swap3A_47 = vector.load %arg9[%swap3A_45, %swap3A_46] : memref<1000x128xf32, #tpu.memory_space<vmem>>, vector<1000x128xf32>
    tpu.vector_store %arg9[%swap3A_45, %swap3A_46], %mul3A_44 {strides = array<i32>} : memref<1000x128xf32, #tpu.memory_space<vmem>>, vector<1000x128xf32>,
    return
  }
  func.func @transform_0(%arg0: i32) -> (i32, i32) {
    %c0_i32 = arith.constant 0 : i32
    %c0_i32_0 = arith.constant 0 : i32
    return %arg0, %c0_i32 : i32, i32
  }
  func.func @transform_1(%arg0: i32) -> (i32, i32) {
    %c0_i32 = arith.constant 0 : i32
    %c0_i32_0 = arith.constant 0 : i32
    return %arg0, %c0_i32 : i32, i32
  }
  func.func @transform_2(%arg0: i32) -> (i32, i32) {
    %c0_i32 = arith.constant 0 : i32
    %c0_i32_0 = arith.constant 0 : i32
    return %arg0, %c0_i32 : i32, i32
  }
  func.func @transform_3(%arg0: i32) -> (i32, i32) {
    %c0_i32 = arith.constant 0 : i32
    %c0_i32_0 = arith.constant 0 : i32
    return %arg0, %c0_i32 : i32, i32
  }
  func.func @transform_4(%arg0: i32) -> (i32, i32) {
    %c0_i32 = arith.constant 0 : i32
    %c0_i32_0 = arith.constant 0 : i32
    return %arg0, %c0_i32 : i32, i32
  }
  func.func @transform_5(%arg0: i32) -> (i32, i32) {
    %c0_i32 = arith.constant 0 : i32
    %c0_i32_0 = arith.constant 0 : i32
    %c0_i32_1 = arith.constant 0 : i32
    return %c0_i32, %c0_i32_0 : i32, i32
  }
  func.func @transform_6(%arg0: i32) -> (i32, i32) {
    %c0_i32 = arith.constant 0 : i32
    %c0_i32_0 = arith.constant 0 : i32
    %c0_i32_1 = arith.constant 0 : i32
    return %c0_i32, %c0_i32_0 : i32, i32
  }
  func.func @transform_7(%arg0: i32) -> (i32, i32) {
    %c0_i32 = arith.constant 0 : i32
    %c0_i32_0 = arith.constant 0 : i32
    return %arg0, %c0_i32 : i32, i32
  }
  func.func @transform_8(%arg0: i32) -> (i32, i32) {
    %c0_i32 = arith.constant 0 : i32
    %c0_i32_0 = arith.constant 0 : i32
    return %arg0, %c0_i32 : i32, i32
  }
}

module attributes {stable_mosaic.version = 14 : i64} {
  func.func @_final_body(%arg0: i32, %arg1: memref<1000x128xf32, #tpu.memory_space<vmem>>, %arg2: memref<1000x128xf32, #tpu.memory_space<vmem>>, %arg3: memref<1000x128xf32, #tpu.memory_space<vmem>>, %arg4: memref<1000x128xf32, #tpu.memory_space<vmem>>, %arg5: memref<1000x128xf32, #tpu.memory_space<vmem>>, %arg6: memref<8x256xf32, #tpu.memory_space<vmem>>, %arg7: memref<1000x256xf32, #tpu.memory_space<vmem>>) attributes {dimension_semantics = [#tpu.dimension_semantics<arbitrary>], iteration_bounds = array<i64: 10>, scalar_prefetch = 0 : i64, scratch_operands = 0 : i64, tpu.core_type = #tpu.core_type<tc>, window_params = [{transform_indices = @transform_0, window_bounds = array<i64: 1000, 128>}, {transform_indices = @transform_1, window_bounds = array<i64: 1000, 128>}, {transform_indices = @transform_2, window_bounds = array<i64: 1000, 128>}, {transform_indices = @transform_3, window_bounds = array<i64: 1000, 128>}, {transform_indices = @transform_4, window_bounds = array<i64: 1000, 128>}, {pipeline_mode = #tpu.pipeline_mode<synchronous>, transform_indices = @transform_5, window_bounds = array<i64: 8, 256>}, {transform_indices = @transform_6, window_bounds = array<i64: 1000, 256>}]} {
    %get3A = arith.constant 0 : index
    %get3A_0 = arith.constant 0 : index
    %get3A_1 = vector.load %arg5[%get3A, %get3A_0] : memref<1000x128xf32, #tpu.memory_space<vmem>>, vector<1000x128xf32>
    %get3A_2 = arith.constant 0 : index
    %get3A_3 = arith.constant 0 : index
    %get3A_4 = vector.load %arg6[%get3A_2, %get3A_3] : memref<8x256xf32, #tpu.memory_space<vmem>>, vector<1x128xf32>
    %get3A_5 = arith.constant 0 : index
    %get3A_6 = arith.constant 128 : index
    %get3A_7 = vector.load %arg6[%get3A_5, %get3A_6] : memref<8x256xf32, #tpu.memory_space<vmem>>, vector<1x128xf32>
    %get3A_8 = arith.constant 0 : index
    %get3A_9 = arith.constant 0 : index
    %get3A_10 = vector.load %arg1[%get3A_8, %get3A_9] : memref<1000x128xf32, #tpu.memory_space<vmem>>, vector<1000x128xf32>
    %get3A_11 = arith.constant 0 : index
    %get3A_12 = arith.constant 0 : index
    %get3A_13 = vector.load %arg3[%get3A_11, %get3A_12] : memref<1000x128xf32, #tpu.memory_space<vmem>>, vector<1000x128xf32>
    %add3A = arith.addf %get3A_10, %get3A_13 : vector<1000x128xf32>
    %mul3A = arith.mulf %get3A_1, %add3A : vector<1000x128xf32>
    %add3A_14 = vector.broadcast %get3A_4 : vector<1x128xf32> to vector<1000x128xf32>
    %add3A_15 = arith.addf %mul3A, %add3A_14 : vector<1000x128xf32>
    %max3A = arith.constant 0.000000e+00 : f32
    %max3A_16 = vector.broadcast %max3A : f32 to vector<1000x128xf32>
    %max3A_17 = arith.maximumf %add3A_15, %max3A_16 : vector<1000x128xf32>
    %get3A_18 = arith.constant 0 : index
    %get3A_19 = arith.constant 0 : index
    %get3A_20 = vector.load %arg2[%get3A_18, %get3A_19] : memref<1000x128xf32, #tpu.memory_space<vmem>>, vector<1000x128xf32>
    %get3A_21 = arith.constant 0 : index
    %get3A_22 = arith.constant 0 : index
    %get3A_23 = vector.load %arg4[%get3A_21, %get3A_22] : memref<1000x128xf32, #tpu.memory_space<vmem>>, vector<1000x128xf32>
    %add3A_24 = arith.addf %get3A_20, %get3A_23 : vector<1000x128xf32>
    %mul3A_25 = arith.mulf %get3A_1, %add3A_24 : vector<1000x128xf32>
    %add3A_26 = vector.broadcast %get3A_7 : vector<1x128xf32> to vector<1000x128xf32>
    %add3A_27 = arith.addf %mul3A_25, %add3A_26 : vector<1000x128xf32>
    %max3A_28 = arith.constant 0.000000e+00 : f32
    %max3A_29 = vector.broadcast %max3A_28 : f32 to vector<1000x128xf32>
    %max3A_30 = arith.maximumf %add3A_27, %max3A_29 : vector<1000x128xf32>
    %reduce_max3A = arith.constant dense<0xFF800000> : vector<1000xf32>
    %reduce_max3A_31 = vector.multi_reduction <maximumf>, %max3A_17, %reduce_max3A [1] : vector<1000x128xf32> to vector<1000xf32>
    %broadcast_in_dim3A = vector.shape_cast %reduce_max3A_31 : vector<1000xf32> to vector<1000x1xf32>
    %reduce_max3A_32 = arith.constant dense<0xFF800000> : vector<1000xf32>
    %reduce_max3A_33 = vector.multi_reduction <maximumf>, %max3A_30, %reduce_max3A_32 [1] : vector<1000x128xf32> to vector<1000xf32>
    %broadcast_in_dim3A_34 = vector.shape_cast %reduce_max3A_33 : vector<1000xf32> to vector<1000x1xf32>
    %max3A_35 = arith.maximumf %broadcast_in_dim3A, %broadcast_in_dim3A_34 : vector<1000x1xf32>
    %sub3A = vector.broadcast %max3A_35 : vector<1000x1xf32> to vector<1000x128xf32>
    %sub3A_36 = arith.subf %max3A_17, %sub3A : vector<1000x128xf32>
    %exp3A = math.exp %sub3A_36 : vector<1000x128xf32>
    %reduce_sum3A = arith.constant dense<0.000000e+00> : vector<1000xf32>
    %reduce_sum3A_37 = vector.multi_reduction <add>, %exp3A, %reduce_sum3A [1] : vector<1000x128xf32> to vector<1000xf32>
    %broadcast_in_dim3A_38 = vector.shape_cast %reduce_sum3A_37 : vector<1000xf32> to vector<1000x1xf32>
    %sub3A_39 = vector.broadcast %max3A_35 : vector<1000x1xf32> to vector<1000x128xf32>
    %sub3A_40 = arith.subf %max3A_30, %sub3A_39 : vector<1000x128xf32>
    %exp3A_41 = math.exp %sub3A_40 : vector<1000x128xf32>
    %reduce_sum3A_42 = arith.constant dense<0.000000e+00> : vector<1000xf32>
    %reduce_sum3A_43 = vector.multi_reduction <add>, %exp3A_41, %reduce_sum3A_42 [1] : vector<1000x128xf32> to vector<1000xf32>
    %broadcast_in_dim3A_44 = vector.shape_cast %reduce_sum3A_43 : vector<1000xf32> to vector<1000x1xf32>
    %add3A_45 = arith.addf %broadcast_in_dim3A_38, %broadcast_in_dim3A_44 : vector<1000x1xf32>
    %log3A = math.log %add3A_45 : vector<1000x1xf32>
    %add3A_46 = arith.addf %max3A_35, %log3A : vector<1000x1xf32>
    %sub3A_47 = vector.broadcast %add3A_46 : vector<1000x1xf32> to vector<1000x128xf32>
    %sub3A_48 = arith.subf %max3A_17, %sub3A_47 : vector<1000x128xf32>
    %swap3A = arith.constant 0 : index
    %swap3A_49 = arith.constant 0 : index
    %swap3A_50 = vector.load %arg7[%swap3A, %swap3A_49] : memref<1000x256xf32, #tpu.memory_space<vmem>>, vector<1000x128xf32>
    tpu.vector_store %arg7[%swap3A, %swap3A_49], %sub3A_48 {strides = array<i32>} : memref<1000x256xf32, #tpu.memory_space<vmem>>, vector<1000x128xf32>,
    %sub3A_51 = vector.broadcast %add3A_46 : vector<1000x1xf32> to vector<1000x128xf32>
    %sub3A_52 = arith.subf %max3A_30, %sub3A_51 : vector<1000x128xf32>
    %swap3A_53 = arith.constant 0 : index
    %swap3A_54 = arith.constant 128 : index
    %swap3A_55 = vector.load %arg7[%swap3A_53, %swap3A_54] : memref<1000x256xf32, #tpu.memory_space<vmem>>, vector<1000x128xf32>
    tpu.vector_store %arg7[%swap3A_53, %swap3A_54], %sub3A_52 {strides = array<i32>} : memref<1000x256xf32, #tpu.memory_space<vmem>>, vector<1000x128xf32>,
    return
  }
  func.func @transform_0(%arg0: i32) -> (i32, i32) {
    %c0_i32 = arith.constant 0 : i32
    %c0_i32_0 = arith.constant 0 : i32
    return %arg0, %c0_i32 : i32, i32
  }
  func.func @transform_1(%arg0: i32) -> (i32, i32) {
    %c0_i32 = arith.constant 0 : i32
    %c0_i32_0 = arith.constant 0 : i32
    return %arg0, %c0_i32 : i32, i32
  }
  func.func @transform_2(%arg0: i32) -> (i32, i32) {
    %c0_i32 = arith.constant 0 : i32
    %c0_i32_0 = arith.constant 0 : i32
    return %arg0, %c0_i32 : i32, i32
  }
  func.func @transform_3(%arg0: i32) -> (i32, i32) {
    %c0_i32 = arith.constant 0 : i32
    %c0_i32_0 = arith.constant 0 : i32
    return %arg0, %c0_i32 : i32, i32
  }
  func.func @transform_4(%arg0: i32) -> (i32, i32) {
    %c0_i32 = arith.constant 0 : i32
    %c0_i32_0 = arith.constant 0 : i32
    return %arg0, %c0_i32 : i32, i32
  }
  func.func @transform_5(%arg0: i32) -> (i32, i32) {
    %c0_i32 = arith.constant 0 : i32
    %c0_i32_0 = arith.constant 0 : i32
    %c0_i32_1 = arith.constant 0 : i32
    return %c0_i32, %c0_i32_0 : i32, i32
  }
  func.func @transform_6(%arg0: i32) -> (i32, i32) {
    %c0_i32 = arith.constant 0 : i32
    %c0_i32_0 = arith.constant 0 : i32
    return %arg0, %c0_i32 : i32, i32
  }
}

</mosaic_0001>

<sc_bundles>
// kernel: kernel.11.cloned.1.call-start
scs
__scs_entry_jumppad:
0x0: {  	(pc) =	sbr.rel $0x88, $3  }
0x1: {  	(tag) =	ssettag $0x0;
	lr =	simm.s32 $0x1  }
0x2: {  	[smem:$0x3F9B] =	sst lr;
	_ =	strace $0xD0000000  }
0x3: {  	_ = 	snop  }
0x4: {  	_ = 	snop  }
0x5: {  	_ = 	snop  }
0x6: {  	_ = 	snop  }
0x7: {  	_ = 	snop  }
__scs_overlays_trampoline_lowered:
0x8: {  	[smem:$0x3FAA] =	sst s0  }
0x9: {  	[smem:$0x3FAB] =	sst s1  }
0xa: {  	[smem:$0x3FAC] =	sst s2  }
0xb: {  	[smem:$0x3FAD] =	sst s3  }
0xc: {  	[smem:$0x3FAE] =	sst s4  }
0xd: {  	[smem:$0x3FAF] =	sst s5  }
0xe: {  	[smem:$0x3FB0] =	sst s6  }
0xf: {  	[smem:$0x3FB1] =	sst s7  }
0x10: {  	[smem:$0x3FB2] =	sst s8  }
0x11: {  	[smem:$0x3FB3] =	sst s9;
	s0 =	simm.s32 @!p0 $0x0  }
0x12: {  	s1 =	sld [smem:$0x3F99];
	s0 =	simm.s32 @p0 $0x1  }
0x13: {  	[smem:$0x3FB4] =	sst s0;
	s0 =	simm.s32 @!p1 $0x0  }
0x14: {  	s2 =	sld [smem:$0x3F98];
	s0 =	simm.s32 @p1 $0x1  }
0x15: {  	[smem:$0x3FB5] =	sst s0;
	s0 =	simm.s32 @!p2 $0x0  }
0x16: {  	s3 =	sld [smem:$0x3FDB];
	s0 =	simm.s32 @p2 $0x1  }
0x17: {  	s4 =	simm.s32 $0x1BF5;
	[smem:$0x3FB7] =	sst s0  }
0x18: {  	s0 =	sld [smem:$0x3F9A];
	_ =	swait.ge [sflag:s4], $0x0  }
0x19: {  	s7 =	sld [smem:$0x3F9B]  }
0x1a: {  	s8 =	sadd.s32 $0xFFFFE003, lr  }
0x1b: {  	s9 =	sadd.s32 $0xFFFFFEF7, lr;
	s5 =	simm.s32 $0xFFFFFFFF;
	p2 =	slt.u32 s8, $0xFFFFF086  }
0x1c: {  	p1 =	slt.u32 s9, $0xF7A;
	s5 =	simm.s32 @!p2 $0x0  }
0x1d: {  	s5 =	simm.s32 @p1 $0x1;
	p0 =	seq.s32 s7, s2  }
0x1e: {  	s7 =	smul.u32 @!p0 $0xF7A, s2;
	p2 =	seq.s32 @!p0 s5, $0x0  }
0x1f: {  	s9 =	smul.u32 $0xF7A, s1;
	s8 =	simm.s32 @!p0 $0x1BF5;
	p2 =	por !p2, p0  }
0x20: {  	[sflag:s8] =	ssyncset.s32 @!p0 $0xFFFFF086;
	s6 =	sadd.s32 @!p0 s3, s7;
	s7 =	simm.s32 @!p0 $0x108  }
0x21: {  	s3 =	sadd.s32 s3, s9;
	s6 =	sadd.s32 @!p0 $0x88, s6;
	s7 =	simm.s32 @p2 $0x1082  }
0x22: {  	[simem:s7], [sflag:s8] =	dma.local @!p0 [hbm:s6], $0xF7A  }
0x23: {  	s9 =	sor.u32 $0xD0000000, s2;
	s6 =	simm.s32 $0x108;
	_ =	swait.ge @!p0 [sflag:s8], $0x0  }
0x24: {  	s3 =	sadd.s32 $0x88, s3;
	s6 =	simm.s32 @!p1 $0x1082;
	[sflag:s4] =	ssyncset.s32 $0xFFFFF086  }
0x25: {  	[simem:s6], [sflag:s4] =	dma.local [hbm:s3], $0xF7A  }
0x26: {  	[smem:$0x3F9B] =	sst s1;
	(tag) =	ssettag s2;
	_ =	strace s9  }
0x27: {  	s1 =	sld [smem:$0x3FAB]  }
0x28: {  	s2 =	sld [smem:$0x3FAC]  }
0x29: {  	s4 =	sld [smem:$0x3FAE]  }
0x2a: {  	p0 =	seq.s32 s5, $0x0;
	s5 =	sld [smem:$0x3FAF]  }
0x2b: {  	s6 =	sld [smem:$0x3FB0]  }
0x2c: {  	s7 =	sld [smem:$0x3FB1]  }
0x2d: {  	s3 =	simm.s32 $0x108;
	s8 =	sld [smem:$0x3FB2]  }
0x2e: {  	s3 =	simm.s32 @!p0 $0x1082;
	s9 =	sld [smem:$0x3FB3]  }
0x2f: {  	lr =	sadd.s32 s0, s3;
	s0 =	sld [smem:$0x3FAA]  }
0x30: {  	s3 =	sld [smem:$0x3FAD]  }
0x31: {  	[smem:$0x3FB6] =	sst s10  }
0x32: {  	s10 =	sld [smem:$0x3FB4];
	_ =	sdelay $0x3  }
0x33: {  	p0 =	seq.s32 s10, $0x1;
	s10 =	sld [smem:$0x3FB6];
	_ =	sdelay $0x3  }
0x34: {  	[smem:$0x3FB6] =	sst s10  }
0x35: {  	s10 =	sld [smem:$0x3FB5];
	_ =	sdelay $0x3  }
0x36: {  	p1 =	seq.s32 s10, $0x1;
	s10 =	sld [smem:$0x3FB6];
	_ =	sdelay $0x3  }
0x37: {  	[smem:$0x3FB6] =	sst s10  }
0x38: {  	s10 =	sld [smem:$0x3FB7]  }
0x39: {  	_ = 	snop;
	(pc) =	sbr.ind lr, $3  }
0x3a: {  	_ = 	snop  }
0x3b: {  	_ = 	snop  }
0x3c: {  	p2 =	seq.s32 s10, $0x1;
	s10 =	sld [smem:$0x3FB6]  }
0x3d: {  	_ =	shalt  }
0x3e: {  	_ =	shalt  }
0x3f: {  	_ =	shalt  }
0x40: {  	_ =	shalt  }
0x41: {  	_ =	shalt  }
0x42: {  	_ =	shalt  }
0x43: {  	_ =	shalt  }
0x44: {  	_ =	shalt  }
0x45: {  	_ =	shalt  }
0x46: {  	_ =	shalt  }
0x47: {  	_ =	shalt  }
0x48: {  	_ =	shalt  }
0x49: {  	_ =	shalt  }
0x4a: {  	_ =	shalt  }
0x4b: {  	_ =	shalt  }
0x4c: {  	_ =	shalt  }
0x4d: {  	_ =	shalt  }
0x4e: {  	_ =	shalt  }
0x4f: {  	_ =	shalt  }
0x50: {  	_ =	shalt  }
0x51: {  	_ =	shalt  }
0x52: {  	_ =	shalt  }
0x53: {  	_ =	shalt  }
0x54: {  	_ =	shalt  }
0x55: {  	_ =	shalt  }
0x56: {  	_ =	shalt  }
0x57: {  	_ =	shalt  }
0x58: {  	_ =	shalt  }
0x59: {  	_ =	shalt  }
0x5a: {  	_ =	shalt  }
0x5b: {  	_ =	shalt  }
0x5c: {  	_ =	shalt  }
0x5d: {  	_ =	shalt  }
0x5e: {  	_ =	shalt  }
0x5f: {  	_ =	shalt  }
0x60: {  	_ =	shalt  }
0x61: {  	_ =	shalt  }
0x62: {  	_ =	shalt  }
0x63: {  	_ =	shalt  }
0x64: {  	_ =	shalt  }
0x65: {  	_ =	shalt  }
0x66: {  	_ =	shalt  }
0x67: {  	_ =	shalt  }
0x68: {  	_ =	shalt  }
0x69: {  	_ =	shalt  }
0x6a: {  	_ =	shalt  }
0x6b: {  	_ =	shalt  }
0x6c: {  	_ =	shalt  }
0x6d: {  	_ =	shalt  }
0x6e: {  	_ =	shalt  }
0x6f: {  	_ =	shalt  }
0x70: {  	_ =	shalt  }
0x71: {  	_ =	shalt  }
0x72: {  	_ =	shalt  }
0x73: {  	_ =	shalt  }
0x74: {  	_ =	shalt  }
0x75: {  	_ =	shalt  }
0x76: {  	_ =	shalt  }
0x77: {  	_ =	shalt  }
0x78: {  	_ =	shalt  }
0x79: {  	_ =	shalt  }
0x7a: {  	_ =	shalt  }
0x7b: {  	_ =	shalt  }
0x7c: {  	_ =	shalt  }
0x7d: {  	_ =	shalt  }
0x7e: {  	_ =	shalt  }
0x7f: {  	_ =	shalt  }
0x80: {  	_ =	shalt  }
0x81: {  	_ =	shalt  }
0x82: {  	_ =	shalt  }
0x83: {  	_ =	shalt  }
0x84: {  	_ =	shalt  }
0x85: {  	_ =	shalt  }
0x86: {  	_ =	shalt  }
0x87: {  	_ =	shalt  }
.Lfunc_end0:
.L_simem_size_0:
called_computation.1_lowered:
.L_overlay_start_0:
0x88: {  	s2 =	sld [smem:$0x3FD9]  }
0x89: {  	s3 =	sld [smem:$0x3FFE];
	_ =	sdelay $0x1  }
0x8a: {  	s1 =	srdreg.scid  }
0x8b: {  	s0 =	sand.u32 $0x1, s1  }
0x8c: {  	s17 =	sshll.u32 s0, $0xA;
	s2 =	sadd.s32 s3, s2  }
0x8d: {  	s2 =	sadd.s32 s2, s17  }
0x8e: {  	[smem:$0x3FC2] =	sst s2  }
0x8f: {  	_ = 	snop  }
0x90: {  	s2 =	sld [smem:$0x3FD0];
	(tm) =	ssettm $0x1  }
0x91: {  	s18 =	sld [smem:$0x3FFB];
	_ =	sdelay $0x3  }
0x92: {  	_ =	strace s18  }
0x93: {  	s3 =	sld [smem:$0x3FFC];
	_ =	sdelay $0x3  }
0x94: {  	_ =	strace s3  }
0x95: {  	s3 =	sld [smem:$0x3FFD];
	_ =	sdelay $0x3  }
0x96: {  	_ =	strace s3  }
0x97: {  	_ =	strace $0x8FFFFFFF  }
0x98: {  	s19 =	sld [smem:$0x3FDB];
	_ =	sdelay $0x1  }
0x99: {  	s4 =	simm.s32 $_scs_section_size  }
0x9a: {  	s5 =	simm.s32 $_size__tile_overlayer_lowered;
	s6 =	simm.s32 $_tile_overlayer_lowered  }
0x9b: {  	s22 =	simm.s32 $0x1BFF;
	s21 =	sshll.u32 s6, $0x1;
	s3 =	sadd.s32 s4, s19  }
0x9c: {  	s7 =	simm.s32 $0x0;
	s20 =	sshll.u32 s5, $0x1;
	s5 =	sadd.s32 s21, s3  }
0x9d: {  	[timem:s7], [sflag:s22] =	dma.local [hbm:s5], s20  }
0x9e: {  	_ =	swait.ge [sflag:s22], s20  }
0x9f: {  	s4 =	ssub.s32 $0x0, s20;
	[sflag:s22] =	ssyncset.done $0x0  }
0xa0: {  	[sflag:s22] =	ssyncadd.s32 s4;
	_ =	sdelay $0x1  }
0xa1: {  	s23 =	simm.s32 $0x1B8B  }
0xa2: {  	_ =	swait.ge [sflag:s23], $0x1  }
0xa3: {  	[sflag:s23] =	ssyncset.done $0x0  }
0xa4: {  	s25 =	simm.s32 $0x1B8E;
	s24 =	sld [smem:$0x3FFE];
	[sflag:s23] =	ssyncadd.s32 $0xFFFFFFFF  }
0xa5: {  	s26 =	simm.s32 $execute0_lowered;
	[smem:$0x3FD2] =	sst s25  }
0xa6: {  	s5 =	sshll.u32 s26, $0x1;
	_ =	strace $0x80000049;
	[dreg:$0x1] =	wrdreg $0xFFFFFFFF  }
0xa7: {  	s28 =	simm.s32 $_size_execute0_lowered;
	s3 =	sadd.s32 s3, s5;
	[dreg:$0x0] =	wrdreg $0x0  }
0xa8: {  	s5 =	sshll.u32 s28, $0x1;
	[dreg:$0x2] =	wrdreg s3  }
0xa9: {  	[dreg:$0x3] =	wrdreg s5  }
0xaa: {  	[dreg:$0x4] =	wrdreg $0xC0  }
0xab: {  	_ =	task [dreg:s7], $0x5FFFF  }
0xac: {  	[dreg:$0x1] =	wrdreg $0xFFFFFFFF  }
0xad: {  	[dreg:$0x0] =	wrdreg $0x60  }
0xae: {  	[dreg:$0x2] =	wrdreg s2  }
0xaf: {  	[dreg:$0x3] =	wrdreg s24  }
0xb0: {  	[dreg:$0x4] =	wrdreg $0x93000  }
0xb1: {  	[dreg:$0x5] =	wrdreg $0x9  }
0xb2: {  	_ =	task.clear_ibuf [dreg:s7], $0x6FFFF;
	_ =	strace $0x90000049  }
0xb3: {  	s29 =	simm.s32 $0x9;
	_ =	strace $0x8000004B  }
0xb4: {  	_ =	swait.ge [sflag:s29], $0x1  }
0xb5: {  	[sflag:s29] =	ssyncadd.s32 $0xFFFFFFFF  }
0xb6: {  	_ =	strace $0x9000004B  }
0xb7: {  	_ =	sfence  }
0xb8: {  	s30 =	sld [smem:$0x0];
	_ =	sdelay $0x2  }
0xb9: {  	s31 =	sshll.u32 s1, $0xD;
	s1 =	sshrl.u32 s1, $0x2  }
0xba: {  	s3 =	sand.u32 $0x4000, s31;
	s1 =	sadd.s32 s1, s30  }
0xbb: {  	s0 =	sor.u32 s3, s0;
	s1 =	sshll.u32 s1, $0x11  }
0xbc: {  	s0 =	sor.u32 s1, s0  }
0xbd: {  	s0 =	sadd.s32 $0x8F2B, s0  }
0xbe: {  	[sflag:s0] =	ssyncadd.remote.s32 $0x1  }
0xbf: {  	_ =	sfence.sel $0xFFFF  }
0xc0: {  	[dreg:$0x0] =	wrdreg $0xFFFFFFFF;
	(pc) =	sbr.abs _section_cstart, $3  }
0xc1: {  	[dreg:$0x1] =	wrdreg $0xFFFFFFFF  }
0xc2: {  	_ =	task.clear_ibuf [dreg:s7], $0x2FFFF;
	_ =	strace $0x9FFFFFFF  }
0xc3: {  	(tm) =	ssettm $0x7FFFFFFF  }
tec
execute0_lowered:
.L_overlay_start_1:
0x0: {  	(tag) =	ssettag $0x1  }
0x1: {  	s1 =	rddreg [dreg:$0x0]  }
0x2: {  	s0 =	rddreg [dreg:$0x1]  }
0x3: {  	s2 =	rddreg [dreg:$0x2];
	s3 =	simm.s32 $0x0  }
0x4: {  	s4 =	srdreg.scid;
	s10 =	stileid.u32;
	s28 =	simm.s32 $0x4200  }
0x5: {  	s29 =	simm.s32 $0x8B00;
	s30 =	simm.s32 $0x7;
	s31 =	simm.s32 $0x1  }
0x6: {  	[smem:$0x7FF] =	sst s3;
	s5 =	sadd.s32 $0x34200, s0;
	s7 =	smul.u32 $0x2710, s10  }
0x7: {  	s6 =	sadd.s32 $0x3000, s0;
	s4 =	sand.u32 $0x1, s4;
	s18 =	smul.u32 $0x4E000, s10  }
0x8: {  	s8 =	sadd.s32 $0x8000, s0;
	s12 =	sadd.s32 $0x5B400, s0;
	s21 =	smul.u32 $0x2700, s10  }
0x9: {  	s14 =	sadd.s32 $0x82600, s0;
	p1 =	seq.s32 s10, $0xF;
	s23 =	smul.u32 $0x4E2, s10  }
0xa: {  	s25 =	sadd.s32 $0x138000, s2;
	p2 =	sne.s32 s10, $0xF;
	s10 =	simm.s32 $0x0  }
0xb: {  	_ =	strace $0x8000004A;
	s9 =	ssub.s32 $0x2, s4;
	[dreg:$0x4] =	wrdreg s12  }
0xc: {  	p0 =	seq.s32 s4, $0x1;
	[dreg:$0x5] =	wrdreg s14;
	s26 =	sshrl.u32 s25, $0x3  }
0xd: {  	s25 =	simm.s32 $0x4;
	s13 =	sshrl.u32 s9, $0x1;
	s7 =	sshrl.u32 s7, $0x3  }
0xe: {  	s19 =	sshrl.u32 s18, $0x2;
	s24 =	sadd.s32 s12, s21;
	[dreg:$0xf] =	wrdreg s26  }
0xf: {  	s26 =	simm.s32 $0x180;
	s0 =	ssub.s32 s9, s13;
	s15 =	sadd.s32 s6, s7  }
0x10: {  	s16 =	sadd.s32 s8, s7;
	s17 =	sadd.s32 $0x10, s7;
	s13 =	sadd.s32 s19, s2  }
0x11: {  	s20 =	sadd.s32 $0x4E0, s7;
	[dreg:$0xc] =	wrdreg s24;
	s7 =	sadd.s32 s14, s21  }
0x12: {  	s19 =	sadd.s32 s23, s8;
	s21 =	simm.s32 $0x8;
	[dreg:$0x6] =	wrdreg s15  }
0x13: {  	s24 =	simm.s32 $0x200;
	s9 =	simm.s32 $0x8300;
	[dreg:$0x7] =	wrdreg s16  }
0x14: {  	s11 =	sadd.s32 s6, s17;
	s4 =	sadd.s32 s8, s17;
	[dreg:$0xd] =	wrdreg s7  }
0x15: {  	s22 =	sadd.s32 s6, s20;
	s0 =	smax.u32 s0, $0x1;
	[dreg:$0x8] =	wrdreg s11  }
0x16: {  	s16 =	simm.s32 $0x3;
	s17 =	simm.s32 $0x5;
	[dreg:$0x9] =	wrdreg s4  }
.Ltmp0:
0x17: {  	s7 =	simm.s32 $0x8200;
	[dreg:$0xa] =	wrdreg s22;
	(pc) =	sbr.rel .LBB2_1-.Ltmp0, $4  }
0x18: {  	s11 =	simm.s32 $0x28;
	s4 =	sadd.s32 s8, s20;
	[dreg:$0xe] =	wrdreg s0  }
0x19: {  	s20 =	sadd.s32 s23, s6;
	s22 =	simm.s32 $0x100;
	s23 =	simm.s32 $0x80  }
0x1a: {  	s0 =	simm.s32 $0x2;
	s6 =	simm.s32 $0x6;
	s8 =	simm.s32 $0x10  }
0x1b: {  	v0 =	vimm.f32 $0.0e+00;
	s11 =	simm.s32 @!p1 $0x27;
	[dreg:$0xb] =	wrdreg s4;
	s4 =	simm.s32 $0x8280  }
.LBB2_20:
0x1c: {  	s14 =	sadd.s32 $0x27000, s14;
	s15 =	rddreg [dreg:$0xf]  }
0x1d: {  	[hbm:s14], [sflag:s12] =	dma.local [spmem:s15], $0x100  }
0x1e: {  	_ =	swait.ge [sflag:s21], $0x100  }
0x1f: {  	[sflag:s21] =	ssyncset.done $0x0  }
0x20: {  	[sflag:s21] =	ssyncadd.s32 $0xFFFFFF00  }
.LBB2_21:
0x21: {  	s10 =	sadd.s32 $0x1, s10;
	s12 =	rddreg [dreg:$0xe]  }
0x22: {  	p3 =	sne.s32 s10, s12  }
.Ltmp1:
0x23: {  	_ = 	snop;
	(pc) =	sbr.rel @!p3 .LBB2_22-.Ltmp1, $1  }
0x24: {  	_ =	sdelay $0x3  }
.LBB2_1:
0x25: {  	s12 =	rddreg [dreg:$0x6]  }
0x26: {  	[tilespmem:s3], [sflag:$0x8] =	stream.linear.gather [hbm4b:s12+s3], $0x80, $0x38;
	[tilespmem:$0x1CC00] =	vst v63  }
0x27: {  	_ =	swait.ge [sflag:s21], $0x80  }
0x28: {  	[sflag:s21] =	ssyncset.done $0x0  }
.Ltmp2:
0x29: {  	s18 =	rddreg [dreg:$0x7];
	[sflag:s21] =	ssyncadd.s32 $0xFFFFFF80;
	(pc) =	sbr.rel @!p0 .LBB2_2-.Ltmp2, $4  }
0x2a: {  	[tilespmem:s22], [sflag:$0x8] =	stream.linear.gather [hbm4b:s18+s3], $0x80, $0x38;
	[tilespmem:$0x1CC00] =	vst v63  }
0x2b: {  	_ =	swait.ge [sflag:s21], $0x80  }
0x2c: {  	[sflag:s21] =	ssyncset.done $0x0  }
0x2d: {  	s12 =	simm.s32 $0x0;
	[sflag:s21] =	ssyncadd.s32 $0xFFFFFF80  }
0x2e: {  	[tilespmem:s24], [sflag:$0x1] =	stream.indirect.gather [hbm4b:s5+s23], $0x80, s12, s23, $0xb8;
	[tilespmem:$0x1CC00] =	vst v63  }
0x2f: {  	s14 =	rddreg [dreg:$0x8]  }
0x30: {  	[tilespmem:s23], [sflag:$0x8] =	stream.linear.gather [hbm4b:s14+s12], $0x80, $0x38;
	[tilespmem:$0x1CC00] =	vst v63  }
0x31: {  	_ =	swait.ge [sflag:s21], $0x80  }
0x32: {  	[sflag:s21] =	ssyncset.done $0x0  }
0x33: {  	s18 =	rddreg [dreg:$0x9];
	[sflag:s21] =	ssyncadd.s32 $0xFFFFFF80  }
0x34: {  	[tilespmem:s26], [sflag:$0x8] =	stream.linear.gather [hbm4b:s18+s12], $0x80, $0x38;
	[tilespmem:$0x1CC00] =	vst v63  }
0x35: {  	_ =	swait.ge [sflag:s21], $0x80  }
0x36: {  	[sflag:s21] =	ssyncset.done $0x0  }
0x37: {  	s14 =	simm.s32 $0x200;
	s12 =	simm.s32 $0x0;
	[sflag:s21] =	ssyncadd.s32 $0xFFFFFF80  }
0x38: {  	[tilespmem:s28], [sflag:$0x2] =	stream.indirect.gather [hbm4b:s5+s23], $0x80, s23, s23, $0xb8;
	[tilespmem:$0x1CC00] =	vst v63  }
.LBB2_12:
0x39: {  	p3 =	sne.s32 s14, $0x1E00;
	[tilespmem:s12+$0x8B70] =	vst v0  }
0x3a: {  	[tilespmem:s12+$0x8B00] =	vst v0  }
0x3b: {  	[tilespmem:s12+$0x8B10] =	vst v0  }
.Ltmp3:
0x3c: {  	[tilespmem:s12+$0x8B20] =	vst v0;
	(pc) =	sbr.rel @p3 .LBB2_12-.Ltmp3, $4  }
0x3d: {  	[tilespmem:s12+$0x8B30] =	vst v0  }
0x3e: {  	[tilespmem:s12+$0x8B40] =	vst v0  }
0x3f: {  	[tilespmem:s12+$0x8B50] =	vst v0  }
0x40: {  	[tilespmem:s12+$0x8B60] =	vst v0;
	s12 =	sshra.s32 s14, $0x2;
	s14 =	sadd.s32 $0x200, s14  }
0x41: {  	[tilespmem:s12+$0x8B70] =	vst v0  }
0x42: {  	[tilespmem:s12+$0x8B00] =	vst v0  }
0x43: {  	[tilespmem:s12+$0x8B10] =	vst v0  }
0x44: {  	[tilespmem:s12+$0x8B20] =	vst v0;
	p3 =	sne.s32 s11, $0x1  }
.Ltmp4:
0x45: {  	[tilespmem:s12+$0x8B30] =	vst v0;
	(pc) =	sbr.rel @!p3 .LBB2_15-.Ltmp4, $4  }
0x46: {  	[tilespmem:s12+$0x8B40] =	vst v0  }
0x47: {  	[tilespmem:s12+$0x8B50] =	vst v0  }
0x48: {  	[tilespmem:s12+$0x8B60] =	vst v0;
	s12 =	sadd.s32 $0xFFFFFFFF, s11;
	s14 =	smov.u32 s13  }
0x49: {  	[spmem:s13] =	stream.linear.scatter [tilespmem:s29], [sflag:$0x7], $0x800, $0x38;
	[tilespmem:$0x1CC00] =	vst v63  }
.LBB2_14:
0x4a: {  	p4 =	sne.s32 s12, $0x1  }
.Ltmp5:
0x4b: {  	_ = 	snop;
	(pc) =	sbr.rel @p4 .LBB2_14-.Ltmp5, $3  }
0x4c: {  	_ = 	snop  }
0x4d: {  	s12 =	sadd.s32 $0xFFFFFFFF, s12;
	s14 =	sadd.s32 $0x800, s14;
	_ =	sdelay $0x1  }
0x4e: {  	[spmem:s14] =	stream.linear.scatter [tilespmem:s29], [sflag:$0x7], $0x800, $0x38;
	[tilespmem:$0x1CC00] =	vst v63  }
.LBB2_15:
.Ltmp6:
0x4f: {  	(pc) =	sbr.rel @!p3 .LBB2_17-.Ltmp6, $3  }
0x50: {  	_ =	sdelay $0x1  }
0x51: {  	_ =	swait.ge [sflag:s30], $0x800  }
0x52: {  	s12 =	sadd.s32 $0xFFFFFFFF, s11;
	[sflag:s30] =	ssyncset.done $0x0  }
.LBB2_16:
0x53: {  	p3 =	sne.s32 s12, $0x1;
	s12 =	sadd.s32 $0xFFFFFFFF, s12;
	[sflag:s30] =	ssyncadd.s32 $0xFFFFF800  }
.Ltmp7:
0x54: {  	(pc) =	sbr.rel @p3 .LBB2_16-.Ltmp7, $3  }
0x55: {  	_ =	sdelay $0x1  }
0x56: {  	_ =	swait.ge [sflag:s30], $0x800  }
0x57: {  	[sflag:s30] =	ssyncset.done $0x0  }
.LBB2_17:
0x58: {  	[sflag:s30] =	ssyncadd.s32 $0xFFFFF800  }
0x59: {  	[bflag:$0x0] =	sbarrier.arrive $0xFFFF  }
0x5a: {  	_ =	swait.ge [sflag:s31], $0x4000  }
0x5b: {  	s12 =	sadd.s32 $0xFFFFFB40, s20;
	[sflag:s31] =	ssyncset.done $0x0  }
0x5c: {  	s14 =	sadd.s32 $0x4E0, s12;
	[sflag:s31] =	ssyncadd.s32 $0xFFFFC000  }
0x5d: {  	[tilespmem:s3], [sflag:$0x5] =	stream.linear.gather [hbm4b:s14+s3], $0x80, $0x38;
	[tilespmem:$0x1CC00] =	vst v63  }
0x5e: {  	_ = 	snop  }
0x5f: {  	[spmem:s2] =	stream.indirect.scatter.add.f32 [tilespmem:s24], [sflag:$0x3], $0x80, s22, s23, $0xb8;
	[tilespmem:$0x1CC00] =	vst v63  }
0x60: {  	_ =	swait.ge [sflag:s0], $0x4000  }
0x61: {  	[sflag:s0] =	ssyncset.done $0x0  }
0x62: {  	s12 =	sadd.s32 $0x4F0, s12;
	[sflag:s0] =	ssyncadd.s32 $0xFFFFC000  }
0x63: {  	[tilespmem:s23], [sflag:$0x6] =	stream.linear.gather [hbm4b:s12+s3], $0x80, $0x38;
	[tilespmem:$0x1CC00] =	vst v63  }
0x64: {  	_ = 	snop  }
0x65: {  	[spmem:s2] =	stream.indirect.scatter.add.f32 [tilespmem:s28], [sflag:$0x4], $0x80, s26, s23, $0xb8;
	[tilespmem:$0x1CC00] =	vst v63  }
0x66: {  	_ =	swait.ge [sflag:s16], $0x4000  }
0x67: {  	s15 =	sadd.s32 $0xFFFFFB40, s19;
	[sflag:s16] =	ssyncset.done $0x0  }
0x68: {  	s18 =	sadd.s32 $0x4E0, s15;
	[sflag:s16] =	ssyncadd.s32 $0xFFFFC000  }
0x69: {  	[tilespmem:s22], [sflag:$0x8] =	stream.linear.gather [hbm4b:s18+s3], $0x80, $0x38;
	[tilespmem:$0x1CC00] =	vst v63  }
0x6a: {  	_ =	swait.ge [sflag:s21], $0x80  }
0x6b: {  	[sflag:s21] =	ssyncset.done $0x0  }
0x6c: {  	[sflag:s21] =	ssyncadd.s32 $0xFFFFFF80  }
0x6d: {  	_ =	swait.ge [sflag:s17], $0x80  }
0x6e: {  	[sflag:s17] =	ssyncset.done $0x0  }
0x6f: {  	[sflag:s17] =	ssyncadd.s32 $0xFFFFFF80  }
0x70: {  	[tilespmem:s24], [sflag:$0x1] =	stream.indirect.gather [hbm4b:s5+s23], $0x80, s3, s23, $0xb8;
	[tilespmem:$0x1CC00] =	vst v63  }
0x71: {  	_ =	swait.ge [sflag:s25], $0x4000  }
0x72: {  	[sflag:s25] =	ssyncset.done $0x0  }
0x73: {  	s12 =	sadd.s32 $0x4F0, s15;
	[sflag:s25] =	ssyncadd.s32 $0xFFFFC000  }
0x74: {  	[tilespmem:s26], [sflag:$0x8] =	stream.linear.gather [hbm4b:s12+s3], $0x80, $0x38;
	[tilespmem:$0x1CC00] =	vst v63  }
0x75: {  	_ =	swait.ge [sflag:s21], $0x80  }
0x76: {  	[sflag:s21] =	ssyncset.done $0x0  }
0x77: {  	[sflag:s21] =	ssyncadd.s32 $0xFFFFFF80  }
0x78: {  	_ =	swait.ge [sflag:s6], $0x80  }
0x79: {  	[sflag:s6] =	ssyncset.done $0x0  }
0x7a: {  	s12 =	simm.s32 $0xFFFFFB60;
	[sflag:s6] =	ssyncadd.s32 $0xFFFFFF80  }
.LBB2_18:
0x7b: {  	[tilespmem:s28], [sflag:$0x2] =	stream.indirect.gather [hbm4b:s5+s23], $0x80, s23, s23, $0xb8;
	[tilespmem:$0x1CC00] =	vst v63  }
0x7c: {  	s14 =	smov.u32 s12  }
0x7d: {  	p3 =	sne.s32 s12, $0xFFFFFFE0;
	s12 =	sadd.s32 $0x20, s12;
	_ =	swait.ge [sflag:s31], $0x4000  }
0x7e: {  	s15 =	sadd.s32 s14, s20;
	[sflag:s31] =	ssyncset.done $0x0  }
0x7f: {  	s18 =	sadd.s32 $0x4E0, s15;
	[sflag:s31] =	ssyncadd.s32 $0xFFFFC000  }
0x80: {  	[tilespmem:s3], [sflag:$0x5] =	stream.linear.gather [hbm4b:s18+s3], $0x80, $0x38;
	[tilespmem:$0x1CC00] =	vst v63  }
0x81: {  	_ = 	snop  }
0x82: {  	[spmem:s2] =	stream.indirect.scatter.add.f32 [tilespmem:s24], [sflag:$0x3], $0x80, s22, s23, $0xb8;
	[tilespmem:$0x1CC00] =	vst v63  }
0x83: {  	_ =	swait.ge [sflag:s0], $0x4000  }
0x84: {  	[sflag:s0] =	ssyncset.done $0x0  }
0x85: {  	s15 =	sadd.s32 $0x4F0, s15;
	[sflag:s0] =	ssyncadd.s32 $0xFFFFC000  }
0x86: {  	[tilespmem:s23], [sflag:$0x6] =	stream.linear.gather [hbm4b:s15+s3], $0x80, $0x38;
	[tilespmem:$0x1CC00] =	vst v63  }
0x87: {  	_ = 	snop  }
0x88: {  	[spmem:s2] =	stream.indirect.scatter.add.f32 [tilespmem:s28], [sflag:$0x4], $0x80, s26, s23, $0xb8;
	[tilespmem:$0x1CC00] =	vst v63  }
0x89: {  	_ =	swait.ge [sflag:s16], $0x4000  }
0x8a: {  	s14 =	sadd.s32 s14, s19;
	[sflag:s16] =	ssyncset.done $0x0  }
0x8b: {  	s15 =	sadd.s32 $0x4E0, s14;
	[sflag:s16] =	ssyncadd.s32 $0xFFFFC000  }
0x8c: {  	[tilespmem:s22], [sflag:$0x8] =	stream.linear.gather [hbm4b:s15+s3], $0x80, $0x38;
	[tilespmem:$0x1CC00] =	vst v63  }
0x8d: {  	_ =	swait.ge [sflag:s21], $0x80  }
0x8e: {  	[sflag:s21] =	ssyncset.done $0x0  }
0x8f: {  	[sflag:s21] =	ssyncadd.s32 $0xFFFFFF80  }
0x90: {  	_ =	swait.ge [sflag:s17], $0x80  }
0x91: {  	[sflag:s17] =	ssyncset.done $0x0  }
0x92: {  	[sflag:s17] =	ssyncadd.s32 $0xFFFFFF80  }
0x93: {  	[tilespmem:s24], [sflag:$0x1] =	stream.indirect.gather [hbm4b:s5+s23], $0x80, s3, s23, $0xb8;
	[tilespmem:$0x1CC00] =	vst v63  }
0x94: {  	_ =	swait.ge [sflag:s25], $0x4000  }
0x95: {  	[sflag:s25] =	ssyncset.done $0x0  }
0x96: {  	s14 =	sadd.s32 $0x4F0, s14;
	[sflag:s25] =	ssyncadd.s32 $0xFFFFC000  }
0x97: {  	[tilespmem:s26], [sflag:$0x8] =	stream.linear.gather [hbm4b:s14+s3], $0x80, $0x38;
	[tilespmem:$0x1CC00] =	vst v63  }
0x98: {  	_ =	swait.ge [sflag:s21], $0x80  }
.Ltmp8:
0x99: {  	[sflag:s21] =	ssyncset.done $0x0;
	(pc) =	sbr.rel @p3 .LBB2_18-.Ltmp8, $4  }
0x9a: {  	[sflag:s21] =	ssyncadd.s32 $0xFFFFFF80  }
0x9b: {  	_ =	swait.ge [sflag:s6], $0x80  }
0x9c: {  	[sflag:s6] =	ssyncset.done $0x0  }
0x9d: {  	[sflag:s6] =	ssyncadd.s32 $0xFFFFFF80  }
0x9e: {  	[tilespmem:s28], [sflag:$0x2] =	stream.indirect.gather [hbm4b:s5+s23], $0x80, s23, s23, $0xb8;
	[tilespmem:$0x1CC00] =	vst v63  }
0x9f: {  	_ =	swait.ge [sflag:s31], $0x4000  }
0xa0: {  	[sflag:s31] =	ssyncset.done $0x0  }
0xa1: {  	[sflag:s31] =	ssyncadd.s32 $0xFFFFC000  }
0xa2: {  	[spmem:s2] =	stream.indirect.scatter.add.f32 [tilespmem:s24], [sflag:$0x3], $0x80, s22, s23, $0xb8;
	[tilespmem:$0x1CC00] =	vst v63  }
0xa3: {  	_ =	swait.ge [sflag:s0], $0x4000  }
0xa4: {  	[sflag:s0] =	ssyncset.done $0x0  }
0xa5: {  	[sflag:s0] =	ssyncadd.s32 $0xFFFFC000  }
0xa6: {  	[spmem:s2] =	stream.indirect.scatter.add.f32 [tilespmem:s28], [sflag:$0x4], $0x80, s26, s23, $0xb8;
	[tilespmem:$0x1CC00] =	vst v63  }
0xa7: {  	_ =	swait.ge [sflag:s16], $0x4000  }
0xa8: {  	[sflag:s16] =	ssyncset.done $0x0  }
0xa9: {  	[sflag:s16] =	ssyncadd.s32 $0xFFFFC000  }
0xaa: {  	_ =	swait.ge [sflag:s25], $0x4000  }
0xab: {  	[sflag:s25] =	ssyncset.done $0x0  }
0xac: {  	s12 =	rddreg [dreg:$0xa];
	[sflag:s25] =	ssyncadd.s32 $0xFFFFC000  }
0xad: {  	[tilespmem:s7], [sflag:$0x8] =	stream.linear.gather [hbm4b:s12+s3], $0x10, $0x38;
	[tilespmem:$0x1CC00] =	vst v63  }
0xae: {  	_ =	swait.ge [sflag:s21], $0x10  }
0xaf: {  	[sflag:s21] =	ssyncset.done $0x0  }
0xb0: {  	s15 =	rddreg [dreg:$0xb];
	[sflag:s21] =	ssyncadd.s32 $0xFFFFFFF0  }
0xb1: {  	[tilespmem:s4], [sflag:$0x8] =	stream.linear.gather [hbm4b:s15+s3], $0x10, $0x38;
	[tilespmem:$0x1CC00] =	vst v63  }
0xb2: {  	_ =	swait.ge [sflag:s21], $0x10  }
0xb3: {  	[sflag:s21] =	ssyncset.done $0x0  }
0xb4: {  	[sflag:s21] =	ssyncadd.s32 $0xFFFFFFF0  }
0xb5: {  	[tilespmem:s9], [sflag:$0x1] =	stream.indirect.gather [hbm4b:s5+s8], $0x80, s7, s8, $0xb8;
	[tilespmem:$0x1CC00] =	vst v63  }
0xb6: {  	_ =	swait.ge [sflag:s31], $0x800  }
0xb7: {  	[sflag:s31] =	ssyncset.done $0x0  }
0xb8: {  	[sflag:s31] =	ssyncadd.s32 $0xFFFFF800  }
0xb9: {  	[spmem:s2] =	stream.indirect.scatter.add.f32 [tilespmem:s9], [sflag:$0x8], $0x80, s4, s8, $0xb8;
	[tilespmem:$0x1CC00] =	vst v63  }
0xba: {  	_ =	swait.ge [sflag:s21], $0x800  }
0xbb: {  	[sflag:s21] =	ssyncset.done $0x0  }
0xbc: {  	s18 =	stileid.u32;
	[sflag:s21] =	ssyncadd.s32 $0xFFFFF800  }
0xbd: {  	s12 =	sshll.u32 s18, $0x6;
	[bflag:$0x0] =	sbarrier.arrive $0xFFFF  }
0xbe: {  	s14 =	sshrl.u32 s13, $0x3;
	s12 =	sor.u32 $0x1C08, s12;
	s15 =	rddreg [dreg:$0xd]  }
0xbf: {  	[hbm:s15], [sflag:s12] =	dma.local [spmem:s14], $0x2700  }
.Ltmp9:
0xc0: {  	_ = 	snop;
	(pc) =	sbr.rel @p2 .LBB2_21-.Ltmp9, $4  }
.Ltmp10:
0xc1: {  	_ = 	snop;
	(pc) =	sbr.rel @!p2 .LBB2_20-.Ltmp10, $4  }
0xc2: {  	_ =	swait.ge [sflag:s21], $0x2700  }
0xc3: {  	[sflag:s21] =	ssyncset.done $0x0  }
0xc4: {  	s14 =	rddreg [dreg:$0x5];
	[sflag:s21] =	ssyncadd.s32 $0xFFFFD900  }
0xc5: {  	_ = 	snop  }
.LBB2_2:
0xc6: {  	[tilespmem:s24], [sflag:$0x1] =	stream.indirect.gather [hbm4b:s1+s23], $0x80, s12, s23, $0xb8;
	[tilespmem:$0x1CC00] =	vst v63  }
0xc7: {  	s14 =	rddreg [dreg:$0x8]  }
0xc8: {  	[tilespmem:s23], [sflag:$0x8] =	stream.linear.gather [hbm4b:s14+s12], $0x80, $0x38;
	[tilespmem:$0x1CC00] =	vst v63  }
0xc9: {  	_ =	swait.ge [sflag:s21], $0x80  }
0xca: {  	[sflag:s21] =	ssyncset.done $0x0  }
0xcb: {  	s18 =	rddreg [dreg:$0x9];
	[sflag:s21] =	ssyncadd.s32 $0xFFFFFF80  }
0xcc: {  	[tilespmem:s26], [sflag:$0x8] =	stream.linear.gather [hbm4b:s18+s12], $0x80, $0x38;
	[tilespmem:$0x1CC00] =	vst v63  }
0xcd: {  	_ =	swait.ge [sflag:s21], $0x80  }
0xce: {  	[sflag:s21] =	ssyncset.done $0x0  }
0xcf: {  	s14 =	simm.s32 $0x200;
	s12 =	simm.s32 $0x0;
	[sflag:s21] =	ssyncadd.s32 $0xFFFFFF80  }
0xd0: {  	[tilespmem:s28], [sflag:$0x2] =	stream.indirect.gather [hbm4b:s1+s23], $0x80, s23, s23, $0xb8;
	[tilespmem:$0x1CC00] =	vst v63  }
.LBB2_3:
0xd1: {  	p3 =	sne.s32 s14, $0x1E00;
	[tilespmem:s12+$0x8B70] =	vst v0  }
0xd2: {  	[tilespmem:s12+$0x8B00] =	vst v0  }
0xd3: {  	[tilespmem:s12+$0x8B10] =	vst v0  }
.Ltmp11:
0xd4: {  	[tilespmem:s12+$0x8B20] =	vst v0;
	(pc) =	sbr.rel @p3 .LBB2_3-.Ltmp11, $4  }
0xd5: {  	[tilespmem:s12+$0x8B30] =	vst v0  }
0xd6: {  	[tilespmem:s12+$0x8B40] =	vst v0  }
0xd7: {  	[tilespmem:s12+$0x8B50] =	vst v0  }
0xd8: {  	[tilespmem:s12+$0x8B60] =	vst v0;
	s12 =	sshra.s32 s14, $0x2;
	s14 =	sadd.s32 $0x200, s14  }
0xd9: {  	[tilespmem:s12+$0x8B70] =	vst v0  }
0xda: {  	[tilespmem:s12+$0x8B00] =	vst v0  }
0xdb: {  	[tilespmem:s12+$0x8B10] =	vst v0  }
0xdc: {  	[tilespmem:s12+$0x8B20] =	vst v0;
	p3 =	sne.s32 s11, $0x1  }
.Ltmp12:
0xdd: {  	[tilespmem:s12+$0x8B30] =	vst v0;
	(pc) =	sbr.rel @!p3 .LBB2_6-.Ltmp12, $4  }
0xde: {  	[tilespmem:s12+$0x8B40] =	vst v0  }
0xdf: {  	[tilespmem:s12+$0x8B50] =	vst v0  }
0xe0: {  	[tilespmem:s12+$0x8B60] =	vst v0;
	s12 =	sadd.s32 $0xFFFFFFFF, s11;
	s14 =	smov.u32 s13  }
0xe1: {  	[spmem:s13] =	stream.linear.scatter [tilespmem:s29], [sflag:$0x7], $0x800, $0x38;
	[tilespmem:$0x1CC00] =	vst v63  }
.LBB2_5:
0xe2: {  	p4 =	sne.s32 s12, $0x1  }
.Ltmp13:
0xe3: {  	_ = 	snop;
	(pc) =	sbr.rel @p4 .LBB2_5-.Ltmp13, $3  }
0xe4: {  	_ = 	snop  }
0xe5: {  	s12 =	sadd.s32 $0xFFFFFFFF, s12;
	s14 =	sadd.s32 $0x800, s14;
	_ =	sdelay $0x1  }
0xe6: {  	[spmem:s14] =	stream.linear.scatter [tilespmem:s29], [sflag:$0x7], $0x800, $0x38;
	[tilespmem:$0x1CC00] =	vst v63  }
.LBB2_6:
.Ltmp14:
0xe7: {  	(pc) =	sbr.rel @!p3 .LBB2_8-.Ltmp14, $3  }
0xe8: {  	_ =	sdelay $0x1  }
0xe9: {  	_ =	swait.ge [sflag:s30], $0x800  }
0xea: {  	s12 =	sadd.s32 $0xFFFFFFFF, s11;
	[sflag:s30] =	ssyncset.done $0x0  }
.LBB2_7:
0xeb: {  	p3 =	sne.s32 s12, $0x1;
	s12 =	sadd.s32 $0xFFFFFFFF, s12;
	[sflag:s30] =	ssyncadd.s32 $0xFFFFF800  }
.Ltmp15:
0xec: {  	(pc) =	sbr.rel @p3 .LBB2_7-.Ltmp15, $3  }
0xed: {  	_ =	sdelay $0x1  }
0xee: {  	_ =	swait.ge [sflag:s30], $0x800  }
0xef: {  	[sflag:s30] =	ssyncset.done $0x0  }
.LBB2_8:
0xf0: {  	[sflag:s30] =	ssyncadd.s32 $0xFFFFF800  }
0xf1: {  	[bflag:$0x0] =	sbarrier.arrive $0xFFFF  }
0xf2: {  	_ =	swait.ge [sflag:s31], $0x4000  }
0xf3: {  	s12 =	sadd.s32 $0xFFFFFB40, s20;
	[sflag:s31] =	ssyncset.done $0x0  }
0xf4: {  	s14 =	sadd.s32 $0x4E0, s12;
	[sflag:s31] =	ssyncadd.s32 $0xFFFFC000  }
0xf5: {  	[tilespmem:s3], [sflag:$0x5] =	stream.linear.gather [hbm4b:s14+s3], $0x80, $0x38;
	[tilespmem:$0x1CC00] =	vst v63  }
0xf6: {  	_ = 	snop  }
0xf7: {  	[spmem:s2] =	stream.indirect.scatter.add.f32 [tilespmem:s24], [sflag:$0x3], $0x80, s22, s23, $0xb8;
	[tilespmem:$0x1CC00] =	vst v63  }
0xf8: {  	_ =	swait.ge [sflag:s0], $0x4000  }
0xf9: {  	[sflag:s0] =	ssyncset.done $0x0  }
0xfa: {  	s12 =	sadd.s32 $0x4F0, s12;
	[sflag:s0] =	ssyncadd.s32 $0xFFFFC000  }
0xfb: {  	[tilespmem:s23], [sflag:$0x6] =	stream.linear.gather [hbm4b:s12+s3], $0x80, $0x38;
	[tilespmem:$0x1CC00] =	vst v63  }
0xfc: {  	_ = 	snop  }
0xfd: {  	[spmem:s2] =	stream.indirect.scatter.add.f32 [tilespmem:s28], [sflag:$0x4], $0x80, s26, s23, $0xb8;
	[tilespmem:$0x1CC00] =	vst v63  }
0xfe: {  	_ =	swait.ge [sflag:s16], $0x4000  }
0xff: {  	s15 =	sadd.s32 $0xFFFFFB40, s19;
	[sflag:s16] =	ssyncset.done $0x0  }
0x100: {  	s18 =	sadd.s32 $0x4E0, s15;
	[sflag:s16] =	ssyncadd.s32 $0xFFFFC000  }
0x101: {  	[tilespmem:s22], [sflag:$0x8] =	stream.linear.gather [hbm4b:s18+s3], $0x80, $0x38;
	[tilespmem:$0x1CC00] =	vst v63  }
0x102: {  	_ =	swait.ge [sflag:s21], $0x80  }
0x103: {  	[sflag:s21] =	ssyncset.done $0x0  }
0x104: {  	[sflag:s21] =	ssyncadd.s32 $0xFFFFFF80  }
0x105: {  	_ =	swait.ge [sflag:s17], $0x80  }
0x106: {  	[sflag:s17] =	ssyncset.done $0x0  }
0x107: {  	[sflag:s17] =	ssyncadd.s32 $0xFFFFFF80  }
0x108: {  	[tilespmem:s24], [sflag:$0x1] =	stream.indirect.gather [hbm4b:s1+s23], $0x80, s3, s23, $0xb8;
	[tilespmem:$0x1CC00] =	vst v63  }
0x109: {  	_ =	swait.ge [sflag:s25], $0x4000  }
0x10a: {  	[sflag:s25] =	ssyncset.done $0x0  }
0x10b: {  	s12 =	sadd.s32 $0x4F0, s15;
	[sflag:s25] =	ssyncadd.s32 $0xFFFFC000  }
0x10c: {  	[tilespmem:s26], [sflag:$0x8] =	stream.linear.gather [hbm4b:s12+s3], $0x80, $0x38;
	[tilespmem:$0x1CC00] =	vst v63  }
0x10d: {  	_ =	swait.ge [sflag:s21], $0x80  }
0x10e: {  	[sflag:s21] =	ssyncset.done $0x0  }
0x10f: {  	[sflag:s21] =	ssyncadd.s32 $0xFFFFFF80  }
0x110: {  	_ =	swait.ge [sflag:s6], $0x80  }
0x111: {  	[sflag:s6] =	ssyncset.done $0x0  }
0x112: {  	s12 =	simm.s32 $0xFFFFFB60;
	[sflag:s6] =	ssyncadd.s32 $0xFFFFFF80  }
.LBB2_9:
0x113: {  	[tilespmem:s28], [sflag:$0x2] =	stream.indirect.gather [hbm4b:s1+s23], $0x80, s23, s23, $0xb8;
	[tilespmem:$0x1CC00] =	vst v63  }
0x114: {  	s14 =	smov.u32 s12  }
0x115: {  	p3 =	sne.s32 s12, $0xFFFFFFE0;
	s12 =	sadd.s32 $0x20, s12;
	_ =	swait.ge [sflag:s31], $0x4000  }
0x116: {  	s15 =	sadd.s32 s14, s20;
	[sflag:s31] =	ssyncset.done $0x0  }
0x117: {  	s18 =	sadd.s32 $0x4E0, s15;
	[sflag:s31] =	ssyncadd.s32 $0xFFFFC000  }
0x118: {  	[tilespmem:s3], [sflag:$0x5] =	stream.linear.gather [hbm4b:s18+s3], $0x80, $0x38;
	[tilespmem:$0x1CC00] =	vst v63  }
0x119: {  	_ = 	snop  }
0x11a: {  	[spmem:s2] =	stream.indirect.scatter.add.f32 [tilespmem:s24], [sflag:$0x3], $0x80, s22, s23, $0xb8;
	[tilespmem:$0x1CC00] =	vst v63  }
0x11b: {  	_ =	swait.ge [sflag:s0], $0x4000  }
0x11c: {  	[sflag:s0] =	ssyncset.done $0x0  }
0x11d: {  	s15 =	sadd.s32 $0x4F0, s15;
	[sflag:s0] =	ssyncadd.s32 $0xFFFFC000  }
0x11e: {  	[tilespmem:s23], [sflag:$0x6] =	stream.linear.gather [hbm4b:s15+s3], $0x80, $0x38;
	[tilespmem:$0x1CC00] =	vst v63  }
0x11f: {  	_ = 	snop  }
0x120: {  	[spmem:s2] =	stream.indirect.scatter.add.f32 [tilespmem:s28], [sflag:$0x4], $0x80, s26, s23, $0xb8;
	[tilespmem:$0x1CC00] =	vst v63  }
0x121: {  	_ =	swait.ge [sflag:s16], $0x4000  }
0x122: {  	s14 =	sadd.s32 s14, s19;
	[sflag:s16] =	ssyncset.done $0x0  }
0x123: {  	s15 =	sadd.s32 $0x4E0, s14;
	[sflag:s16] =	ssyncadd.s32 $0xFFFFC000  }
0x124: {  	[tilespmem:s22], [sflag:$0x8] =	stream.linear.gather [hbm4b:s15+s3], $0x80, $0x38;
	[tilespmem:$0x1CC00] =	vst v63  }
0x125: {  	_ =	swait.ge [sflag:s21], $0x80  }
0x126: {  	[sflag:s21] =	ssyncset.done $0x0  }
0x127: {  	[sflag:s21] =	ssyncadd.s32 $0xFFFFFF80  }
0x128: {  	_ =	swait.ge [sflag:s17], $0x80  }
0x129: {  	[sflag:s17] =	ssyncset.done $0x0  }
0x12a: {  	[sflag:s17] =	ssyncadd.s32 $0xFFFFFF80  }
0x12b: {  	[tilespmem:s24], [sflag:$0x1] =	stream.indirect.gather [hbm4b:s1+s23], $0x80, s3, s23, $0xb8;
	[tilespmem:$0x1CC00] =	vst v63  }
0x12c: {  	_ =	swait.ge [sflag:s25], $0x4000  }
0x12d: {  	[sflag:s25] =	ssyncset.done $0x0  }
0x12e: {  	s14 =	sadd.s32 $0x4F0, s14;
	[sflag:s25] =	ssyncadd.s32 $0xFFFFC000  }
0x12f: {  	[tilespmem:s26], [sflag:$0x8] =	stream.linear.gather [hbm4b:s14+s3], $0x80, $0x38;
	[tilespmem:$0x1CC00] =	vst v63  }
0x130: {  	_ =	swait.ge [sflag:s21], $0x80  }
.Ltmp16:
0x131: {  	[sflag:s21] =	ssyncset.done $0x0;
	(pc) =	sbr.rel @p3 .LBB2_9-.Ltmp16, $4  }
0x132: {  	[sflag:s21] =	ssyncadd.s32 $0xFFFFFF80  }
0x133: {  	_ =	swait.ge [sflag:s6], $0x80  }
0x134: {  	[sflag:s6] =	ssyncset.done $0x0  }
0x135: {  	[sflag:s6] =	ssyncadd.s32 $0xFFFFFF80  }
0x136: {  	[tilespmem:s28], [sflag:$0x2] =	stream.indirect.gather [hbm4b:s1+s23], $0x80, s23, s23, $0xb8;
	[tilespmem:$0x1CC00] =	vst v63  }
0x137: {  	_ =	swait.ge [sflag:s31], $0x4000  }
0x138: {  	[sflag:s31] =	ssyncset.done $0x0  }
0x139: {  	[sflag:s31] =	ssyncadd.s32 $0xFFFFC000  }
0x13a: {  	[spmem:s2] =	stream.indirect.scatter.add.f32 [tilespmem:s24], [sflag:$0x3], $0x80, s22, s23, $0xb8;
	[tilespmem:$0x1CC00] =	vst v63  }
0x13b: {  	_ =	swait.ge [sflag:s0], $0x4000  }
0x13c: {  	[sflag:s0] =	ssyncset.done $0x0  }
0x13d: {  	[sflag:s0] =	ssyncadd.s32 $0xFFFFC000  }
0x13e: {  	[spmem:s2] =	stream.indirect.scatter.add.f32 [tilespmem:s28], [sflag:$0x4], $0x80, s26, s23, $0xb8;
	[tilespmem:$0x1CC00] =	vst v63  }
0x13f: {  	_ =	swait.ge [sflag:s16], $0x4000  }
0x140: {  	[sflag:s16] =	ssyncset.done $0x0  }
0x141: {  	[sflag:s16] =	ssyncadd.s32 $0xFFFFC000  }
0x142: {  	_ =	swait.ge [sflag:s25], $0x4000  }
0x143: {  	[sflag:s25] =	ssyncset.done $0x0  }
0x144: {  	s12 =	rddreg [dreg:$0xa];
	[sflag:s25] =	ssyncadd.s32 $0xFFFFC000  }
0x145: {  	[tilespmem:s7], [sflag:$0x8] =	stream.linear.gather [hbm4b:s12+s3], $0x10, $0x38;
	[tilespmem:$0x1CC00] =	vst v63  }
0x146: {  	_ =	swait.ge [sflag:s21], $0x10  }
0x147: {  	[sflag:s21] =	ssyncset.done $0x0  }
0x148: {  	s15 =	rddreg [dreg:$0xb];
	[sflag:s21] =	ssyncadd.s32 $0xFFFFFFF0  }
0x149: {  	[tilespmem:s4], [sflag:$0x8] =	stream.linear.gather [hbm4b:s15+s3], $0x10, $0x38;
	[tilespmem:$0x1CC00] =	vst v63  }
0x14a: {  	_ =	swait.ge [sflag:s21], $0x10  }
0x14b: {  	[sflag:s21] =	ssyncset.done $0x0  }
0x14c: {  	[sflag:s21] =	ssyncadd.s32 $0xFFFFFFF0  }
0x14d: {  	[tilespmem:s9], [sflag:$0x1] =	stream.indirect.gather [hbm4b:s1+s8], $0x80, s7, s8, $0xb8;
	[tilespmem:$0x1CC00] =	vst v63  }
0x14e: {  	_ =	swait.ge [sflag:s31], $0x800  }
0x14f: {  	[sflag:s31] =	ssyncset.done $0x0  }
0x150: {  	[sflag:s31] =	ssyncadd.s32 $0xFFFFF800  }
0x151: {  	[spmem:s2] =	stream.indirect.scatter.add.f32 [tilespmem:s9], [sflag:$0x8], $0x80, s4, s8, $0xb8;
	[tilespmem:$0x1CC00] =	vst v63  }
0x152: {  	_ =	swait.ge [sflag:s21], $0x800  }
0x153: {  	[sflag:s21] =	ssyncset.done $0x0  }
0x154: {  	s18 =	stileid.u32;
	[sflag:s21] =	ssyncadd.s32 $0xFFFFF800  }
0x155: {  	s12 =	sshll.u32 s18, $0x6;
	[bflag:$0x0] =	sbarrier.arrive $0xFFFF  }
0x156: {  	s14 =	sshrl.u32 s13, $0x3;
	s12 =	sor.u32 $0x1C08, s12;
	s15 =	rddreg [dreg:$0xc]  }
0x157: {  	[hbm:s15], [sflag:s12] =	dma.local [spmem:s14], $0x2700  }
.Ltmp17:
0x158: {  	_ = 	snop;
	(pc) =	sbr.rel @p1 .LBB2_20-.Ltmp17, $4  }
.Ltmp18:
0x159: {  	_ = 	snop;
	(pc) =	sbr.rel @!p1 .LBB2_21-.Ltmp18, $4  }
0x15a: {  	_ =	swait.ge [sflag:s21], $0x2700  }
0x15b: {  	[sflag:s21] =	ssyncset.done $0x0  }
0x15c: {  	s14 =	rddreg [dreg:$0x4];
	[sflag:s21] =	ssyncadd.s32 $0xFFFFD900  }
0x15d: {  	_ = 	snop  }
.LBB2_22:
0x15e: {  	_ =	sfence.sel $0x180000  }
0x15f: {  	[bflag:$0x0] =	sbarrier.arrive $0xFFFF  }
0x160: {  	_ =	strace $0x9000004A  }
0x161: {  	s0 =	stileid.u32;
	[bflag:$0x2] =	sbarrier.arrive $0xFFFF  }
0x162: {  	p0 =	sne.s32 s0, $0x0;
	s0 =	rddreg [dreg:$0x3]  }
0x163: {  	s0 =	sadd.s32 @!p0 $0x100000, s0  }
0x164: {  	[sflag:s0] =	ssyncadd.tile.s32 @!p0 $0x1;
	_ =	shalt  }
.Lfunc_end2:
_tile_overlayer_lowered:
.L_overlay_start_2:
0x165: {  	(tag) =	ssettag $0x2  }
0x166: {  	s0 =	rddreg [dreg:$0x0];
	s2 =	stileid.u32  }
0x167: {  	s1 =	rddreg [dreg:$0x1];
	p0 =	sne.s32 s2, $0x0  }
0x168: {  	s3 =	rddreg [dreg:$0x2];
	[bflag:$0x3] =	sbarrier.arrive $0xFFFF;
	s2 =	simm.s32 @!p0 $0x1C08  }
0x169: {  	[timem:s3], [sflag:s2] =	dma.local @!p0 [hbm:s0], s1  }
0x16a: {  	s0 =	simm.s32 @!p0 $0x8  }
0x16b: {  	_ =	swait.ge @!p0 [sflag:s0], s1  }
0x16c: {  	s1 =	ssub.s32 @!p0 $0x0, s1;
	[sflag:s0] =	ssyncset.done @!p0 $0x0  }
0x16d: {  	[sflag:s0] =	ssyncadd.s32 @!p0 s1  }
0x16e: {  	[bflag:$0x3] =	sbarrier.arrive $0xFFFF  }
0x16f: {  	_ =	shalt  }

// kernel: kernel.14.cloned.1.call-start
scs
__scs_entry_jumppad:
0x0: {  	(pc) =	sbr.rel $0x88, $3  }
0x1: {  	(tag) =	ssettag $0x0;
	lr =	simm.s32 $0x1  }
0x2: {  	[smem:$0x3F9B] =	sst lr;
	_ =	strace $0xD0000000  }
0x3: {  	_ = 	snop  }
0x4: {  	_ = 	snop  }
0x5: {  	_ = 	snop  }
0x6: {  	_ = 	snop  }
0x7: {  	_ = 	snop  }
__scs_overlays_trampoline_lowered:
0x8: {  	[smem:$0x3FAA] =	sst s0  }
0x9: {  	[smem:$0x3FAB] =	sst s1  }
0xa: {  	[smem:$0x3FAC] =	sst s2  }
0xb: {  	[smem:$0x3FAD] =	sst s3  }
0xc: {  	[smem:$0x3FAE] =	sst s4  }
0xd: {  	[smem:$0x3FAF] =	sst s5  }
0xe: {  	[smem:$0x3FB0] =	sst s6  }
0xf: {  	[smem:$0x3FB1] =	sst s7  }
0x10: {  	[smem:$0x3FB2] =	sst s8  }
0x11: {  	[smem:$0x3FB3] =	sst s9;
	s0 =	simm.s32 @!p0 $0x0  }
0x12: {  	s1 =	sld [smem:$0x3F99];
	s0 =	simm.s32 @p0 $0x1  }
0x13: {  	[smem:$0x3FB4] =	sst s0;
	s0 =	simm.s32 @!p1 $0x0  }
0x14: {  	s2 =	sld [smem:$0x3F98];
	s0 =	simm.s32 @p1 $0x1  }
0x15: {  	[smem:$0x3FB5] =	sst s0;
	s0 =	simm.s32 @!p2 $0x0  }
0x16: {  	s3 =	sld [smem:$0x3FDB];
	s0 =	simm.s32 @p2 $0x1  }
0x17: {  	s4 =	simm.s32 $0x1BF5;
	[smem:$0x3FB7] =	sst s0  }
0x18: {  	s0 =	sld [smem:$0x3F9A];
	_ =	swait.ge [sflag:s4], $0x0  }
0x19: {  	s7 =	sld [smem:$0x3F9B]  }
0x1a: {  	s8 =	sadd.s32 $0xFFFFE003, lr  }
0x1b: {  	s9 =	sadd.s32 $0xFFFFFEF7, lr;
	s5 =	simm.s32 $0xFFFFFFFF;
	p2 =	slt.u32 s8, $0xFFFFF086  }
0x1c: {  	p1 =	slt.u32 s9, $0xF7A;
	s5 =	simm.s32 @!p2 $0x0  }
0x1d: {  	s5 =	simm.s32 @p1 $0x1;
	p0 =	seq.s32 s7, s2  }
0x1e: {  	s7 =	smul.u32 @!p0 $0xF7A, s2;
	p2 =	seq.s32 @!p0 s5, $0x0  }
0x1f: {  	s9 =	smul.u32 $0xF7A, s1;
	s8 =	simm.s32 @!p0 $0x1BF5;
	p2 =	por !p2, p0  }
0x20: {  	[sflag:s8] =	ssyncset.s32 @!p0 $0xFFFFF086;
	s6 =	sadd.s32 @!p0 s3, s7;
	s7 =	simm.s32 @!p0 $0x108  }
0x21: {  	s3 =	sadd.s32 s3, s9;
	s6 =	sadd.s32 @!p0 $0x88, s6;
	s7 =	simm.s32 @p2 $0x1082  }
0x22: {  	[simem:s7], [sflag:s8] =	dma.local @!p0 [hbm:s6], $0xF7A  }
0x23: {  	s9 =	sor.u32 $0xD0000000, s2;
	s6 =	simm.s32 $0x108;
	_ =	swait.ge @!p0 [sflag:s8], $0x0  }
0x24: {  	s3 =	sadd.s32 $0x88, s3;
	s6 =	simm.s32 @!p1 $0x1082;
	[sflag:s4] =	ssyncset.s32 $0xFFFFF086  }
0x25: {  	[simem:s6], [sflag:s4] =	dma.local [hbm:s3], $0xF7A  }
0x26: {  	[smem:$0x3F9B] =	sst s1;
	(tag) =	ssettag s2;
	_ =	strace s9  }
0x27: {  	s1 =	sld [smem:$0x3FAB]  }
0x28: {  	s2 =	sld [smem:$0x3FAC]  }
0x29: {  	s4 =	sld [smem:$0x3FAE]  }
0x2a: {  	p0 =	seq.s32 s5, $0x0;
	s5 =	sld [smem:$0x3FAF]  }
0x2b: {  	s6 =	sld [smem:$0x3FB0]  }
0x2c: {  	s7 =	sld [smem:$0x3FB1]  }
0x2d: {  	s3 =	simm.s32 $0x108;
	s8 =	sld [smem:$0x3FB2]  }
0x2e: {  	s3 =	simm.s32 @!p0 $0x1082;
	s9 =	sld [smem:$0x3FB3]  }
0x2f: {  	lr =	sadd.s32 s0, s3;
	s0 =	sld [smem:$0x3FAA]  }
0x30: {  	s3 =	sld [smem:$0x3FAD]  }
0x31: {  	[smem:$0x3FB6] =	sst s10  }
0x32: {  	s10 =	sld [smem:$0x3FB4];
	_ =	sdelay $0x3  }
0x33: {  	p0 =	seq.s32 s10, $0x1;
	s10 =	sld [smem:$0x3FB6];
	_ =	sdelay $0x3  }
0x34: {  	[smem:$0x3FB6] =	sst s10  }
0x35: {  	s10 =	sld [smem:$0x3FB5];
	_ =	sdelay $0x3  }
0x36: {  	p1 =	seq.s32 s10, $0x1;
	s10 =	sld [smem:$0x3FB6];
	_ =	sdelay $0x3  }
0x37: {  	[smem:$0x3FB6] =	sst s10  }
0x38: {  	s10 =	sld [smem:$0x3FB7]  }
0x39: {  	_ = 	snop;
	(pc) =	sbr.ind lr, $3  }
0x3a: {  	_ = 	snop  }
0x3b: {  	_ = 	snop  }
0x3c: {  	p2 =	seq.s32 s10, $0x1;
	s10 =	sld [smem:$0x3FB6]  }
0x3d: {  	_ =	shalt  }
0x3e: {  	_ =	shalt  }
0x3f: {  	_ =	shalt  }
0x40: {  	_ =	shalt  }
0x41: {  	_ =	shalt  }
0x42: {  	_ =	shalt  }
0x43: {  	_ =	shalt  }
0x44: {  	_ =	shalt  }
0x45: {  	_ =	shalt  }
0x46: {  	_ =	shalt  }
0x47: {  	_ =	shalt  }
0x48: {  	_ =	shalt  }
0x49: {  	_ =	shalt  }
0x4a: {  	_ =	shalt  }
0x4b: {  	_ =	shalt  }
0x4c: {  	_ =	shalt  }
0x4d: {  	_ =	shalt  }
0x4e: {  	_ =	shalt  }
0x4f: {  	_ =	shalt  }
0x50: {  	_ =	shalt  }
0x51: {  	_ =	shalt  }
0x52: {  	_ =	shalt  }
0x53: {  	_ =	shalt  }
0x54: {  	_ =	shalt  }
0x55: {  	_ =	shalt  }
0x56: {  	_ =	shalt  }
0x57: {  	_ =	shalt  }
0x58: {  	_ =	shalt  }
0x59: {  	_ =	shalt  }
0x5a: {  	_ =	shalt  }
0x5b: {  	_ =	shalt  }
0x5c: {  	_ =	shalt  }
0x5d: {  	_ =	shalt  }
0x5e: {  	_ =	shalt  }
0x5f: {  	_ =	shalt  }
0x60: {  	_ =	shalt  }
0x61: {  	_ =	shalt  }
0x62: {  	_ =	shalt  }
0x63: {  	_ =	shalt  }
0x64: {  	_ =	shalt  }
0x65: {  	_ =	shalt  }
0x66: {  	_ =	shalt  }
0x67: {  	_ =	shalt  }
0x68: {  	_ =	shalt  }
0x69: {  	_ =	shalt  }
0x6a: {  	_ =	shalt  }
0x6b: {  	_ =	shalt  }
0x6c: {  	_ =	shalt  }
0x6d: {  	_ =	shalt  }
0x6e: {  	_ =	shalt  }
0x6f: {  	_ =	shalt  }
0x70: {  	_ =	shalt  }
0x71: {  	_ =	shalt  }
0x72: {  	_ =	shalt  }
0x73: {  	_ =	shalt  }
0x74: {  	_ =	shalt  }
0x75: {  	_ =	shalt  }
0x76: {  	_ =	shalt  }
0x77: {  	_ =	shalt  }
0x78: {  	_ =	shalt  }
0x79: {  	_ =	shalt  }
0x7a: {  	_ =	shalt  }
0x7b: {  	_ =	shalt  }
0x7c: {  	_ =	shalt  }
0x7d: {  	_ =	shalt  }
0x7e: {  	_ =	shalt  }
0x7f: {  	_ =	shalt  }
0x80: {  	_ =	shalt  }
0x81: {  	_ =	shalt  }
0x82: {  	_ =	shalt  }
0x83: {  	_ =	shalt  }
0x84: {  	_ =	shalt  }
0x85: {  	_ =	shalt  }
0x86: {  	_ =	shalt  }
0x87: {  	_ =	shalt  }
.Lfunc_end0:
.L_simem_size_0:
called_computation.2_lowered:
.L_overlay_start_0:
0x88: {  	s2 =	sld [smem:$0x3FD9]  }
0x89: {  	s3 =	sld [smem:$0x3FFE];
	_ =	sdelay $0x1  }
0x8a: {  	s1 =	srdreg.scid  }
0x8b: {  	s0 =	sand.u32 $0x1, s1  }
0x8c: {  	s17 =	sshll.u32 s0, $0xA;
	s2 =	sadd.s32 s3, s2  }
0x8d: {  	s2 =	sadd.s32 s2, s17  }
0x8e: {  	[smem:$0x3FC2] =	sst s2  }
0x8f: {  	_ = 	snop  }
0x90: {  	s2 =	sld [smem:$0x3FD0];
	(tm) =	ssettm $0x1  }
0x91: {  	s18 =	sld [smem:$0x3FFB];
	_ =	sdelay $0x3  }
0x92: {  	_ =	strace s18  }
0x93: {  	s3 =	sld [smem:$0x3FFC];
	_ =	sdelay $0x3  }
0x94: {  	_ =	strace s3  }
0x95: {  	s3 =	sld [smem:$0x3FFD];
	_ =	sdelay $0x3  }
0x96: {  	_ =	strace s3  }
0x97: {  	_ =	strace $0x8FFFFFFF  }
0x98: {  	s19 =	sld [smem:$0x3FDB];
	_ =	sdelay $0x1  }
0x99: {  	s4 =	simm.s32 $_scs_section_size  }
0x9a: {  	s5 =	simm.s32 $_size__tile_overlayer_lowered;
	s6 =	simm.s32 $_tile_overlayer_lowered  }
0x9b: {  	s22 =	simm.s32 $0x1BFF;
	s21 =	sshll.u32 s6, $0x1;
	s3 =	sadd.s32 s4, s19  }
0x9c: {  	s7 =	simm.s32 $0x0;
	s20 =	sshll.u32 s5, $0x1;
	s5 =	sadd.s32 s21, s3  }
0x9d: {  	[timem:s7], [sflag:s22] =	dma.local [hbm:s5], s20  }
0x9e: {  	_ =	swait.ge [sflag:s22], s20  }
0x9f: {  	s4 =	ssub.s32 $0x0, s20;
	[sflag:s22] =	ssyncset.done $0x0  }
0xa0: {  	[sflag:s22] =	ssyncadd.s32 s4;
	_ =	sdelay $0x1  }
0xa1: {  	s23 =	simm.s32 $0x1B8B  }
0xa2: {  	_ =	swait.ge [sflag:s23], $0x1  }
0xa3: {  	[sflag:s23] =	ssyncset.done $0x0  }
0xa4: {  	s25 =	simm.s32 $0x1B8E;
	s24 =	sld [smem:$0x3FFE];
	[sflag:s23] =	ssyncadd.s32 $0xFFFFFFFF  }
0xa5: {  	s26 =	simm.s32 $execute0_lowered;
	[smem:$0x3FD2] =	sst s25  }
0xa6: {  	s5 =	sshll.u32 s26, $0x1;
	_ =	strace $0x8000004C;
	[dreg:$0x1] =	wrdreg $0xFFFFFFFF  }
0xa7: {  	s28 =	simm.s32 $_size_execute0_lowered;
	s3 =	sadd.s32 s3, s5;
	[dreg:$0x0] =	wrdreg $0x0  }
0xa8: {  	s5 =	sshll.u32 s28, $0x1;
	[dreg:$0x2] =	wrdreg s3  }
0xa9: {  	[dreg:$0x3] =	wrdreg s5  }
0xaa: {  	[dreg:$0x4] =	wrdreg $0xC0  }
0xab: {  	_ =	task [dreg:s7], $0x5FFFF  }
0xac: {  	[dreg:$0x1] =	wrdreg $0xFFFFFFFF  }
0xad: {  	[dreg:$0x0] =	wrdreg $0x60  }
0xae: {  	[dreg:$0x2] =	wrdreg s2  }
0xaf: {  	[dreg:$0x3] =	wrdreg s24  }
0xb0: {  	[dreg:$0x4] =	wrdreg $0x93000  }
0xb1: {  	[dreg:$0x5] =	wrdreg $0x9  }
0xb2: {  	_ =	task.clear_ibuf [dreg:s7], $0x6FFFF;
	_ =	strace $0x9000004C  }
0xb3: {  	s29 =	simm.s32 $0x9;
	_ =	strace $0x8000004E  }
0xb4: {  	_ =	swait.ge [sflag:s29], $0x1  }
0xb5: {  	[sflag:s29] =	ssyncadd.s32 $0xFFFFFFFF  }
0xb6: {  	_ =	strace $0x9000004E  }
0xb7: {  	_ =	sfence  }
0xb8: {  	s30 =	sld [smem:$0x0];
	_ =	sdelay $0x2  }
0xb9: {  	s31 =	sshll.u32 s1, $0xD;
	s1 =	sshrl.u32 s1, $0x2  }
0xba: {  	s3 =	sand.u32 $0x4000, s31;
	s1 =	sadd.s32 s1, s30  }
0xbb: {  	s0 =	sor.u32 s3, s0;
	s1 =	sshll.u32 s1, $0x11  }
0xbc: {  	s0 =	sor.u32 s1, s0  }
0xbd: {  	s0 =	sadd.s32 $0x8F2B, s0  }
0xbe: {  	[sflag:s0] =	ssyncadd.remote.s32 $0x1  }
0xbf: {  	_ =	sfence.sel $0xFFFF  }
0xc0: {  	[dreg:$0x0] =	wrdreg $0xFFFFFFFF;
	(pc) =	sbr.abs _section_cstart, $3  }
0xc1: {  	[dreg:$0x1] =	wrdreg $0xFFFFFFFF  }
0xc2: {  	_ =	task.clear_ibuf [dreg:s7], $0x2FFFF;
	_ =	strace $0x9FFFFFFF  }
0xc3: {  	(tm) =	ssettm $0x7FFFFFFF  }
tec
execute0_lowered:
.L_overlay_start_1:
0x0: {  	(tag) =	ssettag $0x1  }
0x1: {  	s1 =	rddreg [dreg:$0x0]  }
0x2: {  	s0 =	rddreg [dreg:$0x1]  }
0x3: {  	s2 =	rddreg [dreg:$0x2];
	s3 =	simm.s32 $0x0  }
0x4: {  	s4 =	srdreg.scid;
	s10 =	stileid.u32;
	s28 =	simm.s32 $0x4200  }
0x5: {  	s29 =	simm.s32 $0x8B00;
	s30 =	simm.s32 $0x7;
	s31 =	simm.s32 $0x1  }
0x6: {  	[smem:$0x7FF] =	sst s3;
	s5 =	sadd.s32 $0x34200, s0;
	s7 =	smul.u32 $0x2710, s10  }
0x7: {  	s6 =	sadd.s32 $0x3000, s0;
	s4 =	sand.u32 $0x1, s4;
	s18 =	smul.u32 $0x4E000, s10  }
0x8: {  	s8 =	sadd.s32 $0x8000, s0;
	s12 =	sadd.s32 $0x5B400, s0;
	s21 =	smul.u32 $0x2700, s10  }
0x9: {  	s14 =	sadd.s32 $0x82600, s0;
	p1 =	seq.s32 s10, $0xF;
	s23 =	smul.u32 $0x4E2, s10  }
0xa: {  	s25 =	sadd.s32 $0x138000, s2;
	p2 =	sne.s32 s10, $0xF;
	s10 =	simm.s32 $0x0  }
0xb: {  	_ =	strace $0x8000004D;
	s9 =	ssub.s32 $0x2, s4;
	[dreg:$0x4] =	wrdreg s12  }
0xc: {  	p0 =	seq.s32 s4, $0x1;
	[dreg:$0x5] =	wrdreg s14;
	s26 =	sshrl.u32 s25, $0x3  }
0xd: {  	s25 =	simm.s32 $0x4;
	s13 =	sshrl.u32 s9, $0x1;
	s7 =	sshrl.u32 s7, $0x3  }
0xe: {  	s19 =	sshrl.u32 s18, $0x2;
	s24 =	sadd.s32 s12, s21;
	[dreg:$0xf] =	wrdreg s26  }
0xf: {  	s26 =	simm.s32 $0x180;
	s0 =	ssub.s32 s9, s13;
	s15 =	sadd.s32 s6, s7  }
0x10: {  	s16 =	sadd.s32 s8, s7;
	s17 =	sadd.s32 $0x10, s7;
	s13 =	sadd.s32 s19, s2  }
0x11: {  	s20 =	sadd.s32 $0x4E0, s7;
	[dreg:$0xc] =	wrdreg s24;
	s7 =	sadd.s32 s14, s21  }
0x12: {  	s19 =	sadd.s32 s23, s8;
	s21 =	simm.s32 $0x8;
	[dreg:$0x6] =	wrdreg s15  }
0x13: {  	s24 =	simm.s32 $0x200;
	s9 =	simm.s32 $0x8300;
	[dreg:$0x7] =	wrdreg s16  }
0x14: {  	s11 =	sadd.s32 s6, s17;
	s4 =	sadd.s32 s8, s17;
	[dreg:$0xd] =	wrdreg s7  }
0x15: {  	s22 =	sadd.s32 s6, s20;
	s0 =	smax.u32 s0, $0x1;
	[dreg:$0x8] =	wrdreg s11  }
0x16: {  	s16 =	simm.s32 $0x3;
	s17 =	simm.s32 $0x5;
	[dreg:$0x9] =	wrdreg s4  }
.Ltmp0:
0x17: {  	s7 =	simm.s32 $0x8200;
	[dreg:$0xa] =	wrdreg s22;
	(pc) =	sbr.rel .LBB2_1-.Ltmp0, $4  }
0x18: {  	s11 =	simm.s32 $0x28;
	s4 =	sadd.s32 s8, s20;
	[dreg:$0xe] =	wrdreg s0  }
0x19: {  	s20 =	sadd.s32 s23, s6;
	s22 =	simm.s32 $0x100;
	s23 =	simm.s32 $0x80  }
0x1a: {  	s0 =	simm.s32 $0x2;
	s6 =	simm.s32 $0x6;
	s8 =	simm.s32 $0x10  }
0x1b: {  	v0 =	vimm.f32 $0.0e+00;
	s11 =	simm.s32 @!p1 $0x27;
	[dreg:$0xb] =	wrdreg s4;
	s4 =	simm.s32 $0x8280  }
.LBB2_20:
0x1c: {  	s14 =	sadd.s32 $0x27000, s14;
	s15 =	rddreg [dreg:$0xf]  }
0x1d: {  	[hbm:s14], [sflag:s12] =	dma.local [spmem:s15], $0x100  }
0x1e: {  	_ =	swait.ge [sflag:s21], $0x100  }
0x1f: {  	[sflag:s21] =	ssyncset.done $0x0  }
0x20: {  	[sflag:s21] =	ssyncadd.s32 $0xFFFFFF00  }
.LBB2_21:
0x21: {  	s10 =	sadd.s32 $0x1, s10;
	s12 =	rddreg [dreg:$0xe]  }
0x22: {  	p3 =	sne.s32 s10, s12  }
.Ltmp1:
0x23: {  	_ = 	snop;
	(pc) =	sbr.rel @!p3 .LBB2_22-.Ltmp1, $1  }
0x24: {  	_ =	sdelay $0x3  }
.LBB2_1:
0x25: {  	s12 =	rddreg [dreg:$0x6]  }
0x26: {  	[tilespmem:s3], [sflag:$0x8] =	stream.linear.gather [hbm4b:s12+s3], $0x80, $0x38;
	[tilespmem:$0x1CC00] =	vst v63  }
0x27: {  	_ =	swait.ge [sflag:s21], $0x80  }
0x28: {  	[sflag:s21] =	ssyncset.done $0x0  }
.Ltmp2:
0x29: {  	s18 =	rddreg [dreg:$0x7];
	[sflag:s21] =	ssyncadd.s32 $0xFFFFFF80;
	(pc) =	sbr.rel @!p0 .LBB2_2-.Ltmp2, $4  }
0x2a: {  	[tilespmem:s22], [sflag:$0x8] =	stream.linear.gather [hbm4b:s18+s3], $0x80, $0x38;
	[tilespmem:$0x1CC00] =	vst v63  }
0x2b: {  	_ =	swait.ge [sflag:s21], $0x80  }
0x2c: {  	[sflag:s21] =	ssyncset.done $0x0  }
0x2d: {  	s12 =	simm.s32 $0x0;
	[sflag:s21] =	ssyncadd.s32 $0xFFFFFF80  }
0x2e: {  	[tilespmem:s24], [sflag:$0x1] =	stream.indirect.gather [hbm4b:s5+s23], $0x80, s12, s23, $0xb8;
	[tilespmem:$0x1CC00] =	vst v63  }
0x2f: {  	s14 =	rddreg [dreg:$0x8]  }
0x30: {  	[tilespmem:s23], [sflag:$0x8] =	stream.linear.gather [hbm4b:s14+s12], $0x80, $0x38;
	[tilespmem:$0x1CC00] =	vst v63  }
0x31: {  	_ =	swait.ge [sflag:s21], $0x80  }
0x32: {  	[sflag:s21] =	ssyncset.done $0x0  }
0x33: {  	s18 =	rddreg [dreg:$0x9];
	[sflag:s21] =	ssyncadd.s32 $0xFFFFFF80  }
0x34: {  	[tilespmem:s26], [sflag:$0x8] =	stream.linear.gather [hbm4b:s18+s12], $0x80, $0x38;
	[tilespmem:$0x1CC00] =	vst v63  }
0x35: {  	_ =	swait.ge [sflag:s21], $0x80  }
0x36: {  	[sflag:s21] =	ssyncset.done $0x0  }
0x37: {  	s14 =	simm.s32 $0x200;
	s12 =	simm.s32 $0x0;
	[sflag:s21] =	ssyncadd.s32 $0xFFFFFF80  }
0x38: {  	[tilespmem:s28], [sflag:$0x2] =	stream.indirect.gather [hbm4b:s5+s23], $0x80, s23, s23, $0xb8;
	[tilespmem:$0x1CC00] =	vst v63  }
.LBB2_12:
0x39: {  	p3 =	sne.s32 s14, $0x1E00;
	[tilespmem:s12+$0x8B70] =	vst v0  }
0x3a: {  	[tilespmem:s12+$0x8B00] =	vst v0  }
0x3b: {  	[tilespmem:s12+$0x8B10] =	vst v0  }
.Ltmp3:
0x3c: {  	[tilespmem:s12+$0x8B20] =	vst v0;
	(pc) =	sbr.rel @p3 .LBB2_12-.Ltmp3, $4  }
0x3d: {  	[tilespmem:s12+$0x8B30] =	vst v0  }
0x3e: {  	[tilespmem:s12+$0x8B40] =	vst v0  }
0x3f: {  	[tilespmem:s12+$0x8B50] =	vst v0  }
0x40: {  	[tilespmem:s12+$0x8B60] =	vst v0;
	s12 =	sshra.s32 s14, $0x2;
	s14 =	sadd.s32 $0x200, s14  }
0x41: {  	[tilespmem:s12+$0x8B70] =	vst v0  }
0x42: {  	[tilespmem:s12+$0x8B00] =	vst v0  }
0x43: {  	[tilespmem:s12+$0x8B10] =	vst v0  }
0x44: {  	[tilespmem:s12+$0x8B20] =	vst v0;
	p3 =	sne.s32 s11, $0x1  }
.Ltmp4:
0x45: {  	[tilespmem:s12+$0x8B30] =	vst v0;
	(pc) =	sbr.rel @!p3 .LBB2_15-.Ltmp4, $4  }
0x46: {  	[tilespmem:s12+$0x8B40] =	vst v0  }
0x47: {  	[tilespmem:s12+$0x8B50] =	vst v0  }
0x48: {  	[tilespmem:s12+$0x8B60] =	vst v0;
	s12 =	sadd.s32 $0xFFFFFFFF, s11;
	s14 =	smov.u32 s13  }
0x49: {  	[spmem:s13] =	stream.linear.scatter [tilespmem:s29], [sflag:$0x7], $0x800, $0x38;
	[tilespmem:$0x1CC00] =	vst v63  }
.LBB2_14:
0x4a: {  	p4 =	sne.s32 s12, $0x1  }
.Ltmp5:
0x4b: {  	_ = 	snop;
	(pc) =	sbr.rel @p4 .LBB2_14-.Ltmp5, $3  }
0x4c: {  	_ = 	snop  }
0x4d: {  	s12 =	sadd.s32 $0xFFFFFFFF, s12;
	s14 =	sadd.s32 $0x800, s14;
	_ =	sdelay $0x1  }
0x4e: {  	[spmem:s14] =	stream.linear.scatter [tilespmem:s29], [sflag:$0x7], $0x800, $0x38;
	[tilespmem:$0x1CC00] =	vst v63  }
.LBB2_15:
.Ltmp6:
0x4f: {  	(pc) =	sbr.rel @!p3 .LBB2_17-.Ltmp6, $3  }
0x50: {  	_ =	sdelay $0x1  }
0x51: {  	_ =	swait.ge [sflag:s30], $0x800  }
0x52: {  	s12 =	sadd.s32 $0xFFFFFFFF, s11;
	[sflag:s30] =	ssyncset.done $0x0  }
.LBB2_16:
0x53: {  	p3 =	sne.s32 s12, $0x1;
	s12 =	sadd.s32 $0xFFFFFFFF, s12;
	[sflag:s30] =	ssyncadd.s32 $0xFFFFF800  }
.Ltmp7:
0x54: {  	(pc) =	sbr.rel @p3 .LBB2_16-.Ltmp7, $3  }
0x55: {  	_ =	sdelay $0x1  }
0x56: {  	_ =	swait.ge [sflag:s30], $0x800  }
0x57: {  	[sflag:s30] =	ssyncset.done $0x0  }
.LBB2_17:
0x58: {  	[sflag:s30] =	ssyncadd.s32 $0xFFFFF800  }
0x59: {  	[bflag:$0x0] =	sbarrier.arrive $0xFFFF  }
0x5a: {  	_ =	swait.ge [sflag:s31], $0x4000  }
0x5b: {  	s12 =	sadd.s32 $0xFFFFFB40, s20;
	[sflag:s31] =	ssyncset.done $0x0  }
0x5c: {  	s14 =	sadd.s32 $0x4E0, s12;
	[sflag:s31] =	ssyncadd.s32 $0xFFFFC000  }
0x5d: {  	[tilespmem:s3], [sflag:$0x5] =	stream.linear.gather [hbm4b:s14+s3], $0x80, $0x38;
	[tilespmem:$0x1CC00] =	vst v63  }
0x5e: {  	_ = 	snop  }
0x5f: {  	[spmem:s2] =	stream.indirect.scatter.add.f32 [tilespmem:s24], [sflag:$0x3], $0x80, s22, s23, $0xb8;
	[tilespmem:$0x1CC00] =	vst v63  }
0x60: {  	_ =	swait.ge [sflag:s0], $0x4000  }
0x61: {  	[sflag:s0] =	ssyncset.done $0x0  }
0x62: {  	s12 =	sadd.s32 $0x4F0, s12;
	[sflag:s0] =	ssyncadd.s32 $0xFFFFC000  }
0x63: {  	[tilespmem:s23], [sflag:$0x6] =	stream.linear.gather [hbm4b:s12+s3], $0x80, $0x38;
	[tilespmem:$0x1CC00] =	vst v63  }
0x64: {  	_ = 	snop  }
0x65: {  	[spmem:s2] =	stream.indirect.scatter.add.f32 [tilespmem:s28], [sflag:$0x4], $0x80, s26, s23, $0xb8;
	[tilespmem:$0x1CC00] =	vst v63  }
0x66: {  	_ =	swait.ge [sflag:s16], $0x4000  }
0x67: {  	s15 =	sadd.s32 $0xFFFFFB40, s19;
	[sflag:s16] =	ssyncset.done $0x0  }
0x68: {  	s18 =	sadd.s32 $0x4E0, s15;
	[sflag:s16] =	ssyncadd.s32 $0xFFFFC000  }
0x69: {  	[tilespmem:s22], [sflag:$0x8] =	stream.linear.gather [hbm4b:s18+s3], $0x80, $0x38;
	[tilespmem:$0x1CC00] =	vst v63  }
0x6a: {  	_ =	swait.ge [sflag:s21], $0x80  }
0x6b: {  	[sflag:s21] =	ssyncset.done $0x0  }
0x6c: {  	[sflag:s21] =	ssyncadd.s32 $0xFFFFFF80  }
0x6d: {  	_ =	swait.ge [sflag:s17], $0x80  }
0x6e: {  	[sflag:s17] =	ssyncset.done $0x0  }
0x6f: {  	[sflag:s17] =	ssyncadd.s32 $0xFFFFFF80  }
0x70: {  	[tilespmem:s24], [sflag:$0x1] =	stream.indirect.gather [hbm4b:s5+s23], $0x80, s3, s23, $0xb8;
	[tilespmem:$0x1CC00] =	vst v63  }
0x71: {  	_ =	swait.ge [sflag:s25], $0x4000  }
0x72: {  	[sflag:s25] =	ssyncset.done $0x0  }
0x73: {  	s12 =	sadd.s32 $0x4F0, s15;
	[sflag:s25] =	ssyncadd.s32 $0xFFFFC000  }
0x74: {  	[tilespmem:s26], [sflag:$0x8] =	stream.linear.gather [hbm4b:s12+s3], $0x80, $0x38;
	[tilespmem:$0x1CC00] =	vst v63  }
0x75: {  	_ =	swait.ge [sflag:s21], $0x80  }
0x76: {  	[sflag:s21] =	ssyncset.done $0x0  }
0x77: {  	[sflag:s21] =	ssyncadd.s32 $0xFFFFFF80  }
0x78: {  	_ =	swait.ge [sflag:s6], $0x80  }
0x79: {  	[sflag:s6] =	ssyncset.done $0x0  }
0x7a: {  	s12 =	simm.s32 $0xFFFFFB60;
	[sflag:s6] =	ssyncadd.s32 $0xFFFFFF80  }
.LBB2_18:
0x7b: {  	[tilespmem:s28], [sflag:$0x2] =	stream.indirect.gather [hbm4b:s5+s23], $0x80, s23, s23, $0xb8;
	[tilespmem:$0x1CC00] =	vst v63  }
0x7c: {  	s14 =	smov.u32 s12  }
0x7d: {  	p3 =	sne.s32 s12, $0xFFFFFFE0;
	s12 =	sadd.s32 $0x20, s12;
	_ =	swait.ge [sflag:s31], $0x4000  }
0x7e: {  	s15 =	sadd.s32 s14, s20;
	[sflag:s31] =	ssyncset.done $0x0  }
0x7f: {  	s18 =	sadd.s32 $0x4E0, s15;
	[sflag:s31] =	ssyncadd.s32 $0xFFFFC000  }
0x80: {  	[tilespmem:s3], [sflag:$0x5] =	stream.linear.gather [hbm4b:s18+s3], $0x80, $0x38;
	[tilespmem:$0x1CC00] =	vst v63  }
0x81: {  	_ = 	snop  }
0x82: {  	[spmem:s2] =	stream.indirect.scatter.add.f32 [tilespmem:s24], [sflag:$0x3], $0x80, s22, s23, $0xb8;
	[tilespmem:$0x1CC00] =	vst v63  }
0x83: {  	_ =	swait.ge [sflag:s0], $0x4000  }
0x84: {  	[sflag:s0] =	ssyncset.done $0x0  }
0x85: {  	s15 =	sadd.s32 $0x4F0, s15;
	[sflag:s0] =	ssyncadd.s32 $0xFFFFC000  }
0x86: {  	[tilespmem:s23], [sflag:$0x6] =	stream.linear.gather [hbm4b:s15+s3], $0x80, $0x38;
	[tilespmem:$0x1CC00] =	vst v63  }
0x87: {  	_ = 	snop  }
0x88: {  	[spmem:s2] =	stream.indirect.scatter.add.f32 [tilespmem:s28], [sflag:$0x4], $0x80, s26, s23, $0xb8;
	[tilespmem:$0x1CC00] =	vst v63  }
0x89: {  	_ =	swait.ge [sflag:s16], $0x4000  }
0x8a: {  	s14 =	sadd.s32 s14, s19;
	[sflag:s16] =	ssyncset.done $0x0  }
0x8b: {  	s15 =	sadd.s32 $0x4E0, s14;
	[sflag:s16] =	ssyncadd.s32 $0xFFFFC000  }
0x8c: {  	[tilespmem:s22], [sflag:$0x8] =	stream.linear.gather [hbm4b:s15+s3], $0x80, $0x38;
	[tilespmem:$0x1CC00] =	vst v63  }
0x8d: {  	_ =	swait.ge [sflag:s21], $0x80  }
0x8e: {  	[sflag:s21] =	ssyncset.done $0x0  }
0x8f: {  	[sflag:s21] =	ssyncadd.s32 $0xFFFFFF80  }
0x90: {  	_ =	swait.ge [sflag:s17], $0x80  }
0x91: {  	[sflag:s17] =	ssyncset.done $0x0  }
0x92: {  	[sflag:s17] =	ssyncadd.s32 $0xFFFFFF80  }
0x93: {  	[tilespmem:s24], [sflag:$0x1] =	stream.indirect.gather [hbm4b:s5+s23], $0x80, s3, s23, $0xb8;
	[tilespmem:$0x1CC00] =	vst v63  }
0x94: {  	_ =	swait.ge [sflag:s25], $0x4000  }
0x95: {  	[sflag:s25] =	ssyncset.done $0x0  }
0x96: {  	s14 =	sadd.s32 $0x4F0, s14;
	[sflag:s25] =	ssyncadd.s32 $0xFFFFC000  }
0x97: {  	[tilespmem:s26], [sflag:$0x8] =	stream.linear.gather [hbm4b:s14+s3], $0x80, $0x38;
	[tilespmem:$0x1CC00] =	vst v63  }
0x98: {  	_ =	swait.ge [sflag:s21], $0x80  }
.Ltmp8:
0x99: {  	[sflag:s21] =	ssyncset.done $0x0;
	(pc) =	sbr.rel @p3 .LBB2_18-.Ltmp8, $4  }
0x9a: {  	[sflag:s21] =	ssyncadd.s32 $0xFFFFFF80  }
0x9b: {  	_ =	swait.ge [sflag:s6], $0x80  }
0x9c: {  	[sflag:s6] =	ssyncset.done $0x0  }
0x9d: {  	[sflag:s6] =	ssyncadd.s32 $0xFFFFFF80  }
0x9e: {  	[tilespmem:s28], [sflag:$0x2] =	stream.indirect.gather [hbm4b:s5+s23], $0x80, s23, s23, $0xb8;
	[tilespmem:$0x1CC00] =	vst v63  }
0x9f: {  	_ =	swait.ge [sflag:s31], $0x4000  }
0xa0: {  	[sflag:s31] =	ssyncset.done $0x0  }
0xa1: {  	[sflag:s31] =	ssyncadd.s32 $0xFFFFC000  }
0xa2: {  	[spmem:s2] =	stream.indirect.scatter.add.f32 [tilespmem:s24], [sflag:$0x3], $0x80, s22, s23, $0xb8;
	[tilespmem:$0x1CC00] =	vst v63  }
0xa3: {  	_ =	swait.ge [sflag:s0], $0x4000  }
0xa4: {  	[sflag:s0] =	ssyncset.done $0x0  }
0xa5: {  	[sflag:s0] =	ssyncadd.s32 $0xFFFFC000  }
0xa6: {  	[spmem:s2] =	stream.indirect.scatter.add.f32 [tilespmem:s28], [sflag:$0x4], $0x80, s26, s23, $0xb8;
	[tilespmem:$0x1CC00] =	vst v63  }
0xa7: {  	_ =	swait.ge [sflag:s16], $0x4000  }
0xa8: {  	[sflag:s16] =	ssyncset.done $0x0  }
0xa9: {  	[sflag:s16] =	ssyncadd.s32 $0xFFFFC000  }
0xaa: {  	_ =	swait.ge [sflag:s25], $0x4000  }
0xab: {  	[sflag:s25] =	ssyncset.done $0x0  }
0xac: {  	s12 =	rddreg [dreg:$0xa];
	[sflag:s25] =	ssyncadd.s32 $0xFFFFC000  }
0xad: {  	[tilespmem:s7], [sflag:$0x8] =	stream.linear.gather [hbm4b:s12+s3], $0x10, $0x38;
	[tilespmem:$0x1CC00] =	vst v63  }
0xae: {  	_ =	swait.ge [sflag:s21], $0x10  }
0xaf: {  	[sflag:s21] =	ssyncset.done $0x0  }
0xb0: {  	s15 =	rddreg [dreg:$0xb];
	[sflag:s21] =	ssyncadd.s32 $0xFFFFFFF0  }
0xb1: {  	[tilespmem:s4], [sflag:$0x8] =	stream.linear.gather [hbm4b:s15+s3], $0x10, $0x38;
	[tilespmem:$0x1CC00] =	vst v63  }
0xb2: {  	_ =	swait.ge [sflag:s21], $0x10  }
0xb3: {  	[sflag:s21] =	ssyncset.done $0x0  }
0xb4: {  	[sflag:s21] =	ssyncadd.s32 $0xFFFFFFF0  }
0xb5: {  	[tilespmem:s9], [sflag:$0x1] =	stream.indirect.gather [hbm4b:s5+s8], $0x80, s7, s8, $0xb8;
	[tilespmem:$0x1CC00] =	vst v63  }
0xb6: {  	_ =	swait.ge [sflag:s31], $0x800  }
0xb7: {  	[sflag:s31] =	ssyncset.done $0x0  }
0xb8: {  	[sflag:s31] =	ssyncadd.s32 $0xFFFFF800  }
0xb9: {  	[spmem:s2] =	stream.indirect.scatter.add.f32 [tilespmem:s9], [sflag:$0x8], $0x80, s4, s8, $0xb8;
	[tilespmem:$0x1CC00] =	vst v63  }
0xba: {  	_ =	swait.ge [sflag:s21], $0x800  }
0xbb: {  	[sflag:s21] =	ssyncset.done $0x0  }
0xbc: {  	s18 =	stileid.u32;
	[sflag:s21] =	ssyncadd.s32 $0xFFFFF800  }
0xbd: {  	s12 =	sshll.u32 s18, $0x6;
	[bflag:$0x0] =	sbarrier.arrive $0xFFFF  }
0xbe: {  	s14 =	sshrl.u32 s13, $0x3;
	s12 =	sor.u32 $0x1C08, s12;
	s15 =	rddreg [dreg:$0xd]  }
0xbf: {  	[hbm:s15], [sflag:s12] =	dma.local [spmem:s14], $0x2700  }
.Ltmp9:
0xc0: {  	_ = 	snop;
	(pc) =	sbr.rel @p2 .LBB2_21-.Ltmp9, $4  }
.Ltmp10:
0xc1: {  	_ = 	snop;
	(pc) =	sbr.rel @!p2 .LBB2_20-.Ltmp10, $4  }
0xc2: {  	_ =	swait.ge [sflag:s21], $0x2700  }
0xc3: {  	[sflag:s21] =	ssyncset.done $0x0  }
0xc4: {  	s14 =	rddreg [dreg:$0x5];
	[sflag:s21] =	ssyncadd.s32 $0xFFFFD900  }
0xc5: {  	_ = 	snop  }
.LBB2_2:
0xc6: {  	[tilespmem:s24], [sflag:$0x1] =	stream.indirect.gather [hbm4b:s1+s23], $0x80, s12, s23, $0xb8;
	[tilespmem:$0x1CC00] =	vst v63  }
0xc7: {  	s14 =	rddreg [dreg:$0x8]  }
0xc8: {  	[tilespmem:s23], [sflag:$0x8] =	stream.linear.gather [hbm4b:s14+s12], $0x80, $0x38;
	[tilespmem:$0x1CC00] =	vst v63  }
0xc9: {  	_ =	swait.ge [sflag:s21], $0x80  }
0xca: {  	[sflag:s21] =	ssyncset.done $0x0  }
0xcb: {  	s18 =	rddreg [dreg:$0x9];
	[sflag:s21] =	ssyncadd.s32 $0xFFFFFF80  }
0xcc: {  	[tilespmem:s26], [sflag:$0x8] =	stream.linear.gather [hbm4b:s18+s12], $0x80, $0x38;
	[tilespmem:$0x1CC00] =	vst v63  }
0xcd: {  	_ =	swait.ge [sflag:s21], $0x80  }
0xce: {  	[sflag:s21] =	ssyncset.done $0x0  }
0xcf: {  	s14 =	simm.s32 $0x200;
	s12 =	simm.s32 $0x0;
	[sflag:s21] =	ssyncadd.s32 $0xFFFFFF80  }
0xd0: {  	[tilespmem:s28], [sflag:$0x2] =	stream.indirect.gather [hbm4b:s1+s23], $0x80, s23, s23, $0xb8;
	[tilespmem:$0x1CC00] =	vst v63  }
.LBB2_3:
0xd1: {  	p3 =	sne.s32 s14, $0x1E00;
	[tilespmem:s12+$0x8B70] =	vst v0  }
0xd2: {  	[tilespmem:s12+$0x8B00] =	vst v0  }
0xd3: {  	[tilespmem:s12+$0x8B10] =	vst v0  }
.Ltmp11:
0xd4: {  	[tilespmem:s12+$0x8B20] =	vst v0;
	(pc) =	sbr.rel @p3 .LBB2_3-.Ltmp11, $4  }
0xd5: {  	[tilespmem:s12+$0x8B30] =	vst v0  }
0xd6: {  	[tilespmem:s12+$0x8B40] =	vst v0  }
0xd7: {  	[tilespmem:s12+$0x8B50] =	vst v0  }
0xd8: {  	[tilespmem:s12+$0x8B60] =	vst v0;
	s12 =	sshra.s32 s14, $0x2;
	s14 =	sadd.s32 $0x200, s14  }
0xd9: {  	[tilespmem:s12+$0x8B70] =	vst v0  }
0xda: {  	[tilespmem:s12+$0x8B00] =	vst v0  }
0xdb: {  	[tilespmem:s12+$0x8B10] =	vst v0  }
0xdc: {  	[tilespmem:s12+$0x8B20] =	vst v0;
	p3 =	sne.s32 s11, $0x1  }
.Ltmp12:
0xdd: {  	[tilespmem:s12+$0x8B30] =	vst v0;
	(pc) =	sbr.rel @!p3 .LBB2_6-.Ltmp12, $4  }
0xde: {  	[tilespmem:s12+$0x8B40] =	vst v0  }
0xdf: {  	[tilespmem:s12+$0x8B50] =	vst v0  }
0xe0: {  	[tilespmem:s12+$0x8B60] =	vst v0;
	s12 =	sadd.s32 $0xFFFFFFFF, s11;
	s14 =	smov.u32 s13  }
0xe1: {  	[spmem:s13] =	stream.linear.scatter [tilespmem:s29], [sflag:$0x7], $0x800, $0x38;
	[tilespmem:$0x1CC00] =	vst v63  }
.LBB2_5:
0xe2: {  	p4 =	sne.s32 s12, $0x1  }
.Ltmp13:
0xe3: {  	_ = 	snop;
	(pc) =	sbr.rel @p4 .LBB2_5-.Ltmp13, $3  }
0xe4: {  	_ = 	snop  }
0xe5: {  	s12 =	sadd.s32 $0xFFFFFFFF, s12;
	s14 =	sadd.s32 $0x800, s14;
	_ =	sdelay $0x1  }
0xe6: {  	[spmem:s14] =	stream.linear.scatter [tilespmem:s29], [sflag:$0x7], $0x800, $0x38;
	[tilespmem:$0x1CC00] =	vst v63  }
.LBB2_6:
.Ltmp14:
0xe7: {  	(pc) =	sbr.rel @!p3 .LBB2_8-.Ltmp14, $3  }
0xe8: {  	_ =	sdelay $0x1  }
0xe9: {  	_ =	swait.ge [sflag:s30], $0x800  }
0xea: {  	s12 =	sadd.s32 $0xFFFFFFFF, s11;
	[sflag:s30] =	ssyncset.done $0x0  }
.LBB2_7:
0xeb: {  	p3 =	sne.s32 s12, $0x1;
	s12 =	sadd.s32 $0xFFFFFFFF, s12;
	[sflag:s30] =	ssyncadd.s32 $0xFFFFF800  }
.Ltmp15:
0xec: {  	(pc) =	sbr.rel @p3 .LBB2_7-.Ltmp15, $3  }
0xed: {  	_ =	sdelay $0x1  }
0xee: {  	_ =	swait.ge [sflag:s30], $0x800  }
0xef: {  	[sflag:s30] =	ssyncset.done $0x0  }
.LBB2_8:
0xf0: {  	[sflag:s30] =	ssyncadd.s32 $0xFFFFF800  }
0xf1: {  	[bflag:$0x0] =	sbarrier.arrive $0xFFFF  }
0xf2: {  	_ =	swait.ge [sflag:s31], $0x4000  }
0xf3: {  	s12 =	sadd.s32 $0xFFFFFB40, s20;
	[sflag:s31] =	ssyncset.done $0x0  }
0xf4: {  	s14 =	sadd.s32 $0x4E0, s12;
	[sflag:s31] =	ssyncadd.s32 $0xFFFFC000  }
0xf5: {  	[tilespmem:s3], [sflag:$0x5] =	stream.linear.gather [hbm4b:s14+s3], $0x80, $0x38;
	[tilespmem:$0x1CC00] =	vst v63  }
0xf6: {  	_ = 	snop  }
0xf7: {  	[spmem:s2] =	stream.indirect.scatter.add.f32 [tilespmem:s24], [sflag:$0x3], $0x80, s22, s23, $0xb8;
	[tilespmem:$0x1CC00] =	vst v63  }
0xf8: {  	_ =	swait.ge [sflag:s0], $0x4000  }
0xf9: {  	[sflag:s0] =	ssyncset.done $0x0  }
0xfa: {  	s12 =	sadd.s32 $0x4F0, s12;
	[sflag:s0] =	ssyncadd.s32 $0xFFFFC000  }
0xfb: {  	[tilespmem:s23], [sflag:$0x6] =	stream.linear.gather [hbm4b:s12+s3], $0x80, $0x38;
	[tilespmem:$0x1CC00] =	vst v63  }
0xfc: {  	_ = 	snop  }
0xfd: {  	[spmem:s2] =	stream.indirect.scatter.add.f32 [tilespmem:s28], [sflag:$0x4], $0x80, s26, s23, $0xb8;
	[tilespmem:$0x1CC00] =	vst v63  }
0xfe: {  	_ =	swait.ge [sflag:s16], $0x4000  }
0xff: {  	s15 =	sadd.s32 $0xFFFFFB40, s19;
	[sflag:s16] =	ssyncset.done $0x0  }
0x100: {  	s18 =	sadd.s32 $0x4E0, s15;
	[sflag:s16] =	ssyncadd.s32 $0xFFFFC000  }
0x101: {  	[tilespmem:s22], [sflag:$0x8] =	stream.linear.gather [hbm4b:s18+s3], $0x80, $0x38;
	[tilespmem:$0x1CC00] =	vst v63  }
0x102: {  	_ =	swait.ge [sflag:s21], $0x80  }
0x103: {  	[sflag:s21] =	ssyncset.done $0x0  }
0x104: {  	[sflag:s21] =	ssyncadd.s32 $0xFFFFFF80  }
0x105: {  	_ =	swait.ge [sflag:s17], $0x80  }
0x106: {  	[sflag:s17] =	ssyncset.done $0x0  }
0x107: {  	[sflag:s17] =	ssyncadd.s32 $0xFFFFFF80  }
0x108: {  	[tilespmem:s24], [sflag:$0x1] =	stream.indirect.gather [hbm4b:s1+s23], $0x80, s3, s23, $0xb8;
	[tilespmem:$0x1CC00] =	vst v63  }
0x109: {  	_ =	swait.ge [sflag:s25], $0x4000  }
0x10a: {  	[sflag:s25] =	ssyncset.done $0x0  }
0x10b: {  	s12 =	sadd.s32 $0x4F0, s15;
	[sflag:s25] =	ssyncadd.s32 $0xFFFFC000  }
0x10c: {  	[tilespmem:s26], [sflag:$0x8] =	stream.linear.gather [hbm4b:s12+s3], $0x80, $0x38;
	[tilespmem:$0x1CC00] =	vst v63  }
0x10d: {  	_ =	swait.ge [sflag:s21], $0x80  }
0x10e: {  	[sflag:s21] =	ssyncset.done $0x0  }
0x10f: {  	[sflag:s21] =	ssyncadd.s32 $0xFFFFFF80  }
0x110: {  	_ =	swait.ge [sflag:s6], $0x80  }
0x111: {  	[sflag:s6] =	ssyncset.done $0x0  }
0x112: {  	s12 =	simm.s32 $0xFFFFFB60;
	[sflag:s6] =	ssyncadd.s32 $0xFFFFFF80  }
.LBB2_9:
0x113: {  	[tilespmem:s28], [sflag:$0x2] =	stream.indirect.gather [hbm4b:s1+s23], $0x80, s23, s23, $0xb8;
	[tilespmem:$0x1CC00] =	vst v63  }
0x114: {  	s14 =	smov.u32 s12  }
0x115: {  	p3 =	sne.s32 s12, $0xFFFFFFE0;
	s12 =	sadd.s32 $0x20, s12;
	_ =	swait.ge [sflag:s31], $0x4000  }
0x116: {  	s15 =	sadd.s32 s14, s20;
	[sflag:s31] =	ssyncset.done $0x0  }
0x117: {  	s18 =	sadd.s32 $0x4E0, s15;
	[sflag:s31] =	ssyncadd.s32 $0xFFFFC000  }
0x118: {  	[tilespmem:s3], [sflag:$0x5] =	stream.linear.gather [hbm4b:s18+s3], $0x80, $0x38;
	[tilespmem:$0x1CC00] =	vst v63  }
0x119: {  	_ = 	snop  }
0x11a: {  	[spmem:s2] =	stream.indirect.scatter.add.f32 [tilespmem:s24], [sflag:$0x3], $0x80, s22, s23, $0xb8;
	[tilespmem:$0x1CC00] =	vst v63  }
0x11b: {  	_ =	swait.ge [sflag:s0], $0x4000  }
0x11c: {  	[sflag:s0] =	ssyncset.done $0x0  }
0x11d: {  	s15 =	sadd.s32 $0x4F0, s15;
	[sflag:s0] =	ssyncadd.s32 $0xFFFFC000  }
0x11e: {  	[tilespmem:s23], [sflag:$0x6] =	stream.linear.gather [hbm4b:s15+s3], $0x80, $0x38;
	[tilespmem:$0x1CC00] =	vst v63  }
0x11f: {  	_ = 	snop  }
0x120: {  	[spmem:s2] =	stream.indirect.scatter.add.f32 [tilespmem:s28], [sflag:$0x4], $0x80, s26, s23, $0xb8;
	[tilespmem:$0x1CC00] =	vst v63  }
0x121: {  	_ =	swait.ge [sflag:s16], $0x4000  }
0x122: {  	s14 =	sadd.s32 s14, s19;
	[sflag:s16] =	ssyncset.done $0x0  }
0x123: {  	s15 =	sadd.s32 $0x4E0, s14;
	[sflag:s16] =	ssyncadd.s32 $0xFFFFC000  }
0x124: {  	[tilespmem:s22], [sflag:$0x8] =	stream.linear.gather [hbm4b:s15+s3], $0x80, $0x38;
	[tilespmem:$0x1CC00] =	vst v63  }
0x125: {  	_ =	swait.ge [sflag:s21], $0x80  }
0x126: {  	[sflag:s21] =	ssyncset.done $0x0  }
0x127: {  	[sflag:s21] =	ssyncadd.s32 $0xFFFFFF80  }
0x128: {  	_ =	swait.ge [sflag:s17], $0x80  }
0x129: {  	[sflag:s17] =	ssyncset.done $0x0  }
0x12a: {  	[sflag:s17] =	ssyncadd.s32 $0xFFFFFF80  }
0x12b: {  	[tilespmem:s24], [sflag:$0x1] =	stream.indirect.gather [hbm4b:s1+s23], $0x80, s3, s23, $0xb8;
	[tilespmem:$0x1CC00] =	vst v63  }
0x12c: {  	_ =	swait.ge [sflag:s25], $0x4000  }
0x12d: {  	[sflag:s25] =	ssyncset.done $0x0  }
0x12e: {  	s14 =	sadd.s32 $0x4F0, s14;
	[sflag:s25] =	ssyncadd.s32 $0xFFFFC000  }
0x12f: {  	[tilespmem:s26], [sflag:$0x8] =	stream.linear.gather [hbm4b:s14+s3], $0x80, $0x38;
	[tilespmem:$0x1CC00] =	vst v63  }
0x130: {  	_ =	swait.ge [sflag:s21], $0x80  }
.Ltmp16:
0x131: {  	[sflag:s21] =	ssyncset.done $0x0;
	(pc) =	sbr.rel @p3 .LBB2_9-.Ltmp16, $4  }
0x132: {  	[sflag:s21] =	ssyncadd.s32 $0xFFFFFF80  }
0x133: {  	_ =	swait.ge [sflag:s6], $0x80  }
0x134: {  	[sflag:s6] =	ssyncset.done $0x0  }
0x135: {  	[sflag:s6] =	ssyncadd.s32 $0xFFFFFF80  }
0x136: {  	[tilespmem:s28], [sflag:$0x2] =	stream.indirect.gather [hbm4b:s1+s23], $0x80, s23, s23, $0xb8;
	[tilespmem:$0x1CC00] =	vst v63  }
0x137: {  	_ =	swait.ge [sflag:s31], $0x4000  }
0x138: {  	[sflag:s31] =	ssyncset.done $0x0  }
0x139: {  	[sflag:s31] =	ssyncadd.s32 $0xFFFFC000  }
0x13a: {  	[spmem:s2] =	stream.indirect.scatter.add.f32 [tilespmem:s24], [sflag:$0x3], $0x80, s22, s23, $0xb8;
	[tilespmem:$0x1CC00] =	vst v63  }
0x13b: {  	_ =	swait.ge [sflag:s0], $0x4000  }
0x13c: {  	[sflag:s0] =	ssyncset.done $0x0  }
0x13d: {  	[sflag:s0] =	ssyncadd.s32 $0xFFFFC000  }
0x13e: {  	[spmem:s2] =	stream.indirect.scatter.add.f32 [tilespmem:s28], [sflag:$0x4], $0x80, s26, s23, $0xb8;
	[tilespmem:$0x1CC00] =	vst v63  }
0x13f: {  	_ =	swait.ge [sflag:s16], $0x4000  }
0x140: {  	[sflag:s16] =	ssyncset.done $0x0  }
0x141: {  	[sflag:s16] =	ssyncadd.s32 $0xFFFFC000  }
0x142: {  	_ =	swait.ge [sflag:s25], $0x4000  }
0x143: {  	[sflag:s25] =	ssyncset.done $0x0  }
0x144: {  	s12 =	rddreg [dreg:$0xa];
	[sflag:s25] =	ssyncadd.s32 $0xFFFFC000  }
0x145: {  	[tilespmem:s7], [sflag:$0x8] =	stream.linear.gather [hbm4b:s12+s3], $0x10, $0x38;
	[tilespmem:$0x1CC00] =	vst v63  }
0x146: {  	_ =	swait.ge [sflag:s21], $0x10  }
0x147: {  	[sflag:s21] =	ssyncset.done $0x0  }
0x148: {  	s15 =	rddreg [dreg:$0xb];
	[sflag:s21] =	ssyncadd.s32 $0xFFFFFFF0  }
0x149: {  	[tilespmem:s4], [sflag:$0x8] =	stream.linear.gather [hbm4b:s15+s3], $0x10, $0x38;
	[tilespmem:$0x1CC00] =	vst v63  }
0x14a: {  	_ =	swait.ge [sflag:s21], $0x10  }
0x14b: {  	[sflag:s21] =	ssyncset.done $0x0  }
0x14c: {  	[sflag:s21] =	ssyncadd.s32 $0xFFFFFFF0  }
0x14d: {  	[tilespmem:s9], [sflag:$0x1] =	stream.indirect.gather [hbm4b:s1+s8], $0x80, s7, s8, $0xb8;
	[tilespmem:$0x1CC00] =	vst v63  }
0x14e: {  	_ =	swait.ge [sflag:s31], $0x800  }
0x14f: {  	[sflag:s31] =	ssyncset.done $0x0  }
0x150: {  	[sflag:s31] =	ssyncadd.s32 $0xFFFFF800  }
0x151: {  	[spmem:s2] =	stream.indirect.scatter.add.f32 [tilespmem:s9], [sflag:$0x8], $0x80, s4, s8, $0xb8;
	[tilespmem:$0x1CC00] =	vst v63  }
0x152: {  	_ =	swait.ge [sflag:s21], $0x800  }
0x153: {  	[sflag:s21] =	ssyncset.done $0x0  }
0x154: {  	s18 =	stileid.u32;
	[sflag:s21] =	ssyncadd.s32 $0xFFFFF800  }
0x155: {  	s12 =	sshll.u32 s18, $0x6;
	[bflag:$0x0] =	sbarrier.arrive $0xFFFF  }
0x156: {  	s14 =	sshrl.u32 s13, $0x3;
	s12 =	sor.u32 $0x1C08, s12;
	s15 =	rddreg [dreg:$0xc]  }
0x157: {  	[hbm:s15], [sflag:s12] =	dma.local [spmem:s14], $0x2700  }
.Ltmp17:
0x158: {  	_ = 	snop;
	(pc) =	sbr.rel @p1 .LBB2_20-.Ltmp17, $4  }
.Ltmp18:
0x159: {  	_ = 	snop;
	(pc) =	sbr.rel @!p1 .LBB2_21-.Ltmp18, $4  }
0x15a: {  	_ =	swait.ge [sflag:s21], $0x2700  }
0x15b: {  	[sflag:s21] =	ssyncset.done $0x0  }
0x15c: {  	s14 =	rddreg [dreg:$0x4];
	[sflag:s21] =	ssyncadd.s32 $0xFFFFD900  }
0x15d: {  	_ = 	snop  }
.LBB2_22:
0x15e: {  	_ =	sfence.sel $0x180000  }
0x15f: {  	[bflag:$0x0] =	sbarrier.arrive $0xFFFF  }
0x160: {  	_ =	strace $0x9000004D  }
0x161: {  	s0 =	stileid.u32;
	[bflag:$0x2] =	sbarrier.arrive $0xFFFF  }
0x162: {  	p0 =	sne.s32 s0, $0x0;
	s0 =	rddreg [dreg:$0x3]  }
0x163: {  	s0 =	sadd.s32 @!p0 $0x100000, s0  }
0x164: {  	[sflag:s0] =	ssyncadd.tile.s32 @!p0 $0x1;
	_ =	shalt  }
.Lfunc_end2:
_tile_overlayer_lowered:
.L_overlay_start_2:
0x165: {  	(tag) =	ssettag $0x2  }
0x166: {  	s0 =	rddreg [dreg:$0x0];
	s2 =	stileid.u32  }
0x167: {  	s1 =	rddreg [dreg:$0x1];
	p0 =	sne.s32 s2, $0x0  }
0x168: {  	s3 =	rddreg [dreg:$0x2];
	[bflag:$0x3] =	sbarrier.arrive $0xFFFF;
	s2 =	simm.s32 @!p0 $0x1C08  }
0x169: {  	[timem:s3], [sflag:s2] =	dma.local @!p0 [hbm:s0], s1  }
0x16a: {  	s0 =	simm.s32 @!p0 $0x8  }
0x16b: {  	_ =	swait.ge @!p0 [sflag:s0], s1  }
0x16c: {  	s1 =	ssub.s32 @!p0 $0x0, s1;
	[sflag:s0] =	ssyncset.done @!p0 $0x0  }
0x16d: {  	[sflag:s0] =	ssyncadd.s32 @!p0 s1  }
0x16e: {  	[bflag:$0x3] =	sbarrier.arrive $0xFFFF  }
0x16f: {  	_ =	shalt  }

// kernel: kernel.8.cloned.1.call-start
scs
__scs_entry_jumppad:
0x0: {  	(pc) =	sbr.rel $0x88, $3  }
0x1: {  	(tag) =	ssettag $0x0;
	lr =	simm.s32 $0x1  }
0x2: {  	[smem:$0x3F9B] =	sst lr;
	_ =	strace $0xD0000000  }
0x3: {  	_ = 	snop  }
0x4: {  	_ = 	snop  }
0x5: {  	_ = 	snop  }
0x6: {  	_ = 	snop  }
0x7: {  	_ = 	snop  }
__scs_overlays_trampoline_lowered:
0x8: {  	[smem:$0x3FAA] =	sst s0  }
0x9: {  	[smem:$0x3FAB] =	sst s1  }
0xa: {  	[smem:$0x3FAC] =	sst s2  }
0xb: {  	[smem:$0x3FAD] =	sst s3  }
0xc: {  	[smem:$0x3FAE] =	sst s4  }
0xd: {  	[smem:$0x3FAF] =	sst s5  }
0xe: {  	[smem:$0x3FB0] =	sst s6  }
0xf: {  	[smem:$0x3FB1] =	sst s7  }
0x10: {  	[smem:$0x3FB2] =	sst s8  }
0x11: {  	[smem:$0x3FB3] =	sst s9;
	s0 =	simm.s32 @!p0 $0x0  }
0x12: {  	s1 =	sld [smem:$0x3F99];
	s0 =	simm.s32 @p0 $0x1  }
0x13: {  	[smem:$0x3FB4] =	sst s0;
	s0 =	simm.s32 @!p1 $0x0  }
0x14: {  	s2 =	sld [smem:$0x3F98];
	s0 =	simm.s32 @p1 $0x1  }
0x15: {  	[smem:$0x3FB5] =	sst s0;
	s0 =	simm.s32 @!p2 $0x0  }
0x16: {  	s3 =	sld [smem:$0x3FDB];
	s0 =	simm.s32 @p2 $0x1  }
0x17: {  	s4 =	simm.s32 $0x1BF5;
	[smem:$0x3FB7] =	sst s0  }
0x18: {  	s0 =	sld [smem:$0x3F9A];
	_ =	swait.ge [sflag:s4], $0x0  }
0x19: {  	s7 =	sld [smem:$0x3F9B]  }
0x1a: {  	s8 =	sadd.s32 $0xFFFFE003, lr  }
0x1b: {  	s9 =	sadd.s32 $0xFFFFFEF7, lr;
	s5 =	simm.s32 $0xFFFFFFFF;
	p2 =	slt.u32 s8, $0xFFFFF086  }
0x1c: {  	p1 =	slt.u32 s9, $0xF7A;
	s5 =	simm.s32 @!p2 $0x0  }
0x1d: {  	s5 =	simm.s32 @p1 $0x1;
	p0 =	seq.s32 s7, s2  }
0x1e: {  	s7 =	smul.u32 @!p0 $0xF7A, s2;
	p2 =	seq.s32 @!p0 s5, $0x0  }
0x1f: {  	s9 =	smul.u32 $0xF7A, s1;
	s8 =	simm.s32 @!p0 $0x1BF5;
	p2 =	por !p2, p0  }
0x20: {  	[sflag:s8] =	ssyncset.s32 @!p0 $0xFFFFF086;
	s6 =	sadd.s32 @!p0 s3, s7;
	s7 =	simm.s32 @!p0 $0x108  }
0x21: {  	s3 =	sadd.s32 s3, s9;
	s6 =	sadd.s32 @!p0 $0x88, s6;
	s7 =	simm.s32 @p2 $0x1082  }
0x22: {  	[simem:s7], [sflag:s8] =	dma.local @!p0 [hbm:s6], $0xF7A  }
0x23: {  	s9 =	sor.u32 $0xD0000000, s2;
	s6 =	simm.s32 $0x108;
	_ =	swait.ge @!p0 [sflag:s8], $0x0  }
0x24: {  	s3 =	sadd.s32 $0x88, s3;
	s6 =	simm.s32 @!p1 $0x1082;
	[sflag:s4] =	ssyncset.s32 $0xFFFFF086  }
0x25: {  	[simem:s6], [sflag:s4] =	dma.local [hbm:s3], $0xF7A  }
0x26: {  	[smem:$0x3F9B] =	sst s1;
	(tag) =	ssettag s2;
	_ =	strace s9  }
0x27: {  	s1 =	sld [smem:$0x3FAB]  }
0x28: {  	s2 =	sld [smem:$0x3FAC]  }
0x29: {  	s4 =	sld [smem:$0x3FAE]  }
0x2a: {  	p0 =	seq.s32 s5, $0x0;
	s5 =	sld [smem:$0x3FAF]  }
0x2b: {  	s6 =	sld [smem:$0x3FB0]  }
0x2c: {  	s7 =	sld [smem:$0x3FB1]  }
0x2d: {  	s3 =	simm.s32 $0x108;
	s8 =	sld [smem:$0x3FB2]  }
0x2e: {  	s3 =	simm.s32 @!p0 $0x1082;
	s9 =	sld [smem:$0x3FB3]  }
0x2f: {  	lr =	sadd.s32 s0, s3;
	s0 =	sld [smem:$0x3FAA]  }
0x30: {  	s3 =	sld [smem:$0x3FAD]  }
0x31: {  	[smem:$0x3FB6] =	sst s10  }
0x32: {  	s10 =	sld [smem:$0x3FB4];
	_ =	sdelay $0x3  }
0x33: {  	p0 =	seq.s32 s10, $0x1;
	s10 =	sld [smem:$0x3FB6];
	_ =	sdelay $0x3  }
0x34: {  	[smem:$0x3FB6] =	sst s10  }
0x35: {  	s10 =	sld [smem:$0x3FB5];
	_ =	sdelay $0x3  }
0x36: {  	p1 =	seq.s32 s10, $0x1;
	s10 =	sld [smem:$0x3FB6];
	_ =	sdelay $0x3  }
0x37: {  	[smem:$0x3FB6] =	sst s10  }
0x38: {  	s10 =	sld [smem:$0x3FB7]  }
0x39: {  	_ = 	snop;
	(pc) =	sbr.ind lr, $3  }
0x3a: {  	_ = 	snop  }
0x3b: {  	_ = 	snop  }
0x3c: {  	p2 =	seq.s32 s10, $0x1;
	s10 =	sld [smem:$0x3FB6]  }
0x3d: {  	_ =	shalt  }
0x3e: {  	_ =	shalt  }
0x3f: {  	_ =	shalt  }
0x40: {  	_ =	shalt  }
0x41: {  	_ =	shalt  }
0x42: {  	_ =	shalt  }
0x43: {  	_ =	shalt  }
0x44: {  	_ =	shalt  }
0x45: {  	_ =	shalt  }
0x46: {  	_ =	shalt  }
0x47: {  	_ =	shalt  }
0x48: {  	_ =	shalt  }
0x49: {  	_ =	shalt  }
0x4a: {  	_ =	shalt  }
0x4b: {  	_ =	shalt  }
0x4c: {  	_ =	shalt  }
0x4d: {  	_ =	shalt  }
0x4e: {  	_ =	shalt  }
0x4f: {  	_ =	shalt  }
0x50: {  	_ =	shalt  }
0x51: {  	_ =	shalt  }
0x52: {  	_ =	shalt  }
0x53: {  	_ =	shalt  }
0x54: {  	_ =	shalt  }
0x55: {  	_ =	shalt  }
0x56: {  	_ =	shalt  }
0x57: {  	_ =	shalt  }
0x58: {  	_ =	shalt  }
0x59: {  	_ =	shalt  }
0x5a: {  	_ =	shalt  }
0x5b: {  	_ =	shalt  }
0x5c: {  	_ =	shalt  }
0x5d: {  	_ =	shalt  }
0x5e: {  	_ =	shalt  }
0x5f: {  	_ =	shalt  }
0x60: {  	_ =	shalt  }
0x61: {  	_ =	shalt  }
0x62: {  	_ =	shalt  }
0x63: {  	_ =	shalt  }
0x64: {  	_ =	shalt  }
0x65: {  	_ =	shalt  }
0x66: {  	_ =	shalt  }
0x67: {  	_ =	shalt  }
0x68: {  	_ =	shalt  }
0x69: {  	_ =	shalt  }
0x6a: {  	_ =	shalt  }
0x6b: {  	_ =	shalt  }
0x6c: {  	_ =	shalt  }
0x6d: {  	_ =	shalt  }
0x6e: {  	_ =	shalt  }
0x6f: {  	_ =	shalt  }
0x70: {  	_ =	shalt  }
0x71: {  	_ =	shalt  }
0x72: {  	_ =	shalt  }
0x73: {  	_ =	shalt  }
0x74: {  	_ =	shalt  }
0x75: {  	_ =	shalt  }
0x76: {  	_ =	shalt  }
0x77: {  	_ =	shalt  }
0x78: {  	_ =	shalt  }
0x79: {  	_ =	shalt  }
0x7a: {  	_ =	shalt  }
0x7b: {  	_ =	shalt  }
0x7c: {  	_ =	shalt  }
0x7d: {  	_ =	shalt  }
0x7e: {  	_ =	shalt  }
0x7f: {  	_ =	shalt  }
0x80: {  	_ =	shalt  }
0x81: {  	_ =	shalt  }
0x82: {  	_ =	shalt  }
0x83: {  	_ =	shalt  }
0x84: {  	_ =	shalt  }
0x85: {  	_ =	shalt  }
0x86: {  	_ =	shalt  }
0x87: {  	_ =	shalt  }
.Lfunc_end0:
.L_simem_size_0:
called_computation_lowered:
.L_overlay_start_0:
0x88: {  	s2 =	sld [smem:$0x3FD9]  }
0x89: {  	s3 =	sld [smem:$0x3FFE];
	_ =	sdelay $0x1  }
0x8a: {  	s1 =	srdreg.scid  }
0x8b: {  	s0 =	sand.u32 $0x1, s1  }
0x8c: {  	s17 =	sshll.u32 s0, $0xA;
	s2 =	sadd.s32 s3, s2  }
0x8d: {  	s2 =	sadd.s32 s2, s17  }
0x8e: {  	[smem:$0x3FC2] =	sst s2  }
0x8f: {  	_ = 	snop  }
0x90: {  	s2 =	sld [smem:$0x3FD0];
	(tm) =	ssettm $0x1  }
0x91: {  	s18 =	sld [smem:$0x3FFB];
	_ =	sdelay $0x3  }
0x92: {  	_ =	strace s18  }
0x93: {  	s3 =	sld [smem:$0x3FFC];
	_ =	sdelay $0x3  }
0x94: {  	_ =	strace s3  }
0x95: {  	s3 =	sld [smem:$0x3FFD];
	_ =	sdelay $0x3  }
0x96: {  	_ =	strace s3  }
0x97: {  	_ =	strace $0x8FFFFFFF  }
0x98: {  	s19 =	sld [smem:$0x3FDB];
	_ =	sdelay $0x1  }
0x99: {  	s4 =	simm.s32 $_scs_section_size  }
0x9a: {  	s5 =	simm.s32 $_size__tile_overlayer_lowered;
	s6 =	simm.s32 $_tile_overlayer_lowered  }
0x9b: {  	s22 =	simm.s32 $0x1BFF;
	s21 =	sshll.u32 s6, $0x1;
	s3 =	sadd.s32 s4, s19  }
0x9c: {  	s7 =	simm.s32 $0x0;
	s20 =	sshll.u32 s5, $0x1;
	s5 =	sadd.s32 s21, s3  }
0x9d: {  	[timem:s7], [sflag:s22] =	dma.local [hbm:s5], s20  }
0x9e: {  	_ =	swait.ge [sflag:s22], s20  }
0x9f: {  	s4 =	ssub.s32 $0x0, s20;
	[sflag:s22] =	ssyncset.done $0x0  }
0xa0: {  	[sflag:s22] =	ssyncadd.s32 s4;
	_ =	sdelay $0x1  }
0xa1: {  	s23 =	simm.s32 $0x1B8B  }
0xa2: {  	_ =	swait.ge [sflag:s23], $0x1  }
0xa3: {  	[sflag:s23] =	ssyncset.done $0x0  }
0xa4: {  	s25 =	simm.s32 $0x1B8E;
	s24 =	sld [smem:$0x3FFE];
	[sflag:s23] =	ssyncadd.s32 $0xFFFFFFFF  }
0xa5: {  	s26 =	simm.s32 $execute0_lowered;
	[smem:$0x3FD2] =	sst s25  }
0xa6: {  	s5 =	sshll.u32 s26, $0x1;
	_ =	strace $0x80000046;
	[dreg:$0x1] =	wrdreg $0xFFFFFFFF  }
0xa7: {  	s28 =	simm.s32 $_size_execute0_lowered;
	s3 =	sadd.s32 s3, s5;
	[dreg:$0x0] =	wrdreg $0x0  }
0xa8: {  	s5 =	sshll.u32 s28, $0x1;
	[dreg:$0x2] =	wrdreg s3  }
0xa9: {  	[dreg:$0x3] =	wrdreg s5  }
0xaa: {  	[dreg:$0x4] =	wrdreg $0xC0  }
0xab: {  	_ =	task [dreg:s7], $0x5FFFF  }
0xac: {  	[dreg:$0x1] =	wrdreg $0xFFFFFFFF  }
0xad: {  	[dreg:$0x0] =	wrdreg $0x60  }
0xae: {  	[dreg:$0x2] =	wrdreg s2  }
0xaf: {  	[dreg:$0x3] =	wrdreg s24  }
0xb0: {  	[dreg:$0x4] =	wrdreg $0x17000  }
0xb1: {  	[dreg:$0x5] =	wrdreg $0x9  }
0xb2: {  	_ =	task.clear_ibuf [dreg:s7], $0x6FFFF;
	_ =	strace $0x90000046  }
0xb3: {  	s29 =	simm.s32 $0x9;
	_ =	strace $0x80000048  }
0xb4: {  	_ =	swait.ge [sflag:s29], $0x1  }
0xb5: {  	[sflag:s29] =	ssyncadd.s32 $0xFFFFFFFF  }
0xb6: {  	_ =	strace $0x90000048  }
0xb7: {  	_ =	sfence  }
0xb8: {  	s30 =	sld [smem:$0x0];
	_ =	sdelay $0x2  }
0xb9: {  	s31 =	sshll.u32 s1, $0xD;
	s1 =	sshrl.u32 s1, $0x2  }
0xba: {  	s3 =	sand.u32 $0x4000, s31;
	s1 =	sadd.s32 s1, s30  }
0xbb: {  	s0 =	sor.u32 s3, s0;
	s1 =	sshll.u32 s1, $0x11  }
0xbc: {  	s0 =	sor.u32 s1, s0  }
0xbd: {  	s0 =	sadd.s32 $0x8F2B, s0  }
0xbe: {  	[sflag:s0] =	ssyncadd.remote.s32 $0x1  }
0xbf: {  	_ =	sfence.sel $0xFFFF  }
0xc0: {  	[dreg:$0x0] =	wrdreg $0xFFFFFFFF;
	(pc) =	sbr.abs _section_cstart, $3  }
0xc1: {  	[dreg:$0x1] =	wrdreg $0xFFFFFFFF  }
0xc2: {  	_ =	task.clear_ibuf [dreg:s7], $0x2FFFF;
	_ =	strace $0x9FFFFFFF  }
0xc3: {  	(tm) =	ssettm $0x7FFFFFFF  }
tec
execute0_lowered:
.L_overlay_start_1:
0x0: {  	(tag) =	ssettag $0x1  }
0x1: {  	s0 =	rddreg [dreg:$0x0]  }
0x2: {  	s1 =	rddreg [dreg:$0x1];
	s3 =	srdreg.scid  }
0x3: {  	s7 =	stileid.u32;
	s2 =	rddreg [dreg:$0x2]  }
0x4: {  	s10 =	simm.s32 $0x80;
	s11 =	simm.s32 $0x1400;
	s9 =	simm.s32 $0xB80  }
0x5: {  	s12 =	simm.s32 $0xC00;
	s13 =	simm.s32 $0xC80;
	s14 =	simm.s32 $0xD00  }
0x6: {  	s15 =	simm.s32 $0xD80;
	s16 =	simm.s32 $0xE00;
	s17 =	simm.s32 $0xE80  }
0x7: {  	s18 =	simm.s32 $0xF00;
	s19 =	simm.s32 $0xF80;
	s20 =	simm.s32 $0x1000  }
0x8: {  	s21 =	simm.s32 $0x1080;
	s22 =	simm.s32 $0x1100;
	s23 =	simm.s32 $0x1180  }
0x9: {  	s24 =	simm.s32 $0x1200;
	s25 =	simm.s32 $0x1280;
	s26 =	simm.s32 $0x1300  }
0xa: {  	s28 =	simm.s32 $0x1380;
	s29 =	simm.s32 $0x1;
	s30 =	simm.s32 $0x0  }
0xb: {  	s4 =	sand.u32 $0x1, s3;
	s5 =	smul.u32 $0x280, s7;
	s3 =	simm.s32 $0x0  }
0xc: {  	s7 =	sshll.u32 s7, $0x1;
	s6 =	smul.u32 $0x2800, s4;
	s8 =	ssub.s32 $0x2, s4  }
0xd: {  	[smem:$0x7FF] =	sst s3;
	s4 =	sor.u32 s4, s7;
	s31 =	sshrl.u32 s8, $0x1  }
0xe: {  	s4 =	smul.u32 $0x280, s4;
	_ =	strace $0x80000047;
	s6 =	sadd.s32 s5, s6  }
0xf: {  	s7 =	ssub.s32 s8, s31;
	s5 =	sadd.s32 s5, s2;
	s6 =	sshrl.u32 s6, $0x3  }
0x10: {  	s8 =	simm.s32 $0x2;
	s4 =	sadd.s32 s0, s4;
	s1 =	sadd.s32 s6, s1  }
0x11: {  	v0 =	vimm.f32 $1.000000000e+00;
	v1 =	vimm.f32 $0.0e+00;
	s7 =	smax.u32 s7, $0x1;
	s0 =	simm.s32 $0xB00;
	s6 =	sadd.s32 $0xD000, s1  }
.LBB2_1:
0x12: {  	[tilespmem:$0x1400] =	vst v0  }
0x13: {  	[tilespmem:$0x1410] =	vst v0  }
0x14: {  	[tilespmem:$0x1420] =	vst v0  }
0x15: {  	[tilespmem:$0x1430] =	vst v0  }
0x16: {  	[tilespmem:$0x1440] =	vst v0  }
0x17: {  	[tilespmem:$0x1450] =	vst v0  }
0x18: {  	[tilespmem:$0x1460] =	vst v0  }
0x19: {  	[tilespmem:$0x1470] =	vst v0  }
0x1a: {  	[tilespmem:$0x1480] =	vst v1  }
0x1b: {  	[tilespmem:$0x1490] =	vst v1  }
0x1c: {  	[tilespmem:$0x14A0] =	vst v1  }
0x1d: {  	[tilespmem:$0x14B0] =	vst v1  }
0x1e: {  	[tilespmem:$0x14C0] =	vst v1  }
0x1f: {  	[tilespmem:$0x14D0] =	vst v1  }
0x20: {  	[tilespmem:$0x14E0] =	vst v1  }
0x21: {  	[tilespmem:$0x14F0] =	vst v1  }
0x22: {  	[tilespmem:$0x1500] =	vst v1  }
0x23: {  	[tilespmem:$0x1510] =	vst v1  }
0x24: {  	[tilespmem:$0x1520] =	vst v1  }
0x25: {  	[tilespmem:$0x1530] =	vst v1  }
0x26: {  	[tilespmem:$0x1540] =	vst v1  }
0x27: {  	[tilespmem:$0x1550] =	vst v1  }
0x28: {  	[tilespmem:$0x1560] =	vst v1  }
0x29: {  	[tilespmem:$0x1570] =	vst v1  }
0x2a: {  	[tilespmem:$0x1580] =	vst v1  }
0x2b: {  	[tilespmem:$0x1590] =	vst v1  }
0x2c: {  	[tilespmem:$0x15A0] =	vst v1  }
0x2d: {  	[tilespmem:$0x15B0] =	vst v1  }
0x2e: {  	[tilespmem:$0x15C0] =	vst v1  }
0x2f: {  	[tilespmem:$0x15D0] =	vst v1  }
0x30: {  	[tilespmem:$0x15E0] =	vst v1  }
0x31: {  	[tilespmem:$0x15F0] =	vst v1  }
0x32: {  	[tilespmem:$0x1600] =	vst v1  }
0x33: {  	[tilespmem:$0x1610] =	vst v1  }
0x34: {  	[tilespmem:$0x1620] =	vst v1  }
0x35: {  	[tilespmem:$0x1630] =	vst v1  }
0x36: {  	[tilespmem:$0x1640] =	vst v1  }
0x37: {  	[tilespmem:$0x1650] =	vst v1  }
0x38: {  	[tilespmem:$0x1660] =	vst v1  }
0x39: {  	[tilespmem:$0x1670] =	vst v1  }
0x3a: {  	[tilespmem:$0x1680] =	vst v1  }
0x3b: {  	[tilespmem:$0x1690] =	vst v1  }
0x3c: {  	[tilespmem:$0x16A0] =	vst v1  }
0x3d: {  	[tilespmem:$0x16B0] =	vst v1  }
0x3e: {  	[tilespmem:$0x16C0] =	vst v1  }
0x3f: {  	[tilespmem:$0x16D0] =	vst v1  }
0x40: {  	[tilespmem:$0x16E0] =	vst v1  }
0x41: {  	[tilespmem:$0x16F0] =	vst v1  }
0x42: {  	[tilespmem:s3], [sflag:$0x2] =	stream.linear.gather [hbm4b:s4+s3], $0x1400, $0x38;
	[tilespmem:$0x1980] =	vst v63  }
0x43: {  	_ =	swait.ge [sflag:s8], $0x1400  }
0x44: {  	[sflag:s8] =	ssyncset.done $0x0  }
0x45: {  	s1 =	simm.s32 $0x1480;
	[sflag:s8] =	ssyncadd.s32 $0xFFFFEC00  }
0x46: {  	[spmem:s5] =	stream.linear.scatter [tilespmem:s1], [sflag:$0x2], $0x280, $0x38;
	[tilespmem:$0x1980] =	vst v63  }
0x47: {  	_ =	swait.ge [sflag:s8], $0x280  }
0x48: {  	[sflag:s8] =	ssyncset.done $0x0  }
0x49: {  	[sflag:s8] =	ssyncadd.s32 $0xFFFFFD80  }
0x4a: {  	[bflag:$0x0] =	sbarrier.arrive $0xFFFF  }
0x4b: {  	[spmem:s2] =	stream.indirect.scatter.add.f32 [tilespmem:s11], [sflag:$0x1], $0x1, s3, s10, $0xb8;
	[tilespmem:$0x1980] =	vst v63  }
0x4c: {  	_ = 	snop  }
0x4d: {  	[spmem:s2] =	stream.indirect.scatter.add.f32 [tilespmem:s11], [sflag:$0x1], $0x1, s10, s10, $0xb8;
	[tilespmem:$0x1980] =	vst v63  }
0x4e: {  	s1 =	simm.s32 $0x100  }
0x4f: {  	[spmem:s2] =	stream.indirect.scatter.add.f32 [tilespmem:s11], [sflag:$0x1], $0x1, s1, s10, $0xb8;
	[tilespmem:$0x1980] =	vst v63  }
0x50: {  	s1 =	simm.s32 $0x180  }
0x51: {  	[spmem:s2] =	stream.indirect.scatter.add.f32 [tilespmem:s11], [sflag:$0x1], $0x1, s1, s10, $0xb8;
	[tilespmem:$0x1980] =	vst v63  }
0x52: {  	s1 =	simm.s32 $0x200  }
0x53: {  	[spmem:s2] =	stream.indirect.scatter.add.f32 [tilespmem:s11], [sflag:$0x1], $0x1, s1, s10, $0xb8;
	[tilespmem:$0x1980] =	vst v63  }
0x54: {  	s1 =	simm.s32 $0x280  }
0x55: {  	[spmem:s2] =	stream.indirect.scatter.add.f32 [tilespmem:s11], [sflag:$0x1], $0x1, s1, s10, $0xb8;
	[tilespmem:$0x1980] =	vst v63  }
0x56: {  	s1 =	simm.s32 $0x300  }
0x57: {  	[spmem:s2] =	stream.indirect.scatter.add.f32 [tilespmem:s11], [sflag:$0x1], $0x1, s1, s10, $0xb8;
	[tilespmem:$0x1980] =	vst v63  }
0x58: {  	s1 =	simm.s32 $0x380  }
0x59: {  	[spmem:s2] =	stream.indirect.scatter.add.f32 [tilespmem:s11], [sflag:$0x1], $0x1, s1, s10, $0xb8;
	[tilespmem:$0x1980] =	vst v63  }
0x5a: {  	s1 =	simm.s32 $0x400  }
0x5b: {  	[spmem:s2] =	stream.indirect.scatter.add.f32 [tilespmem:s11], [sflag:$0x1], $0x1, s1, s10, $0xb8;
	[tilespmem:$0x1980] =	vst v63  }
0x5c: {  	s1 =	simm.s32 $0x480  }
0x5d: {  	[spmem:s2] =	stream.indirect.scatter.add.f32 [tilespmem:s11], [sflag:$0x1], $0x1, s1, s10, $0xb8;
	[tilespmem:$0x1980] =	vst v63  }
0x5e: {  	s1 =	simm.s32 $0x500  }
0x5f: {  	[spmem:s2] =	stream.indirect.scatter.add.f32 [tilespmem:s11], [sflag:$0x1], $0x1, s1, s10, $0xb8;
	[tilespmem:$0x1980] =	vst v63  }
0x60: {  	s1 =	simm.s32 $0x580  }
0x61: {  	[spmem:s2] =	stream.indirect.scatter.add.f32 [tilespmem:s11], [sflag:$0x1], $0x1, s1, s10, $0xb8;
	[tilespmem:$0x1980] =	vst v63  }
0x62: {  	s1 =	simm.s32 $0x600  }
0x63: {  	[spmem:s2] =	stream.indirect.scatter.add.f32 [tilespmem:s11], [sflag:$0x1], $0x1, s1, s10, $0xb8;
	[tilespmem:$0x1980] =	vst v63  }
0x64: {  	s1 =	simm.s32 $0x680  }
0x65: {  	[spmem:s2] =	stream.indirect.scatter.add.f32 [tilespmem:s11], [sflag:$0x1], $0x1, s1, s10, $0xb8;
	[tilespmem:$0x1980] =	vst v63  }
0x66: {  	s1 =	simm.s32 $0x700  }
0x67: {  	[spmem:s2] =	stream.indirect.scatter.add.f32 [tilespmem:s11], [sflag:$0x1], $0x1, s1, s10, $0xb8;
	[tilespmem:$0x1980] =	vst v63  }
0x68: {  	s1 =	simm.s32 $0x780  }
0x69: {  	[spmem:s2] =	stream.indirect.scatter.add.f32 [tilespmem:s11], [sflag:$0x1], $0x1, s1, s10, $0xb8;
	[tilespmem:$0x1980] =	vst v63  }
0x6a: {  	s1 =	simm.s32 $0x800  }
0x6b: {  	[spmem:s2] =	stream.indirect.scatter.add.f32 [tilespmem:s11], [sflag:$0x1], $0x1, s1, s10, $0xb8;
	[tilespmem:$0x1980] =	vst v63  }
0x6c: {  	s1 =	simm.s32 $0x880  }
0x6d: {  	[spmem:s2] =	stream.indirect.scatter.add.f32 [tilespmem:s11], [sflag:$0x1], $0x1, s1, s10, $0xb8;
	[tilespmem:$0x1980] =	vst v63  }
0x6e: {  	s1 =	simm.s32 $0x900  }
0x6f: {  	[spmem:s2] =	stream.indirect.scatter.add.f32 [tilespmem:s11], [sflag:$0x1], $0x1, s1, s10, $0xb8;
	[tilespmem:$0x1980] =	vst v63  }
0x70: {  	s1 =	simm.s32 $0x980  }
0x71: {  	[spmem:s2] =	stream.indirect.scatter.add.f32 [tilespmem:s11], [sflag:$0x1], $0x1, s1, s10, $0xb8;
	[tilespmem:$0x1980] =	vst v63  }
0x72: {  	s1 =	simm.s32 $0xA00  }
0x73: {  	[spmem:s2] =	stream.indirect.scatter.add.f32 [tilespmem:s11], [sflag:$0x1], $0x1, s1, s10, $0xb8;
	[tilespmem:$0x1980] =	vst v63  }
0x74: {  	s1 =	simm.s32 $0xA80  }
0x75: {  	[spmem:s2] =	stream.indirect.scatter.add.f32 [tilespmem:s11], [sflag:$0x1], $0x1, s1, s10, $0xb8;
	[tilespmem:$0x1980] =	vst v63  }
0x76: {  	_ = 	snop  }
0x77: {  	[spmem:s2] =	stream.indirect.scatter.add.f32 [tilespmem:s11], [sflag:$0x1], $0x1, s0, s10, $0xb8;
	[tilespmem:$0x1980] =	vst v63  }
0x78: {  	_ = 	snop  }
0x79: {  	[spmem:s2] =	stream.indirect.scatter.add.f32 [tilespmem:s11], [sflag:$0x1], $0x1, s9, s10, $0xb8;
	[tilespmem:$0x1980] =	vst v63  }
0x7a: {  	_ = 	snop  }
0x7b: {  	[spmem:s2] =	stream.indirect.scatter.add.f32 [tilespmem:s11], [sflag:$0x1], $0x1, s12, s10, $0xb8;
	[tilespmem:$0x1980] =	vst v63  }
0x7c: {  	_ = 	snop  }
0x7d: {  	[spmem:s2] =	stream.indirect.scatter.add.f32 [tilespmem:s11], [sflag:$0x1], $0x1, s13, s10, $0xb8;
	[tilespmem:$0x1980] =	vst v63  }
0x7e: {  	_ = 	snop  }
0x7f: {  	[spmem:s2] =	stream.indirect.scatter.add.f32 [tilespmem:s11], [sflag:$0x1], $0x1, s14, s10, $0xb8;
	[tilespmem:$0x1980] =	vst v63  }
0x80: {  	_ = 	snop  }
0x81: {  	[spmem:s2] =	stream.indirect.scatter.add.f32 [tilespmem:s11], [sflag:$0x1], $0x1, s15, s10, $0xb8;
	[tilespmem:$0x1980] =	vst v63  }
0x82: {  	_ = 	snop  }
0x83: {  	[spmem:s2] =	stream.indirect.scatter.add.f32 [tilespmem:s11], [sflag:$0x1], $0x1, s16, s10, $0xb8;
	[tilespmem:$0x1980] =	vst v63  }
0x84: {  	_ = 	snop  }
0x85: {  	[spmem:s2] =	stream.indirect.scatter.add.f32 [tilespmem:s11], [sflag:$0x1], $0x1, s17, s10, $0xb8;
	[tilespmem:$0x1980] =	vst v63  }
0x86: {  	_ = 	snop  }
0x87: {  	[spmem:s2] =	stream.indirect.scatter.add.f32 [tilespmem:s11], [sflag:$0x1], $0x1, s18, s10, $0xb8;
	[tilespmem:$0x1980] =	vst v63  }
0x88: {  	_ = 	snop  }
0x89: {  	[spmem:s2] =	stream.indirect.scatter.add.f32 [tilespmem:s11], [sflag:$0x1], $0x1, s19, s10, $0xb8;
	[tilespmem:$0x1980] =	vst v63  }
0x8a: {  	_ = 	snop  }
0x8b: {  	[spmem:s2] =	stream.indirect.scatter.add.f32 [tilespmem:s11], [sflag:$0x1], $0x1, s20, s10, $0xb8;
	[tilespmem:$0x1980] =	vst v63  }
0x8c: {  	_ = 	snop  }
0x8d: {  	[spmem:s2] =	stream.indirect.scatter.add.f32 [tilespmem:s11], [sflag:$0x1], $0x1, s21, s10, $0xb8;
	[tilespmem:$0x1980] =	vst v63  }
0x8e: {  	_ = 	snop  }
0x8f: {  	[spmem:s2] =	stream.indirect.scatter.add.f32 [tilespmem:s11], [sflag:$0x1], $0x1, s22, s10, $0xb8;
	[tilespmem:$0x1980] =	vst v63  }
0x90: {  	_ = 	snop  }
0x91: {  	[spmem:s2] =	stream.indirect.scatter.add.f32 [tilespmem:s11], [sflag:$0x1], $0x1, s23, s10, $0xb8;
	[tilespmem:$0x1980] =	vst v63  }
0x92: {  	_ = 	snop  }
0x93: {  	[spmem:s2] =	stream.indirect.scatter.add.f32 [tilespmem:s11], [sflag:$0x1], $0x1, s24, s10, $0xb8;
	[tilespmem:$0x1980] =	vst v63  }
0x94: {  	_ = 	snop  }
0x95: {  	[spmem:s2] =	stream.indirect.scatter.add.f32 [tilespmem:s11], [sflag:$0x1], $0x1, s25, s10, $0xb8;
	[tilespmem:$0x1980] =	vst v63  }
0x96: {  	_ = 	snop  }
0x97: {  	[spmem:s2] =	stream.indirect.scatter.add.f32 [tilespmem:s11], [sflag:$0x1], $0x1, s26, s10, $0xb8;
	[tilespmem:$0x1980] =	vst v63  }
0x98: {  	_ = 	snop  }
0x99: {  	[spmem:s2] =	stream.indirect.scatter.add.f32 [tilespmem:s11], [sflag:$0x1], $0x1, s28, s10, $0xb8;
	[tilespmem:$0x1980] =	vst v63  }
0x9a: {  	_ =	swait.ge [sflag:s29], $0x80  }
0x9b: {  	s31 =	simm.s32 $0x27;
	[sflag:s29] =	ssyncset.done $0x0  }
.LBB2_2:
0x9c: {  	p0 =	sne.s32 s31, $0x1;
	s31 =	sadd.s32 $0xFFFFFFFF, s31;
	[sflag:s29] =	ssyncadd.s32 $0xFFFFFF80  }
.Ltmp0:
0x9d: {  	(pc) =	sbr.rel @p0 .LBB2_2-.Ltmp0, $3  }
0x9e: {  	_ =	sdelay $0x1  }
0x9f: {  	_ =	swait.ge [sflag:s29], $0x80  }
0xa0: {  	[sflag:s29] =	ssyncset.done $0x0  }
0xa1: {  	[sflag:s29] =	ssyncadd.s32 $0xFFFFFF80;
	s1 =	stileid.u32;
	s30 =	sadd.s32 $0x1, s30  }
0xa2: {  	s31 =	sshll.u32 s1, $0x6;
	[bflag:$0x0] =	sbarrier.arrive $0xFFFF;
	p0 =	sne.s32 s30, s7  }
.Ltmp1:
0xa3: {  	s1 =	sshrl.u32 s5, $0x3;
	s31 =	sor.u32 $0x1C02, s31;
	(pc) =	sbr.rel @p0 .LBB2_1-.Ltmp1, $4  }
0xa4: {  	[hbm:s6], [sflag:s31] =	dma.local [spmem:s1], $0x50  }
0xa5: {  	_ =	swait.ge [sflag:s8], $0x50  }
0xa6: {  	[sflag:s8] =	ssyncset.done $0x0  }
0xa7: {  	[sflag:s8] =	ssyncadd.s32 $0xFFFFFFB0  }
0xa8: {  	_ =	sfence.sel $0x180000  }
0xa9: {  	[bflag:$0x0] =	sbarrier.arrive $0xFFFF  }
0xaa: {  	_ =	strace $0x90000047  }
0xab: {  	s0 =	stileid.u32;
	[bflag:$0x2] =	sbarrier.arrive $0xFFFF  }
0xac: {  	p0 =	sne.s32 s0, $0x0;
	s0 =	rddreg [dreg:$0x3]  }
0xad: {  	s0 =	sadd.s32 @!p0 $0x100000, s0  }
0xae: {  	[sflag:s0] =	ssyncadd.tile.s32 @!p0 $0x1;
	_ =	shalt  }
.Lfunc_end2:
_tile_overlayer_lowered:
.L_overlay_start_2:
0xaf: {  	(tag) =	ssettag $0x2  }
0xb0: {  	s0 =	rddreg [dreg:$0x0];
	s2 =	stileid.u32  }
0xb1: {  	s1 =	rddreg [dreg:$0x1];
	p0 =	sne.s32 s2, $0x0  }
0xb2: {  	s3 =	rddreg [dreg:$0x2];
	[bflag:$0x3] =	sbarrier.arrive $0xFFFF;
	s2 =	simm.s32 @!p0 $0x1C02  }
0xb3: {  	[timem:s3], [sflag:s2] =	dma.local @!p0 [hbm:s0], s1  }
0xb4: {  	s0 =	simm.s32 @!p0 $0x2  }
0xb5: {  	_ =	swait.ge @!p0 [sflag:s0], s1  }
0xb6: {  	s1 =	ssub.s32 @!p0 $0x0, s1;
	[sflag:s0] =	ssyncset.done @!p0 $0x0  }
0xb7: {  	[sflag:s0] =	ssyncadd.s32 @!p0 s1  }
0xb8: {  	[bflag:$0x3] =	sbarrier.arrive $0xFFFF  }
0xb9: {  	_ =	shalt  }

</sc_bundles>
